<compile_context>
chip_gen: v7x
topology: tpu7x:2x2x1
jax: 0.10.2.dev20260603
libtpu: 0.0.44.dev20260713+nightly
codegen_flags: <defaults>
</compile_context>

<pallas_src>
import functools

import jax
import jax.numpy as jnp
from jax import lax
from jax.experimental import pallas as pl
from jax.experimental.pallas import tpu as pltpu
from jax.experimental.pallas import tpu_sc as plsc

N = 10000
NPAD = 10496
B = 256
K = 30
W = 256
E = 320000
NC, NS = 2, 16
NW = NC * NS
C = 128
NCH = 80
EPW = NCH * C
E_PAD = NW * EPW
RPT = NPAD // NS
DEG_W = 16
F1 = 32

@functools.cache
def _sc_kernels():
    mesh = plsc.VectorSubcoreMesh(core_axis_name="c", subcore_axis_name="s",
                                  num_cores=NC, num_subcores=NS)

    def _worker_id():
        return lax.axis_index("s") * NC + lax.axis_index("c")

    @functools.partial(
        pl.kernel,
        out_type=(
            jax.ShapeDtypeStruct((NPAD, DEG_W), jnp.float32),
            jax.ShapeDtypeStruct((NPAD, DEG_W), jnp.float32),
        ),
        mesh=mesh,
        scratch_types=[
            pltpu.VMEM((NCH, C), jnp.int32),
            pltpu.VMEM((C, DEG_W), jnp.float32),
            pltpu.VMEM_SHARED((NPAD, DEG_W), jnp.float32),
        ],
        compiler_params=pltpu.CompilerParams(use_tc_tiling_on_sc=False),
    )
    def _sc_degree(dst_hbm, ones_hbm, zeros_hbm, out0, out1,
                   idx_v, ones_v, acc_sh):
        cid = lax.axis_index("c")
        sid = lax.axis_index("s")
        wid = _worker_id()
        pltpu.sync_copy(dst_hbm.at[pl.ds(wid * NCH, NCH), :], idx_v)
        pltpu.sync_copy(ones_hbm, ones_v)
        pltpu.sync_copy(zeros_hbm, acc_sh.at[pl.ds(sid * RPT, RPT), :])
        plsc.subcore_barrier()

        def body(j, carry):
            pltpu.sync_copy(ones_v, acc_sh.at[idx_v.at[j]], add=True)
            return carry

        lax.fori_loop(0, NCH, body, 0)
        plsc.subcore_barrier()

        @pl.when(cid == 0)
        def _():
            pltpu.sync_copy(acc_sh.at[pl.ds(sid * RPT, RPT), :],
                            out0.at[pl.ds(sid * RPT, RPT), :])

        @pl.when(cid == 1)
        def _():
            pltpu.sync_copy(acc_sh.at[pl.ds(sid * RPT, RPT), :],
                            out1.at[pl.ds(sid * RPT, RPT), :])

    @functools.partial(
        pl.kernel,
        out_type=(
            jax.ShapeDtypeStruct((NPAD, F1), jnp.float32),
            jax.ShapeDtypeStruct((NPAD, F1), jnp.float32),
        ),
        mesh=mesh,
        scratch_types=[
            pltpu.VMEM((NCH, C), jnp.int32),
            pltpu.VMEM((NCH, C), jnp.int32),
            [pltpu.VMEM((C, F1), jnp.float32) for _ in range(8)],
            pltpu.VMEM_SHARED((NPAD, F1), jnp.float32),
            [pltpu.SemaphoreType.DMA for _ in range(8)],
            [pltpu.SemaphoreType.DMA for _ in range(8)],
        ],
        compiler_params=pltpu.CompilerParams(use_tc_tiling_on_sc=False),
    )
    def _sc_aggregate(src_hbm, dst_hbm, hs_hbm, zeros_hbm, out0, out1,
                      src_v, dst_v, rows, acc_sh, gsem, ssem):
        cid = lax.axis_index("c")
        sid = lax.axis_index("s")
        wid = _worker_id()
        pltpu.sync_copy(src_hbm.at[pl.ds(wid * NCH, NCH), :], src_v)
        pltpu.sync_copy(dst_hbm.at[pl.ds(wid * NCH, NCH), :], dst_v)
        pltpu.sync_copy(zeros_hbm, acc_sh.at[pl.ds(sid * RPT, RPT), :])
        plsc.subcore_barrier()

        for b in range(8):
            pltpu.async_copy(hs_hbm.at[src_v.at[b]], rows[b], gsem[b])

        def body(i, carry):
            for b in range(8):
                c = 8 * i + b
                bp = (b + 4) % 8
                pltpu.make_async_copy(hs_hbm.at[src_v.at[c]],
                                      rows[b], gsem[b]).wait()
                pltpu.async_copy(rows[b], acc_sh.at[dst_v.at[c]], ssem[b],
                                 add=True)

                def prefetch():
                    pltpu.make_async_copy(rows[bp], acc_sh.at[dst_v.at[c - 4]],
                                          ssem[bp]).wait()
                    pltpu.async_copy(hs_hbm.at[src_v.at[c + 4]],
                                     rows[bp], gsem[bp])

                if b < 4:
                    pl.when(i > 0)(prefetch)
                else:
                    pl.when(i < NCH // 8 - 1)(prefetch)
            return carry

        lax.fori_loop(0, NCH // 8, body, 0)
        for b in range(8):
            pltpu.make_async_copy(rows[b], acc_sh.at[dst_v.at[NCH - 8 + b]],
                                  ssem[b]).wait()
        plsc.subcore_barrier()

        @pl.when(cid == 0)
        def _():
            pltpu.sync_copy(acc_sh.at[pl.ds(sid * RPT, RPT), :],
                            out0.at[pl.ds(sid * RPT, RPT), :])

        @pl.when(cid == 1)
        def _():
            pltpu.sync_copy(acc_sh.at[pl.ds(sid * RPT, RPT), :],
                            out1.at[pl.ds(sid * RPT, RPT), :])

    return _sc_degree, _sc_aggregate


def _dense_gcn_pair(emb, adj, W3, b3, W4, b4):
    n = adj.shape[0]
    i0 = lax.broadcasted_iota(jnp.int32, (n, n), 0)
    i1 = lax.broadcasted_iota(jnp.int32, (n, n), 1)
    a = adj + jnp.where(i0 == i1, 1.0, 0.0).astype(jnp.float32)
    deg = jnp.sum(a, axis=1, keepdims=True)
    dinv = lax.rsqrt(deg)
    f = jax.nn.relu(dinv * jnp.dot(a, dinv * jnp.dot(emb, W3),
                                   preferred_element_type=jnp.float32) + b3)
    o = jax.nn.relu(dinv * jnp.dot(a, dinv * jnp.dot(f, W4),
                                   preferred_element_type=jnp.float32) + b4)
    return o


def _tc_prep_body(x_ref, w1_ref, d0_ref, d1_ref, batch_ref, node_ref,
                  disim_ref, ldiW_ref, ldib_ref, dradj_ref,
                  drsim_ref, ldrW_ref, ldrb_ref, disadj_ref,
                  w3_ref, b3_ref, w4_ref, b4_ref,
                  h1_ref, hs1_ref, dinv_ref, dinv2_ref, feat_ref,
                  starts_ref, counts_ref):
    deg = jnp.sum(d0_ref[...] + d1_ref[...], axis=1,
                  keepdims=True) * (1.0 / DEG_W) + 1.0
    dinv = lax.rsqrt(deg)
    dinv_ref[...] = dinv
    dinv2_ref[...] = dinv * dinv
    h1 = jnp.dot(x_ref[...], w1_ref[...], preferred_element_type=jnp.float32)
    h1_ref[...] = h1
    hs1_ref[...] = h1 * dinv

    bcb = jnp.broadcast_to(batch_ref[...], (B, NPAD))
    sseg = lax.broadcasted_iota(jnp.int32, (B, NPAD), 0)
    counts_ref[...] = jnp.sum((bcb == sseg).astype(jnp.int32), axis=1,
                              keepdims=True)
    starts_ref[...] = jnp.sum((bcb < sseg).astype(jnp.int32), axis=1,
                              keepdims=True)

    di_emb = jnp.dot(disim_ref[...], ldiW_ref[...],
                     preferred_element_type=jnp.float32) + ldib_ref[...]
    di_out = _dense_gcn_pair(di_emb, dradj_ref[...], w3_ref[...], b3_ref[...],
                             w4_ref[...], b4_ref[...])
    dr_emb = jnp.dot(drsim_ref[...], ldrW_ref[...],
                     preferred_element_type=jnp.float32) + ldrb_ref[...]
    dr_out = _dense_gcn_pair(dr_emb, disadj_ref[...], w3_ref[...], b3_ref[...],
                             w4_ref[...], b4_ref[...])
    node = node_ref[...]
    oh_di = (lax.broadcasted_iota(jnp.int32, (B, 593), 1)
             == node[:, 0:1]).astype(jnp.float32)
    oh_dr = (lax.broadcasted_iota(jnp.int32, (B, 313), 1)
             == node[:, 1:2]).astype(jnp.float32)
    di_sel = jnp.dot(oh_di, di_out, preferred_element_type=jnp.float32)
    dr_sel = jnp.dot(oh_dr, dr_out, preferred_element_type=jnp.float32)
    feat_ref[...] = jnp.concatenate([di_sel, dr_sel], axis=1)


def _tc_mid_body(a0_ref, a1_ref, h1_ref, dinv_ref, dinv2_ref, b1_ref, w2_ref,
                 x1_ref, h2_ref, hs2_ref):
    dinv = dinv_ref[...]
    x1 = jax.nn.relu(dinv * (a0_ref[...] + a1_ref[...])
                     + dinv2_ref[...] * h1_ref[...] + b1_ref[...])
    x1_ref[...] = x1
    h2 = jnp.dot(x1, w2_ref[...], preferred_element_type=jnp.float32)
    h2_ref[...] = h2
    hs2_ref[...] = h2 * dinv


S_PER = 16


def _tc_pool_body(starts_ref, counts_ref, x1_ref, h2_ref, a0_ref, a1_ref,
                  dinv_ref, dinv2_ref, b2_ref, g_ref):
    sb = pl.program_id(0) * S_PER
    for i in range(S_PER):
        st = starts_ref[sb + i, 0]
        cnt = counts_ref[sb + i, 0]
        x1_w = x1_ref[pl.ds(st, W), :]
        a_w = a0_ref[pl.ds(st, W), :] + a1_ref[pl.ds(st, W), :]
        h2_w = h2_ref[pl.ds(st, W), :]
        dv = dinv_ref[pl.ds(st, W), :]
        dv2 = dinv2_ref[pl.ds(st, W), :]
        x2_w = jax.nn.relu(dv * a_w + dv2 * h2_w + b2_ref[...])
        keys = x2_w[:, F1 - 1:F1]
        krow = jnp.transpose(keys)
        mi = lax.broadcasted_iota(jnp.int32, (W, W), 0)
        ji = lax.broadcasted_iota(jnp.int32, (W, W), 1)
        better = ((keys > krow) | ((keys == krow) & (mi < ji))) & (mi < cnt)
        rank = jnp.sum(better.astype(jnp.float32), axis=0, keepdims=True)
        pk = lax.broadcasted_iota(jnp.int32, (K, W), 0)
        jk = lax.broadcasted_iota(jnp.int32, (K, W), 1)
        sel = ((pk == rank.astype(jnp.int32)) & (jk < cnt)).astype(jnp.float32)
        h_cat = jnp.concatenate([x1_w, x2_w], axis=1)
        g_ref[i] = jnp.dot(sel, h_cat, preferred_element_type=jnp.float32)


def _tc_head_body(g_ref, w1c_ref, b1c_ref, w2r_ref, b2c_ref, l1w_ref, l1b_ref,
                  l2w_ref, l2b_ref, bng_ref, bnb_ref, feat_ref, p_ref,
                  fw_ref, fb_ref, f2w_ref, f2b_ref, out_ref):
    g2 = g_ref[...].reshape(B * K, 64)
    y = jax.nn.relu(jnp.dot(g2, w1c_ref[...],
                            preferred_element_type=jnp.float32) + b1c_ref[...])
    y4 = y.reshape(B, K // 2, 2, 128)
    pooled = jnp.max(y4, axis=2)
    u = jnp.concatenate([pooled[:, k:k + 11, :] for k in range(5)], axis=2)
    u2 = u.reshape(B * 11, 640)
    o2 = jax.nn.relu(jnp.dot(u2, w2r_ref[...],
                             preferred_element_type=jnp.float32) + b2c_ref[...])
    o3 = o2.reshape(B, 11, 256)
    acc = jnp.zeros((B, 128), jnp.float32)
    for l in range(11):
        acc = acc + jnp.dot(o3[:, l, :], l1w_ref[l],
                            preferred_element_type=jnp.float32)
    xs = jax.nn.relu(acc + l1b_ref[...])
    xs = jnp.dot(xs, l2w_ref[...], preferred_element_type=jnp.float32) + l2b_ref[...]
    inv_sqrt = 1.0 / (1.0 + 1e-5) ** 0.5
    xs = jax.nn.relu(bng_ref[...] * xs * inv_sqrt + bnb_ref[...])
    pv = p_ref[0, 0]
    z = jnp.concatenate([xs * pv, feat_ref[...] * (1.0 - pv)], axis=1)
    z = jax.nn.relu(jnp.dot(z, fw_ref[...],
                            preferred_element_type=jnp.float32) + fb_ref[...])
    out_ref[...] = jnp.dot(z, f2w_ref[...],
                           preferred_element_type=jnp.float32) + f2b_ref[...]


def kernel(x, edge_index, batch, node, di_sim, dr_sim, drug_adj, dis_adj, p,
           W1, b1, W2, b2, conv1_w, conv1_b, conv2_w, conv2_b, lin1_W, lin1_b,
           lin2_W, lin2_b, bn_gamma, bn_beta, lin_di_W, lin_di_b, lin_dr_W,
           lin_dr_b, W3, b3, W4, b4, fcs_W, fcs_b, fcs2_W, fcs2_b):
    f32 = jnp.float32
    i32 = jnp.int32

    x_pad = jnp.concatenate([x, jnp.zeros((NPAD - N, 128), f32)])
    src = jnp.concatenate([edge_index[0].astype(i32),
                           jnp.full((E_PAD - E,), N, i32)]).reshape(NW * NCH, C)
    dst = jnp.concatenate([edge_index[1].astype(i32),
                           jnp.full((E_PAD - E,), NPAD - 8, i32)]).reshape(NW * NCH, C)
    batch_pad = jnp.concatenate([batch.astype(i32),
                                 jnp.full((NPAD - N,), B, i32)]).reshape(1, NPAD)
    ones_deg = jnp.ones((C, DEG_W), f32)
    zeros_deg = jnp.zeros((RPT, DEG_W), f32)
    zeros_agg = jnp.zeros((RPT, F1), f32)
    w1c = conv1_w[:, 0, :].T
    w2r = conv2_w.transpose(2, 1, 0).reshape(640, 256)
    l1w = lin1_W.reshape(256, 11, 128).transpose(1, 0, 2)

    _sc_degree, _sc_aggregate = _sc_kernels()
    deg0, deg1 = _sc_degree(dst, ones_deg, zeros_deg)

    prep_out = pl.pallas_call(
        _tc_prep_body,
        out_shape=(
            jax.ShapeDtypeStruct((NPAD, F1), f32),
            jax.ShapeDtypeStruct((NPAD, F1), f32),
            jax.ShapeDtypeStruct((NPAD, 1), f32),
            jax.ShapeDtypeStruct((NPAD, 1), f32),
            jax.ShapeDtypeStruct((B, F1), f32),
            jax.ShapeDtypeStruct((B, 1), i32),
            jax.ShapeDtypeStruct((B, 1), i32),
        ),
    )(x_pad, W1, deg0, deg1, batch_pad, node.astype(i32),
      di_sim, lin_di_W, lin_di_b.reshape(1, -1), drug_adj,
      dr_sim, lin_dr_W, lin_dr_b.reshape(1, -1), dis_adj,
      W3, b3.reshape(1, -1), W4, b4.reshape(1, -1))
    h1, hs1, dinv, dinv2, feat_out, starts, counts = prep_out

    a10, a11 = _sc_aggregate(src, dst, hs1, zeros_agg)

    x1, h2, hs2 = pl.pallas_call(
        _tc_mid_body,
        out_shape=(
            jax.ShapeDtypeStruct((NPAD, F1), f32),
            jax.ShapeDtypeStruct((NPAD, F1), f32),
            jax.ShapeDtypeStruct((NPAD, F1), f32),
        ),
    )(a10, a11, h1, dinv, dinv2, b1.reshape(1, -1), W2)

    a20, a21 = _sc_aggregate(src, dst, hs2, zeros_agg)

    smem = pltpu.SMEM
    g = pl.pallas_call(
        _tc_pool_body,
        grid=(B // S_PER,),
        in_specs=[
            pl.BlockSpec(memory_space=smem),
            pl.BlockSpec(memory_space=smem),
            pl.BlockSpec((NPAD, F1), lambda s: (0, 0)),
            pl.BlockSpec((NPAD, F1), lambda s: (0, 0)),
            pl.BlockSpec((NPAD, F1), lambda s: (0, 0)),
            pl.BlockSpec((NPAD, F1), lambda s: (0, 0)),
            pl.BlockSpec((NPAD, 1), lambda s: (0, 0)),
            pl.BlockSpec((NPAD, 1), lambda s: (0, 0)),
            pl.BlockSpec((1, F1), lambda s: (0, 0)),
        ],
        out_specs=pl.BlockSpec((S_PER, K, 64), lambda s: (s, 0, 0)),
        out_shape=jax.ShapeDtypeStruct((B, K, 64), f32),
    )(starts, counts, x1, h2, a20, a21, dinv, dinv2, b2.reshape(1, -1))

    z = pl.pallas_call(
        _tc_head_body,
        out_shape=jax.ShapeDtypeStruct((B, 1), f32),
    )(g, w1c, conv1_b.reshape(1, -1), w2r, conv2_b.reshape(1, -1),
      l1w, lin1_b.reshape(1, -1), lin2_W, lin2_b.reshape(1, -1),
      bn_gamma.reshape(1, -1), bn_beta.reshape(1, -1), feat_out,
      p.reshape(1, 1), fcs_W, fcs_b.reshape(1, -1), fcs2_W,
      fcs2_b.reshape(1, 1))
    return z[:, 0]

# --- scband reference (transcript-rebuilt; emitter-appended) ---
"""Pipeline reference for scband-gsesnn-29935922053455 (READ-ONLY COPY).

The authoritative reference and input builder live on the scoring server;
editing this copy changes nothing except your own understanding.
"""

import jax, jax.numpy as jnp
import numpy as np

N_NODES = 10000
N_EDGES = 320000
B = 256
K = 30
DI = 593
DR = 313


def setup_inputs(seed: int = 0):
    key = jax.random.key(seed)
    ks = [jax.random.fold_in(key, i) for i in range(40)]

    def w(i, shape):
        return jax.random.normal(ks[i], shape, dtype=jnp.float32) * 0.1

    inp = {}
    inp['x'] = jax.random.normal(ks[0], (N_NODES, 128), dtype=jnp.float32)
    inp['edge_index'] = jax.random.randint(ks[1], (2, N_EDGES), 0, N_NODES)
    inp['batch'] = jnp.sort(jax.random.randint(ks[2], (N_NODES,), 0, B))
    inp['node'] = jax.random.randint(ks[3], (B, 2), 0, DR)
    inp['di_sim'] = jax.random.uniform(ks[4], (DI, DI), dtype=jnp.float32)
    inp['dr_sim'] = jax.random.uniform(ks[5], (DR, DR), dtype=jnp.float32)
    inp['drug_adj'] = jax.random.uniform(ks[6], (DI, DI), dtype=jnp.float32)
    inp['dis_adj'] = jax.random.uniform(ks[7], (DR, DR), dtype=jnp.float32)
    inp['p'] = jax.random.uniform(ks[8], (1,), dtype=jnp.float32)
    inp['W1'] = w(9, (128, 32)); inp['b1'] = w(10, (32,))
    inp['W2'] = w(11, (32, 32)); inp['b2'] = w(12, (32,))
    inp['conv1_w'] = w(13, (128, 1, 64)); inp['conv1_b'] = w(14, (128,))
    inp['conv2_w'] = w(15, (256, 128, 5)); inp['conv2_b'] = w(16, (256,))
    inp['lin1_W'] = w(17, (2816, 128)); inp['lin1_b'] = w(18, (128,))
    inp['lin2_W'] = w(19, (128, 32)); inp['lin2_b'] = w(20, (32,))
    inp['bn_gamma'] = jnp.ones((32,), jnp.float32); inp['bn_beta'] = jnp.zeros((32,), jnp.float32)
    inp['lin_di_W'] = w(21, (593, 256)); inp['lin_di_b'] = w(22, (256,))
    inp['lin_dr_W'] = w(23, (313, 256)); inp['lin_dr_b'] = w(24, (256,))
    inp['W3'] = w(25, (256, 64)); inp['b3'] = w(26, (64,))
    inp['W4'] = w(27, (64, 16)); inp['b4'] = w(28, (16,))
    inp['fcs_W'] = w(29, (64, 32)); inp['fcs_b'] = w(30, (32,))
    inp['fcs2_W'] = w(31, (32, 1)); inp['fcs2_b'] = w(32, (1,))
    return inp


def _gcn(x, src, dst, W, b):
    n = x.shape[0]
    si = jnp.concatenate([src, jnp.arange(n)])
    di = jnp.concatenate([dst, jnp.arange(n)])
    deg = jnp.zeros((n,), jnp.float32).at[di].add(1.0)
    dinv = jnp.where(deg > 0, jax.lax.rsqrt(deg), 0.0)
    norm = dinv[si] * dinv[di]
    h = x @ W
    out = jnp.zeros((n, W.shape[1]), jnp.float32).at[di].add(h[si] * norm[:, None])
    return out + b


def _dense_gcn(x, adj, W, b):
    n = adj.shape[0]
    a = adj + jnp.eye(n, dtype=adj.dtype)
    deg = a.sum(-1)
    dinv = jnp.where(deg > 0, deg ** -0.5, 0.0)
    an = dinv[:, None] * a * dinv[None, :]
    return an @ (x @ W) + b


def _conv1d(x, w, b, stride):
    out = jax.lax.conv_general_dilated(x, w, (stride,), 'VALID', dimension_numbers=('NCH', 'OIH', 'NCH'))
    return out + b[None, :, None]


def _sort_pool(h, batch, k):
    N, F = h.shape
    keyv = h[:, -1]
    order = jnp.lexsort((-keyv, batch))
    hs = h[order]
    bs = batch[order]
    counts = jnp.bincount(batch, length=B)
    starts = jnp.cumsum(counts) - counts
    pos = jnp.arange(N) - starts[bs]
    g = jnp.zeros((B, k, F), h.dtype).at[bs, pos].set(hs, mode='drop')
    return g.reshape(B, k * F)


def reference(x, edge_index, batch, node, di_sim, dr_sim, drug_adj, dis_adj, p, W1, b1, W2, b2, conv1_w, conv1_b, conv2_w, conv2_b, lin1_W, lin1_b, lin2_W, lin2_b, bn_gamma, bn_beta, lin_di_W, lin_di_b, lin_dr_W, lin_dr_b, W3, b3, W4, b4, fcs_W, fcs_b, fcs2_W, fcs2_b):
    # eval mode: edge dropout / feature dropout are identity; BatchNorm uses running stats (mean=0, var=1)
    src, dst = edge_index[0], edge_index[1]
    x1 = jax.nn.relu(_gcn(x, src, dst, W1, b1))
    x2 = jax.nn.relu(_gcn(x1, src, dst, W2, b2))
    h = jnp.concatenate([x1, x2], axis=1)
    xs = _sort_pool(h, batch, K)
    xs = xs[:, None, :]
    xs = jax.nn.relu(_conv1d(xs, conv1_w, conv1_b, 64))
    Bn, C, L = xs.shape
    xs = xs.reshape(Bn, C, L // 2, 2).max(axis=-1)
    xs = jax.nn.relu(_conv1d(xs, conv2_w, conv2_b, 1))
    xs = xs.reshape(Bn, -1)
    xs = jax.nn.relu(xs @ lin1_W + lin1_b)
    xs = xs @ lin2_W + lin2_b
    xs = jax.nn.relu(bn_gamma * xs / jnp.sqrt(1.0 + 1e-5) + bn_beta)
    di_emb = di_sim @ lin_di_W + lin_di_b
    di_feat = jax.nn.relu(_dense_gcn(di_emb, drug_adj, W3, b3))
    di_out = jax.nn.relu(_dense_gcn(di_feat, drug_adj, W4, b4))
    di = di_out[node[:, 0]]
    dr_emb = dr_sim @ lin_dr_W + lin_dr_b
    dr_feat = jax.nn.relu(_dense_gcn(dr_emb, dis_adj, W3, b3))
    dr_out = jax.nn.relu(_dense_gcn(dr_feat, dis_adj, W4, b4))
    dr = dr_out[node[:, 1]]
    feat_out = jnp.concatenate([di, dr], axis=1)
    sub = xs * p
    glob = feat_out * (1.0 - p)
    z = jnp.concatenate([sub, glob], axis=1)
    z = jax.nn.relu(z @ fcs_W + fcs_b)
    z = z @ fcs2_W + fcs2_b
    return z[:, 0]

if __name__ == "__main__":
    import jax
    _d = setup_inputs()
    print(jax.jit(kernel)(*tuple(_d.values())))

</pallas_src>

<mosaic_0001>
#map = affine_map<(d0, d1) -> (0, 0)>
module attributes {stable_mosaic.version = 14 : i64} {
  func.func @_sc_degree(%arg0: i32, %arg1: i32, %arg2: memref<2560x128xi32, #tpu.memory_space<hbm>>, %arg3: memref<128x16xf32, #tpu.memory_space<hbm>>, %arg4: memref<656x16xf32, #tpu.memory_space<hbm>>, %arg5: memref<10496x16xf32, #tpu.memory_space<hbm>>, %arg6: memref<10496x16xf32, #tpu.memory_space<hbm>>, %arg7: memref<80x128xi32, #tpu.memory_space<vmem>>, %arg8: memref<128x16xf32, #tpu.memory_space<vmem>>, %arg9: memref<10496x16xf32, #tpu.memory_space<vmem_shared>>) attributes {dimension_semantics = [#tpu.dimension_semantics<core_parallel>, #tpu.dimension_semantics<subcore_parallel>], iteration_bounds = array<i64: 2, 16>, scalar_prefetch = 0 : i64, scratch_operands = 3 : i64, tpu.core_type = #tpu.core_type<sc_vector_subcore>, window_params = [{transform_indices = #map}, {transform_indices = #map}, {transform_indices = #map}, {transform_indices = #map}, {transform_indices = #map}]} {
    %mul3A = arith.constant 2 : i32
    %mul3A_0 = arith.muli %arg1, %mul3A : i32
    %add3A = arith.addi %mul3A_0, %arg0 : i32
    %mul3A_1 = arith.constant 80 : i32
    %mul3A_2 = arith.muli %add3A, %mul3A_1 : i32
    "tpu.region"() ({
      %run_scoped3A = tpu.sem_alloc : memref<!tpu.dma_semaphore, #tpu.memory_space<semaphore_mem>>
      %dma_start3A = arith.constant 0 : i32
      %dma_start3A_18 = tpu.memref_slice %arg2[%mul3A_2, %dma_start3A] : memref<2560x128xi32, #tpu.memory_space<hbm>> -> memref<80x128xi32, #tpu.memory_space<hbm>>
      %dma_start3A_19 = arith.constant 0 : i32
      %dma_start3A_20 = tpu.memref_slice %arg2[%mul3A_2, %dma_start3A_19] : memref<2560x128xi32, #tpu.memory_space<hbm>> -> memref<80x128xi32, #tpu.memory_space<hbm>>
      tpu.enqueue_dma source(%dma_start3A_20 : memref<80x128xi32, #tpu.memory_space<hbm>>) target(%arg7 : memref<80x128xi32, #tpu.memory_space<vmem>>) target_semaphore(%run_scoped3A : memref<!tpu.dma_semaphore, #tpu.memory_space<semaphore_mem>>)
      %dma_wait3A = arith.constant 0 : i32
      %dma_wait3A_21 = tpu.memref_slice %arg2[%mul3A_2, %dma_wait3A] : memref<2560x128xi32, #tpu.memory_space<hbm>> -> memref<80x128xi32, #tpu.memory_space<hbm>>
      %dma_wait3A_22 = arith.constant 0 : i32
      %dma_wait3A_23 = tpu.memref_slice %arg2[%mul3A_2, %dma_wait3A_22] : memref<2560x128xi32, #tpu.memory_space<hbm>> -> memref<80x128xi32, #tpu.memory_space<hbm>>
      tpu.wait_dma2 semaphore(%run_scoped3A : memref<!tpu.dma_semaphore, #tpu.memory_space<semaphore_mem>>) src(%dma_wait3A_23 : memref<80x128xi32, #tpu.memory_space<hbm>>) dst(%arg7 : memref<80x128xi32, #tpu.memory_space<vmem>>)
      tpu.yield
    }) : () -> ()
    "tpu.region"() ({
      %run_scoped3A = tpu.sem_alloc : memref<!tpu.dma_semaphore, #tpu.memory_space<semaphore_mem>>
      tpu.enqueue_dma source(%arg3 : memref<128x16xf32, #tpu.memory_space<hbm>>) target(%arg8 : memref<128x16xf32, #tpu.memory_space<vmem>>) target_semaphore(%run_scoped3A : memref<!tpu.dma_semaphore, #tpu.memory_space<semaphore_mem>>)
      tpu.wait_dma2 semaphore(%run_scoped3A : memref<!tpu.dma_semaphore, #tpu.memory_space<semaphore_mem>>) src(%arg3 : memref<128x16xf32, #tpu.memory_space<hbm>>) dst(%arg8 : memref<128x16xf32, #tpu.memory_space<vmem>>)
      tpu.yield
    }) : () -> ()
    %mul3A_3 = arith.constant 656 : i32
    %mul3A_4 = arith.muli %arg1, %mul3A_3 : i32
    "tpu.region"() ({
      %run_scoped3A = tpu.sem_alloc : memref<!tpu.dma_semaphore, #tpu.memory_space<semaphore_mem>>
      %dma_start3A = arith.constant 0 : i32
      %dma_start3A_18 = tpu.memref_slice %arg9[%mul3A_4, %dma_start3A] : memref<10496x16xf32, #tpu.memory_space<vmem_shared>> -> memref<656x16xf32, #tpu.memory_space<vmem_shared>>
      tpu.enqueue_dma source(%arg4 : memref<656x16xf32, #tpu.memory_space<hbm>>) target(%dma_start3A_18 : memref<656x16xf32, #tpu.memory_space<vmem_shared>>) target_semaphore(%run_scoped3A : memref<!tpu.dma_semaphore, #tpu.memory_space<semaphore_mem>>)
      %dma_wait3A = arith.constant 0 : i32
      %dma_wait3A_19 = tpu.memref_slice %arg9[%mul3A_4, %dma_wait3A] : memref<10496x16xf32, #tpu.memory_space<vmem_shared>> -> memref<656x16xf32, #tpu.memory_space<vmem_shared>>
      tpu.wait_dma2 semaphore(%run_scoped3A : memref<!tpu.dma_semaphore, #tpu.memory_space<semaphore_mem>>) src(%arg4 : memref<656x16xf32, #tpu.memory_space<hbm>>) dst(%dma_wait3A_19 : memref<656x16xf32, #tpu.memory_space<vmem_shared>>)
      tpu.yield
    }) : () -> ()
    %barrier3A = arith.constant 0 : index
    tpu.barrier barrier_id(%barrier3A)
    %scan3A = arith.constant 0 : i32
    %scan3A_5 = arith.constant 0 : i32
    %scan3A_6 = arith.constant 80 : i32
    %scan3A_7 = arith.addi %scan3A_5, %scan3A_6 : i32
    %scan3A_8 = arith.constant 1 : i32
    scf.for %scan3A_18 = %scan3A_5 to %scan3A_7 step %scan3A_8  : i32 {
      "tpu.region"() ({
        %run_scoped3A = tpu.sem_alloc : memref<!tpu.dma_semaphore, #tpu.memory_space<semaphore_mem>>
        %dma_start3A = arith.constant 0 : i32
        %dma_start3A_19 = tpu.memref_slice %arg7[%scan3A_18, %dma_start3A] : memref<80x128xi32, #tpu.memory_space<vmem>> -> memref<1x128xi32, #tpu.memory_space<vmem>>
        %dma_start3A_20 = tpu.memref_squeeze %dma_start3A_19 : memref<1x128xi32, #tpu.memory_space<vmem>> -> memref<128xi32, #tpu.memory_space<vmem>>
        %dma_start3A_21 = arith.constant 0 : i32
        %dma_start3A_22 = arith.constant 0 : i32
        %dma_start3A_23 = tpu.memref_slice %arg9[%dma_start3A_21, %dma_start3A_22] : memref<10496x16xf32, #tpu.memory_space<vmem_shared>> -> memref<10496x16xf32, #tpu.memory_space<vmem_shared>>
        tpu.enqueue_indirect_dma source(%arg8 : memref<128x16xf32, #tpu.memory_space<vmem>>) target(%dma_start3A_23 : memref<10496x16xf32, #tpu.memory_space<vmem_shared>>) offsets(%dma_start3A_20 : memref<128xi32, #tpu.memory_space<vmem>>) semaphore(%run_scoped3A : memref<!tpu.dma_semaphore, #tpu.memory_space<semaphore_mem>>) {add = true}
        %dma_wait3A = arith.constant 0 : i32
        %dma_wait3A_24 = tpu.memref_slice %arg7[%scan3A_18, %dma_wait3A] : memref<80x128xi32, #tpu.memory_space<vmem>> -> memref<1x128xi32, #tpu.memory_space<vmem>>
        %dma_wait3A_25 = tpu.memref_squeeze %dma_wait3A_24 : memref<1x128xi32, #tpu.memory_space<vmem>> -> memref<128xi32, #tpu.memory_space<vmem>>
        %dma_wait3A_26 = arith.constant 0 : i32
        %dma_wait3A_27 = arith.constant 0 : i32
        %dma_wait3A_28 = tpu.memref_slice %arg9[%dma_wait3A_26, %dma_wait3A_27] : memref<10496x16xf32, #tpu.memory_space<vmem_shared>> -> memref<10496x16xf32, #tpu.memory_space<vmem_shared>>
        tpu.wait_indirect_dma semaphore(%run_scoped3A : memref<!tpu.dma_semaphore, #tpu.memory_space<semaphore_mem>>) src(%arg8 : memref<128x16xf32, #tpu.memory_space<vmem>>) dst(%dma_wait3A_28 : memref<10496x16xf32, #tpu.memory_space<vmem_shared>>)
        tpu.yield
      }) : () -> ()
    }
    %scan3A_9 = arith.constant 80 : i32
    %barrier3A_10 = arith.constant 0 : index
    tpu.barrier barrier_id(%barrier3A_10)
    %eq3A = arith.constant 0 : i32
    %eq3A_11 = arith.cmpi eq, %arg0, %eq3A : i32
    %convert_element_type3A = arith.extui %eq3A_11 : i1 to i32
    %cond3A = arith.constant 0 : i32
    %cond3A_12 = arith.cmpi ne, %convert_element_type3A, %cond3A : i32
    scf.if %cond3A_12 {
      %mul3A_18 = arith.constant 656 : i32
      %mul3A_19 = arith.muli %arg1, %mul3A_18 : i32
      %mul3A_20 = arith.constant 656 : i32
      %mul3A_21 = arith.muli %arg1, %mul3A_20 : i32
      "tpu.region"() ({
        %run_scoped3A = tpu.sem_alloc : memref<!tpu.dma_semaphore, #tpu.memory_space<semaphore_mem>>
        %dma_start3A = arith.constant 0 : i32
        %dma_start3A_22 = tpu.memref_slice %arg5[%mul3A_21, %dma_start3A] : memref<10496x16xf32, #tpu.memory_space<hbm>> -> memref<656x16xf32, #tpu.memory_space<hbm>>
        %dma_start3A_23 = arith.constant 0 : i32
        %dma_start3A_24 = tpu.memref_slice %arg9[%mul3A_19, %dma_start3A_23] : memref<10496x16xf32, #tpu.memory_space<vmem_shared>> -> memref<656x16xf32, #tpu.memory_space<vmem_shared>>
        tpu.enqueue_dma source(%dma_start3A_24 : memref<656x16xf32, #tpu.memory_space<vmem_shared>>) target(%dma_start3A_22 : memref<656x16xf32, #tpu.memory_space<hbm>>) target_semaphore(%run_scoped3A : memref<!tpu.dma_semaphore, #tpu.memory_space<semaphore_mem>>)
        %dma_wait3A = arith.constant 0 : i32
        %dma_wait3A_25 = tpu.memref_slice %arg5[%mul3A_21, %dma_wait3A] : memref<10496x16xf32, #tpu.memory_space<hbm>> -> memref<656x16xf32, #tpu.memory_space<hbm>>
        %dma_wait3A_26 = arith.constant 0 : i32
        %dma_wait3A_27 = tpu.memref_slice %arg9[%mul3A_19, %dma_wait3A_26] : memref<10496x16xf32, #tpu.memory_space<vmem_shared>> -> memref<656x16xf32, #tpu.memory_space<vmem_shared>>
        tpu.wait_dma2 semaphore(%run_scoped3A : memref<!tpu.dma_semaphore, #tpu.memory_space<semaphore_mem>>) src(%dma_wait3A_27 : memref<656x16xf32, #tpu.memory_space<vmem_shared>>) dst(%dma_wait3A_25 : memref<656x16xf32, #tpu.memory_space<hbm>>)
        tpu.yield
      }) : () -> ()
    } else {
    }
    %eq3A_13 = arith.constant 1 : i32
    %eq3A_14 = arith.cmpi eq, %arg0, %eq3A_13 : i32
    %convert_element_type3A_15 = arith.extui %eq3A_14 : i1 to i32
    %cond3A_16 = arith.constant 0 : i32
    %cond3A_17 = arith.cmpi ne, %convert_element_type3A_15, %cond3A_16 : i32
    scf.if %cond3A_17 {
      %mul3A_18 = arith.constant 656 : i32
      %mul3A_19 = arith.muli %arg1, %mul3A_18 : i32
      %mul3A_20 = arith.constant 656 : i32
      %mul3A_21 = arith.muli %arg1, %mul3A_20 : i32
      "tpu.region"() ({
        %run_scoped3A = tpu.sem_alloc : memref<!tpu.dma_semaphore, #tpu.memory_space<semaphore_mem>>
        %dma_start3A = arith.constant 0 : i32
        %dma_start3A_22 = tpu.memref_slice %arg6[%mul3A_21, %dma_start3A] : memref<10496x16xf32, #tpu.memory_space<hbm>> -> memref<656x16xf32, #tpu.memory_space<hbm>>
        %dma_start3A_23 = arith.constant 0 : i32
        %dma_start3A_24 = tpu.memref_slice %arg9[%mul3A_19, %dma_start3A_23] : memref<10496x16xf32, #tpu.memory_space<vmem_shared>> -> memref<656x16xf32, #tpu.memory_space<vmem_shared>>
        tpu.enqueue_dma source(%dma_start3A_24 : memref<656x16xf32, #tpu.memory_space<vmem_shared>>) target(%dma_start3A_22 : memref<656x16xf32, #tpu.memory_space<hbm>>) target_semaphore(%run_scoped3A : memref<!tpu.dma_semaphore, #tpu.memory_space<semaphore_mem>>)
        %dma_wait3A = arith.constant 0 : i32
        %dma_wait3A_25 = tpu.memref_slice %arg6[%mul3A_21, %dma_wait3A] : memref<10496x16xf32, #tpu.memory_space<hbm>> -> memref<656x16xf32, #tpu.memory_space<hbm>>
        %dma_wait3A_26 = arith.constant 0 : i32
        %dma_wait3A_27 = tpu.memref_slice %arg9[%mul3A_19, %dma_wait3A_26] : memref<10496x16xf32, #tpu.memory_space<vmem_shared>> -> memref<656x16xf32, #tpu.memory_space<vmem_shared>>
        tpu.wait_dma2 semaphore(%run_scoped3A : memref<!tpu.dma_semaphore, #tpu.memory_space<semaphore_mem>>) src(%dma_wait3A_27 : memref<656x16xf32, #tpu.memory_space<vmem_shared>>) dst(%dma_wait3A_25 : memref<656x16xf32, #tpu.memory_space<hbm>>)
        tpu.yield
      }) : () -> ()
    } else {
    }
    return
  }
}

#map = affine_map<(d0, d1) -> (0, 0)>
module attributes {stable_mosaic.version = 14 : i64} {
  func.func @_sc_aggregate(%arg0: i32, %arg1: i32, %arg2: memref<2560x128xi32, #tpu.memory_space<hbm>>, %arg3: memref<2560x128xi32, #tpu.memory_space<hbm>>, %arg4: memref<10496x32xf32, #tpu.memory_space<hbm>>, %arg5: memref<656x32xf32, #tpu.memory_space<hbm>>, %arg6: memref<10496x32xf32, #tpu.memory_space<hbm>>, %arg7: memref<10496x32xf32, #tpu.memory_space<hbm>>, %arg8: memref<80x128xi32, #tpu.memory_space<vmem>>, %arg9: memref<80x128xi32, #tpu.memory_space<vmem>>, %arg10: memref<128x32xf32, #tpu.memory_space<vmem>>, %arg11: memref<128x32xf32, #tpu.memory_space<vmem>>, %arg12: memref<128x32xf32, #tpu.memory_space<vmem>>, %arg13: memref<128x32xf32, #tpu.memory_space<vmem>>, %arg14: memref<128x32xf32, #tpu.memory_space<vmem>>, %arg15: memref<128x32xf32, #tpu.memory_space<vmem>>, %arg16: memref<128x32xf32, #tpu.memory_space<vmem>>, %arg17: memref<128x32xf32, #tpu.memory_space<vmem>>, %arg18: memref<10496x32xf32, #tpu.memory_space<vmem_shared>>, %arg19: memref<!tpu.dma_semaphore, #tpu.memory_space<semaphore_mem>>, %arg20: memref<!tpu.dma_semaphore, #tpu.memory_space<semaphore_mem>>, %arg21: memref<!tpu.dma_semaphore, #tpu.memory_space<semaphore_mem>>, %arg22: memref<!tpu.dma_semaphore, #tpu.memory_space<semaphore_mem>>, %arg23: memref<!tpu.dma_semaphore, #tpu.memory_space<semaphore_mem>>, %arg24: memref<!tpu.dma_semaphore, #tpu.memory_space<semaphore_mem>>, %arg25: memref<!tpu.dma_semaphore, #tpu.memory_space<semaphore_mem>>, %arg26: memref<!tpu.dma_semaphore, #tpu.memory_space<semaphore_mem>>, %arg27: memref<!tpu.dma_semaphore, #tpu.memory_space<semaphore_mem>>, %arg28: memref<!tpu.dma_semaphore, #tpu.memory_space<semaphore_mem>>, %arg29: memref<!tpu.dma_semaphore, #tpu.memory_space<semaphore_mem>>, %arg30: memref<!tpu.dma_semaphore, #tpu.memory_space<semaphore_mem>>, %arg31: memref<!tpu.dma_semaphore, #tpu.memory_space<semaphore_mem>>, %arg32: memref<!tpu.dma_semaphore, #tpu.memory_space<semaphore_mem>>, %arg33: memref<!tpu.dma_semaphore, #tpu.memory_space<semaphore_mem>>, %arg34: memref<!tpu.dma_semaphore, #tpu.memory_space<semaphore_mem>>) attributes {dimension_semantics = [#tpu.dimension_semantics<core_parallel>, #tpu.dimension_semantics<subcore_parallel>], iteration_bounds = array<i64: 2, 16>, scalar_prefetch = 0 : i64, scratch_operands = 27 : i64, tpu.core_type = #tpu.core_type<sc_vector_subcore>, window_params = [{transform_indices = #map}, {transform_indices = #map}, {transform_indices = #map}, {transform_indices = #map}, {transform_indices = #map}, {transform_indices = #map}]} {
    %mul3A = arith.constant 2 : i32
    %mul3A_0 = arith.muli %arg1, %mul3A : i32
    %add3A = arith.addi %mul3A_0, %arg0 : i32
    %mul3A_1 = arith.constant 80 : i32
    %mul3A_2 = arith.muli %add3A, %mul3A_1 : i32
    "tpu.region"() ({
      %run_scoped3A = tpu.sem_alloc : memref<!tpu.dma_semaphore, #tpu.memory_space<semaphore_mem>>
      %dma_start3A_130 = arith.constant 0 : i32
      %dma_start3A_131 = tpu.memref_slice %arg2[%mul3A_2, %dma_start3A_130] : memref<2560x128xi32, #tpu.memory_space<hbm>> -> memref<80x128xi32, #tpu.memory_space<hbm>>
      %dma_start3A_132 = arith.constant 0 : i32
      %dma_start3A_133 = tpu.memref_slice %arg2[%mul3A_2, %dma_start3A_132] : memref<2560x128xi32, #tpu.memory_space<hbm>> -> memref<80x128xi32, #tpu.memory_space<hbm>>
      tpu.enqueue_dma source(%dma_start3A_133 : memref<80x128xi32, #tpu.memory_space<hbm>>) target(%arg8 : memref<80x128xi32, #tpu.memory_space<vmem>>) target_semaphore(%run_scoped3A : memref<!tpu.dma_semaphore, #tpu.memory_space<semaphore_mem>>)
      %dma_wait3A_134 = arith.constant 0 : i32
      %dma_wait3A_135 = tpu.memref_slice %arg2[%mul3A_2, %dma_wait3A_134] : memref<2560x128xi32, #tpu.memory_space<hbm>> -> memref<80x128xi32, #tpu.memory_space<hbm>>
      %dma_wait3A_136 = arith.constant 0 : i32
      %dma_wait3A_137 = tpu.memref_slice %arg2[%mul3A_2, %dma_wait3A_136] : memref<2560x128xi32, #tpu.memory_space<hbm>> -> memref<80x128xi32, #tpu.memory_space<hbm>>
      tpu.wait_dma2 semaphore(%run_scoped3A : memref<!tpu.dma_semaphore, #tpu.memory_space<semaphore_mem>>) src(%dma_wait3A_137 : memref<80x128xi32, #tpu.memory_space<hbm>>) dst(%arg8 : memref<80x128xi32, #tpu.memory_space<vmem>>)
      tpu.yield
    }) : () -> ()
    %mul3A_3 = arith.constant 80 : i32
    %mul3A_4 = arith.muli %add3A, %mul3A_3 : i32
    "tpu.region"() ({
      %run_scoped3A = tpu.sem_alloc : memref<!tpu.dma_semaphore, #tpu.memory_space<semaphore_mem>>
      %dma_start3A_130 = arith.constant 0 : i32
      %dma_start3A_131 = tpu.memref_slice %arg3[%mul3A_4, %dma_start3A_130] : memref<2560x128xi32, #tpu.memory_space<hbm>> -> memref<80x128xi32, #tpu.memory_space<hbm>>
      %dma_start3A_132 = arith.constant 0 : i32
      %dma_start3A_133 = tpu.memref_slice %arg3[%mul3A_4, %dma_start3A_132] : memref<2560x128xi32, #tpu.memory_space<hbm>> -> memref<80x128xi32, #tpu.memory_space<hbm>>
      tpu.enqueue_dma source(%dma_start3A_133 : memref<80x128xi32, #tpu.memory_space<hbm>>) target(%arg9 : memref<80x128xi32, #tpu.memory_space<vmem>>) target_semaphore(%run_scoped3A : memref<!tpu.dma_semaphore, #tpu.memory_space<semaphore_mem>>)
      %dma_wait3A_134 = arith.constant 0 : i32
      %dma_wait3A_135 = tpu.memref_slice %arg3[%mul3A_4, %dma_wait3A_134] : memref<2560x128xi32, #tpu.memory_space<hbm>> -> memref<80x128xi32, #tpu.memory_space<hbm>>
      %dma_wait3A_136 = arith.constant 0 : i32
      %dma_wait3A_137 = tpu.memref_slice %arg3[%mul3A_4, %dma_wait3A_136] : memref<2560x128xi32, #tpu.memory_space<hbm>> -> memref<80x128xi32, #tpu.memory_space<hbm>>
      tpu.wait_dma2 semaphore(%run_scoped3A : memref<!tpu.dma_semaphore, #tpu.memory_space<semaphore_mem>>) src(%dma_wait3A_137 : memref<80x128xi32, #tpu.memory_space<hbm>>) dst(%arg9 : memref<80x128xi32, #tpu.memory_space<vmem>>)
      tpu.yield
    }) : () -> ()
    %mul3A_5 = arith.constant 656 : i32
    %mul3A_6 = arith.muli %arg1, %mul3A_5 : i32
    "tpu.region"() ({
      %run_scoped3A = tpu.sem_alloc : memref<!tpu.dma_semaphore, #tpu.memory_space<semaphore_mem>>
      %dma_start3A_130 = arith.constant 0 : i32
      %dma_start3A_131 = tpu.memref_slice %arg18[%mul3A_6, %dma_start3A_130] : memref<10496x32xf32, #tpu.memory_space<vmem_shared>> -> memref<656x32xf32, #tpu.memory_space<vmem_shared>>
      tpu.enqueue_dma source(%arg5 : memref<656x32xf32, #tpu.memory_space<hbm>>) target(%dma_start3A_131 : memref<656x32xf32, #tpu.memory_space<vmem_shared>>) target_semaphore(%run_scoped3A : memref<!tpu.dma_semaphore, #tpu.memory_space<semaphore_mem>>)
      %dma_wait3A_132 = arith.constant 0 : i32
      %dma_wait3A_133 = tpu.memref_slice %arg18[%mul3A_6, %dma_wait3A_132] : memref<10496x32xf32, #tpu.memory_space<vmem_shared>> -> memref<656x32xf32, #tpu.memory_space<vmem_shared>>
      tpu.wait_dma2 semaphore(%run_scoped3A : memref<!tpu.dma_semaphore, #tpu.memory_space<semaphore_mem>>) src(%arg5 : memref<656x32xf32, #tpu.memory_space<hbm>>) dst(%dma_wait3A_133 : memref<656x32xf32, #tpu.memory_space<vmem_shared>>)
      tpu.yield
    }) : () -> ()
    %barrier3A = arith.constant 0 : index
    tpu.barrier barrier_id(%barrier3A)
    %dma_start3A = arith.constant 0 : i32
    %dma_start3A_7 = arith.constant 0 : i32
    %dma_start3A_8 = tpu.memref_slice %arg8[%dma_start3A, %dma_start3A_7] : memref<80x128xi32, #tpu.memory_space<vmem>> -> memref<1x128xi32, #tpu.memory_space<vmem>>
    %dma_start3A_9 = tpu.memref_squeeze %dma_start3A_8 : memref<1x128xi32, #tpu.memory_space<vmem>> -> memref<128xi32, #tpu.memory_space<vmem>>
    %dma_start3A_10 = arith.constant 0 : i32
    %dma_start3A_11 = arith.constant 0 : i32
    %dma_start3A_12 = tpu.memref_slice %arg4[%dma_start3A_10, %dma_start3A_11] : memref<10496x32xf32, #tpu.memory_space<hbm>> -> memref<10496x32xf32, #tpu.memory_space<hbm>>
    tpu.enqueue_indirect_dma source(%dma_start3A_12 : memref<10496x32xf32, #tpu.memory_space<hbm>>) target(%arg10 : memref<128x32xf32, #tpu.memory_space<vmem>>) offsets(%dma_start3A_9 : memref<128xi32, #tpu.memory_space<vmem>>) semaphore(%arg19 : memref<!tpu.dma_semaphore, #tpu.memory_space<semaphore_mem>>)
    %dma_start3A_13 = arith.constant 1 : i32
    %dma_start3A_14 = arith.constant 0 : i32
    %dma_start3A_15 = tpu.memref_slice %arg8[%dma_start3A_13, %dma_start3A_14] : memref<80x128xi32, #tpu.memory_space<vmem>> -> memref<1x128xi32, #tpu.memory_space<vmem>>
    %dma_start3A_16 = tpu.memref_squeeze %dma_start3A_15 : memref<1x128xi32, #tpu.memory_space<vmem>> -> memref<128xi32, #tpu.memory_space<vmem>>
    %dma_start3A_17 = arith.constant 0 : i32
    %dma_start3A_18 = arith.constant 0 : i32
    %dma_start3A_19 = tpu.memref_slice %arg4[%dma_start3A_17, %dma_start3A_18] : memref<10496x32xf32, #tpu.memory_space<hbm>> -> memref<10496x32xf32, #tpu.memory_space<hbm>>
    tpu.enqueue_indirect_dma source(%dma_start3A_19 : memref<10496x32xf32, #tpu.memory_space<hbm>>) target(%arg11 : memref<128x32xf32, #tpu.memory_space<vmem>>) offsets(%dma_start3A_16 : memref<128xi32, #tpu.memory_space<vmem>>) semaphore(%arg20 : memref<!tpu.dma_semaphore, #tpu.memory_space<semaphore_mem>>)
    %dma_start3A_20 = arith.constant 2 : i32
    %dma_start3A_21 = arith.constant 0 : i32
    %dma_start3A_22 = tpu.memref_slice %arg8[%dma_start3A_20, %dma_start3A_21] : memref<80x128xi32, #tpu.memory_space<vmem>> -> memref<1x128xi32, #tpu.memory_space<vmem>>
    %dma_start3A_23 = tpu.memref_squeeze %dma_start3A_22 : memref<1x128xi32, #tpu.memory_space<vmem>> -> memref<128xi32, #tpu.memory_space<vmem>>
    %dma_start3A_24 = arith.constant 0 : i32
    %dma_start3A_25 = arith.constant 0 : i32
    %dma_start3A_26 = tpu.memref_slice %arg4[%dma_start3A_24, %dma_start3A_25] : memref<10496x32xf32, #tpu.memory_space<hbm>> -> memref<10496x32xf32, #tpu.memory_space<hbm>>
    tpu.enqueue_indirect_dma source(%dma_start3A_26 : memref<10496x32xf32, #tpu.memory_space<hbm>>) target(%arg12 : memref<128x32xf32, #tpu.memory_space<vmem>>) offsets(%dma_start3A_23 : memref<128xi32, #tpu.memory_space<vmem>>) semaphore(%arg21 : memref<!tpu.dma_semaphore, #tpu.memory_space<semaphore_mem>>)
    %dma_start3A_27 = arith.constant 3 : i32
    %dma_start3A_28 = arith.constant 0 : i32
    %dma_start3A_29 = tpu.memref_slice %arg8[%dma_start3A_27, %dma_start3A_28] : memref<80x128xi32, #tpu.memory_space<vmem>> -> memref<1x128xi32, #tpu.memory_space<vmem>>
    %dma_start3A_30 = tpu.memref_squeeze %dma_start3A_29 : memref<1x128xi32, #tpu.memory_space<vmem>> -> memref<128xi32, #tpu.memory_space<vmem>>
    %dma_start3A_31 = arith.constant 0 : i32
    %dma_start3A_32 = arith.constant 0 : i32
    %dma_start3A_33 = tpu.memref_slice %arg4[%dma_start3A_31, %dma_start3A_32] : memref<10496x32xf32, #tpu.memory_space<hbm>> -> memref<10496x32xf32, #tpu.memory_space<hbm>>
    tpu.enqueue_indirect_dma source(%dma_start3A_33 : memref<10496x32xf32, #tpu.memory_space<hbm>>) target(%arg13 : memref<128x32xf32, #tpu.memory_space<vmem>>) offsets(%dma_start3A_30 : memref<128xi32, #tpu.memory_space<vmem>>) semaphore(%arg22 : memref<!tpu.dma_semaphore, #tpu.memory_space<semaphore_mem>>)
    %dma_start3A_34 = arith.constant 4 : i32
    %dma_start3A_35 = arith.constant 0 : i32
    %dma_start3A_36 = tpu.memref_slice %arg8[%dma_start3A_34, %dma_start3A_35] : memref<80x128xi32, #tpu.memory_space<vmem>> -> memref<1x128xi32, #tpu.memory_space<vmem>>
    %dma_start3A_37 = tpu.memref_squeeze %dma_start3A_36 : memref<1x128xi32, #tpu.memory_space<vmem>> -> memref<128xi32, #tpu.memory_space<vmem>>
    %dma_start3A_38 = arith.constant 0 : i32
    %dma_start3A_39 = arith.constant 0 : i32
    %dma_start3A_40 = tpu.memref_slice %arg4[%dma_start3A_38, %dma_start3A_39] : memref<10496x32xf32, #tpu.memory_space<hbm>> -> memref<10496x32xf32, #tpu.memory_space<hbm>>
    tpu.enqueue_indirect_dma source(%dma_start3A_40 : memref<10496x32xf32, #tpu.memory_space<hbm>>) target(%arg14 : memref<128x32xf32, #tpu.memory_space<vmem>>) offsets(%dma_start3A_37 : memref<128xi32, #tpu.memory_space<vmem>>) semaphore(%arg23 : memref<!tpu.dma_semaphore, #tpu.memory_space<semaphore_mem>>)
    %dma_start3A_41 = arith.constant 5 : i32
    %dma_start3A_42 = arith.constant 0 : i32
    %dma_start3A_43 = tpu.memref_slice %arg8[%dma_start3A_41, %dma_start3A_42] : memref<80x128xi32, #tpu.memory_space<vmem>> -> memref<1x128xi32, #tpu.memory_space<vmem>>
    %dma_start3A_44 = tpu.memref_squeeze %dma_start3A_43 : memref<1x128xi32, #tpu.memory_space<vmem>> -> memref<128xi32, #tpu.memory_space<vmem>>
    %dma_start3A_45 = arith.constant 0 : i32
    %dma_start3A_46 = arith.constant 0 : i32
    %dma_start3A_47 = tpu.memref_slice %arg4[%dma_start3A_45, %dma_start3A_46] : memref<10496x32xf32, #tpu.memory_space<hbm>> -> memref<10496x32xf32, #tpu.memory_space<hbm>>
    tpu.enqueue_indirect_dma source(%dma_start3A_47 : memref<10496x32xf32, #tpu.memory_space<hbm>>) target(%arg15 : memref<128x32xf32, #tpu.memory_space<vmem>>) offsets(%dma_start3A_44 : memref<128xi32, #tpu.memory_space<vmem>>) semaphore(%arg24 : memref<!tpu.dma_semaphore, #tpu.memory_space<semaphore_mem>>)
    %dma_start3A_48 = arith.constant 6 : i32
    %dma_start3A_49 = arith.constant 0 : i32
    %dma_start3A_50 = tpu.memref_slice %arg8[%dma_start3A_48, %dma_start3A_49] : memref<80x128xi32, #tpu.memory_space<vmem>> -> memref<1x128xi32, #tpu.memory_space<vmem>>
    %dma_start3A_51 = tpu.memref_squeeze %dma_start3A_50 : memref<1x128xi32, #tpu.memory_space<vmem>> -> memref<128xi32, #tpu.memory_space<vmem>>
    %dma_start3A_52 = arith.constant 0 : i32
    %dma_start3A_53 = arith.constant 0 : i32
    %dma_start3A_54 = tpu.memref_slice %arg4[%dma_start3A_52, %dma_start3A_53] : memref<10496x32xf32, #tpu.memory_space<hbm>> -> memref<10496x32xf32, #tpu.memory_space<hbm>>
    tpu.enqueue_indirect_dma source(%dma_start3A_54 : memref<10496x32xf32, #tpu.memory_space<hbm>>) target(%arg16 : memref<128x32xf32, #tpu.memory_space<vmem>>) offsets(%dma_start3A_51 : memref<128xi32, #tpu.memory_space<vmem>>) semaphore(%arg25 : memref<!tpu.dma_semaphore, #tpu.memory_space<semaphore_mem>>)
    %dma_start3A_55 = arith.constant 7 : i32
    %dma_start3A_56 = arith.constant 0 : i32
    %dma_start3A_57 = tpu.memref_slice %arg8[%dma_start3A_55, %dma_start3A_56] : memref<80x128xi32, #tpu.memory_space<vmem>> -> memref<1x128xi32, #tpu.memory_space<vmem>>
    %dma_start3A_58 = tpu.memref_squeeze %dma_start3A_57 : memref<1x128xi32, #tpu.memory_space<vmem>> -> memref<128xi32, #tpu.memory_space<vmem>>
    %dma_start3A_59 = arith.constant 0 : i32
    %dma_start3A_60 = arith.constant 0 : i32
    %dma_start3A_61 = tpu.memref_slice %arg4[%dma_start3A_59, %dma_start3A_60] : memref<10496x32xf32, #tpu.memory_space<hbm>> -> memref<10496x32xf32, #tpu.memory_space<hbm>>
    tpu.enqueue_indirect_dma source(%dma_start3A_61 : memref<10496x32xf32, #tpu.memory_space<hbm>>) target(%arg17 : memref<128x32xf32, #tpu.memory_space<vmem>>) offsets(%dma_start3A_58 : memref<128xi32, #tpu.memory_space<vmem>>) semaphore(%arg26 : memref<!tpu.dma_semaphore, #tpu.memory_space<semaphore_mem>>)
    %scan3A = arith.constant 0 : i32
    %scan3A_62 = arith.constant 0 : i32
    %scan3A_63 = arith.constant 10 : i32
    %scan3A_64 = arith.addi %scan3A_62, %scan3A_63 : i32
    %scan3A_65 = arith.constant 1 : i32
    scf.for %scan3A_130 = %scan3A_62 to %scan3A_64 step %scan3A_65  : i32 {
      %mul3A_131 = arith.constant 8 : i32
      %mul3A_132 = arith.muli %mul3A_131, %scan3A_130 : i32
      %add3A_133 = arith.constant 0 : i32
      %add3A_134 = arith.addi %mul3A_132, %add3A_133 : i32
      %dma_wait3A_135 = arith.constant 0 : i32
      %dma_wait3A_136 = tpu.memref_slice %arg8[%add3A_134, %dma_wait3A_135] : memref<80x128xi32, #tpu.memory_space<vmem>> -> memref<1x128xi32, #tpu.memory_space<vmem>>
      %dma_wait3A_137 = tpu.memref_squeeze %dma_wait3A_136 : memref<1x128xi32, #tpu.memory_space<vmem>> -> memref<128xi32, #tpu.memory_space<vmem>>
      %dma_wait3A_138 = arith.constant 0 : i32
      %dma_wait3A_139 = arith.constant 0 : i32
      %dma_wait3A_140 = tpu.memref_slice %arg4[%dma_wait3A_138, %dma_wait3A_139] : memref<10496x32xf32, #tpu.memory_space<hbm>> -> memref<10496x32xf32, #tpu.memory_space<hbm>>
      tpu.wait_indirect_dma semaphore(%arg19 : memref<!tpu.dma_semaphore, #tpu.memory_space<semaphore_mem>>) src(%dma_wait3A_140 : memref<10496x32xf32, #tpu.memory_space<hbm>>) dst(%arg10 : memref<128x32xf32, #tpu.memory_space<vmem>>)
      %dma_start3A_141 = arith.constant 0 : i32
      %dma_start3A_142 = tpu.memref_slice %arg9[%add3A_134, %dma_start3A_141] : memref<80x128xi32, #tpu.memory_space<vmem>> -> memref<1x128xi32, #tpu.memory_space<vmem>>
      %dma_start3A_143 = tpu.memref_squeeze %dma_start3A_142 : memref<1x128xi32, #tpu.memory_space<vmem>> -> memref<128xi32, #tpu.memory_space<vmem>>
      %dma_start3A_144 = arith.constant 0 : i32
      %dma_start3A_145 = arith.constant 0 : i32
      %dma_start3A_146 = tpu.memref_slice %arg18[%dma_start3A_144, %dma_start3A_145] : memref<10496x32xf32, #tpu.memory_space<vmem_shared>> -> memref<10496x32xf32, #tpu.memory_space<vmem_shared>>
      tpu.enqueue_indirect_dma source(%arg10 : memref<128x32xf32, #tpu.memory_space<vmem>>) target(%dma_start3A_146 : memref<10496x32xf32, #tpu.memory_space<vmem_shared>>) offsets(%dma_start3A_143 : memref<128xi32, #tpu.memory_space<vmem>>) semaphore(%arg27 : memref<!tpu.dma_semaphore, #tpu.memory_space<semaphore_mem>>) {add = true}
      %gt3A = arith.constant 0 : i32
      %gt3A_147 = arith.cmpi sgt, %scan3A_130, %gt3A : i32
      %convert_element_type3A_148 = arith.extui %gt3A_147 : i1 to i32
      %cond3A_149 = arith.constant 0 : i32
      %cond3A_150 = arith.cmpi ne, %convert_element_type3A_148, %cond3A_149 : i32
      scf.if %cond3A_150 {
        %sub3A = arith.constant 4 : i32
        %sub3A_297 = arith.subi %add3A_134, %sub3A : i32
        %dma_wait3A_298 = arith.constant 0 : i32
        %dma_wait3A_299 = tpu.memref_slice %arg9[%sub3A_297, %dma_wait3A_298] : memref<80x128xi32, #tpu.memory_space<vmem>> -> memref<1x128xi32, #tpu.memory_space<vmem>>
        %dma_wait3A_300 = tpu.memref_squeeze %dma_wait3A_299 : memref<1x128xi32, #tpu.memory_space<vmem>> -> memref<128xi32, #tpu.memory_space<vmem>>
        %dma_wait3A_301 = arith.constant 0 : i32
        %dma_wait3A_302 = arith.constant 0 : i32
        %dma_wait3A_303 = tpu.memref_slice %arg18[%dma_wait3A_301, %dma_wait3A_302] : memref<10496x32xf32, #tpu.memory_space<vmem_shared>> -> memref<10496x32xf32, #tpu.memory_space<vmem_shared>>
        tpu.wait_indirect_dma semaphore(%arg31 : memref<!tpu.dma_semaphore, #tpu.memory_space<semaphore_mem>>) src(%arg14 : memref<128x32xf32, #tpu.memory_space<vmem>>) dst(%dma_wait3A_303 : memref<10496x32xf32, #tpu.memory_space<vmem_shared>>)
        %add3A_304 = arith.constant 4 : i32
        %add3A_305 = arith.addi %add3A_134, %add3A_304 : i32
        %dma_start3A_306 = arith.constant 0 : i32
        %dma_start3A_307 = tpu.memref_slice %arg8[%add3A_305, %dma_start3A_306] : memref<80x128xi32, #tpu.memory_space<vmem>> -> memref<1x128xi32, #tpu.memory_space<vmem>>
        %dma_start3A_308 = tpu.memref_squeeze %dma_start3A_307 : memref<1x128xi32, #tpu.memory_space<vmem>> -> memref<128xi32, #tpu.memory_space<vmem>>
        %dma_start3A_309 = arith.constant 0 : i32
        %dma_start3A_310 = arith.constant 0 : i32
        %dma_start3A_311 = tpu.memref_slice %arg4[%dma_start3A_309, %dma_start3A_310] : memref<10496x32xf32, #tpu.memory_space<hbm>> -> memref<10496x32xf32, #tpu.memory_space<hbm>>
        tpu.enqueue_indirect_dma source(%dma_start3A_311 : memref<10496x32xf32, #tpu.memory_space<hbm>>) target(%arg14 : memref<128x32xf32, #tpu.memory_space<vmem>>) offsets(%dma_start3A_308 : memref<128xi32, #tpu.memory_space<vmem>>) semaphore(%arg23 : memref<!tpu.dma_semaphore, #tpu.memory_space<semaphore_mem>>)
      } else {
      }
      %mul3A_151 = arith.constant 8 : i32
      %mul3A_152 = arith.muli %mul3A_151, %scan3A_130 : i32
      %add3A_153 = arith.constant 1 : i32
      %add3A_154 = arith.addi %mul3A_152, %add3A_153 : i32
      %dma_wait3A_155 = arith.constant 0 : i32
      %dma_wait3A_156 = tpu.memref_slice %arg8[%add3A_154, %dma_wait3A_155] : memref<80x128xi32, #tpu.memory_space<vmem>> -> memref<1x128xi32, #tpu.memory_space<vmem>>
      %dma_wait3A_157 = tpu.memref_squeeze %dma_wait3A_156 : memref<1x128xi32, #tpu.memory_space<vmem>> -> memref<128xi32, #tpu.memory_space<vmem>>
      %dma_wait3A_158 = arith.constant 0 : i32
      %dma_wait3A_159 = arith.constant 0 : i32
      %dma_wait3A_160 = tpu.memref_slice %arg4[%dma_wait3A_158, %dma_wait3A_159] : memref<10496x32xf32, #tpu.memory_space<hbm>> -> memref<10496x32xf32, #tpu.memory_space<hbm>>
      tpu.wait_indirect_dma semaphore(%arg20 : memref<!tpu.dma_semaphore, #tpu.memory_space<semaphore_mem>>) src(%dma_wait3A_160 : memref<10496x32xf32, #tpu.memory_space<hbm>>) dst(%arg11 : memref<128x32xf32, #tpu.memory_space<vmem>>)
      %dma_start3A_161 = arith.constant 0 : i32
      %dma_start3A_162 = tpu.memref_slice %arg9[%add3A_154, %dma_start3A_161] : memref<80x128xi32, #tpu.memory_space<vmem>> -> memref<1x128xi32, #tpu.memory_space<vmem>>
      %dma_start3A_163 = tpu.memref_squeeze %dma_start3A_162 : memref<1x128xi32, #tpu.memory_space<vmem>> -> memref<128xi32, #tpu.memory_space<vmem>>
      %dma_start3A_164 = arith.constant 0 : i32
      %dma_start3A_165 = arith.constant 0 : i32
      %dma_start3A_166 = tpu.memref_slice %arg18[%dma_start3A_164, %dma_start3A_165] : memref<10496x32xf32, #tpu.memory_space<vmem_shared>> -> memref<10496x32xf32, #tpu.memory_space<vmem_shared>>
      tpu.enqueue_indirect_dma source(%arg11 : memref<128x32xf32, #tpu.memory_space<vmem>>) target(%dma_start3A_166 : memref<10496x32xf32, #tpu.memory_space<vmem_shared>>) offsets(%dma_start3A_163 : memref<128xi32, #tpu.memory_space<vmem>>) semaphore(%arg28 : memref<!tpu.dma_semaphore, #tpu.memory_space<semaphore_mem>>) {add = true}
      %gt3A_167 = arith.constant 0 : i32
      %gt3A_168 = arith.cmpi sgt, %scan3A_130, %gt3A_167 : i32
      %convert_element_type3A_169 = arith.extui %gt3A_168 : i1 to i32
      %cond3A_170 = arith.constant 0 : i32
      %cond3A_171 = arith.cmpi ne, %convert_element_type3A_169, %cond3A_170 : i32
      scf.if %cond3A_171 {
        %sub3A = arith.constant 4 : i32
        %sub3A_297 = arith.subi %add3A_154, %sub3A : i32
        %dma_wait3A_298 = arith.constant 0 : i32
        %dma_wait3A_299 = tpu.memref_slice %arg9[%sub3A_297, %dma_wait3A_298] : memref<80x128xi32, #tpu.memory_space<vmem>> -> memref<1x128xi32, #tpu.memory_space<vmem>>
        %dma_wait3A_300 = tpu.memref_squeeze %dma_wait3A_299 : memref<1x128xi32, #tpu.memory_space<vmem>> -> memref<128xi32, #tpu.memory_space<vmem>>
        %dma_wait3A_301 = arith.constant 0 : i32
        %dma_wait3A_302 = arith.constant 0 : i32
        %dma_wait3A_303 = tpu.memref_slice %arg18[%dma_wait3A_301, %dma_wait3A_302] : memref<10496x32xf32, #tpu.memory_space<vmem_shared>> -> memref<10496x32xf32, #tpu.memory_space<vmem_shared>>
        tpu.wait_indirect_dma semaphore(%arg32 : memref<!tpu.dma_semaphore, #tpu.memory_space<semaphore_mem>>) src(%arg15 : memref<128x32xf32, #tpu.memory_space<vmem>>) dst(%dma_wait3A_303 : memref<10496x32xf32, #tpu.memory_space<vmem_shared>>)
        %add3A_304 = arith.constant 4 : i32
        %add3A_305 = arith.addi %add3A_154, %add3A_304 : i32
        %dma_start3A_306 = arith.constant 0 : i32
        %dma_start3A_307 = tpu.memref_slice %arg8[%add3A_305, %dma_start3A_306] : memref<80x128xi32, #tpu.memory_space<vmem>> -> memref<1x128xi32, #tpu.memory_space<vmem>>
        %dma_start3A_308 = tpu.memref_squeeze %dma_start3A_307 : memref<1x128xi32, #tpu.memory_space<vmem>> -> memref<128xi32, #tpu.memory_space<vmem>>
        %dma_start3A_309 = arith.constant 0 : i32
        %dma_start3A_310 = arith.constant 0 : i32
        %dma_start3A_311 = tpu.memref_slice %arg4[%dma_start3A_309, %dma_start3A_310] : memref<10496x32xf32, #tpu.memory_space<hbm>> -> memref<10496x32xf32, #tpu.memory_space<hbm>>
        tpu.enqueue_indirect_dma source(%dma_start3A_311 : memref<10496x32xf32, #tpu.memory_space<hbm>>) target(%arg15 : memref<128x32xf32, #tpu.memory_space<vmem>>) offsets(%dma_start3A_308 : memref<128xi32, #tpu.memory_space<vmem>>) semaphore(%arg24 : memref<!tpu.dma_semaphore, #tpu.memory_space<semaphore_mem>>)
      } else {
      }
      %mul3A_172 = arith.constant 8 : i32
      %mul3A_173 = arith.muli %mul3A_172, %scan3A_130 : i32
      %add3A_174 = arith.constant 2 : i32
      %add3A_175 = arith.addi %mul3A_173, %add3A_174 : i32
      %dma_wait3A_176 = arith.constant 0 : i32
      %dma_wait3A_177 = tpu.memref_slice %arg8[%add3A_175, %dma_wait3A_176] : memref<80x128xi32, #tpu.memory_space<vmem>> -> memref<1x128xi32, #tpu.memory_space<vmem>>
      %dma_wait3A_178 = tpu.memref_squeeze %dma_wait3A_177 : memref<1x128xi32, #tpu.memory_space<vmem>> -> memref<128xi32, #tpu.memory_space<vmem>>
      %dma_wait3A_179 = arith.constant 0 : i32
      %dma_wait3A_180 = arith.constant 0 : i32
      %dma_wait3A_181 = tpu.memref_slice %arg4[%dma_wait3A_179, %dma_wait3A_180] : memref<10496x32xf32, #tpu.memory_space<hbm>> -> memref<10496x32xf32, #tpu.memory_space<hbm>>
      tpu.wait_indirect_dma semaphore(%arg21 : memref<!tpu.dma_semaphore, #tpu.memory_space<semaphore_mem>>) src(%dma_wait3A_181 : memref<10496x32xf32, #tpu.memory_space<hbm>>) dst(%arg12 : memref<128x32xf32, #tpu.memory_space<vmem>>)
      %dma_start3A_182 = arith.constant 0 : i32
      %dma_start3A_183 = tpu.memref_slice %arg9[%add3A_175, %dma_start3A_182] : memref<80x128xi32, #tpu.memory_space<vmem>> -> memref<1x128xi32, #tpu.memory_space<vmem>>
      %dma_start3A_184 = tpu.memref_squeeze %dma_start3A_183 : memref<1x128xi32, #tpu.memory_space<vmem>> -> memref<128xi32, #tpu.memory_space<vmem>>
      %dma_start3A_185 = arith.constant 0 : i32
      %dma_start3A_186 = arith.constant 0 : i32
      %dma_start3A_187 = tpu.memref_slice %arg18[%dma_start3A_185, %dma_start3A_186] : memref<10496x32xf32, #tpu.memory_space<vmem_shared>> -> memref<10496x32xf32, #tpu.memory_space<vmem_shared>>
      tpu.enqueue_indirect_dma source(%arg12 : memref<128x32xf32, #tpu.memory_space<vmem>>) target(%dma_start3A_187 : memref<10496x32xf32, #tpu.memory_space<vmem_shared>>) offsets(%dma_start3A_184 : memref<128xi32, #tpu.memory_space<vmem>>) semaphore(%arg29 : memref<!tpu.dma_semaphore, #tpu.memory_space<semaphore_mem>>) {add = true}
      %gt3A_188 = arith.constant 0 : i32
      %gt3A_189 = arith.cmpi sgt, %scan3A_130, %gt3A_188 : i32
      %convert_element_type3A_190 = arith.extui %gt3A_189 : i1 to i32
      %cond3A_191 = arith.constant 0 : i32
      %cond3A_192 = arith.cmpi ne, %convert_element_type3A_190, %cond3A_191 : i32
      scf.if %cond3A_192 {
        %sub3A = arith.constant 4 : i32
        %sub3A_297 = arith.subi %add3A_175, %sub3A : i32
        %dma_wait3A_298 = arith.constant 0 : i32
        %dma_wait3A_299 = tpu.memref_slice %arg9[%sub3A_297, %dma_wait3A_298] : memref<80x128xi32, #tpu.memory_space<vmem>> -> memref<1x128xi32, #tpu.memory_space<vmem>>
        %dma_wait3A_300 = tpu.memref_squeeze %dma_wait3A_299 : memref<1x128xi32, #tpu.memory_space<vmem>> -> memref<128xi32, #tpu.memory_space<vmem>>
        %dma_wait3A_301 = arith.constant 0 : i32
        %dma_wait3A_302 = arith.constant 0 : i32
        %dma_wait3A_303 = tpu.memref_slice %arg18[%dma_wait3A_301, %dma_wait3A_302] : memref<10496x32xf32, #tpu.memory_space<vmem_shared>> -> memref<10496x32xf32, #tpu.memory_space<vmem_shared>>
        tpu.wait_indirect_dma semaphore(%arg33 : memref<!tpu.dma_semaphore, #tpu.memory_space<semaphore_mem>>) src(%arg16 : memref<128x32xf32, #tpu.memory_space<vmem>>) dst(%dma_wait3A_303 : memref<10496x32xf32, #tpu.memory_space<vmem_shared>>)
        %add3A_304 = arith.constant 4 : i32
        %add3A_305 = arith.addi %add3A_175, %add3A_304 : i32
        %dma_start3A_306 = arith.constant 0 : i32
        %dma_start3A_307 = tpu.memref_slice %arg8[%add3A_305, %dma_start3A_306] : memref<80x128xi32, #tpu.memory_space<vmem>> -> memref<1x128xi32, #tpu.memory_space<vmem>>
        %dma_start3A_308 = tpu.memref_squeeze %dma_start3A_307 : memref<1x128xi32, #tpu.memory_space<vmem>> -> memref<128xi32, #tpu.memory_space<vmem>>
        %dma_start3A_309 = arith.constant 0 : i32
        %dma_start3A_310 = arith.constant 0 : i32
        %dma_start3A_311 = tpu.memref_slice %arg4[%dma_start3A_309, %dma_start3A_310] : memref<10496x32xf32, #tpu.memory_space<hbm>> -> memref<10496x32xf32, #tpu.memory_space<hbm>>
        tpu.enqueue_indirect_dma source(%dma_start3A_311 : memref<10496x32xf32, #tpu.memory_space<hbm>>) target(%arg16 : memref<128x32xf32, #tpu.memory_space<vmem>>) offsets(%dma_start3A_308 : memref<128xi32, #tpu.memory_space<vmem>>) semaphore(%arg25 : memref<!tpu.dma_semaphore, #tpu.memory_space<semaphore_mem>>)
      } else {
      }
      %mul3A_193 = arith.constant 8 : i32
      %mul3A_194 = arith.muli %mul3A_193, %scan3A_130 : i32
      %add3A_195 = arith.constant 3 : i32
      %add3A_196 = arith.addi %mul3A_194, %add3A_195 : i32
      %dma_wait3A_197 = arith.constant 0 : i32
      %dma_wait3A_198 = tpu.memref_slice %arg8[%add3A_196, %dma_wait3A_197] : memref<80x128xi32, #tpu.memory_space<vmem>> -> memref<1x128xi32, #tpu.memory_space<vmem>>
      %dma_wait3A_199 = tpu.memref_squeeze %dma_wait3A_198 : memref<1x128xi32, #tpu.memory_space<vmem>> -> memref<128xi32, #tpu.memory_space<vmem>>
      %dma_wait3A_200 = arith.constant 0 : i32
      %dma_wait3A_201 = arith.constant 0 : i32
      %dma_wait3A_202 = tpu.memref_slice %arg4[%dma_wait3A_200, %dma_wait3A_201] : memref<10496x32xf32, #tpu.memory_space<hbm>> -> memref<10496x32xf32, #tpu.memory_space<hbm>>
      tpu.wait_indirect_dma semaphore(%arg22 : memref<!tpu.dma_semaphore, #tpu.memory_space<semaphore_mem>>) src(%dma_wait3A_202 : memref<10496x32xf32, #tpu.memory_space<hbm>>) dst(%arg13 : memref<128x32xf32, #tpu.memory_space<vmem>>)
      %dma_start3A_203 = arith.constant 0 : i32
      %dma_start3A_204 = tpu.memref_slice %arg9[%add3A_196, %dma_start3A_203] : memref<80x128xi32, #tpu.memory_space<vmem>> -> memref<1x128xi32, #tpu.memory_space<vmem>>
      %dma_start3A_205 = tpu.memref_squeeze %dma_start3A_204 : memref<1x128xi32, #tpu.memory_space<vmem>> -> memref<128xi32, #tpu.memory_space<vmem>>
      %dma_start3A_206 = arith.constant 0 : i32
      %dma_start3A_207 = arith.constant 0 : i32
      %dma_start3A_208 = tpu.memref_slice %arg18[%dma_start3A_206, %dma_start3A_207] : memref<10496x32xf32, #tpu.memory_space<vmem_shared>> -> memref<10496x32xf32, #tpu.memory_space<vmem_shared>>
      tpu.enqueue_indirect_dma source(%arg13 : memref<128x32xf32, #tpu.memory_space<vmem>>) target(%dma_start3A_208 : memref<10496x32xf32, #tpu.memory_space<vmem_shared>>) offsets(%dma_start3A_205 : memref<128xi32, #tpu.memory_space<vmem>>) semaphore(%arg30 : memref<!tpu.dma_semaphore, #tpu.memory_space<semaphore_mem>>) {add = true}
      %gt3A_209 = arith.constant 0 : i32
      %gt3A_210 = arith.cmpi sgt, %scan3A_130, %gt3A_209 : i32
      %convert_element_type3A_211 = arith.extui %gt3A_210 : i1 to i32
      %cond3A_212 = arith.constant 0 : i32
      %cond3A_213 = arith.cmpi ne, %convert_element_type3A_211, %cond3A_212 : i32
      scf.if %cond3A_213 {
        %sub3A = arith.constant 4 : i32
        %sub3A_297 = arith.subi %add3A_196, %sub3A : i32
        %dma_wait3A_298 = arith.constant 0 : i32
        %dma_wait3A_299 = tpu.memref_slice %arg9[%sub3A_297, %dma_wait3A_298] : memref<80x128xi32, #tpu.memory_space<vmem>> -> memref<1x128xi32, #tpu.memory_space<vmem>>
        %dma_wait3A_300 = tpu.memref_squeeze %dma_wait3A_299 : memref<1x128xi32, #tpu.memory_space<vmem>> -> memref<128xi32, #tpu.memory_space<vmem>>
        %dma_wait3A_301 = arith.constant 0 : i32
        %dma_wait3A_302 = arith.constant 0 : i32
        %dma_wait3A_303 = tpu.memref_slice %arg18[%dma_wait3A_301, %dma_wait3A_302] : memref<10496x32xf32, #tpu.memory_space<vmem_shared>> -> memref<10496x32xf32, #tpu.memory_space<vmem_shared>>
        tpu.wait_indirect_dma semaphore(%arg34 : memref<!tpu.dma_semaphore, #tpu.memory_space<semaphore_mem>>) src(%arg17 : memref<128x32xf32, #tpu.memory_space<vmem>>) dst(%dma_wait3A_303 : memref<10496x32xf32, #tpu.memory_space<vmem_shared>>)
        %add3A_304 = arith.constant 4 : i32
        %add3A_305 = arith.addi %add3A_196, %add3A_304 : i32
        %dma_start3A_306 = arith.constant 0 : i32
        %dma_start3A_307 = tpu.memref_slice %arg8[%add3A_305, %dma_start3A_306] : memref<80x128xi32, #tpu.memory_space<vmem>> -> memref<1x128xi32, #tpu.memory_space<vmem>>
        %dma_start3A_308 = tpu.memref_squeeze %dma_start3A_307 : memref<1x128xi32, #tpu.memory_space<vmem>> -> memref<128xi32, #tpu.memory_space<vmem>>
        %dma_start3A_309 = arith.constant 0 : i32
        %dma_start3A_310 = arith.constant 0 : i32
        %dma_start3A_311 = tpu.memref_slice %arg4[%dma_start3A_309, %dma_start3A_310] : memref<10496x32xf32, #tpu.memory_space<hbm>> -> memref<10496x32xf32, #tpu.memory_space<hbm>>
        tpu.enqueue_indirect_dma source(%dma_start3A_311 : memref<10496x32xf32, #tpu.memory_space<hbm>>) target(%arg17 : memref<128x32xf32, #tpu.memory_space<vmem>>) offsets(%dma_start3A_308 : memref<128xi32, #tpu.memory_space<vmem>>) semaphore(%arg26 : memref<!tpu.dma_semaphore, #tpu.memory_space<semaphore_mem>>)
      } else {
      }
      %mul3A_214 = arith.constant 8 : i32
      %mul3A_215 = arith.muli %mul3A_214, %scan3A_130 : i32
      %add3A_216 = arith.constant 4 : i32
      %add3A_217 = arith.addi %mul3A_215, %add3A_216 : i32
      %dma_wait3A_218 = arith.constant 0 : i32
      %dma_wait3A_219 = tpu.memref_slice %arg8[%add3A_217, %dma_wait3A_218] : memref<80x128xi32, #tpu.memory_space<vmem>> -> memref<1x128xi32, #tpu.memory_space<vmem>>
      %dma_wait3A_220 = tpu.memref_squeeze %dma_wait3A_219 : memref<1x128xi32, #tpu.memory_space<vmem>> -> memref<128xi32, #tpu.memory_space<vmem>>
      %dma_wait3A_221 = arith.constant 0 : i32
      %dma_wait3A_222 = arith.constant 0 : i32
      %dma_wait3A_223 = tpu.memref_slice %arg4[%dma_wait3A_221, %dma_wait3A_222] : memref<10496x32xf32, #tpu.memory_space<hbm>> -> memref<10496x32xf32, #tpu.memory_space<hbm>>
      tpu.wait_indirect_dma semaphore(%arg23 : memref<!tpu.dma_semaphore, #tpu.memory_space<semaphore_mem>>) src(%dma_wait3A_223 : memref<10496x32xf32, #tpu.memory_space<hbm>>) dst(%arg14 : memref<128x32xf32, #tpu.memory_space<vmem>>)
      %dma_start3A_224 = arith.constant 0 : i32
      %dma_start3A_225 = tpu.memref_slice %arg9[%add3A_217, %dma_start3A_224] : memref<80x128xi32, #tpu.memory_space<vmem>> -> memref<1x128xi32, #tpu.memory_space<vmem>>
      %dma_start3A_226 = tpu.memref_squeeze %dma_start3A_225 : memref<1x128xi32, #tpu.memory_space<vmem>> -> memref<128xi32, #tpu.memory_space<vmem>>
      %dma_start3A_227 = arith.constant 0 : i32
      %dma_start3A_228 = arith.constant 0 : i32
      %dma_start3A_229 = tpu.memref_slice %arg18[%dma_start3A_227, %dma_start3A_228] : memref<10496x32xf32, #tpu.memory_space<vmem_shared>> -> memref<10496x32xf32, #tpu.memory_space<vmem_shared>>
      tpu.enqueue_indirect_dma source(%arg14 : memref<128x32xf32, #tpu.memory_space<vmem>>) target(%dma_start3A_229 : memref<10496x32xf32, #tpu.memory_space<vmem_shared>>) offsets(%dma_start3A_226 : memref<128xi32, #tpu.memory_space<vmem>>) semaphore(%arg31 : memref<!tpu.dma_semaphore, #tpu.memory_space<semaphore_mem>>) {add = true}
      %lt3A = arith.constant 9 : i32
      %lt3A_230 = arith.cmpi slt, %scan3A_130, %lt3A : i32
      %convert_element_type3A_231 = arith.extui %lt3A_230 : i1 to i32
      %cond3A_232 = arith.constant 0 : i32
      %cond3A_233 = arith.cmpi ne, %convert_element_type3A_231, %cond3A_232 : i32
      scf.if %cond3A_233 {
        %sub3A = arith.constant 4 : i32
        %sub3A_297 = arith.subi %add3A_217, %sub3A : i32
        %dma_wait3A_298 = arith.constant 0 : i32
        %dma_wait3A_299 = tpu.memref_slice %arg9[%sub3A_297, %dma_wait3A_298] : memref<80x128xi32, #tpu.memory_space<vmem>> -> memref<1x128xi32, #tpu.memory_space<vmem>>
        %dma_wait3A_300 = tpu.memref_squeeze %dma_wait3A_299 : memref<1x128xi32, #tpu.memory_space<vmem>> -> memref<128xi32, #tpu.memory_space<vmem>>
        %dma_wait3A_301 = arith.constant 0 : i32
        %dma_wait3A_302 = arith.constant 0 : i32
        %dma_wait3A_303 = tpu.memref_slice %arg18[%dma_wait3A_301, %dma_wait3A_302] : memref<10496x32xf32, #tpu.memory_space<vmem_shared>> -> memref<10496x32xf32, #tpu.memory_space<vmem_shared>>
        tpu.wait_indirect_dma semaphore(%arg27 : memref<!tpu.dma_semaphore, #tpu.memory_space<semaphore_mem>>) src(%arg10 : memref<128x32xf32, #tpu.memory_space<vmem>>) dst(%dma_wait3A_303 : memref<10496x32xf32, #tpu.memory_space<vmem_shared>>)
        %add3A_304 = arith.constant 4 : i32
        %add3A_305 = arith.addi %add3A_217, %add3A_304 : i32
        %dma_start3A_306 = arith.constant 0 : i32
        %dma_start3A_307 = tpu.memref_slice %arg8[%add3A_305, %dma_start3A_306] : memref<80x128xi32, #tpu.memory_space<vmem>> -> memref<1x128xi32, #tpu.memory_space<vmem>>
        %dma_start3A_308 = tpu.memref_squeeze %dma_start3A_307 : memref<1x128xi32, #tpu.memory_space<vmem>> -> memref<128xi32, #tpu.memory_space<vmem>>
        %dma_start3A_309 = arith.constant 0 : i32
        %dma_start3A_310 = arith.constant 0 : i32
        %dma_start3A_311 = tpu.memref_slice %arg4[%dma_start3A_309, %dma_start3A_310] : memref<10496x32xf32, #tpu.memory_space<hbm>> -> memref<10496x32xf32, #tpu.memory_space<hbm>>
        tpu.enqueue_indirect_dma source(%dma_start3A_311 : memref<10496x32xf32, #tpu.memory_space<hbm>>) target(%arg10 : memref<128x32xf32, #tpu.memory_space<vmem>>) offsets(%dma_start3A_308 : memref<128xi32, #tpu.memory_space<vmem>>) semaphore(%arg19 : memref<!tpu.dma_semaphore, #tpu.memory_space<semaphore_mem>>)
      } else {
      }
      %mul3A_234 = arith.constant 8 : i32
      %mul3A_235 = arith.muli %mul3A_234, %scan3A_130 : i32
      %add3A_236 = arith.constant 5 : i32
      %add3A_237 = arith.addi %mul3A_235, %add3A_236 : i32
      %dma_wait3A_238 = arith.constant 0 : i32
      %dma_wait3A_239 = tpu.memref_slice %arg8[%add3A_237, %dma_wait3A_238] : memref<80x128xi32, #tpu.memory_space<vmem>> -> memref<1x128xi32, #tpu.memory_space<vmem>>
      %dma_wait3A_240 = tpu.memref_squeeze %dma_wait3A_239 : memref<1x128xi32, #tpu.memory_space<vmem>> -> memref<128xi32, #tpu.memory_space<vmem>>
      %dma_wait3A_241 = arith.constant 0 : i32
      %dma_wait3A_242 = arith.constant 0 : i32
      %dma_wait3A_243 = tpu.memref_slice %arg4[%dma_wait3A_241, %dma_wait3A_242] : memref<10496x32xf32, #tpu.memory_space<hbm>> -> memref<10496x32xf32, #tpu.memory_space<hbm>>
      tpu.wait_indirect_dma semaphore(%arg24 : memref<!tpu.dma_semaphore, #tpu.memory_space<semaphore_mem>>) src(%dma_wait3A_243 : memref<10496x32xf32, #tpu.memory_space<hbm>>) dst(%arg15 : memref<128x32xf32, #tpu.memory_space<vmem>>)
      %dma_start3A_244 = arith.constant 0 : i32
      %dma_start3A_245 = tpu.memref_slice %arg9[%add3A_237, %dma_start3A_244] : memref<80x128xi32, #tpu.memory_space<vmem>> -> memref<1x128xi32, #tpu.memory_space<vmem>>
      %dma_start3A_246 = tpu.memref_squeeze %dma_start3A_245 : memref<1x128xi32, #tpu.memory_space<vmem>> -> memref<128xi32, #tpu.memory_space<vmem>>
      %dma_start3A_247 = arith.constant 0 : i32
      %dma_start3A_248 = arith.constant 0 : i32
      %dma_start3A_249 = tpu.memref_slice %arg18[%dma_start3A_247, %dma_start3A_248] : memref<10496x32xf32, #tpu.memory_space<vmem_shared>> -> memref<10496x32xf32, #tpu.memory_space<vmem_shared>>
      tpu.enqueue_indirect_dma source(%arg15 : memref<128x32xf32, #tpu.memory_space<vmem>>) target(%dma_start3A_249 : memref<10496x32xf32, #tpu.memory_space<vmem_shared>>) offsets(%dma_start3A_246 : memref<128xi32, #tpu.memory_space<vmem>>) semaphore(%arg32 : memref<!tpu.dma_semaphore, #tpu.memory_space<semaphore_mem>>) {add = true}
      %lt3A_250 = arith.constant 9 : i32
      %lt3A_251 = arith.cmpi slt, %scan3A_130, %lt3A_250 : i32
      %convert_element_type3A_252 = arith.extui %lt3A_251 : i1 to i32
      %cond3A_253 = arith.constant 0 : i32
      %cond3A_254 = arith.cmpi ne, %convert_element_type3A_252, %cond3A_253 : i32
      scf.if %cond3A_254 {
        %sub3A = arith.constant 4 : i32
        %sub3A_297 = arith.subi %add3A_237, %sub3A : i32
        %dma_wait3A_298 = arith.constant 0 : i32
        %dma_wait3A_299 = tpu.memref_slice %arg9[%sub3A_297, %dma_wait3A_298] : memref<80x128xi32, #tpu.memory_space<vmem>> -> memref<1x128xi32, #tpu.memory_space<vmem>>
        %dma_wait3A_300 = tpu.memref_squeeze %dma_wait3A_299 : memref<1x128xi32, #tpu.memory_space<vmem>> -> memref<128xi32, #tpu.memory_space<vmem>>
        %dma_wait3A_301 = arith.constant 0 : i32
        %dma_wait3A_302 = arith.constant 0 : i32
        %dma_wait3A_303 = tpu.memref_slice %arg18[%dma_wait3A_301, %dma_wait3A_302] : memref<10496x32xf32, #tpu.memory_space<vmem_shared>> -> memref<10496x32xf32, #tpu.memory_space<vmem_shared>>
        tpu.wait_indirect_dma semaphore(%arg28 : memref<!tpu.dma_semaphore, #tpu.memory_space<semaphore_mem>>) src(%arg11 : memref<128x32xf32, #tpu.memory_space<vmem>>) dst(%dma_wait3A_303 : memref<10496x32xf32, #tpu.memory_space<vmem_shared>>)
        %add3A_304 = arith.constant 4 : i32
        %add3A_305 = arith.addi %add3A_237, %add3A_304 : i32
        %dma_start3A_306 = arith.constant 0 : i32
        %dma_start3A_307 = tpu.memref_slice %arg8[%add3A_305, %dma_start3A_306] : memref<80x128xi32, #tpu.memory_space<vmem>> -> memref<1x128xi32, #tpu.memory_space<vmem>>
        %dma_start3A_308 = tpu.memref_squeeze %dma_start3A_307 : memref<1x128xi32, #tpu.memory_space<vmem>> -> memref<128xi32, #tpu.memory_space<vmem>>
        %dma_start3A_309 = arith.constant 0 : i32
        %dma_start3A_310 = arith.constant 0 : i32
        %dma_start3A_311 = tpu.memref_slice %arg4[%dma_start3A_309, %dma_start3A_310] : memref<10496x32xf32, #tpu.memory_space<hbm>> -> memref<10496x32xf32, #tpu.memory_space<hbm>>
        tpu.enqueue_indirect_dma source(%dma_start3A_311 : memref<10496x32xf32, #tpu.memory_space<hbm>>) target(%arg11 : memref<128x32xf32, #tpu.memory_space<vmem>>) offsets(%dma_start3A_308 : memref<128xi32, #tpu.memory_space<vmem>>) semaphore(%arg20 : memref<!tpu.dma_semaphore, #tpu.memory_space<semaphore_mem>>)
      } else {
      }
      %mul3A_255 = arith.constant 8 : i32
      %mul3A_256 = arith.muli %mul3A_255, %scan3A_130 : i32
      %add3A_257 = arith.constant 6 : i32
      %add3A_258 = arith.addi %mul3A_256, %add3A_257 : i32
      %dma_wait3A_259 = arith.constant 0 : i32
      %dma_wait3A_260 = tpu.memref_slice %arg8[%add3A_258, %dma_wait3A_259] : memref<80x128xi32, #tpu.memory_space<vmem>> -> memref<1x128xi32, #tpu.memory_space<vmem>>
      %dma_wait3A_261 = tpu.memref_squeeze %dma_wait3A_260 : memref<1x128xi32, #tpu.memory_space<vmem>> -> memref<128xi32, #tpu.memory_space<vmem>>
      %dma_wait3A_262 = arith.constant 0 : i32
      %dma_wait3A_263 = arith.constant 0 : i32
      %dma_wait3A_264 = tpu.memref_slice %arg4[%dma_wait3A_262, %dma_wait3A_263] : memref<10496x32xf32, #tpu.memory_space<hbm>> -> memref<10496x32xf32, #tpu.memory_space<hbm>>
      tpu.wait_indirect_dma semaphore(%arg25 : memref<!tpu.dma_semaphore, #tpu.memory_space<semaphore_mem>>) src(%dma_wait3A_264 : memref<10496x32xf32, #tpu.memory_space<hbm>>) dst(%arg16 : memref<128x32xf32, #tpu.memory_space<vmem>>)
      %dma_start3A_265 = arith.constant 0 : i32
      %dma_start3A_266 = tpu.memref_slice %arg9[%add3A_258, %dma_start3A_265] : memref<80x128xi32, #tpu.memory_space<vmem>> -> memref<1x128xi32, #tpu.memory_space<vmem>>
      %dma_start3A_267 = tpu.memref_squeeze %dma_start3A_266 : memref<1x128xi32, #tpu.memory_space<vmem>> -> memref<128xi32, #tpu.memory_space<vmem>>
      %dma_start3A_268 = arith.constant 0 : i32
      %dma_start3A_269 = arith.constant 0 : i32
      %dma_start3A_270 = tpu.memref_slice %arg18[%dma_start3A_268, %dma_start3A_269] : memref<10496x32xf32, #tpu.memory_space<vmem_shared>> -> memref<10496x32xf32, #tpu.memory_space<vmem_shared>>
      tpu.enqueue_indirect_dma source(%arg16 : memref<128x32xf32, #tpu.memory_space<vmem>>) target(%dma_start3A_270 : memref<10496x32xf32, #tpu.memory_space<vmem_shared>>) offsets(%dma_start3A_267 : memref<128xi32, #tpu.memory_space<vmem>>) semaphore(%arg33 : memref<!tpu.dma_semaphore, #tpu.memory_space<semaphore_mem>>) {add = true}
      %lt3A_271 = arith.constant 9 : i32
      %lt3A_272 = arith.cmpi slt, %scan3A_130, %lt3A_271 : i32
      %convert_element_type3A_273 = arith.extui %lt3A_272 : i1 to i32
      %cond3A_274 = arith.constant 0 : i32
      %cond3A_275 = arith.cmpi ne, %convert_element_type3A_273, %cond3A_274 : i32
      scf.if %cond3A_275 {
        %sub3A = arith.constant 4 : i32
        %sub3A_297 = arith.subi %add3A_258, %sub3A : i32
        %dma_wait3A_298 = arith.constant 0 : i32
        %dma_wait3A_299 = tpu.memref_slice %arg9[%sub3A_297, %dma_wait3A_298] : memref<80x128xi32, #tpu.memory_space<vmem>> -> memref<1x128xi32, #tpu.memory_space<vmem>>
        %dma_wait3A_300 = tpu.memref_squeeze %dma_wait3A_299 : memref<1x128xi32, #tpu.memory_space<vmem>> -> memref<128xi32, #tpu.memory_space<vmem>>
        %dma_wait3A_301 = arith.constant 0 : i32
        %dma_wait3A_302 = arith.constant 0 : i32
        %dma_wait3A_303 = tpu.memref_slice %arg18[%dma_wait3A_301, %dma_wait3A_302] : memref<10496x32xf32, #tpu.memory_space<vmem_shared>> -> memref<10496x32xf32, #tpu.memory_space<vmem_shared>>
        tpu.wait_indirect_dma semaphore(%arg29 : memref<!tpu.dma_semaphore, #tpu.memory_space<semaphore_mem>>) src(%arg12 : memref<128x32xf32, #tpu.memory_space<vmem>>) dst(%dma_wait3A_303 : memref<10496x32xf32, #tpu.memory_space<vmem_shared>>)
        %add3A_304 = arith.constant 4 : i32
        %add3A_305 = arith.addi %add3A_258, %add3A_304 : i32
        %dma_start3A_306 = arith.constant 0 : i32
        %dma_start3A_307 = tpu.memref_slice %arg8[%add3A_305, %dma_start3A_306] : memref<80x128xi32, #tpu.memory_space<vmem>> -> memref<1x128xi32, #tpu.memory_space<vmem>>
        %dma_start3A_308 = tpu.memref_squeeze %dma_start3A_307 : memref<1x128xi32, #tpu.memory_space<vmem>> -> memref<128xi32, #tpu.memory_space<vmem>>
        %dma_start3A_309 = arith.constant 0 : i32
        %dma_start3A_310 = arith.constant 0 : i32
        %dma_start3A_311 = tpu.memref_slice %arg4[%dma_start3A_309, %dma_start3A_310] : memref<10496x32xf32, #tpu.memory_space<hbm>> -> memref<10496x32xf32, #tpu.memory_space<hbm>>
        tpu.enqueue_indirect_dma source(%dma_start3A_311 : memref<10496x32xf32, #tpu.memory_space<hbm>>) target(%arg12 : memref<128x32xf32, #tpu.memory_space<vmem>>) offsets(%dma_start3A_308 : memref<128xi32, #tpu.memory_space<vmem>>) semaphore(%arg21 : memref<!tpu.dma_semaphore, #tpu.memory_space<semaphore_mem>>)
      } else {
      }
      %mul3A_276 = arith.constant 8 : i32
      %mul3A_277 = arith.muli %mul3A_276, %scan3A_130 : i32
      %add3A_278 = arith.constant 7 : i32
      %add3A_279 = arith.addi %mul3A_277, %add3A_278 : i32
      %dma_wait3A_280 = arith.constant 0 : i32
      %dma_wait3A_281 = tpu.memref_slice %arg8[%add3A_279, %dma_wait3A_280] : memref<80x128xi32, #tpu.memory_space<vmem>> -> memref<1x128xi32, #tpu.memory_space<vmem>>
      %dma_wait3A_282 = tpu.memref_squeeze %dma_wait3A_281 : memref<1x128xi32, #tpu.memory_space<vmem>> -> memref<128xi32, #tpu.memory_space<vmem>>
      %dma_wait3A_283 = arith.constant 0 : i32
      %dma_wait3A_284 = arith.constant 0 : i32
      %dma_wait3A_285 = tpu.memref_slice %arg4[%dma_wait3A_283, %dma_wait3A_284] : memref<10496x32xf32, #tpu.memory_space<hbm>> -> memref<10496x32xf32, #tpu.memory_space<hbm>>
      tpu.wait_indirect_dma semaphore(%arg26 : memref<!tpu.dma_semaphore, #tpu.memory_space<semaphore_mem>>) src(%dma_wait3A_285 : memref<10496x32xf32, #tpu.memory_space<hbm>>) dst(%arg17 : memref<128x32xf32, #tpu.memory_space<vmem>>)
      %dma_start3A_286 = arith.constant 0 : i32
      %dma_start3A_287 = tpu.memref_slice %arg9[%add3A_279, %dma_start3A_286] : memref<80x128xi32, #tpu.memory_space<vmem>> -> memref<1x128xi32, #tpu.memory_space<vmem>>
      %dma_start3A_288 = tpu.memref_squeeze %dma_start3A_287 : memref<1x128xi32, #tpu.memory_space<vmem>> -> memref<128xi32, #tpu.memory_space<vmem>>
      %dma_start3A_289 = arith.constant 0 : i32
      %dma_start3A_290 = arith.constant 0 : i32
      %dma_start3A_291 = tpu.memref_slice %arg18[%dma_start3A_289, %dma_start3A_290] : memref<10496x32xf32, #tpu.memory_space<vmem_shared>> -> memref<10496x32xf32, #tpu.memory_space<vmem_shared>>
      tpu.enqueue_indirect_dma source(%arg17 : memref<128x32xf32, #tpu.memory_space<vmem>>) target(%dma_start3A_291 : memref<10496x32xf32, #tpu.memory_space<vmem_shared>>) offsets(%dma_start3A_288 : memref<128xi32, #tpu.memory_space<vmem>>) semaphore(%arg34 : memref<!tpu.dma_semaphore, #tpu.memory_space<semaphore_mem>>) {add = true}
      %lt3A_292 = arith.constant 9 : i32
      %lt3A_293 = arith.cmpi slt, %scan3A_130, %lt3A_292 : i32
      %convert_element_type3A_294 = arith.extui %lt3A_293 : i1 to i32
      %cond3A_295 = arith.constant 0 : i32
      %cond3A_296 = arith.cmpi ne, %convert_element_type3A_294, %cond3A_295 : i32
      scf.if %cond3A_296 {
        %sub3A = arith.constant 4 : i32
        %sub3A_297 = arith.subi %add3A_279, %sub3A : i32
        %dma_wait3A_298 = arith.constant 0 : i32
        %dma_wait3A_299 = tpu.memref_slice %arg9[%sub3A_297, %dma_wait3A_298] : memref<80x128xi32, #tpu.memory_space<vmem>> -> memref<1x128xi32, #tpu.memory_space<vmem>>
        %dma_wait3A_300 = tpu.memref_squeeze %dma_wait3A_299 : memref<1x128xi32, #tpu.memory_space<vmem>> -> memref<128xi32, #tpu.memory_space<vmem>>
        %dma_wait3A_301 = arith.constant 0 : i32
        %dma_wait3A_302 = arith.constant 0 : i32
        %dma_wait3A_303 = tpu.memref_slice %arg18[%dma_wait3A_301, %dma_wait3A_302] : memref<10496x32xf32, #tpu.memory_space<vmem_shared>> -> memref<10496x32xf32, #tpu.memory_space<vmem_shared>>
        tpu.wait_indirect_dma semaphore(%arg30 : memref<!tpu.dma_semaphore, #tpu.memory_space<semaphore_mem>>) src(%arg13 : memref<128x32xf32, #tpu.memory_space<vmem>>) dst(%dma_wait3A_303 : memref<10496x32xf32, #tpu.memory_space<vmem_shared>>)
        %add3A_304 = arith.constant 4 : i32
        %add3A_305 = arith.addi %add3A_279, %add3A_304 : i32
        %dma_start3A_306 = arith.constant 0 : i32
        %dma_start3A_307 = tpu.memref_slice %arg8[%add3A_305, %dma_start3A_306] : memref<80x128xi32, #tpu.memory_space<vmem>> -> memref<1x128xi32, #tpu.memory_space<vmem>>
        %dma_start3A_308 = tpu.memref_squeeze %dma_start3A_307 : memref<1x128xi32, #tpu.memory_space<vmem>> -> memref<128xi32, #tpu.memory_space<vmem>>
        %dma_start3A_309 = arith.constant 0 : i32
        %dma_start3A_310 = arith.constant 0 : i32
        %dma_start3A_311 = tpu.memref_slice %arg4[%dma_start3A_309, %dma_start3A_310] : memref<10496x32xf32, #tpu.memory_space<hbm>> -> memref<10496x32xf32, #tpu.memory_space<hbm>>
        tpu.enqueue_indirect_dma source(%dma_start3A_311 : memref<10496x32xf32, #tpu.memory_space<hbm>>) target(%arg13 : memref<128x32xf32, #tpu.memory_space<vmem>>) offsets(%dma_start3A_308 : memref<128xi32, #tpu.memory_space<vmem>>) semaphore(%arg22 : memref<!tpu.dma_semaphore, #tpu.memory_space<semaphore_mem>>)
      } else {
      }
    }
    %scan3A_66 = arith.constant 10 : i32
    %dma_wait3A = arith.constant 72 : i32
    %dma_wait3A_67 = arith.constant 0 : i32
    %dma_wait3A_68 = tpu.memref_slice %arg9[%dma_wait3A, %dma_wait3A_67] : memref<80x128xi32, #tpu.memory_space<vmem>> -> memref<1x128xi32, #tpu.memory_space<vmem>>
    %dma_wait3A_69 = tpu.memref_squeeze %dma_wait3A_68 : memref<1x128xi32, #tpu.memory_space<vmem>> -> memref<128xi32, #tpu.memory_space<vmem>>
    %dma_wait3A_70 = arith.constant 0 : i32
    %dma_wait3A_71 = arith.constant 0 : i32
    %dma_wait3A_72 = tpu.memref_slice %arg18[%dma_wait3A_70, %dma_wait3A_71] : memref<10496x32xf32, #tpu.memory_space<vmem_shared>> -> memref<10496x32xf32, #tpu.memory_space<vmem_shared>>
    tpu.wait_indirect_dma semaphore(%arg27 : memref<!tpu.dma_semaphore, #tpu.memory_space<semaphore_mem>>) src(%arg10 : memref<128x32xf32, #tpu.memory_space<vmem>>) dst(%dma_wait3A_72 : memref<10496x32xf32, #tpu.memory_space<vmem_shared>>)
    %dma_wait3A_73 = arith.constant 73 : i32
    %dma_wait3A_74 = arith.constant 0 : i32
    %dma_wait3A_75 = tpu.memref_slice %arg9[%dma_wait3A_73, %dma_wait3A_74] : memref<80x128xi32, #tpu.memory_space<vmem>> -> memref<1x128xi32, #tpu.memory_space<vmem>>
    %dma_wait3A_76 = tpu.memref_squeeze %dma_wait3A_75 : memref<1x128xi32, #tpu.memory_space<vmem>> -> memref<128xi32, #tpu.memory_space<vmem>>
    %dma_wait3A_77 = arith.constant 0 : i32
    %dma_wait3A_78 = arith.constant 0 : i32
    %dma_wait3A_79 = tpu.memref_slice %arg18[%dma_wait3A_77, %dma_wait3A_78] : memref<10496x32xf32, #tpu.memory_space<vmem_shared>> -> memref<10496x32xf32, #tpu.memory_space<vmem_shared>>
    tpu.wait_indirect_dma semaphore(%arg28 : memref<!tpu.dma_semaphore, #tpu.memory_space<semaphore_mem>>) src(%arg11 : memref<128x32xf32, #tpu.memory_space<vmem>>) dst(%dma_wait3A_79 : memref<10496x32xf32, #tpu.memory_space<vmem_shared>>)
    %dma_wait3A_80 = arith.constant 74 : i32
    %dma_wait3A_81 = arith.constant 0 : i32
    %dma_wait3A_82 = tpu.memref_slice %arg9[%dma_wait3A_80, %dma_wait3A_81] : memref<80x128xi32, #tpu.memory_space<vmem>> -> memref<1x128xi32, #tpu.memory_space<vmem>>
    %dma_wait3A_83 = tpu.memref_squeeze %dma_wait3A_82 : memref<1x128xi32, #tpu.memory_space<vmem>> -> memref<128xi32, #tpu.memory_space<vmem>>
    %dma_wait3A_84 = arith.constant 0 : i32
    %dma_wait3A_85 = arith.constant 0 : i32
    %dma_wait3A_86 = tpu.memref_slice %arg18[%dma_wait3A_84, %dma_wait3A_85] : memref<10496x32xf32, #tpu.memory_space<vmem_shared>> -> memref<10496x32xf32, #tpu.memory_space<vmem_shared>>
    tpu.wait_indirect_dma semaphore(%arg29 : memref<!tpu.dma_semaphore, #tpu.memory_space<semaphore_mem>>) src(%arg12 : memref<128x32xf32, #tpu.memory_space<vmem>>) dst(%dma_wait3A_86 : memref<10496x32xf32, #tpu.memory_space<vmem_shared>>)
    %dma_wait3A_87 = arith.constant 75 : i32
    %dma_wait3A_88 = arith.constant 0 : i32
    %dma_wait3A_89 = tpu.memref_slice %arg9[%dma_wait3A_87, %dma_wait3A_88] : memref<80x128xi32, #tpu.memory_space<vmem>> -> memref<1x128xi32, #tpu.memory_space<vmem>>
    %dma_wait3A_90 = tpu.memref_squeeze %dma_wait3A_89 : memref<1x128xi32, #tpu.memory_space<vmem>> -> memref<128xi32, #tpu.memory_space<vmem>>
    %dma_wait3A_91 = arith.constant 0 : i32
    %dma_wait3A_92 = arith.constant 0 : i32
    %dma_wait3A_93 = tpu.memref_slice %arg18[%dma_wait3A_91, %dma_wait3A_92] : memref<10496x32xf32, #tpu.memory_space<vmem_shared>> -> memref<10496x32xf32, #tpu.memory_space<vmem_shared>>
    tpu.wait_indirect_dma semaphore(%arg30 : memref<!tpu.dma_semaphore, #tpu.memory_space<semaphore_mem>>) src(%arg13 : memref<128x32xf32, #tpu.memory_space<vmem>>) dst(%dma_wait3A_93 : memref<10496x32xf32, #tpu.memory_space<vmem_shared>>)
    %dma_wait3A_94 = arith.constant 76 : i32
    %dma_wait3A_95 = arith.constant 0 : i32
    %dma_wait3A_96 = tpu.memref_slice %arg9[%dma_wait3A_94, %dma_wait3A_95] : memref<80x128xi32, #tpu.memory_space<vmem>> -> memref<1x128xi32, #tpu.memory_space<vmem>>
    %dma_wait3A_97 = tpu.memref_squeeze %dma_wait3A_96 : memref<1x128xi32, #tpu.memory_space<vmem>> -> memref<128xi32, #tpu.memory_space<vmem>>
    %dma_wait3A_98 = arith.constant 0 : i32
    %dma_wait3A_99 = arith.constant 0 : i32
    %dma_wait3A_100 = tpu.memref_slice %arg18[%dma_wait3A_98, %dma_wait3A_99] : memref<10496x32xf32, #tpu.memory_space<vmem_shared>> -> memref<10496x32xf32, #tpu.memory_space<vmem_shared>>
    tpu.wait_indirect_dma semaphore(%arg31 : memref<!tpu.dma_semaphore, #tpu.memory_space<semaphore_mem>>) src(%arg14 : memref<128x32xf32, #tpu.memory_space<vmem>>) dst(%dma_wait3A_100 : memref<10496x32xf32, #tpu.memory_space<vmem_shared>>)
    %dma_wait3A_101 = arith.constant 77 : i32
    %dma_wait3A_102 = arith.constant 0 : i32
    %dma_wait3A_103 = tpu.memref_slice %arg9[%dma_wait3A_101, %dma_wait3A_102] : memref<80x128xi32, #tpu.memory_space<vmem>> -> memref<1x128xi32, #tpu.memory_space<vmem>>
    %dma_wait3A_104 = tpu.memref_squeeze %dma_wait3A_103 : memref<1x128xi32, #tpu.memory_space<vmem>> -> memref<128xi32, #tpu.memory_space<vmem>>
    %dma_wait3A_105 = arith.constant 0 : i32
    %dma_wait3A_106 = arith.constant 0 : i32
    %dma_wait3A_107 = tpu.memref_slice %arg18[%dma_wait3A_105, %dma_wait3A_106] : memref<10496x32xf32, #tpu.memory_space<vmem_shared>> -> memref<10496x32xf32, #tpu.memory_space<vmem_shared>>
    tpu.wait_indirect_dma semaphore(%arg32 : memref<!tpu.dma_semaphore, #tpu.memory_space<semaphore_mem>>) src(%arg15 : memref<128x32xf32, #tpu.memory_space<vmem>>) dst(%dma_wait3A_107 : memref<10496x32xf32, #tpu.memory_space<vmem_shared>>)
    %dma_wait3A_108 = arith.constant 78 : i32
    %dma_wait3A_109 = arith.constant 0 : i32
    %dma_wait3A_110 = tpu.memref_slice %arg9[%dma_wait3A_108, %dma_wait3A_109] : memref<80x128xi32, #tpu.memory_space<vmem>> -> memref<1x128xi32, #tpu.memory_space<vmem>>
    %dma_wait3A_111 = tpu.memref_squeeze %dma_wait3A_110 : memref<1x128xi32, #tpu.memory_space<vmem>> -> memref<128xi32, #tpu.memory_space<vmem>>
    %dma_wait3A_112 = arith.constant 0 : i32
    %dma_wait3A_113 = arith.constant 0 : i32
    %dma_wait3A_114 = tpu.memref_slice %arg18[%dma_wait3A_112, %dma_wait3A_113] : memref<10496x32xf32, #tpu.memory_space<vmem_shared>> -> memref<10496x32xf32, #tpu.memory_space<vmem_shared>>
    tpu.wait_indirect_dma semaphore(%arg33 : memref<!tpu.dma_semaphore, #tpu.memory_space<semaphore_mem>>) src(%arg16 : memref<128x32xf32, #tpu.memory_space<vmem>>) dst(%dma_wait3A_114 : memref<10496x32xf32, #tpu.memory_space<vmem_shared>>)
    %dma_wait3A_115 = arith.constant 79 : i32
    %dma_wait3A_116 = arith.constant 0 : i32
    %dma_wait3A_117 = tpu.memref_slice %arg9[%dma_wait3A_115, %dma_wait3A_116] : memref<80x128xi32, #tpu.memory_space<vmem>> -> memref<1x128xi32, #tpu.memory_space<vmem>>
    %dma_wait3A_118 = tpu.memref_squeeze %dma_wait3A_117 : memref<1x128xi32, #tpu.memory_space<vmem>> -> memref<128xi32, #tpu.memory_space<vmem>>
    %dma_wait3A_119 = arith.constant 0 : i32
    %dma_wait3A_120 = arith.constant 0 : i32
    %dma_wait3A_121 = tpu.memref_slice %arg18[%dma_wait3A_119, %dma_wait3A_120] : memref<10496x32xf32, #tpu.memory_space<vmem_shared>> -> memref<10496x32xf32, #tpu.memory_space<vmem_shared>>
    tpu.wait_indirect_dma semaphore(%arg34 : memref<!tpu.dma_semaphore, #tpu.memory_space<semaphore_mem>>) src(%arg17 : memref<128x32xf32, #tpu.memory_space<vmem>>) dst(%dma_wait3A_121 : memref<10496x32xf32, #tpu.memory_space<vmem_shared>>)
    %barrier3A_122 = arith.constant 0 : index
    tpu.barrier barrier_id(%barrier3A_122)
    %eq3A = arith.constant 0 : i32
    %eq3A_123 = arith.cmpi eq, %arg0, %eq3A : i32
    %convert_element_type3A = arith.extui %eq3A_123 : i1 to i32
    %cond3A = arith.constant 0 : i32
    %cond3A_124 = arith.cmpi ne, %convert_element_type3A, %cond3A : i32
    scf.if %cond3A_124 {
      %mul3A_130 = arith.constant 656 : i32
      %mul3A_131 = arith.muli %arg1, %mul3A_130 : i32
      %mul3A_132 = arith.constant 656 : i32
      %mul3A_133 = arith.muli %arg1, %mul3A_132 : i32
      "tpu.region"() ({
        %run_scoped3A = tpu.sem_alloc : memref<!tpu.dma_semaphore, #tpu.memory_space<semaphore_mem>>
        %dma_start3A_134 = arith.constant 0 : i32
        %dma_start3A_135 = tpu.memref_slice %arg6[%mul3A_133, %dma_start3A_134] : memref<10496x32xf32, #tpu.memory_space<hbm>> -> memref<656x32xf32, #tpu.memory_space<hbm>>
        %dma_start3A_136 = arith.constant 0 : i32
        %dma_start3A_137 = tpu.memref_slice %arg18[%mul3A_131, %dma_start3A_136] : memref<10496x32xf32, #tpu.memory_space<vmem_shared>> -> memref<656x32xf32, #tpu.memory_space<vmem_shared>>
        tpu.enqueue_dma source(%dma_start3A_137 : memref<656x32xf32, #tpu.memory_space<vmem_shared>>) target(%dma_start3A_135 : memref<656x32xf32, #tpu.memory_space<hbm>>) target_semaphore(%run_scoped3A : memref<!tpu.dma_semaphore, #tpu.memory_space<semaphore_mem>>)
        %dma_wait3A_138 = arith.constant 0 : i32
        %dma_wait3A_139 = tpu.memref_slice %arg6[%mul3A_133, %dma_wait3A_138] : memref<10496x32xf32, #tpu.memory_space<hbm>> -> memref<656x32xf32, #tpu.memory_space<hbm>>
        %dma_wait3A_140 = arith.constant 0 : i32
        %dma_wait3A_141 = tpu.memref_slice %arg18[%mul3A_131, %dma_wait3A_140] : memref<10496x32xf32, #tpu.memory_space<vmem_shared>> -> memref<656x32xf32, #tpu.memory_space<vmem_shared>>
        tpu.wait_dma2 semaphore(%run_scoped3A : memref<!tpu.dma_semaphore, #tpu.memory_space<semaphore_mem>>) src(%dma_wait3A_141 : memref<656x32xf32, #tpu.memory_space<vmem_shared>>) dst(%dma_wait3A_139 : memref<656x32xf32, #tpu.memory_space<hbm>>)
        tpu.yield
      }) : () -> ()
    } else {
    }
    %eq3A_125 = arith.constant 1 : i32
    %eq3A_126 = arith.cmpi eq, %arg0, %eq3A_125 : i32
    %convert_element_type3A_127 = arith.extui %eq3A_126 : i1 to i32
    %cond3A_128 = arith.constant 0 : i32
    %cond3A_129 = arith.cmpi ne, %convert_element_type3A_127, %cond3A_128 : i32
    scf.if %cond3A_129 {
      %mul3A_130 = arith.constant 656 : i32
      %mul3A_131 = arith.muli %arg1, %mul3A_130 : i32
      %mul3A_132 = arith.constant 656 : i32
      %mul3A_133 = arith.muli %arg1, %mul3A_132 : i32
      "tpu.region"() ({
        %run_scoped3A = tpu.sem_alloc : memref<!tpu.dma_semaphore, #tpu.memory_space<semaphore_mem>>
        %dma_start3A_134 = arith.constant 0 : i32
        %dma_start3A_135 = tpu.memref_slice %arg7[%mul3A_133, %dma_start3A_134] : memref<10496x32xf32, #tpu.memory_space<hbm>> -> memref<656x32xf32, #tpu.memory_space<hbm>>
        %dma_start3A_136 = arith.constant 0 : i32
        %dma_start3A_137 = tpu.memref_slice %arg18[%mul3A_131, %dma_start3A_136] : memref<10496x32xf32, #tpu.memory_space<vmem_shared>> -> memref<656x32xf32, #tpu.memory_space<vmem_shared>>
        tpu.enqueue_dma source(%dma_start3A_137 : memref<656x32xf32, #tpu.memory_space<vmem_shared>>) target(%dma_start3A_135 : memref<656x32xf32, #tpu.memory_space<hbm>>) target_semaphore(%run_scoped3A : memref<!tpu.dma_semaphore, #tpu.memory_space<semaphore_mem>>)
        %dma_wait3A_138 = arith.constant 0 : i32
        %dma_wait3A_139 = tpu.memref_slice %arg7[%mul3A_133, %dma_wait3A_138] : memref<10496x32xf32, #tpu.memory_space<hbm>> -> memref<656x32xf32, #tpu.memory_space<hbm>>
        %dma_wait3A_140 = arith.constant 0 : i32
        %dma_wait3A_141 = tpu.memref_slice %arg18[%mul3A_131, %dma_wait3A_140] : memref<10496x32xf32, #tpu.memory_space<vmem_shared>> -> memref<656x32xf32, #tpu.memory_space<vmem_shared>>
        tpu.wait_dma2 semaphore(%run_scoped3A : memref<!tpu.dma_semaphore, #tpu.memory_space<semaphore_mem>>) src(%dma_wait3A_141 : memref<656x32xf32, #tpu.memory_space<vmem_shared>>) dst(%dma_wait3A_139 : memref<656x32xf32, #tpu.memory_space<hbm>>)
        tpu.yield
      }) : () -> ()
    } else {
    }
    return
  }
}

#map = affine_map<(d0, d1) -> (0, 0)>
module attributes {stable_mosaic.version = 14 : i64} {
  func.func @_sc_aggregate(%arg0: i32, %arg1: i32, %arg2: memref<2560x128xi32, #tpu.memory_space<hbm>>, %arg3: memref<2560x128xi32, #tpu.memory_space<hbm>>, %arg4: memref<10496x32xf32, #tpu.memory_space<hbm>>, %arg5: memref<656x32xf32, #tpu.memory_space<hbm>>, %arg6: memref<10496x32xf32, #tpu.memory_space<hbm>>, %arg7: memref<10496x32xf32, #tpu.memory_space<hbm>>, %arg8: memref<80x128xi32, #tpu.memory_space<vmem>>, %arg9: memref<80x128xi32, #tpu.memory_space<vmem>>, %arg10: memref<128x32xf32, #tpu.memory_space<vmem>>, %arg11: memref<128x32xf32, #tpu.memory_space<vmem>>, %arg12: memref<128x32xf32, #tpu.memory_space<vmem>>, %arg13: memref<128x32xf32, #tpu.memory_space<vmem>>, %arg14: memref<128x32xf32, #tpu.memory_space<vmem>>, %arg15: memref<128x32xf32, #tpu.memory_space<vmem>>, %arg16: memref<128x32xf32, #tpu.memory_space<vmem>>, %arg17: memref<128x32xf32, #tpu.memory_space<vmem>>, %arg18: memref<10496x32xf32, #tpu.memory_space<vmem_shared>>, %arg19: memref<!tpu.dma_semaphore, #tpu.memory_space<semaphore_mem>>, %arg20: memref<!tpu.dma_semaphore, #tpu.memory_space<semaphore_mem>>, %arg21: memref<!tpu.dma_semaphore, #tpu.memory_space<semaphore_mem>>, %arg22: memref<!tpu.dma_semaphore, #tpu.memory_space<semaphore_mem>>, %arg23: memref<!tpu.dma_semaphore, #tpu.memory_space<semaphore_mem>>, %arg24: memref<!tpu.dma_semaphore, #tpu.memory_space<semaphore_mem>>, %arg25: memref<!tpu.dma_semaphore, #tpu.memory_space<semaphore_mem>>, %arg26: memref<!tpu.dma_semaphore, #tpu.memory_space<semaphore_mem>>, %arg27: memref<!tpu.dma_semaphore, #tpu.memory_space<semaphore_mem>>, %arg28: memref<!tpu.dma_semaphore, #tpu.memory_space<semaphore_mem>>, %arg29: memref<!tpu.dma_semaphore, #tpu.memory_space<semaphore_mem>>, %arg30: memref<!tpu.dma_semaphore, #tpu.memory_space<semaphore_mem>>, %arg31: memref<!tpu.dma_semaphore, #tpu.memory_space<semaphore_mem>>, %arg32: memref<!tpu.dma_semaphore, #tpu.memory_space<semaphore_mem>>, %arg33: memref<!tpu.dma_semaphore, #tpu.memory_space<semaphore_mem>>, %arg34: memref<!tpu.dma_semaphore, #tpu.memory_space<semaphore_mem>>) attributes {dimension_semantics = [#tpu.dimension_semantics<core_parallel>, #tpu.dimension_semantics<subcore_parallel>], iteration_bounds = array<i64: 2, 16>, scalar_prefetch = 0 : i64, scratch_operands = 27 : i64, tpu.core_type = #tpu.core_type<sc_vector_subcore>, window_params = [{transform_indices = #map}, {transform_indices = #map}, {transform_indices = #map}, {transform_indices = #map}, {transform_indices = #map}, {transform_indices = #map}]} {
    %mul3A = arith.constant 2 : i32
    %mul3A_0 = arith.muli %arg1, %mul3A : i32
    %add3A = arith.addi %mul3A_0, %arg0 : i32
    %mul3A_1 = arith.constant 80 : i32
    %mul3A_2 = arith.muli %add3A, %mul3A_1 : i32
    "tpu.region"() ({
      %run_scoped3A = tpu.sem_alloc : memref<!tpu.dma_semaphore, #tpu.memory_space<semaphore_mem>>
      %dma_start3A_130 = arith.constant 0 : i32
      %dma_start3A_131 = tpu.memref_slice %arg2[%mul3A_2, %dma_start3A_130] : memref<2560x128xi32, #tpu.memory_space<hbm>> -> memref<80x128xi32, #tpu.memory_space<hbm>>
      %dma_start3A_132 = arith.constant 0 : i32
      %dma_start3A_133 = tpu.memref_slice %arg2[%mul3A_2, %dma_start3A_132] : memref<2560x128xi32, #tpu.memory_space<hbm>> -> memref<80x128xi32, #tpu.memory_space<hbm>>
      tpu.enqueue_dma source(%dma_start3A_133 : memref<80x128xi32, #tpu.memory_space<hbm>>) target(%arg8 : memref<80x128xi32, #tpu.memory_space<vmem>>) target_semaphore(%run_scoped3A : memref<!tpu.dma_semaphore, #tpu.memory_space<semaphore_mem>>)
      %dma_wait3A_134 = arith.constant 0 : i32
      %dma_wait3A_135 = tpu.memref_slice %arg2[%mul3A_2, %dma_wait3A_134] : memref<2560x128xi32, #tpu.memory_space<hbm>> -> memref<80x128xi32, #tpu.memory_space<hbm>>
      %dma_wait3A_136 = arith.constant 0 : i32
      %dma_wait3A_137 = tpu.memref_slice %arg2[%mul3A_2, %dma_wait3A_136] : memref<2560x128xi32, #tpu.memory_space<hbm>> -> memref<80x128xi32, #tpu.memory_space<hbm>>
      tpu.wait_dma2 semaphore(%run_scoped3A : memref<!tpu.dma_semaphore, #tpu.memory_space<semaphore_mem>>) src(%dma_wait3A_137 : memref<80x128xi32, #tpu.memory_space<hbm>>) dst(%arg8 : memref<80x128xi32, #tpu.memory_space<vmem>>)
      tpu.yield
    }) : () -> ()
    %mul3A_3 = arith.constant 80 : i32
    %mul3A_4 = arith.muli %add3A, %mul3A_3 : i32
    "tpu.region"() ({
      %run_scoped3A = tpu.sem_alloc : memref<!tpu.dma_semaphore, #tpu.memory_space<semaphore_mem>>
      %dma_start3A_130 = arith.constant 0 : i32
      %dma_start3A_131 = tpu.memref_slice %arg3[%mul3A_4, %dma_start3A_130] : memref<2560x128xi32, #tpu.memory_space<hbm>> -> memref<80x128xi32, #tpu.memory_space<hbm>>
      %dma_start3A_132 = arith.constant 0 : i32
      %dma_start3A_133 = tpu.memref_slice %arg3[%mul3A_4, %dma_start3A_132] : memref<2560x128xi32, #tpu.memory_space<hbm>> -> memref<80x128xi32, #tpu.memory_space<hbm>>
      tpu.enqueue_dma source(%dma_start3A_133 : memref<80x128xi32, #tpu.memory_space<hbm>>) target(%arg9 : memref<80x128xi32, #tpu.memory_space<vmem>>) target_semaphore(%run_scoped3A : memref<!tpu.dma_semaphore, #tpu.memory_space<semaphore_mem>>)
      %dma_wait3A_134 = arith.constant 0 : i32
      %dma_wait3A_135 = tpu.memref_slice %arg3[%mul3A_4, %dma_wait3A_134] : memref<2560x128xi32, #tpu.memory_space<hbm>> -> memref<80x128xi32, #tpu.memory_space<hbm>>
      %dma_wait3A_136 = arith.constant 0 : i32
      %dma_wait3A_137 = tpu.memref_slice %arg3[%mul3A_4, %dma_wait3A_136] : memref<2560x128xi32, #tpu.memory_space<hbm>> -> memref<80x128xi32, #tpu.memory_space<hbm>>
      tpu.wait_dma2 semaphore(%run_scoped3A : memref<!tpu.dma_semaphore, #tpu.memory_space<semaphore_mem>>) src(%dma_wait3A_137 : memref<80x128xi32, #tpu.memory_space<hbm>>) dst(%arg9 : memref<80x128xi32, #tpu.memory_space<vmem>>)
      tpu.yield
    }) : () -> ()
    %mul3A_5 = arith.constant 656 : i32
    %mul3A_6 = arith.muli %arg1, %mul3A_5 : i32
    "tpu.region"() ({
      %run_scoped3A = tpu.sem_alloc : memref<!tpu.dma_semaphore, #tpu.memory_space<semaphore_mem>>
      %dma_start3A_130 = arith.constant 0 : i32
      %dma_start3A_131 = tpu.memref_slice %arg18[%mul3A_6, %dma_start3A_130] : memref<10496x32xf32, #tpu.memory_space<vmem_shared>> -> memref<656x32xf32, #tpu.memory_space<vmem_shared>>
      tpu.enqueue_dma source(%arg5 : memref<656x32xf32, #tpu.memory_space<hbm>>) target(%dma_start3A_131 : memref<656x32xf32, #tpu.memory_space<vmem_shared>>) target_semaphore(%run_scoped3A : memref<!tpu.dma_semaphore, #tpu.memory_space<semaphore_mem>>)
      %dma_wait3A_132 = arith.constant 0 : i32
      %dma_wait3A_133 = tpu.memref_slice %arg18[%mul3A_6, %dma_wait3A_132] : memref<10496x32xf32, #tpu.memory_space<vmem_shared>> -> memref<656x32xf32, #tpu.memory_space<vmem_shared>>
      tpu.wait_dma2 semaphore(%run_scoped3A : memref<!tpu.dma_semaphore, #tpu.memory_space<semaphore_mem>>) src(%arg5 : memref<656x32xf32, #tpu.memory_space<hbm>>) dst(%dma_wait3A_133 : memref<656x32xf32, #tpu.memory_space<vmem_shared>>)
      tpu.yield
    }) : () -> ()
    %barrier3A = arith.constant 0 : index
    tpu.barrier barrier_id(%barrier3A)
    %dma_start3A = arith.constant 0 : i32
    %dma_start3A_7 = arith.constant 0 : i32
    %dma_start3A_8 = tpu.memref_slice %arg8[%dma_start3A, %dma_start3A_7] : memref<80x128xi32, #tpu.memory_space<vmem>> -> memref<1x128xi32, #tpu.memory_space<vmem>>
    %dma_start3A_9 = tpu.memref_squeeze %dma_start3A_8 : memref<1x128xi32, #tpu.memory_space<vmem>> -> memref<128xi32, #tpu.memory_space<vmem>>
    %dma_start3A_10 = arith.constant 0 : i32
    %dma_start3A_11 = arith.constant 0 : i32
    %dma_start3A_12 = tpu.memref_slice %arg4[%dma_start3A_10, %dma_start3A_11] : memref<10496x32xf32, #tpu.memory_space<hbm>> -> memref<10496x32xf32, #tpu.memory_space<hbm>>
    tpu.enqueue_indirect_dma source(%dma_start3A_12 : memref<10496x32xf32, #tpu.memory_space<hbm>>) target(%arg10 : memref<128x32xf32, #tpu.memory_space<vmem>>) offsets(%dma_start3A_9 : memref<128xi32, #tpu.memory_space<vmem>>) semaphore(%arg19 : memref<!tpu.dma_semaphore, #tpu.memory_space<semaphore_mem>>)
    %dma_start3A_13 = arith.constant 1 : i32
    %dma_start3A_14 = arith.constant 0 : i32
    %dma_start3A_15 = tpu.memref_slice %arg8[%dma_start3A_13, %dma_start3A_14] : memref<80x128xi32, #tpu.memory_space<vmem>> -> memref<1x128xi32, #tpu.memory_space<vmem>>
    %dma_start3A_16 = tpu.memref_squeeze %dma_start3A_15 : memref<1x128xi32, #tpu.memory_space<vmem>> -> memref<128xi32, #tpu.memory_space<vmem>>
    %dma_start3A_17 = arith.constant 0 : i32
    %dma_start3A_18 = arith.constant 0 : i32
    %dma_start3A_19 = tpu.memref_slice %arg4[%dma_start3A_17, %dma_start3A_18] : memref<10496x32xf32, #tpu.memory_space<hbm>> -> memref<10496x32xf32, #tpu.memory_space<hbm>>
    tpu.enqueue_indirect_dma source(%dma_start3A_19 : memref<10496x32xf32, #tpu.memory_space<hbm>>) target(%arg11 : memref<128x32xf32, #tpu.memory_space<vmem>>) offsets(%dma_start3A_16 : memref<128xi32, #tpu.memory_space<vmem>>) semaphore(%arg20 : memref<!tpu.dma_semaphore, #tpu.memory_space<semaphore_mem>>)
    %dma_start3A_20 = arith.constant 2 : i32
    %dma_start3A_21 = arith.constant 0 : i32
    %dma_start3A_22 = tpu.memref_slice %arg8[%dma_start3A_20, %dma_start3A_21] : memref<80x128xi32, #tpu.memory_space<vmem>> -> memref<1x128xi32, #tpu.memory_space<vmem>>
    %dma_start3A_23 = tpu.memref_squeeze %dma_start3A_22 : memref<1x128xi32, #tpu.memory_space<vmem>> -> memref<128xi32, #tpu.memory_space<vmem>>
    %dma_start3A_24 = arith.constant 0 : i32
    %dma_start3A_25 = arith.constant 0 : i32
    %dma_start3A_26 = tpu.memref_slice %arg4[%dma_start3A_24, %dma_start3A_25] : memref<10496x32xf32, #tpu.memory_space<hbm>> -> memref<10496x32xf32, #tpu.memory_space<hbm>>
    tpu.enqueue_indirect_dma source(%dma_start3A_26 : memref<10496x32xf32, #tpu.memory_space<hbm>>) target(%arg12 : memref<128x32xf32, #tpu.memory_space<vmem>>) offsets(%dma_start3A_23 : memref<128xi32, #tpu.memory_space<vmem>>) semaphore(%arg21 : memref<!tpu.dma_semaphore, #tpu.memory_space<semaphore_mem>>)
    %dma_start3A_27 = arith.constant 3 : i32
    %dma_start3A_28 = arith.constant 0 : i32
    %dma_start3A_29 = tpu.memref_slice %arg8[%dma_start3A_27, %dma_start3A_28] : memref<80x128xi32, #tpu.memory_space<vmem>> -> memref<1x128xi32, #tpu.memory_space<vmem>>
    %dma_start3A_30 = tpu.memref_squeeze %dma_start3A_29 : memref<1x128xi32, #tpu.memory_space<vmem>> -> memref<128xi32, #tpu.memory_space<vmem>>
    %dma_start3A_31 = arith.constant 0 : i32
    %dma_start3A_32 = arith.constant 0 : i32
    %dma_start3A_33 = tpu.memref_slice %arg4[%dma_start3A_31, %dma_start3A_32] : memref<10496x32xf32, #tpu.memory_space<hbm>> -> memref<10496x32xf32, #tpu.memory_space<hbm>>
    tpu.enqueue_indirect_dma source(%dma_start3A_33 : memref<10496x32xf32, #tpu.memory_space<hbm>>) target(%arg13 : memref<128x32xf32, #tpu.memory_space<vmem>>) offsets(%dma_start3A_30 : memref<128xi32, #tpu.memory_space<vmem>>) semaphore(%arg22 : memref<!tpu.dma_semaphore, #tpu.memory_space<semaphore_mem>>)
    %dma_start3A_34 = arith.constant 4 : i32
    %dma_start3A_35 = arith.constant 0 : i32
    %dma_start3A_36 = tpu.memref_slice %arg8[%dma_start3A_34, %dma_start3A_35] : memref<80x128xi32, #tpu.memory_space<vmem>> -> memref<1x128xi32, #tpu.memory_space<vmem>>
    %dma_start3A_37 = tpu.memref_squeeze %dma_start3A_36 : memref<1x128xi32, #tpu.memory_space<vmem>> -> memref<128xi32, #tpu.memory_space<vmem>>
    %dma_start3A_38 = arith.constant 0 : i32
    %dma_start3A_39 = arith.constant 0 : i32
    %dma_start3A_40 = tpu.memref_slice %arg4[%dma_start3A_38, %dma_start3A_39] : memref<10496x32xf32, #tpu.memory_space<hbm>> -> memref<10496x32xf32, #tpu.memory_space<hbm>>
    tpu.enqueue_indirect_dma source(%dma_start3A_40 : memref<10496x32xf32, #tpu.memory_space<hbm>>) target(%arg14 : memref<128x32xf32, #tpu.memory_space<vmem>>) offsets(%dma_start3A_37 : memref<128xi32, #tpu.memory_space<vmem>>) semaphore(%arg23 : memref<!tpu.dma_semaphore, #tpu.memory_space<semaphore_mem>>)
    %dma_start3A_41 = arith.constant 5 : i32
    %dma_start3A_42 = arith.constant 0 : i32
    %dma_start3A_43 = tpu.memref_slice %arg8[%dma_start3A_41, %dma_start3A_42] : memref<80x128xi32, #tpu.memory_space<vmem>> -> memref<1x128xi32, #tpu.memory_space<vmem>>
    %dma_start3A_44 = tpu.memref_squeeze %dma_start3A_43 : memref<1x128xi32, #tpu.memory_space<vmem>> -> memref<128xi32, #tpu.memory_space<vmem>>
    %dma_start3A_45 = arith.constant 0 : i32
    %dma_start3A_46 = arith.constant 0 : i32
    %dma_start3A_47 = tpu.memref_slice %arg4[%dma_start3A_45, %dma_start3A_46] : memref<10496x32xf32, #tpu.memory_space<hbm>> -> memref<10496x32xf32, #tpu.memory_space<hbm>>
    tpu.enqueue_indirect_dma source(%dma_start3A_47 : memref<10496x32xf32, #tpu.memory_space<hbm>>) target(%arg15 : memref<128x32xf32, #tpu.memory_space<vmem>>) offsets(%dma_start3A_44 : memref<128xi32, #tpu.memory_space<vmem>>) semaphore(%arg24 : memref<!tpu.dma_semaphore, #tpu.memory_space<semaphore_mem>>)
    %dma_start3A_48 = arith.constant 6 : i32
    %dma_start3A_49 = arith.constant 0 : i32
    %dma_start3A_50 = tpu.memref_slice %arg8[%dma_start3A_48, %dma_start3A_49] : memref<80x128xi32, #tpu.memory_space<vmem>> -> memref<1x128xi32, #tpu.memory_space<vmem>>
    %dma_start3A_51 = tpu.memref_squeeze %dma_start3A_50 : memref<1x128xi32, #tpu.memory_space<vmem>> -> memref<128xi32, #tpu.memory_space<vmem>>
    %dma_start3A_52 = arith.constant 0 : i32
    %dma_start3A_53 = arith.constant 0 : i32
    %dma_start3A_54 = tpu.memref_slice %arg4[%dma_start3A_52, %dma_start3A_53] : memref<10496x32xf32, #tpu.memory_space<hbm>> -> memref<10496x32xf32, #tpu.memory_space<hbm>>
    tpu.enqueue_indirect_dma source(%dma_start3A_54 : memref<10496x32xf32, #tpu.memory_space<hbm>>) target(%arg16 : memref<128x32xf32, #tpu.memory_space<vmem>>) offsets(%dma_start3A_51 : memref<128xi32, #tpu.memory_space<vmem>>) semaphore(%arg25 : memref<!tpu.dma_semaphore, #tpu.memory_space<semaphore_mem>>)
    %dma_start3A_55 = arith.constant 7 : i32
    %dma_start3A_56 = arith.constant 0 : i32
    %dma_start3A_57 = tpu.memref_slice %arg8[%dma_start3A_55, %dma_start3A_56] : memref<80x128xi32, #tpu.memory_space<vmem>> -> memref<1x128xi32, #tpu.memory_space<vmem>>
    %dma_start3A_58 = tpu.memref_squeeze %dma_start3A_57 : memref<1x128xi32, #tpu.memory_space<vmem>> -> memref<128xi32, #tpu.memory_space<vmem>>
    %dma_start3A_59 = arith.constant 0 : i32
    %dma_start3A_60 = arith.constant 0 : i32
    %dma_start3A_61 = tpu.memref_slice %arg4[%dma_start3A_59, %dma_start3A_60] : memref<10496x32xf32, #tpu.memory_space<hbm>> -> memref<10496x32xf32, #tpu.memory_space<hbm>>
    tpu.enqueue_indirect_dma source(%dma_start3A_61 : memref<10496x32xf32, #tpu.memory_space<hbm>>) target(%arg17 : memref<128x32xf32, #tpu.memory_space<vmem>>) offsets(%dma_start3A_58 : memref<128xi32, #tpu.memory_space<vmem>>) semaphore(%arg26 : memref<!tpu.dma_semaphore, #tpu.memory_space<semaphore_mem>>)
    %scan3A = arith.constant 0 : i32
    %scan3A_62 = arith.constant 0 : i32
    %scan3A_63 = arith.constant 10 : i32
    %scan3A_64 = arith.addi %scan3A_62, %scan3A_63 : i32
    %scan3A_65 = arith.constant 1 : i32
    scf.for %scan3A_130 = %scan3A_62 to %scan3A_64 step %scan3A_65  : i32 {
      %mul3A_131 = arith.constant 8 : i32
      %mul3A_132 = arith.muli %mul3A_131, %scan3A_130 : i32
      %add3A_133 = arith.constant 0 : i32
      %add3A_134 = arith.addi %mul3A_132, %add3A_133 : i32
      %dma_wait3A_135 = arith.constant 0 : i32
      %dma_wait3A_136 = tpu.memref_slice %arg8[%add3A_134, %dma_wait3A_135] : memref<80x128xi32, #tpu.memory_space<vmem>> -> memref<1x128xi32, #tpu.memory_space<vmem>>
      %dma_wait3A_137 = tpu.memref_squeeze %dma_wait3A_136 : memref<1x128xi32, #tpu.memory_space<vmem>> -> memref<128xi32, #tpu.memory_space<vmem>>
      %dma_wait3A_138 = arith.constant 0 : i32
      %dma_wait3A_139 = arith.constant 0 : i32
      %dma_wait3A_140 = tpu.memref_slice %arg4[%dma_wait3A_138, %dma_wait3A_139] : memref<10496x32xf32, #tpu.memory_space<hbm>> -> memref<10496x32xf32, #tpu.memory_space<hbm>>
      tpu.wait_indirect_dma semaphore(%arg19 : memref<!tpu.dma_semaphore, #tpu.memory_space<semaphore_mem>>) src(%dma_wait3A_140 : memref<10496x32xf32, #tpu.memory_space<hbm>>) dst(%arg10 : memref<128x32xf32, #tpu.memory_space<vmem>>)
      %dma_start3A_141 = arith.constant 0 : i32
      %dma_start3A_142 = tpu.memref_slice %arg9[%add3A_134, %dma_start3A_141] : memref<80x128xi32, #tpu.memory_space<vmem>> -> memref<1x128xi32, #tpu.memory_space<vmem>>
      %dma_start3A_143 = tpu.memref_squeeze %dma_start3A_142 : memref<1x128xi32, #tpu.memory_space<vmem>> -> memref<128xi32, #tpu.memory_space<vmem>>
      %dma_start3A_144 = arith.constant 0 : i32
      %dma_start3A_145 = arith.constant 0 : i32
      %dma_start3A_146 = tpu.memref_slice %arg18[%dma_start3A_144, %dma_start3A_145] : memref<10496x32xf32, #tpu.memory_space<vmem_shared>> -> memref<10496x32xf32, #tpu.memory_space<vmem_shared>>
      tpu.enqueue_indirect_dma source(%arg10 : memref<128x32xf32, #tpu.memory_space<vmem>>) target(%dma_start3A_146 : memref<10496x32xf32, #tpu.memory_space<vmem_shared>>) offsets(%dma_start3A_143 : memref<128xi32, #tpu.memory_space<vmem>>) semaphore(%arg27 : memref<!tpu.dma_semaphore, #tpu.memory_space<semaphore_mem>>) {add = true}
      %gt3A = arith.constant 0 : i32
      %gt3A_147 = arith.cmpi sgt, %scan3A_130, %gt3A : i32
      %convert_element_type3A_148 = arith.extui %gt3A_147 : i1 to i32
      %cond3A_149 = arith.constant 0 : i32
      %cond3A_150 = arith.cmpi ne, %convert_element_type3A_148, %cond3A_149 : i32
      scf.if %cond3A_150 {
        %sub3A = arith.constant 4 : i32
        %sub3A_297 = arith.subi %add3A_134, %sub3A : i32
        %dma_wait3A_298 = arith.constant 0 : i32
        %dma_wait3A_299 = tpu.memref_slice %arg9[%sub3A_297, %dma_wait3A_298] : memref<80x128xi32, #tpu.memory_space<vmem>> -> memref<1x128xi32, #tpu.memory_space<vmem>>
        %dma_wait3A_300 = tpu.memref_squeeze %dma_wait3A_299 : memref<1x128xi32, #tpu.memory_space<vmem>> -> memref<128xi32, #tpu.memory_space<vmem>>
        %dma_wait3A_301 = arith.constant 0 : i32
        %dma_wait3A_302 = arith.constant 0 : i32
        %dma_wait3A_303 = tpu.memref_slice %arg18[%dma_wait3A_301, %dma_wait3A_302] : memref<10496x32xf32, #tpu.memory_space<vmem_shared>> -> memref<10496x32xf32, #tpu.memory_space<vmem_shared>>
        tpu.wait_indirect_dma semaphore(%arg31 : memref<!tpu.dma_semaphore, #tpu.memory_space<semaphore_mem>>) src(%arg14 : memref<128x32xf32, #tpu.memory_space<vmem>>) dst(%dma_wait3A_303 : memref<10496x32xf32, #tpu.memory_space<vmem_shared>>)
        %add3A_304 = arith.constant 4 : i32
        %add3A_305 = arith.addi %add3A_134, %add3A_304 : i32
        %dma_start3A_306 = arith.constant 0 : i32
        %dma_start3A_307 = tpu.memref_slice %arg8[%add3A_305, %dma_start3A_306] : memref<80x128xi32, #tpu.memory_space<vmem>> -> memref<1x128xi32, #tpu.memory_space<vmem>>
        %dma_start3A_308 = tpu.memref_squeeze %dma_start3A_307 : memref<1x128xi32, #tpu.memory_space<vmem>> -> memref<128xi32, #tpu.memory_space<vmem>>
        %dma_start3A_309 = arith.constant 0 : i32
        %dma_start3A_310 = arith.constant 0 : i32
        %dma_start3A_311 = tpu.memref_slice %arg4[%dma_start3A_309, %dma_start3A_310] : memref<10496x32xf32, #tpu.memory_space<hbm>> -> memref<10496x32xf32, #tpu.memory_space<hbm>>
        tpu.enqueue_indirect_dma source(%dma_start3A_311 : memref<10496x32xf32, #tpu.memory_space<hbm>>) target(%arg14 : memref<128x32xf32, #tpu.memory_space<vmem>>) offsets(%dma_start3A_308 : memref<128xi32, #tpu.memory_space<vmem>>) semaphore(%arg23 : memref<!tpu.dma_semaphore, #tpu.memory_space<semaphore_mem>>)
      } else {
      }
      %mul3A_151 = arith.constant 8 : i32
      %mul3A_152 = arith.muli %mul3A_151, %scan3A_130 : i32
      %add3A_153 = arith.constant 1 : i32
      %add3A_154 = arith.addi %mul3A_152, %add3A_153 : i32
      %dma_wait3A_155 = arith.constant 0 : i32
      %dma_wait3A_156 = tpu.memref_slice %arg8[%add3A_154, %dma_wait3A_155] : memref<80x128xi32, #tpu.memory_space<vmem>> -> memref<1x128xi32, #tpu.memory_space<vmem>>
      %dma_wait3A_157 = tpu.memref_squeeze %dma_wait3A_156 : memref<1x128xi32, #tpu.memory_space<vmem>> -> memref<128xi32, #tpu.memory_space<vmem>>
      %dma_wait3A_158 = arith.constant 0 : i32
      %dma_wait3A_159 = arith.constant 0 : i32
      %dma_wait3A_160 = tpu.memref_slice %arg4[%dma_wait3A_158, %dma_wait3A_159] : memref<10496x32xf32, #tpu.memory_space<hbm>> -> memref<10496x32xf32, #tpu.memory_space<hbm>>
      tpu.wait_indirect_dma semaphore(%arg20 : memref<!tpu.dma_semaphore, #tpu.memory_space<semaphore_mem>>) src(%dma_wait3A_160 : memref<10496x32xf32, #tpu.memory_space<hbm>>) dst(%arg11 : memref<128x32xf32, #tpu.memory_space<vmem>>)
      %dma_start3A_161 = arith.constant 0 : i32
      %dma_start3A_162 = tpu.memref_slice %arg9[%add3A_154, %dma_start3A_161] : memref<80x128xi32, #tpu.memory_space<vmem>> -> memref<1x128xi32, #tpu.memory_space<vmem>>
      %dma_start3A_163 = tpu.memref_squeeze %dma_start3A_162 : memref<1x128xi32, #tpu.memory_space<vmem>> -> memref<128xi32, #tpu.memory_space<vmem>>
      %dma_start3A_164 = arith.constant 0 : i32
      %dma_start3A_165 = arith.constant 0 : i32
      %dma_start3A_166 = tpu.memref_slice %arg18[%dma_start3A_164, %dma_start3A_165] : memref<10496x32xf32, #tpu.memory_space<vmem_shared>> -> memref<10496x32xf32, #tpu.memory_space<vmem_shared>>
      tpu.enqueue_indirect_dma source(%arg11 : memref<128x32xf32, #tpu.memory_space<vmem>>) target(%dma_start3A_166 : memref<10496x32xf32, #tpu.memory_space<vmem_shared>>) offsets(%dma_start3A_163 : memref<128xi32, #tpu.memory_space<vmem>>) semaphore(%arg28 : memref<!tpu.dma_semaphore, #tpu.memory_space<semaphore_mem>>) {add = true}
      %gt3A_167 = arith.constant 0 : i32
      %gt3A_168 = arith.cmpi sgt, %scan3A_130, %gt3A_167 : i32
      %convert_element_type3A_169 = arith.extui %gt3A_168 : i1 to i32
      %cond3A_170 = arith.constant 0 : i32
      %cond3A_171 = arith.cmpi ne, %convert_element_type3A_169, %cond3A_170 : i32
      scf.if %cond3A_171 {
        %sub3A = arith.constant 4 : i32
        %sub3A_297 = arith.subi %add3A_154, %sub3A : i32
        %dma_wait3A_298 = arith.constant 0 : i32
        %dma_wait3A_299 = tpu.memref_slice %arg9[%sub3A_297, %dma_wait3A_298] : memref<80x128xi32, #tpu.memory_space<vmem>> -> memref<1x128xi32, #tpu.memory_space<vmem>>
        %dma_wait3A_300 = tpu.memref_squeeze %dma_wait3A_299 : memref<1x128xi32, #tpu.memory_space<vmem>> -> memref<128xi32, #tpu.memory_space<vmem>>
        %dma_wait3A_301 = arith.constant 0 : i32
        %dma_wait3A_302 = arith.constant 0 : i32
        %dma_wait3A_303 = tpu.memref_slice %arg18[%dma_wait3A_301, %dma_wait3A_302] : memref<10496x32xf32, #tpu.memory_space<vmem_shared>> -> memref<10496x32xf32, #tpu.memory_space<vmem_shared>>
        tpu.wait_indirect_dma semaphore(%arg32 : memref<!tpu.dma_semaphore, #tpu.memory_space<semaphore_mem>>) src(%arg15 : memref<128x32xf32, #tpu.memory_space<vmem>>) dst(%dma_wait3A_303 : memref<10496x32xf32, #tpu.memory_space<vmem_shared>>)
        %add3A_304 = arith.constant 4 : i32
        %add3A_305 = arith.addi %add3A_154, %add3A_304 : i32
        %dma_start3A_306 = arith.constant 0 : i32
        %dma_start3A_307 = tpu.memref_slice %arg8[%add3A_305, %dma_start3A_306] : memref<80x128xi32, #tpu.memory_space<vmem>> -> memref<1x128xi32, #tpu.memory_space<vmem>>
        %dma_start3A_308 = tpu.memref_squeeze %dma_start3A_307 : memref<1x128xi32, #tpu.memory_space<vmem>> -> memref<128xi32, #tpu.memory_space<vmem>>
        %dma_start3A_309 = arith.constant 0 : i32
        %dma_start3A_310 = arith.constant 0 : i32
        %dma_start3A_311 = tpu.memref_slice %arg4[%dma_start3A_309, %dma_start3A_310] : memref<10496x32xf32, #tpu.memory_space<hbm>> -> memref<10496x32xf32, #tpu.memory_space<hbm>>
        tpu.enqueue_indirect_dma source(%dma_start3A_311 : memref<10496x32xf32, #tpu.memory_space<hbm>>) target(%arg15 : memref<128x32xf32, #tpu.memory_space<vmem>>) offsets(%dma_start3A_308 : memref<128xi32, #tpu.memory_space<vmem>>) semaphore(%arg24 : memref<!tpu.dma_semaphore, #tpu.memory_space<semaphore_mem>>)
      } else {
      }
      %mul3A_172 = arith.constant 8 : i32
      %mul3A_173 = arith.muli %mul3A_172, %scan3A_130 : i32
      %add3A_174 = arith.constant 2 : i32
      %add3A_175 = arith.addi %mul3A_173, %add3A_174 : i32
      %dma_wait3A_176 = arith.constant 0 : i32
      %dma_wait3A_177 = tpu.memref_slice %arg8[%add3A_175, %dma_wait3A_176] : memref<80x128xi32, #tpu.memory_space<vmem>> -> memref<1x128xi32, #tpu.memory_space<vmem>>
      %dma_wait3A_178 = tpu.memref_squeeze %dma_wait3A_177 : memref<1x128xi32, #tpu.memory_space<vmem>> -> memref<128xi32, #tpu.memory_space<vmem>>
      %dma_wait3A_179 = arith.constant 0 : i32
      %dma_wait3A_180 = arith.constant 0 : i32
      %dma_wait3A_181 = tpu.memref_slice %arg4[%dma_wait3A_179, %dma_wait3A_180] : memref<10496x32xf32, #tpu.memory_space<hbm>> -> memref<10496x32xf32, #tpu.memory_space<hbm>>
      tpu.wait_indirect_dma semaphore(%arg21 : memref<!tpu.dma_semaphore, #tpu.memory_space<semaphore_mem>>) src(%dma_wait3A_181 : memref<10496x32xf32, #tpu.memory_space<hbm>>) dst(%arg12 : memref<128x32xf32, #tpu.memory_space<vmem>>)
      %dma_start3A_182 = arith.constant 0 : i32
      %dma_start3A_183 = tpu.memref_slice %arg9[%add3A_175, %dma_start3A_182] : memref<80x128xi32, #tpu.memory_space<vmem>> -> memref<1x128xi32, #tpu.memory_space<vmem>>
      %dma_start3A_184 = tpu.memref_squeeze %dma_start3A_183 : memref<1x128xi32, #tpu.memory_space<vmem>> -> memref<128xi32, #tpu.memory_space<vmem>>
      %dma_start3A_185 = arith.constant 0 : i32
      %dma_start3A_186 = arith.constant 0 : i32
      %dma_start3A_187 = tpu.memref_slice %arg18[%dma_start3A_185, %dma_start3A_186] : memref<10496x32xf32, #tpu.memory_space<vmem_shared>> -> memref<10496x32xf32, #tpu.memory_space<vmem_shared>>
      tpu.enqueue_indirect_dma source(%arg12 : memref<128x32xf32, #tpu.memory_space<vmem>>) target(%dma_start3A_187 : memref<10496x32xf32, #tpu.memory_space<vmem_shared>>) offsets(%dma_start3A_184 : memref<128xi32, #tpu.memory_space<vmem>>) semaphore(%arg29 : memref<!tpu.dma_semaphore, #tpu.memory_space<semaphore_mem>>) {add = true}
      %gt3A_188 = arith.constant 0 : i32
      %gt3A_189 = arith.cmpi sgt, %scan3A_130, %gt3A_188 : i32
      %convert_element_type3A_190 = arith.extui %gt3A_189 : i1 to i32
      %cond3A_191 = arith.constant 0 : i32
      %cond3A_192 = arith.cmpi ne, %convert_element_type3A_190, %cond3A_191 : i32
      scf.if %cond3A_192 {
        %sub3A = arith.constant 4 : i32
        %sub3A_297 = arith.subi %add3A_175, %sub3A : i32
        %dma_wait3A_298 = arith.constant 0 : i32
        %dma_wait3A_299 = tpu.memref_slice %arg9[%sub3A_297, %dma_wait3A_298] : memref<80x128xi32, #tpu.memory_space<vmem>> -> memref<1x128xi32, #tpu.memory_space<vmem>>
        %dma_wait3A_300 = tpu.memref_squeeze %dma_wait3A_299 : memref<1x128xi32, #tpu.memory_space<vmem>> -> memref<128xi32, #tpu.memory_space<vmem>>
        %dma_wait3A_301 = arith.constant 0 : i32
        %dma_wait3A_302 = arith.constant 0 : i32
        %dma_wait3A_303 = tpu.memref_slice %arg18[%dma_wait3A_301, %dma_wait3A_302] : memref<10496x32xf32, #tpu.memory_space<vmem_shared>> -> memref<10496x32xf32, #tpu.memory_space<vmem_shared>>
        tpu.wait_indirect_dma semaphore(%arg33 : memref<!tpu.dma_semaphore, #tpu.memory_space<semaphore_mem>>) src(%arg16 : memref<128x32xf32, #tpu.memory_space<vmem>>) dst(%dma_wait3A_303 : memref<10496x32xf32, #tpu.memory_space<vmem_shared>>)
        %add3A_304 = arith.constant 4 : i32
        %add3A_305 = arith.addi %add3A_175, %add3A_304 : i32
        %dma_start3A_306 = arith.constant 0 : i32
        %dma_start3A_307 = tpu.memref_slice %arg8[%add3A_305, %dma_start3A_306] : memref<80x128xi32, #tpu.memory_space<vmem>> -> memref<1x128xi32, #tpu.memory_space<vmem>>
        %dma_start3A_308 = tpu.memref_squeeze %dma_start3A_307 : memref<1x128xi32, #tpu.memory_space<vmem>> -> memref<128xi32, #tpu.memory_space<vmem>>
        %dma_start3A_309 = arith.constant 0 : i32
        %dma_start3A_310 = arith.constant 0 : i32
        %dma_start3A_311 = tpu.memref_slice %arg4[%dma_start3A_309, %dma_start3A_310] : memref<10496x32xf32, #tpu.memory_space<hbm>> -> memref<10496x32xf32, #tpu.memory_space<hbm>>
        tpu.enqueue_indirect_dma source(%dma_start3A_311 : memref<10496x32xf32, #tpu.memory_space<hbm>>) target(%arg16 : memref<128x32xf32, #tpu.memory_space<vmem>>) offsets(%dma_start3A_308 : memref<128xi32, #tpu.memory_space<vmem>>) semaphore(%arg25 : memref<!tpu.dma_semaphore, #tpu.memory_space<semaphore_mem>>)
      } else {
      }
      %mul3A_193 = arith.constant 8 : i32
      %mul3A_194 = arith.muli %mul3A_193, %scan3A_130 : i32
      %add3A_195 = arith.constant 3 : i32
      %add3A_196 = arith.addi %mul3A_194, %add3A_195 : i32
      %dma_wait3A_197 = arith.constant 0 : i32
      %dma_wait3A_198 = tpu.memref_slice %arg8[%add3A_196, %dma_wait3A_197] : memref<80x128xi32, #tpu.memory_space<vmem>> -> memref<1x128xi32, #tpu.memory_space<vmem>>
      %dma_wait3A_199 = tpu.memref_squeeze %dma_wait3A_198 : memref<1x128xi32, #tpu.memory_space<vmem>> -> memref<128xi32, #tpu.memory_space<vmem>>
      %dma_wait3A_200 = arith.constant 0 : i32
      %dma_wait3A_201 = arith.constant 0 : i32
      %dma_wait3A_202 = tpu.memref_slice %arg4[%dma_wait3A_200, %dma_wait3A_201] : memref<10496x32xf32, #tpu.memory_space<hbm>> -> memref<10496x32xf32, #tpu.memory_space<hbm>>
      tpu.wait_indirect_dma semaphore(%arg22 : memref<!tpu.dma_semaphore, #tpu.memory_space<semaphore_mem>>) src(%dma_wait3A_202 : memref<10496x32xf32, #tpu.memory_space<hbm>>) dst(%arg13 : memref<128x32xf32, #tpu.memory_space<vmem>>)
      %dma_start3A_203 = arith.constant 0 : i32
      %dma_start3A_204 = tpu.memref_slice %arg9[%add3A_196, %dma_start3A_203] : memref<80x128xi32, #tpu.memory_space<vmem>> -> memref<1x128xi32, #tpu.memory_space<vmem>>
      %dma_start3A_205 = tpu.memref_squeeze %dma_start3A_204 : memref<1x128xi32, #tpu.memory_space<vmem>> -> memref<128xi32, #tpu.memory_space<vmem>>
      %dma_start3A_206 = arith.constant 0 : i32
      %dma_start3A_207 = arith.constant 0 : i32
      %dma_start3A_208 = tpu.memref_slice %arg18[%dma_start3A_206, %dma_start3A_207] : memref<10496x32xf32, #tpu.memory_space<vmem_shared>> -> memref<10496x32xf32, #tpu.memory_space<vmem_shared>>
      tpu.enqueue_indirect_dma source(%arg13 : memref<128x32xf32, #tpu.memory_space<vmem>>) target(%dma_start3A_208 : memref<10496x32xf32, #tpu.memory_space<vmem_shared>>) offsets(%dma_start3A_205 : memref<128xi32, #tpu.memory_space<vmem>>) semaphore(%arg30 : memref<!tpu.dma_semaphore, #tpu.memory_space<semaphore_mem>>) {add = true}
      %gt3A_209 = arith.constant 0 : i32
      %gt3A_210 = arith.cmpi sgt, %scan3A_130, %gt3A_209 : i32
      %convert_element_type3A_211 = arith.extui %gt3A_210 : i1 to i32
      %cond3A_212 = arith.constant 0 : i32
      %cond3A_213 = arith.cmpi ne, %convert_element_type3A_211, %cond3A_212 : i32
      scf.if %cond3A_213 {
        %sub3A = arith.constant 4 : i32
        %sub3A_297 = arith.subi %add3A_196, %sub3A : i32
        %dma_wait3A_298 = arith.constant 0 : i32
        %dma_wait3A_299 = tpu.memref_slice %arg9[%sub3A_297, %dma_wait3A_298] : memref<80x128xi32, #tpu.memory_space<vmem>> -> memref<1x128xi32, #tpu.memory_space<vmem>>
        %dma_wait3A_300 = tpu.memref_squeeze %dma_wait3A_299 : memref<1x128xi32, #tpu.memory_space<vmem>> -> memref<128xi32, #tpu.memory_space<vmem>>
        %dma_wait3A_301 = arith.constant 0 : i32
        %dma_wait3A_302 = arith.constant 0 : i32
        %dma_wait3A_303 = tpu.memref_slice %arg18[%dma_wait3A_301, %dma_wait3A_302] : memref<10496x32xf32, #tpu.memory_space<vmem_shared>> -> memref<10496x32xf32, #tpu.memory_space<vmem_shared>>
        tpu.wait_indirect_dma semaphore(%arg34 : memref<!tpu.dma_semaphore, #tpu.memory_space<semaphore_mem>>) src(%arg17 : memref<128x32xf32, #tpu.memory_space<vmem>>) dst(%dma_wait3A_303 : memref<10496x32xf32, #tpu.memory_space<vmem_shared>>)
        %add3A_304 = arith.constant 4 : i32
        %add3A_305 = arith.addi %add3A_196, %add3A_304 : i32
        %dma_start3A_306 = arith.constant 0 : i32
        %dma_start3A_307 = tpu.memref_slice %arg8[%add3A_305, %dma_start3A_306] : memref<80x128xi32, #tpu.memory_space<vmem>> -> memref<1x128xi32, #tpu.memory_space<vmem>>
        %dma_start3A_308 = tpu.memref_squeeze %dma_start3A_307 : memref<1x128xi32, #tpu.memory_space<vmem>> -> memref<128xi32, #tpu.memory_space<vmem>>
        %dma_start3A_309 = arith.constant 0 : i32
        %dma_start3A_310 = arith.constant 0 : i32
        %dma_start3A_311 = tpu.memref_slice %arg4[%dma_start3A_309, %dma_start3A_310] : memref<10496x32xf32, #tpu.memory_space<hbm>> -> memref<10496x32xf32, #tpu.memory_space<hbm>>
        tpu.enqueue_indirect_dma source(%dma_start3A_311 : memref<10496x32xf32, #tpu.memory_space<hbm>>) target(%arg17 : memref<128x32xf32, #tpu.memory_space<vmem>>) offsets(%dma_start3A_308 : memref<128xi32, #tpu.memory_space<vmem>>) semaphore(%arg26 : memref<!tpu.dma_semaphore, #tpu.memory_space<semaphore_mem>>)
      } else {
      }
      %mul3A_214 = arith.constant 8 : i32
      %mul3A_215 = arith.muli %mul3A_214, %scan3A_130 : i32
      %add3A_216 = arith.constant 4 : i32
      %add3A_217 = arith.addi %mul3A_215, %add3A_216 : i32
      %dma_wait3A_218 = arith.constant 0 : i32
      %dma_wait3A_219 = tpu.memref_slice %arg8[%add3A_217, %dma_wait3A_218] : memref<80x128xi32, #tpu.memory_space<vmem>> -> memref<1x128xi32, #tpu.memory_space<vmem>>
      %dma_wait3A_220 = tpu.memref_squeeze %dma_wait3A_219 : memref<1x128xi32, #tpu.memory_space<vmem>> -> memref<128xi32, #tpu.memory_space<vmem>>
      %dma_wait3A_221 = arith.constant 0 : i32
      %dma_wait3A_222 = arith.constant 0 : i32
      %dma_wait3A_223 = tpu.memref_slice %arg4[%dma_wait3A_221, %dma_wait3A_222] : memref<10496x32xf32, #tpu.memory_space<hbm>> -> memref<10496x32xf32, #tpu.memory_space<hbm>>
      tpu.wait_indirect_dma semaphore(%arg23 : memref<!tpu.dma_semaphore, #tpu.memory_space<semaphore_mem>>) src(%dma_wait3A_223 : memref<10496x32xf32, #tpu.memory_space<hbm>>) dst(%arg14 : memref<128x32xf32, #tpu.memory_space<vmem>>)
      %dma_start3A_224 = arith.constant 0 : i32
      %dma_start3A_225 = tpu.memref_slice %arg9[%add3A_217, %dma_start3A_224] : memref<80x128xi32, #tpu.memory_space<vmem>> -> memref<1x128xi32, #tpu.memory_space<vmem>>
      %dma_start3A_226 = tpu.memref_squeeze %dma_start3A_225 : memref<1x128xi32, #tpu.memory_space<vmem>> -> memref<128xi32, #tpu.memory_space<vmem>>
      %dma_start3A_227 = arith.constant 0 : i32
      %dma_start3A_228 = arith.constant 0 : i32
      %dma_start3A_229 = tpu.memref_slice %arg18[%dma_start3A_227, %dma_start3A_228] : memref<10496x32xf32, #tpu.memory_space<vmem_shared>> -> memref<10496x32xf32, #tpu.memory_space<vmem_shared>>
      tpu.enqueue_indirect_dma source(%arg14 : memref<128x32xf32, #tpu.memory_space<vmem>>) target(%dma_start3A_229 : memref<10496x32xf32, #tpu.memory_space<vmem_shared>>) offsets(%dma_start3A_226 : memref<128xi32, #tpu.memory_space<vmem>>) semaphore(%arg31 : memref<!tpu.dma_semaphore, #tpu.memory_space<semaphore_mem>>) {add = true}
      %lt3A = arith.constant 9 : i32
      %lt3A_230 = arith.cmpi slt, %scan3A_130, %lt3A : i32
      %convert_element_type3A_231 = arith.extui %lt3A_230 : i1 to i32
      %cond3A_232 = arith.constant 0 : i32
      %cond3A_233 = arith.cmpi ne, %convert_element_type3A_231, %cond3A_232 : i32
      scf.if %cond3A_233 {
        %sub3A = arith.constant 4 : i32
        %sub3A_297 = arith.subi %add3A_217, %sub3A : i32
        %dma_wait3A_298 = arith.constant 0 : i32
        %dma_wait3A_299 = tpu.memref_slice %arg9[%sub3A_297, %dma_wait3A_298] : memref<80x128xi32, #tpu.memory_space<vmem>> -> memref<1x128xi32, #tpu.memory_space<vmem>>
        %dma_wait3A_300 = tpu.memref_squeeze %dma_wait3A_299 : memref<1x128xi32, #tpu.memory_space<vmem>> -> memref<128xi32, #tpu.memory_space<vmem>>
        %dma_wait3A_301 = arith.constant 0 : i32
        %dma_wait3A_302 = arith.constant 0 : i32
        %dma_wait3A_303 = tpu.memref_slice %arg18[%dma_wait3A_301, %dma_wait3A_302] : memref<10496x32xf32, #tpu.memory_space<vmem_shared>> -> memref<10496x32xf32, #tpu.memory_space<vmem_shared>>
        tpu.wait_indirect_dma semaphore(%arg27 : memref<!tpu.dma_semaphore, #tpu.memory_space<semaphore_mem>>) src(%arg10 : memref<128x32xf32, #tpu.memory_space<vmem>>) dst(%dma_wait3A_303 : memref<10496x32xf32, #tpu.memory_space<vmem_shared>>)
        %add3A_304 = arith.constant 4 : i32
        %add3A_305 = arith.addi %add3A_217, %add3A_304 : i32
        %dma_start3A_306 = arith.constant 0 : i32
        %dma_start3A_307 = tpu.memref_slice %arg8[%add3A_305, %dma_start3A_306] : memref<80x128xi32, #tpu.memory_space<vmem>> -> memref<1x128xi32, #tpu.memory_space<vmem>>
        %dma_start3A_308 = tpu.memref_squeeze %dma_start3A_307 : memref<1x128xi32, #tpu.memory_space<vmem>> -> memref<128xi32, #tpu.memory_space<vmem>>
        %dma_start3A_309 = arith.constant 0 : i32
        %dma_start3A_310 = arith.constant 0 : i32
        %dma_start3A_311 = tpu.memref_slice %arg4[%dma_start3A_309, %dma_start3A_310] : memref<10496x32xf32, #tpu.memory_space<hbm>> -> memref<10496x32xf32, #tpu.memory_space<hbm>>
        tpu.enqueue_indirect_dma source(%dma_start3A_311 : memref<10496x32xf32, #tpu.memory_space<hbm>>) target(%arg10 : memref<128x32xf32, #tpu.memory_space<vmem>>) offsets(%dma_start3A_308 : memref<128xi32, #tpu.memory_space<vmem>>) semaphore(%arg19 : memref<!tpu.dma_semaphore, #tpu.memory_space<semaphore_mem>>)
      } else {
      }
      %mul3A_234 = arith.constant 8 : i32
      %mul3A_235 = arith.muli %mul3A_234, %scan3A_130 : i32
      %add3A_236 = arith.constant 5 : i32
      %add3A_237 = arith.addi %mul3A_235, %add3A_236 : i32
      %dma_wait3A_238 = arith.constant 0 : i32
      %dma_wait3A_239 = tpu.memref_slice %arg8[%add3A_237, %dma_wait3A_238] : memref<80x128xi32, #tpu.memory_space<vmem>> -> memref<1x128xi32, #tpu.memory_space<vmem>>
      %dma_wait3A_240 = tpu.memref_squeeze %dma_wait3A_239 : memref<1x128xi32, #tpu.memory_space<vmem>> -> memref<128xi32, #tpu.memory_space<vmem>>
      %dma_wait3A_241 = arith.constant 0 : i32
      %dma_wait3A_242 = arith.constant 0 : i32
      %dma_wait3A_243 = tpu.memref_slice %arg4[%dma_wait3A_241, %dma_wait3A_242] : memref<10496x32xf32, #tpu.memory_space<hbm>> -> memref<10496x32xf32, #tpu.memory_space<hbm>>
      tpu.wait_indirect_dma semaphore(%arg24 : memref<!tpu.dma_semaphore, #tpu.memory_space<semaphore_mem>>) src(%dma_wait3A_243 : memref<10496x32xf32, #tpu.memory_space<hbm>>) dst(%arg15 : memref<128x32xf32, #tpu.memory_space<vmem>>)
      %dma_start3A_244 = arith.constant 0 : i32
      %dma_start3A_245 = tpu.memref_slice %arg9[%add3A_237, %dma_start3A_244] : memref<80x128xi32, #tpu.memory_space<vmem>> -> memref<1x128xi32, #tpu.memory_space<vmem>>
      %dma_start3A_246 = tpu.memref_squeeze %dma_start3A_245 : memref<1x128xi32, #tpu.memory_space<vmem>> -> memref<128xi32, #tpu.memory_space<vmem>>
      %dma_start3A_247 = arith.constant 0 : i32
      %dma_start3A_248 = arith.constant 0 : i32
      %dma_start3A_249 = tpu.memref_slice %arg18[%dma_start3A_247, %dma_start3A_248] : memref<10496x32xf32, #tpu.memory_space<vmem_shared>> -> memref<10496x32xf32, #tpu.memory_space<vmem_shared>>
      tpu.enqueue_indirect_dma source(%arg15 : memref<128x32xf32, #tpu.memory_space<vmem>>) target(%dma_start3A_249 : memref<10496x32xf32, #tpu.memory_space<vmem_shared>>) offsets(%dma_start3A_246 : memref<128xi32, #tpu.memory_space<vmem>>) semaphore(%arg32 : memref<!tpu.dma_semaphore, #tpu.memory_space<semaphore_mem>>) {add = true}
      %lt3A_250 = arith.constant 9 : i32
      %lt3A_251 = arith.cmpi slt, %scan3A_130, %lt3A_250 : i32
      %convert_element_type3A_252 = arith.extui %lt3A_251 : i1 to i32
      %cond3A_253 = arith.constant 0 : i32
      %cond3A_254 = arith.cmpi ne, %convert_element_type3A_252, %cond3A_253 : i32
      scf.if %cond3A_254 {
        %sub3A = arith.constant 4 : i32
        %sub3A_297 = arith.subi %add3A_237, %sub3A : i32
        %dma_wait3A_298 = arith.constant 0 : i32
        %dma_wait3A_299 = tpu.memref_slice %arg9[%sub3A_297, %dma_wait3A_298] : memref<80x128xi32, #tpu.memory_space<vmem>> -> memref<1x128xi32, #tpu.memory_space<vmem>>
        %dma_wait3A_300 = tpu.memref_squeeze %dma_wait3A_299 : memref<1x128xi32, #tpu.memory_space<vmem>> -> memref<128xi32, #tpu.memory_space<vmem>>
        %dma_wait3A_301 = arith.constant 0 : i32
        %dma_wait3A_302 = arith.constant 0 : i32
        %dma_wait3A_303 = tpu.memref_slice %arg18[%dma_wait3A_301, %dma_wait3A_302] : memref<10496x32xf32, #tpu.memory_space<vmem_shared>> -> memref<10496x32xf32, #tpu.memory_space<vmem_shared>>
        tpu.wait_indirect_dma semaphore(%arg28 : memref<!tpu.dma_semaphore, #tpu.memory_space<semaphore_mem>>) src(%arg11 : memref<128x32xf32, #tpu.memory_space<vmem>>) dst(%dma_wait3A_303 : memref<10496x32xf32, #tpu.memory_space<vmem_shared>>)
        %add3A_304 = arith.constant 4 : i32
        %add3A_305 = arith.addi %add3A_237, %add3A_304 : i32
        %dma_start3A_306 = arith.constant 0 : i32
        %dma_start3A_307 = tpu.memref_slice %arg8[%add3A_305, %dma_start3A_306] : memref<80x128xi32, #tpu.memory_space<vmem>> -> memref<1x128xi32, #tpu.memory_space<vmem>>
        %dma_start3A_308 = tpu.memref_squeeze %dma_start3A_307 : memref<1x128xi32, #tpu.memory_space<vmem>> -> memref<128xi32, #tpu.memory_space<vmem>>
        %dma_start3A_309 = arith.constant 0 : i32
        %dma_start3A_310 = arith.constant 0 : i32
        %dma_start3A_311 = tpu.memref_slice %arg4[%dma_start3A_309, %dma_start3A_310] : memref<10496x32xf32, #tpu.memory_space<hbm>> -> memref<10496x32xf32, #tpu.memory_space<hbm>>
        tpu.enqueue_indirect_dma source(%dma_start3A_311 : memref<10496x32xf32, #tpu.memory_space<hbm>>) target(%arg11 : memref<128x32xf32, #tpu.memory_space<vmem>>) offsets(%dma_start3A_308 : memref<128xi32, #tpu.memory_space<vmem>>) semaphore(%arg20 : memref<!tpu.dma_semaphore, #tpu.memory_space<semaphore_mem>>)
      } else {
      }
      %mul3A_255 = arith.constant 8 : i32
      %mul3A_256 = arith.muli %mul3A_255, %scan3A_130 : i32
      %add3A_257 = arith.constant 6 : i32
      %add3A_258 = arith.addi %mul3A_256, %add3A_257 : i32
      %dma_wait3A_259 = arith.constant 0 : i32
      %dma_wait3A_260 = tpu.memref_slice %arg8[%add3A_258, %dma_wait3A_259] : memref<80x128xi32, #tpu.memory_space<vmem>> -> memref<1x128xi32, #tpu.memory_space<vmem>>
      %dma_wait3A_261 = tpu.memref_squeeze %dma_wait3A_260 : memref<1x128xi32, #tpu.memory_space<vmem>> -> memref<128xi32, #tpu.memory_space<vmem>>
      %dma_wait3A_262 = arith.constant 0 : i32
      %dma_wait3A_263 = arith.constant 0 : i32
      %dma_wait3A_264 = tpu.memref_slice %arg4[%dma_wait3A_262, %dma_wait3A_263] : memref<10496x32xf32, #tpu.memory_space<hbm>> -> memref<10496x32xf32, #tpu.memory_space<hbm>>
      tpu.wait_indirect_dma semaphore(%arg25 : memref<!tpu.dma_semaphore, #tpu.memory_space<semaphore_mem>>) src(%dma_wait3A_264 : memref<10496x32xf32, #tpu.memory_space<hbm>>) dst(%arg16 : memref<128x32xf32, #tpu.memory_space<vmem>>)
      %dma_start3A_265 = arith.constant 0 : i32
      %dma_start3A_266 = tpu.memref_slice %arg9[%add3A_258, %dma_start3A_265] : memref<80x128xi32, #tpu.memory_space<vmem>> -> memref<1x128xi32, #tpu.memory_space<vmem>>
      %dma_start3A_267 = tpu.memref_squeeze %dma_start3A_266 : memref<1x128xi32, #tpu.memory_space<vmem>> -> memref<128xi32, #tpu.memory_space<vmem>>
      %dma_start3A_268 = arith.constant 0 : i32
      %dma_start3A_269 = arith.constant 0 : i32
      %dma_start3A_270 = tpu.memref_slice %arg18[%dma_start3A_268, %dma_start3A_269] : memref<10496x32xf32, #tpu.memory_space<vmem_shared>> -> memref<10496x32xf32, #tpu.memory_space<vmem_shared>>
      tpu.enqueue_indirect_dma source(%arg16 : memref<128x32xf32, #tpu.memory_space<vmem>>) target(%dma_start3A_270 : memref<10496x32xf32, #tpu.memory_space<vmem_shared>>) offsets(%dma_start3A_267 : memref<128xi32, #tpu.memory_space<vmem>>) semaphore(%arg33 : memref<!tpu.dma_semaphore, #tpu.memory_space<semaphore_mem>>) {add = true}
      %lt3A_271 = arith.constant 9 : i32
      %lt3A_272 = arith.cmpi slt, %scan3A_130, %lt3A_271 : i32
      %convert_element_type3A_273 = arith.extui %lt3A_272 : i1 to i32
      %cond3A_274 = arith.constant 0 : i32
      %cond3A_275 = arith.cmpi ne, %convert_element_type3A_273, %cond3A_274 : i32
      scf.if %cond3A_275 {
        %sub3A = arith.constant 4 : i32
        %sub3A_297 = arith.subi %add3A_258, %sub3A : i32
        %dma_wait3A_298 = arith.constant 0 : i32
        %dma_wait3A_299 = tpu.memref_slice %arg9[%sub3A_297, %dma_wait3A_298] : memref<80x128xi32, #tpu.memory_space<vmem>> -> memref<1x128xi32, #tpu.memory_space<vmem>>
        %dma_wait3A_300 = tpu.memref_squeeze %dma_wait3A_299 : memref<1x128xi32, #tpu.memory_space<vmem>> -> memref<128xi32, #tpu.memory_space<vmem>>
        %dma_wait3A_301 = arith.constant 0 : i32
        %dma_wait3A_302 = arith.constant 0 : i32
        %dma_wait3A_303 = tpu.memref_slice %arg18[%dma_wait3A_301, %dma_wait3A_302] : memref<10496x32xf32, #tpu.memory_space<vmem_shared>> -> memref<10496x32xf32, #tpu.memory_space<vmem_shared>>
        tpu.wait_indirect_dma semaphore(%arg29 : memref<!tpu.dma_semaphore, #tpu.memory_space<semaphore_mem>>) src(%arg12 : memref<128x32xf32, #tpu.memory_space<vmem>>) dst(%dma_wait3A_303 : memref<10496x32xf32, #tpu.memory_space<vmem_shared>>)
        %add3A_304 = arith.constant 4 : i32
        %add3A_305 = arith.addi %add3A_258, %add3A_304 : i32
        %dma_start3A_306 = arith.constant 0 : i32
        %dma_start3A_307 = tpu.memref_slice %arg8[%add3A_305, %dma_start3A_306] : memref<80x128xi32, #tpu.memory_space<vmem>> -> memref<1x128xi32, #tpu.memory_space<vmem>>
        %dma_start3A_308 = tpu.memref_squeeze %dma_start3A_307 : memref<1x128xi32, #tpu.memory_space<vmem>> -> memref<128xi32, #tpu.memory_space<vmem>>
        %dma_start3A_309 = arith.constant 0 : i32
        %dma_start3A_310 = arith.constant 0 : i32
        %dma_start3A_311 = tpu.memref_slice %arg4[%dma_start3A_309, %dma_start3A_310] : memref<10496x32xf32, #tpu.memory_space<hbm>> -> memref<10496x32xf32, #tpu.memory_space<hbm>>
        tpu.enqueue_indirect_dma source(%dma_start3A_311 : memref<10496x32xf32, #tpu.memory_space<hbm>>) target(%arg12 : memref<128x32xf32, #tpu.memory_space<vmem>>) offsets(%dma_start3A_308 : memref<128xi32, #tpu.memory_space<vmem>>) semaphore(%arg21 : memref<!tpu.dma_semaphore, #tpu.memory_space<semaphore_mem>>)
      } else {
      }
      %mul3A_276 = arith.constant 8 : i32
      %mul3A_277 = arith.muli %mul3A_276, %scan3A_130 : i32
      %add3A_278 = arith.constant 7 : i32
      %add3A_279 = arith.addi %mul3A_277, %add3A_278 : i32
      %dma_wait3A_280 = arith.constant 0 : i32
      %dma_wait3A_281 = tpu.memref_slice %arg8[%add3A_279, %dma_wait3A_280] : memref<80x128xi32, #tpu.memory_space<vmem>> -> memref<1x128xi32, #tpu.memory_space<vmem>>
      %dma_wait3A_282 = tpu.memref_squeeze %dma_wait3A_281 : memref<1x128xi32, #tpu.memory_space<vmem>> -> memref<128xi32, #tpu.memory_space<vmem>>
      %dma_wait3A_283 = arith.constant 0 : i32
      %dma_wait3A_284 = arith.constant 0 : i32
      %dma_wait3A_285 = tpu.memref_slice %arg4[%dma_wait3A_283, %dma_wait3A_284] : memref<10496x32xf32, #tpu.memory_space<hbm>> -> memref<10496x32xf32, #tpu.memory_space<hbm>>
      tpu.wait_indirect_dma semaphore(%arg26 : memref<!tpu.dma_semaphore, #tpu.memory_space<semaphore_mem>>) src(%dma_wait3A_285 : memref<10496x32xf32, #tpu.memory_space<hbm>>) dst(%arg17 : memref<128x32xf32, #tpu.memory_space<vmem>>)
      %dma_start3A_286 = arith.constant 0 : i32
      %dma_start3A_287 = tpu.memref_slice %arg9[%add3A_279, %dma_start3A_286] : memref<80x128xi32, #tpu.memory_space<vmem>> -> memref<1x128xi32, #tpu.memory_space<vmem>>
      %dma_start3A_288 = tpu.memref_squeeze %dma_start3A_287 : memref<1x128xi32, #tpu.memory_space<vmem>> -> memref<128xi32, #tpu.memory_space<vmem>>
      %dma_start3A_289 = arith.constant 0 : i32
      %dma_start3A_290 = arith.constant 0 : i32
      %dma_start3A_291 = tpu.memref_slice %arg18[%dma_start3A_289, %dma_start3A_290] : memref<10496x32xf32, #tpu.memory_space<vmem_shared>> -> memref<10496x32xf32, #tpu.memory_space<vmem_shared>>
      tpu.enqueue_indirect_dma source(%arg17 : memref<128x32xf32, #tpu.memory_space<vmem>>) target(%dma_start3A_291 : memref<10496x32xf32, #tpu.memory_space<vmem_shared>>) offsets(%dma_start3A_288 : memref<128xi32, #tpu.memory_space<vmem>>) semaphore(%arg34 : memref<!tpu.dma_semaphore, #tpu.memory_space<semaphore_mem>>) {add = true}
      %lt3A_292 = arith.constant 9 : i32
      %lt3A_293 = arith.cmpi slt, %scan3A_130, %lt3A_292 : i32
      %convert_element_type3A_294 = arith.extui %lt3A_293 : i1 to i32
      %cond3A_295 = arith.constant 0 : i32
      %cond3A_296 = arith.cmpi ne, %convert_element_type3A_294, %cond3A_295 : i32
      scf.if %cond3A_296 {
        %sub3A = arith.constant 4 : i32
        %sub3A_297 = arith.subi %add3A_279, %sub3A : i32
        %dma_wait3A_298 = arith.constant 0 : i32
        %dma_wait3A_299 = tpu.memref_slice %arg9[%sub3A_297, %dma_wait3A_298] : memref<80x128xi32, #tpu.memory_space<vmem>> -> memref<1x128xi32, #tpu.memory_space<vmem>>
        %dma_wait3A_300 = tpu.memref_squeeze %dma_wait3A_299 : memref<1x128xi32, #tpu.memory_space<vmem>> -> memref<128xi32, #tpu.memory_space<vmem>>
        %dma_wait3A_301 = arith.constant 0 : i32
        %dma_wait3A_302 = arith.constant 0 : i32
        %dma_wait3A_303 = tpu.memref_slice %arg18[%dma_wait3A_301, %dma_wait3A_302] : memref<10496x32xf32, #tpu.memory_space<vmem_shared>> -> memref<10496x32xf32, #tpu.memory_space<vmem_shared>>
        tpu.wait_indirect_dma semaphore(%arg30 : memref<!tpu.dma_semaphore, #tpu.memory_space<semaphore_mem>>) src(%arg13 : memref<128x32xf32, #tpu.memory_space<vmem>>) dst(%dma_wait3A_303 : memref<10496x32xf32, #tpu.memory_space<vmem_shared>>)
        %add3A_304 = arith.constant 4 : i32
        %add3A_305 = arith.addi %add3A_279, %add3A_304 : i32
        %dma_start3A_306 = arith.constant 0 : i32
        %dma_start3A_307 = tpu.memref_slice %arg8[%add3A_305, %dma_start3A_306] : memref<80x128xi32, #tpu.memory_space<vmem>> -> memref<1x128xi32, #tpu.memory_space<vmem>>
        %dma_start3A_308 = tpu.memref_squeeze %dma_start3A_307 : memref<1x128xi32, #tpu.memory_space<vmem>> -> memref<128xi32, #tpu.memory_space<vmem>>
        %dma_start3A_309 = arith.constant 0 : i32
        %dma_start3A_310 = arith.constant 0 : i32
        %dma_start3A_311 = tpu.memref_slice %arg4[%dma_start3A_309, %dma_start3A_310] : memref<10496x32xf32, #tpu.memory_space<hbm>> -> memref<10496x32xf32, #tpu.memory_space<hbm>>
        tpu.enqueue_indirect_dma source(%dma_start3A_311 : memref<10496x32xf32, #tpu.memory_space<hbm>>) target(%arg13 : memref<128x32xf32, #tpu.memory_space<vmem>>) offsets(%dma_start3A_308 : memref<128xi32, #tpu.memory_space<vmem>>) semaphore(%arg22 : memref<!tpu.dma_semaphore, #tpu.memory_space<semaphore_mem>>)
      } else {
      }
    }
    %scan3A_66 = arith.constant 10 : i32
    %dma_wait3A = arith.constant 72 : i32
    %dma_wait3A_67 = arith.constant 0 : i32
    %dma_wait3A_68 = tpu.memref_slice %arg9[%dma_wait3A, %dma_wait3A_67] : memref<80x128xi32, #tpu.memory_space<vmem>> -> memref<1x128xi32, #tpu.memory_space<vmem>>
    %dma_wait3A_69 = tpu.memref_squeeze %dma_wait3A_68 : memref<1x128xi32, #tpu.memory_space<vmem>> -> memref<128xi32, #tpu.memory_space<vmem>>
    %dma_wait3A_70 = arith.constant 0 : i32
    %dma_wait3A_71 = arith.constant 0 : i32
    %dma_wait3A_72 = tpu.memref_slice %arg18[%dma_wait3A_70, %dma_wait3A_71] : memref<10496x32xf32, #tpu.memory_space<vmem_shared>> -> memref<10496x32xf32, #tpu.memory_space<vmem_shared>>
    tpu.wait_indirect_dma semaphore(%arg27 : memref<!tpu.dma_semaphore, #tpu.memory_space<semaphore_mem>>) src(%arg10 : memref<128x32xf32, #tpu.memory_space<vmem>>) dst(%dma_wait3A_72 : memref<10496x32xf32, #tpu.memory_space<vmem_shared>>)
    %dma_wait3A_73 = arith.constant 73 : i32
    %dma_wait3A_74 = arith.constant 0 : i32
    %dma_wait3A_75 = tpu.memref_slice %arg9[%dma_wait3A_73, %dma_wait3A_74] : memref<80x128xi32, #tpu.memory_space<vmem>> -> memref<1x128xi32, #tpu.memory_space<vmem>>
    %dma_wait3A_76 = tpu.memref_squeeze %dma_wait3A_75 : memref<1x128xi32, #tpu.memory_space<vmem>> -> memref<128xi32, #tpu.memory_space<vmem>>
    %dma_wait3A_77 = arith.constant 0 : i32
    %dma_wait3A_78 = arith.constant 0 : i32
    %dma_wait3A_79 = tpu.memref_slice %arg18[%dma_wait3A_77, %dma_wait3A_78] : memref<10496x32xf32, #tpu.memory_space<vmem_shared>> -> memref<10496x32xf32, #tpu.memory_space<vmem_shared>>
    tpu.wait_indirect_dma semaphore(%arg28 : memref<!tpu.dma_semaphore, #tpu.memory_space<semaphore_mem>>) src(%arg11 : memref<128x32xf32, #tpu.memory_space<vmem>>) dst(%dma_wait3A_79 : memref<10496x32xf32, #tpu.memory_space<vmem_shared>>)
    %dma_wait3A_80 = arith.constant 74 : i32
    %dma_wait3A_81 = arith.constant 0 : i32
    %dma_wait3A_82 = tpu.memref_slice %arg9[%dma_wait3A_80, %dma_wait3A_81] : memref<80x128xi32, #tpu.memory_space<vmem>> -> memref<1x128xi32, #tpu.memory_space<vmem>>
    %dma_wait3A_83 = tpu.memref_squeeze %dma_wait3A_82 : memref<1x128xi32, #tpu.memory_space<vmem>> -> memref<128xi32, #tpu.memory_space<vmem>>
    %dma_wait3A_84 = arith.constant 0 : i32
    %dma_wait3A_85 = arith.constant 0 : i32
    %dma_wait3A_86 = tpu.memref_slice %arg18[%dma_wait3A_84, %dma_wait3A_85] : memref<10496x32xf32, #tpu.memory_space<vmem_shared>> -> memref<10496x32xf32, #tpu.memory_space<vmem_shared>>
    tpu.wait_indirect_dma semaphore(%arg29 : memref<!tpu.dma_semaphore, #tpu.memory_space<semaphore_mem>>) src(%arg12 : memref<128x32xf32, #tpu.memory_space<vmem>>) dst(%dma_wait3A_86 : memref<10496x32xf32, #tpu.memory_space<vmem_shared>>)
    %dma_wait3A_87 = arith.constant 75 : i32
    %dma_wait3A_88 = arith.constant 0 : i32
    %dma_wait3A_89 = tpu.memref_slice %arg9[%dma_wait3A_87, %dma_wait3A_88] : memref<80x128xi32, #tpu.memory_space<vmem>> -> memref<1x128xi32, #tpu.memory_space<vmem>>
    %dma_wait3A_90 = tpu.memref_squeeze %dma_wait3A_89 : memref<1x128xi32, #tpu.memory_space<vmem>> -> memref<128xi32, #tpu.memory_space<vmem>>
    %dma_wait3A_91 = arith.constant 0 : i32
    %dma_wait3A_92 = arith.constant 0 : i32
    %dma_wait3A_93 = tpu.memref_slice %arg18[%dma_wait3A_91, %dma_wait3A_92] : memref<10496x32xf32, #tpu.memory_space<vmem_shared>> -> memref<10496x32xf32, #tpu.memory_space<vmem_shared>>
    tpu.wait_indirect_dma semaphore(%arg30 : memref<!tpu.dma_semaphore, #tpu.memory_space<semaphore_mem>>) src(%arg13 : memref<128x32xf32, #tpu.memory_space<vmem>>) dst(%dma_wait3A_93 : memref<10496x32xf32, #tpu.memory_space<vmem_shared>>)
    %dma_wait3A_94 = arith.constant 76 : i32
    %dma_wait3A_95 = arith.constant 0 : i32
    %dma_wait3A_96 = tpu.memref_slice %arg9[%dma_wait3A_94, %dma_wait3A_95] : memref<80x128xi32, #tpu.memory_space<vmem>> -> memref<1x128xi32, #tpu.memory_space<vmem>>
    %dma_wait3A_97 = tpu.memref_squeeze %dma_wait3A_96 : memref<1x128xi32, #tpu.memory_space<vmem>> -> memref<128xi32, #tpu.memory_space<vmem>>
    %dma_wait3A_98 = arith.constant 0 : i32
    %dma_wait3A_99 = arith.constant 0 : i32
    %dma_wait3A_100 = tpu.memref_slice %arg18[%dma_wait3A_98, %dma_wait3A_99] : memref<10496x32xf32, #tpu.memory_space<vmem_shared>> -> memref<10496x32xf32, #tpu.memory_space<vmem_shared>>
    tpu.wait_indirect_dma semaphore(%arg31 : memref<!tpu.dma_semaphore, #tpu.memory_space<semaphore_mem>>) src(%arg14 : memref<128x32xf32, #tpu.memory_space<vmem>>) dst(%dma_wait3A_100 : memref<10496x32xf32, #tpu.memory_space<vmem_shared>>)
    %dma_wait3A_101 = arith.constant 77 : i32
    %dma_wait3A_102 = arith.constant 0 : i32
    %dma_wait3A_103 = tpu.memref_slice %arg9[%dma_wait3A_101, %dma_wait3A_102] : memref<80x128xi32, #tpu.memory_space<vmem>> -> memref<1x128xi32, #tpu.memory_space<vmem>>
    %dma_wait3A_104 = tpu.memref_squeeze %dma_wait3A_103 : memref<1x128xi32, #tpu.memory_space<vmem>> -> memref<128xi32, #tpu.memory_space<vmem>>
    %dma_wait3A_105 = arith.constant 0 : i32
    %dma_wait3A_106 = arith.constant 0 : i32
    %dma_wait3A_107 = tpu.memref_slice %arg18[%dma_wait3A_105, %dma_wait3A_106] : memref<10496x32xf32, #tpu.memory_space<vmem_shared>> -> memref<10496x32xf32, #tpu.memory_space<vmem_shared>>
    tpu.wait_indirect_dma semaphore(%arg32 : memref<!tpu.dma_semaphore, #tpu.memory_space<semaphore_mem>>) src(%arg15 : memref<128x32xf32, #tpu.memory_space<vmem>>) dst(%dma_wait3A_107 : memref<10496x32xf32, #tpu.memory_space<vmem_shared>>)
    %dma_wait3A_108 = arith.constant 78 : i32
    %dma_wait3A_109 = arith.constant 0 : i32
    %dma_wait3A_110 = tpu.memref_slice %arg9[%dma_wait3A_108, %dma_wait3A_109] : memref<80x128xi32, #tpu.memory_space<vmem>> -> memref<1x128xi32, #tpu.memory_space<vmem>>
    %dma_wait3A_111 = tpu.memref_squeeze %dma_wait3A_110 : memref<1x128xi32, #tpu.memory_space<vmem>> -> memref<128xi32, #tpu.memory_space<vmem>>
    %dma_wait3A_112 = arith.constant 0 : i32
    %dma_wait3A_113 = arith.constant 0 : i32
    %dma_wait3A_114 = tpu.memref_slice %arg18[%dma_wait3A_112, %dma_wait3A_113] : memref<10496x32xf32, #tpu.memory_space<vmem_shared>> -> memref<10496x32xf32, #tpu.memory_space<vmem_shared>>
    tpu.wait_indirect_dma semaphore(%arg33 : memref<!tpu.dma_semaphore, #tpu.memory_space<semaphore_mem>>) src(%arg16 : memref<128x32xf32, #tpu.memory_space<vmem>>) dst(%dma_wait3A_114 : memref<10496x32xf32, #tpu.memory_space<vmem_shared>>)
    %dma_wait3A_115 = arith.constant 79 : i32
    %dma_wait3A_116 = arith.constant 0 : i32
    %dma_wait3A_117 = tpu.memref_slice %arg9[%dma_wait3A_115, %dma_wait3A_116] : memref<80x128xi32, #tpu.memory_space<vmem>> -> memref<1x128xi32, #tpu.memory_space<vmem>>
    %dma_wait3A_118 = tpu.memref_squeeze %dma_wait3A_117 : memref<1x128xi32, #tpu.memory_space<vmem>> -> memref<128xi32, #tpu.memory_space<vmem>>
    %dma_wait3A_119 = arith.constant 0 : i32
    %dma_wait3A_120 = arith.constant 0 : i32
    %dma_wait3A_121 = tpu.memref_slice %arg18[%dma_wait3A_119, %dma_wait3A_120] : memref<10496x32xf32, #tpu.memory_space<vmem_shared>> -> memref<10496x32xf32, #tpu.memory_space<vmem_shared>>
    tpu.wait_indirect_dma semaphore(%arg34 : memref<!tpu.dma_semaphore, #tpu.memory_space<semaphore_mem>>) src(%arg17 : memref<128x32xf32, #tpu.memory_space<vmem>>) dst(%dma_wait3A_121 : memref<10496x32xf32, #tpu.memory_space<vmem_shared>>)
    %barrier3A_122 = arith.constant 0 : index
    tpu.barrier barrier_id(%barrier3A_122)
    %eq3A = arith.constant 0 : i32
    %eq3A_123 = arith.cmpi eq, %arg0, %eq3A : i32
    %convert_element_type3A = arith.extui %eq3A_123 : i1 to i32
    %cond3A = arith.constant 0 : i32
    %cond3A_124 = arith.cmpi ne, %convert_element_type3A, %cond3A : i32
    scf.if %cond3A_124 {
      %mul3A_130 = arith.constant 656 : i32
      %mul3A_131 = arith.muli %arg1, %mul3A_130 : i32
      %mul3A_132 = arith.constant 656 : i32
      %mul3A_133 = arith.muli %arg1, %mul3A_132 : i32
      "tpu.region"() ({
        %run_scoped3A = tpu.sem_alloc : memref<!tpu.dma_semaphore, #tpu.memory_space<semaphore_mem>>
        %dma_start3A_134 = arith.constant 0 : i32
        %dma_start3A_135 = tpu.memref_slice %arg6[%mul3A_133, %dma_start3A_134] : memref<10496x32xf32, #tpu.memory_space<hbm>> -> memref<656x32xf32, #tpu.memory_space<hbm>>
        %dma_start3A_136 = arith.constant 0 : i32
        %dma_start3A_137 = tpu.memref_slice %arg18[%mul3A_131, %dma_start3A_136] : memref<10496x32xf32, #tpu.memory_space<vmem_shared>> -> memref<656x32xf32, #tpu.memory_space<vmem_shared>>
        tpu.enqueue_dma source(%dma_start3A_137 : memref<656x32xf32, #tpu.memory_space<vmem_shared>>) target(%dma_start3A_135 : memref<656x32xf32, #tpu.memory_space<hbm>>) target_semaphore(%run_scoped3A : memref<!tpu.dma_semaphore, #tpu.memory_space<semaphore_mem>>)
        %dma_wait3A_138 = arith.constant 0 : i32
        %dma_wait3A_139 = tpu.memref_slice %arg6[%mul3A_133, %dma_wait3A_138] : memref<10496x32xf32, #tpu.memory_space<hbm>> -> memref<656x32xf32, #tpu.memory_space<hbm>>
        %dma_wait3A_140 = arith.constant 0 : i32
        %dma_wait3A_141 = tpu.memref_slice %arg18[%mul3A_131, %dma_wait3A_140] : memref<10496x32xf32, #tpu.memory_space<vmem_shared>> -> memref<656x32xf32, #tpu.memory_space<vmem_shared>>
        tpu.wait_dma2 semaphore(%run_scoped3A : memref<!tpu.dma_semaphore, #tpu.memory_space<semaphore_mem>>) src(%dma_wait3A_141 : memref<656x32xf32, #tpu.memory_space<vmem_shared>>) dst(%dma_wait3A_139 : memref<656x32xf32, #tpu.memory_space<hbm>>)
        tpu.yield
      }) : () -> ()
    } else {
    }
    %eq3A_125 = arith.constant 1 : i32
    %eq3A_126 = arith.cmpi eq, %arg0, %eq3A_125 : i32
    %convert_element_type3A_127 = arith.extui %eq3A_126 : i1 to i32
    %cond3A_128 = arith.constant 0 : i32
    %cond3A_129 = arith.cmpi ne, %convert_element_type3A_127, %cond3A_128 : i32
    scf.if %cond3A_129 {
      %mul3A_130 = arith.constant 656 : i32
      %mul3A_131 = arith.muli %arg1, %mul3A_130 : i32
      %mul3A_132 = arith.constant 656 : i32
      %mul3A_133 = arith.muli %arg1, %mul3A_132 : i32
      "tpu.region"() ({
        %run_scoped3A = tpu.sem_alloc : memref<!tpu.dma_semaphore, #tpu.memory_space<semaphore_mem>>
        %dma_start3A_134 = arith.constant 0 : i32
        %dma_start3A_135 = tpu.memref_slice %arg7[%mul3A_133, %dma_start3A_134] : memref<10496x32xf32, #tpu.memory_space<hbm>> -> memref<656x32xf32, #tpu.memory_space<hbm>>
        %dma_start3A_136 = arith.constant 0 : i32
        %dma_start3A_137 = tpu.memref_slice %arg18[%mul3A_131, %dma_start3A_136] : memref<10496x32xf32, #tpu.memory_space<vmem_shared>> -> memref<656x32xf32, #tpu.memory_space<vmem_shared>>
        tpu.enqueue_dma source(%dma_start3A_137 : memref<656x32xf32, #tpu.memory_space<vmem_shared>>) target(%dma_start3A_135 : memref<656x32xf32, #tpu.memory_space<hbm>>) target_semaphore(%run_scoped3A : memref<!tpu.dma_semaphore, #tpu.memory_space<semaphore_mem>>)
        %dma_wait3A_138 = arith.constant 0 : i32
        %dma_wait3A_139 = tpu.memref_slice %arg7[%mul3A_133, %dma_wait3A_138] : memref<10496x32xf32, #tpu.memory_space<hbm>> -> memref<656x32xf32, #tpu.memory_space<hbm>>
        %dma_wait3A_140 = arith.constant 0 : i32
        %dma_wait3A_141 = tpu.memref_slice %arg18[%mul3A_131, %dma_wait3A_140] : memref<10496x32xf32, #tpu.memory_space<vmem_shared>> -> memref<656x32xf32, #tpu.memory_space<vmem_shared>>
        tpu.wait_dma2 semaphore(%run_scoped3A : memref<!tpu.dma_semaphore, #tpu.memory_space<semaphore_mem>>) src(%dma_wait3A_141 : memref<656x32xf32, #tpu.memory_space<vmem_shared>>) dst(%dma_wait3A_139 : memref<656x32xf32, #tpu.memory_space<hbm>>)
        tpu.yield
      }) : () -> ()
    } else {
    }
    return
  }
}

module attributes {stable_mosaic.version = 14 : i64} {
  func.func @_tc_prep_body(%arg0: memref<10496x128xf32, #tpu.memory_space<vmem>>, %arg1: memref<128x32xf32, #tpu.memory_space<vmem>>, %arg2: memref<10496x16xf32, #tpu.memory_space<vmem>>, %arg3: memref<10496x16xf32, #tpu.memory_space<vmem>>, %arg4: memref<1x10496xi32, #tpu.memory_space<vmem>>, %arg5: memref<256x2xi32, #tpu.memory_space<vmem>>, %arg6: memref<593x593xf32, #tpu.memory_space<vmem>>, %arg7: memref<593x256xf32, #tpu.memory_space<vmem>>, %arg8: memref<1x256xf32, #tpu.memory_space<vmem>>, %arg9: memref<593x593xf32, #tpu.memory_space<vmem>>, %arg10: memref<313x313xf32, #tpu.memory_space<vmem>>, %arg11: memref<313x256xf32, #tpu.memory_space<vmem>>, %arg12: memref<1x256xf32, #tpu.memory_space<vmem>>, %arg13: memref<313x313xf32, #tpu.memory_space<vmem>>, %arg14: memref<256x64xf32, #tpu.memory_space<vmem>>, %arg15: memref<1x64xf32, #tpu.memory_space<vmem>>, %arg16: memref<64x16xf32, #tpu.memory_space<vmem>>, %arg17: memref<1x16xf32, #tpu.memory_space<vmem>>, %arg18: memref<10496x32xf32, #tpu.memory_space<vmem>>, %arg19: memref<10496x32xf32, #tpu.memory_space<vmem>>, %arg20: memref<10496x1xf32, #tpu.memory_space<vmem>>, %arg21: memref<10496x1xf32, #tpu.memory_space<vmem>>, %arg22: memref<256x32xf32, #tpu.memory_space<vmem>>, %arg23: memref<256x1xi32, #tpu.memory_space<vmem>>, %arg24: memref<256x1xi32, #tpu.memory_space<vmem>>) attributes {dimension_semantics = [], scalar_prefetch = 0 : i64, scratch_operands = 0 : i64, tpu.core_type = #tpu.core_type<tc>} {
    %get3A = arith.constant 0 : index
    %get3A_0 = arith.constant 0 : index
    %get3A_1 = vector.load %arg2[%get3A, %get3A_0] : memref<10496x16xf32, #tpu.memory_space<vmem>>, vector<10496x16xf32>
    %get3A_2 = arith.constant 0 : index
    %get3A_3 = arith.constant 0 : index
    %get3A_4 = vector.load %arg3[%get3A_2, %get3A_3] : memref<10496x16xf32, #tpu.memory_space<vmem>>, vector<10496x16xf32>
    %add3A = arith.addf %get3A_1, %get3A_4 : vector<10496x16xf32>
    %reduce_sum3A = arith.constant dense<0.000000e+00> : vector<10496xf32>
    %reduce_sum3A_5 = vector.multi_reduction <add>, %add3A, %reduce_sum3A [1] : vector<10496x16xf32> to vector<10496xf32>
    %broadcast_in_dim3A = vector.shape_cast %reduce_sum3A_5 : vector<10496xf32> to vector<10496x1xf32>
    %mul3A = arith.constant 6.250000e-02 : f32
    %mul3A_6 = vector.broadcast %mul3A : f32 to vector<10496x1xf32>
    %mul3A_7 = arith.mulf %broadcast_in_dim3A, %mul3A_6 : vector<10496x1xf32>
    %add3A_8 = arith.constant 1.000000e+00 : f32
    %add3A_9 = vector.broadcast %add3A_8 : f32 to vector<10496x1xf32>
    %add3A_10 = arith.addf %mul3A_7, %add3A_9 : vector<10496x1xf32>
    %rsqrt3A = math.rsqrt %add3A_10 : vector<10496x1xf32>
    %swap3A = arith.constant 0 : index
    %swap3A_11 = arith.constant 0 : index
    %swap3A_12 = vector.load %arg20[%swap3A, %swap3A_11] : memref<10496x1xf32, #tpu.memory_space<vmem>>, vector<10496x1xf32>
    tpu.vector_store %arg20[%swap3A, %swap3A_11], %rsqrt3A {strides = array<i32>} : memref<10496x1xf32, #tpu.memory_space<vmem>>, vector<10496x1xf32>,
    %mul3A_13 = arith.mulf %rsqrt3A, %rsqrt3A : vector<10496x1xf32>
    %swap3A_14 = arith.constant 0 : index
    %swap3A_15 = arith.constant 0 : index
    %swap3A_16 = vector.load %arg21[%swap3A_14, %swap3A_15] : memref<10496x1xf32, #tpu.memory_space<vmem>>, vector<10496x1xf32>
    tpu.vector_store %arg21[%swap3A_14, %swap3A_15], %mul3A_13 {strides = array<i32>} : memref<10496x1xf32, #tpu.memory_space<vmem>>, vector<10496x1xf32>,
    %get3A_17 = arith.constant 0 : index
    %get3A_18 = arith.constant 0 : index
    %get3A_19 = vector.load %arg0[%get3A_17, %get3A_18] : memref<10496x128xf32, #tpu.memory_space<vmem>>, vector<10496x128xf32>
    %get3A_20 = arith.constant 0 : index
    %get3A_21 = arith.constant 0 : index
    %get3A_22 = vector.load %arg1[%get3A_20, %get3A_21] : memref<128x32xf32, #tpu.memory_space<vmem>>, vector<128x32xf32>
    %dot_general3A = arith.constant dense<0.000000e+00> : vector<10496x32xf32>
    %dot_general3A_23 = tpu.matmul %get3A_19, %get3A_22, %dot_general3A {dimension_numbers = #tpu.dot_dimension_numbers<[1], [0], [0], [1], [0, 0, 1, 1], [], []>, transpose_lhs_hint = false} : vector<10496x128xf32>, vector<128x32xf32>, vector<10496x32xf32> -> vector<10496x32xf32>
    %swap3A_24 = arith.constant 0 : index
    %swap3A_25 = arith.constant 0 : index
    %swap3A_26 = vector.load %arg18[%swap3A_24, %swap3A_25] : memref<10496x32xf32, #tpu.memory_space<vmem>>, vector<10496x32xf32>
    tpu.vector_store %arg18[%swap3A_24, %swap3A_25], %dot_general3A_23 {strides = array<i32>} : memref<10496x32xf32, #tpu.memory_space<vmem>>, vector<10496x32xf32>,
    %mul3A_27 = vector.broadcast %rsqrt3A : vector<10496x1xf32> to vector<10496x32xf32>
    %mul3A_28 = arith.mulf %dot_general3A_23, %mul3A_27 : vector<10496x32xf32>
    %swap3A_29 = arith.constant 0 : index
    %swap3A_30 = arith.constant 0 : index
    %swap3A_31 = vector.load %arg19[%swap3A_29, %swap3A_30] : memref<10496x32xf32, #tpu.memory_space<vmem>>, vector<10496x32xf32>
    tpu.vector_store %arg19[%swap3A_29, %swap3A_30], %mul3A_28 {strides = array<i32>} : memref<10496x32xf32, #tpu.memory_space<vmem>>, vector<10496x32xf32>,
    %get3A_32 = arith.constant 0 : index
    %get3A_33 = arith.constant 0 : index
    %get3A_34 = vector.load %arg4[%get3A_32, %get3A_33] : memref<1x10496xi32, #tpu.memory_space<vmem>>, vector<1x10496xi32>
    %broadcast_in_dim3A_35 = vector.shape_cast %get3A_34 : vector<1x10496xi32> to vector<1x10496xi32>
    %broadcast_in_dim3A_36 = vector.broadcast %broadcast_in_dim3A_35 : vector<1x10496xi32> to vector<256x10496xi32>
    %iota3A = tpu.iota {dimensions = array<i32: 0>} : vector<256x10496xi32>
    %eq3A = arith.cmpi eq, %broadcast_in_dim3A_36, %iota3A : vector<256x10496xi32>
    %convert_element_type3A = arith.extui %eq3A : vector<256x10496xi1> to vector<256x10496xi32>
    %reduce_sum3A_37 = arith.constant dense<0> : vector<256xi32>
    %reduce_sum3A_38 = vector.multi_reduction <add>, %convert_element_type3A, %reduce_sum3A_37 [1] : vector<256x10496xi32> to vector<256xi32>
    %broadcast_in_dim3A_39 = vector.shape_cast %reduce_sum3A_38 : vector<256xi32> to vector<256x1xi32>
    %swap3A_40 = arith.constant 0 : index
    %swap3A_41 = arith.constant 0 : index
    %swap3A_42 = vector.load %arg24[%swap3A_40, %swap3A_41] : memref<256x1xi32, #tpu.memory_space<vmem>>, vector<256x1xi32>
    tpu.vector_store %arg24[%swap3A_40, %swap3A_41], %broadcast_in_dim3A_39 {strides = array<i32>} : memref<256x1xi32, #tpu.memory_space<vmem>>, vector<256x1xi32>,
    %lt3A = arith.cmpi slt, %broadcast_in_dim3A_36, %iota3A : vector<256x10496xi32>
    %convert_element_type3A_43 = arith.extui %lt3A : vector<256x10496xi1> to vector<256x10496xi32>
    %reduce_sum3A_44 = arith.constant dense<0> : vector<256xi32>
    %reduce_sum3A_45 = vector.multi_reduction <add>, %convert_element_type3A_43, %reduce_sum3A_44 [1] : vector<256x10496xi32> to vector<256xi32>
    %broadcast_in_dim3A_46 = vector.shape_cast %reduce_sum3A_45 : vector<256xi32> to vector<256x1xi32>
    %swap3A_47 = arith.constant 0 : index
    %swap3A_48 = arith.constant 0 : index
    %swap3A_49 = vector.load %arg23[%swap3A_47, %swap3A_48] : memref<256x1xi32, #tpu.memory_space<vmem>>, vector<256x1xi32>
    tpu.vector_store %arg23[%swap3A_47, %swap3A_48], %broadcast_in_dim3A_46 {strides = array<i32>} : memref<256x1xi32, #tpu.memory_space<vmem>>, vector<256x1xi32>,
    %get3A_50 = arith.constant 0 : index
    %get3A_51 = arith.constant 0 : index
    %get3A_52 = vector.load %arg6[%get3A_50, %get3A_51] : memref<593x593xf32, #tpu.memory_space<vmem>>, vector<593x593xf32>
    %get3A_53 = arith.constant 0 : index
    %get3A_54 = arith.constant 0 : index
    %get3A_55 = vector.load %arg7[%get3A_53, %get3A_54] : memref<593x256xf32, #tpu.memory_space<vmem>>, vector<593x256xf32>
    %dot_general3A_56 = arith.constant dense<0.000000e+00> : vector<593x256xf32>
    %dot_general3A_57 = tpu.matmul %get3A_52, %get3A_55, %dot_general3A_56 {dimension_numbers = #tpu.dot_dimension_numbers<[1], [0], [0], [1], [0, 0, 1, 1], [], []>, transpose_lhs_hint = false} : vector<593x593xf32>, vector<593x256xf32>, vector<593x256xf32> -> vector<593x256xf32>
    %get3A_58 = arith.constant 0 : index
    %get3A_59 = arith.constant 0 : index
    %get3A_60 = vector.load %arg8[%get3A_58, %get3A_59] : memref<1x256xf32, #tpu.memory_space<vmem>>, vector<1x256xf32>
    %add3A_61 = vector.broadcast %get3A_60 : vector<1x256xf32> to vector<593x256xf32>
    %add3A_62 = arith.addf %dot_general3A_57, %add3A_61 : vector<593x256xf32>
    %get3A_63 = arith.constant 0 : index
    %get3A_64 = arith.constant 0 : index
    %get3A_65 = vector.load %arg9[%get3A_63, %get3A_64] : memref<593x593xf32, #tpu.memory_space<vmem>>, vector<593x593xf32>
    %get3A_66 = arith.constant 0 : index
    %get3A_67 = arith.constant 0 : index
    %get3A_68 = vector.load %arg14[%get3A_66, %get3A_67] : memref<256x64xf32, #tpu.memory_space<vmem>>, vector<256x64xf32>
    %get3A_69 = arith.constant 0 : index
    %get3A_70 = arith.constant 0 : index
    %get3A_71 = vector.load %arg15[%get3A_69, %get3A_70] : memref<1x64xf32, #tpu.memory_space<vmem>>, vector<1x64xf32>
    %get3A_72 = arith.constant 0 : index
    %get3A_73 = arith.constant 0 : index
    %get3A_74 = vector.load %arg16[%get3A_72, %get3A_73] : memref<64x16xf32, #tpu.memory_space<vmem>>, vector<64x16xf32>
    %get3A_75 = arith.constant 0 : index
    %get3A_76 = arith.constant 0 : index
    %get3A_77 = vector.load %arg17[%get3A_75, %get3A_76] : memref<1x16xf32, #tpu.memory_space<vmem>>, vector<1x16xf32>
    %iota3A_78 = tpu.iota {dimensions = array<i32: 0>} : vector<593x593xi32>
    %iota3A_79 = tpu.iota {dimensions = array<i32: 1>} : vector<593x593xi32>
    %eq3A_80 = arith.cmpi eq, %iota3A_78, %iota3A_79 : vector<593x593xi32>
    %jit3A = arith.constant 1.000000e+00 : f32
    %jit3A_81 = arith.constant 0.000000e+00 : f32
    %broadcast_in_dim3A_82 = vector.broadcast %jit3A : f32 to vector<593x593xf32>
    %broadcast_in_dim3A_83 = vector.broadcast %jit3A_81 : f32 to vector<593x593xf32>
    %select_n3A = arith.select %eq3A_80, %broadcast_in_dim3A_82, %broadcast_in_dim3A_83 : vector<593x593xi1>, vector<593x593xf32>
    %add3A_84 = arith.addf %get3A_65, %select_n3A : vector<593x593xf32>
    %reduce_sum3A_85 = arith.constant dense<0.000000e+00> : vector<593xf32>
    %reduce_sum3A_86 = vector.multi_reduction <add>, %add3A_84, %reduce_sum3A_85 [1] : vector<593x593xf32> to vector<593xf32>
    %broadcast_in_dim3A_87 = vector.shape_cast %reduce_sum3A_86 : vector<593xf32> to vector<593x1xf32>
    %rsqrt3A_88 = math.rsqrt %broadcast_in_dim3A_87 : vector<593x1xf32>
    %dot_general3A_89 = arith.constant dense<0.000000e+00> : vector<593x64xf32>
    %dot_general3A_90 = tpu.matmul %add3A_62, %get3A_68, %dot_general3A_89 {dimension_numbers = #tpu.dot_dimension_numbers<[1], [0], [0], [1], [0, 0, 1, 1], [], []>, transpose_lhs_hint = false} : vector<593x256xf32>, vector<256x64xf32>, vector<593x64xf32> -> vector<593x64xf32>
    %mul3A_91 = vector.broadcast %rsqrt3A_88 : vector<593x1xf32> to vector<593x64xf32>
    %mul3A_92 = arith.mulf %mul3A_91, %dot_general3A_90 : vector<593x64xf32>
    %dot_general3A_93 = arith.constant dense<0.000000e+00> : vector<593x64xf32>
    %dot_general3A_94 = tpu.matmul %add3A_84, %mul3A_92, %dot_general3A_93 {dimension_numbers = #tpu.dot_dimension_numbers<[1], [0], [0], [1], [0, 0, 1, 1], [], []>, transpose_lhs_hint = false} : vector<593x593xf32>, vector<593x64xf32>, vector<593x64xf32> -> vector<593x64xf32>
    %mul3A_95 = vector.broadcast %rsqrt3A_88 : vector<593x1xf32> to vector<593x64xf32>
    %mul3A_96 = arith.mulf %mul3A_95, %dot_general3A_94 : vector<593x64xf32>
    %add3A_97 = vector.broadcast %get3A_71 : vector<1x64xf32> to vector<593x64xf32>
    %add3A_98 = arith.addf %mul3A_96, %add3A_97 : vector<593x64xf32>
    %max3A = arith.constant 0.000000e+00 : f32
    %max3A_99 = vector.broadcast %max3A : f32 to vector<593x64xf32>
    %max3A_100 = arith.maximumf %add3A_98, %max3A_99 : vector<593x64xf32>
    %dot_general3A_101 = arith.constant dense<0.000000e+00> : vector<593x16xf32>
    %dot_general3A_102 = tpu.matmul %max3A_100, %get3A_74, %dot_general3A_101 {dimension_numbers = #tpu.dot_dimension_numbers<[1], [0], [0], [1], [0, 0, 1, 1], [], []>, transpose_lhs_hint = false} : vector<593x64xf32>, vector<64x16xf32>, vector<593x16xf32> -> vector<593x16xf32>
    %mul3A_103 = vector.broadcast %rsqrt3A_88 : vector<593x1xf32> to vector<593x16xf32>
    %mul3A_104 = arith.mulf %mul3A_103, %dot_general3A_102 : vector<593x16xf32>
    %dot_general3A_105 = arith.constant dense<0.000000e+00> : vector<593x16xf32>
    %dot_general3A_106 = tpu.matmul %add3A_84, %mul3A_104, %dot_general3A_105 {dimension_numbers = #tpu.dot_dimension_numbers<[1], [0], [0], [1], [0, 0, 1, 1], [], []>, transpose_lhs_hint = false} : vector<593x593xf32>, vector<593x16xf32>, vector<593x16xf32> -> vector<593x16xf32>
    %mul3A_107 = vector.broadcast %rsqrt3A_88 : vector<593x1xf32> to vector<593x16xf32>
    %mul3A_108 = arith.mulf %mul3A_107, %dot_general3A_106 : vector<593x16xf32>
    %add3A_109 = vector.broadcast %get3A_77 : vector<1x16xf32> to vector<593x16xf32>
    %add3A_110 = arith.addf %mul3A_108, %add3A_109 : vector<593x16xf32>
    %max3A_111 = arith.constant 0.000000e+00 : f32
    %max3A_112 = vector.broadcast %max3A_111 : f32 to vector<593x16xf32>
    %max3A_113 = arith.maximumf %add3A_110, %max3A_112 : vector<593x16xf32>
    %get3A_114 = arith.constant 0 : index
    %get3A_115 = arith.constant 0 : index
    %get3A_116 = vector.load %arg10[%get3A_114, %get3A_115] : memref<313x313xf32, #tpu.memory_space<vmem>>, vector<313x313xf32>
    %get3A_117 = arith.constant 0 : index
    %get3A_118 = arith.constant 0 : index
    %get3A_119 = vector.load %arg11[%get3A_117, %get3A_118] : memref<313x256xf32, #tpu.memory_space<vmem>>, vector<313x256xf32>
    %dot_general3A_120 = arith.constant dense<0.000000e+00> : vector<313x256xf32>
    %dot_general3A_121 = tpu.matmul %get3A_116, %get3A_119, %dot_general3A_120 {dimension_numbers = #tpu.dot_dimension_numbers<[1], [0], [0], [1], [0, 0, 1, 1], [], []>, transpose_lhs_hint = false} : vector<313x313xf32>, vector<313x256xf32>, vector<313x256xf32> -> vector<313x256xf32>
    %get3A_122 = arith.constant 0 : index
    %get3A_123 = arith.constant 0 : index
    %get3A_124 = vector.load %arg12[%get3A_122, %get3A_123] : memref<1x256xf32, #tpu.memory_space<vmem>>, vector<1x256xf32>
    %add3A_125 = vector.broadcast %get3A_124 : vector<1x256xf32> to vector<313x256xf32>
    %add3A_126 = arith.addf %dot_general3A_121, %add3A_125 : vector<313x256xf32>
    %get3A_127 = arith.constant 0 : index
    %get3A_128 = arith.constant 0 : index
    %get3A_129 = vector.load %arg13[%get3A_127, %get3A_128] : memref<313x313xf32, #tpu.memory_space<vmem>>, vector<313x313xf32>
    %get3A_130 = arith.constant 0 : index
    %get3A_131 = arith.constant 0 : index
    %get3A_132 = vector.load %arg14[%get3A_130, %get3A_131] : memref<256x64xf32, #tpu.memory_space<vmem>>, vector<256x64xf32>
    %get3A_133 = arith.constant 0 : index
    %get3A_134 = arith.constant 0 : index
    %get3A_135 = vector.load %arg15[%get3A_133, %get3A_134] : memref<1x64xf32, #tpu.memory_space<vmem>>, vector<1x64xf32>
    %get3A_136 = arith.constant 0 : index
    %get3A_137 = arith.constant 0 : index
    %get3A_138 = vector.load %arg16[%get3A_136, %get3A_137] : memref<64x16xf32, #tpu.memory_space<vmem>>, vector<64x16xf32>
    %get3A_139 = arith.constant 0 : index
    %get3A_140 = arith.constant 0 : index
    %get3A_141 = vector.load %arg17[%get3A_139, %get3A_140] : memref<1x16xf32, #tpu.memory_space<vmem>>, vector<1x16xf32>
    %iota3A_142 = tpu.iota {dimensions = array<i32: 0>} : vector<313x313xi32>
    %iota3A_143 = tpu.iota {dimensions = array<i32: 1>} : vector<313x313xi32>
    %eq3A_144 = arith.cmpi eq, %iota3A_142, %iota3A_143 : vector<313x313xi32>
    %jit3A_145 = arith.constant 1.000000e+00 : f32
    %jit3A_146 = arith.constant 0.000000e+00 : f32
    %broadcast_in_dim3A_147 = vector.broadcast %jit3A_145 : f32 to vector<313x313xf32>
    %broadcast_in_dim3A_148 = vector.broadcast %jit3A_146 : f32 to vector<313x313xf32>
    %select_n3A_149 = arith.select %eq3A_144, %broadcast_in_dim3A_147, %broadcast_in_dim3A_148 : vector<313x313xi1>, vector<313x313xf32>
    %add3A_150 = arith.addf %get3A_129, %select_n3A_149 : vector<313x313xf32>
    %reduce_sum3A_151 = arith.constant dense<0.000000e+00> : vector<313xf32>
    %reduce_sum3A_152 = vector.multi_reduction <add>, %add3A_150, %reduce_sum3A_151 [1] : vector<313x313xf32> to vector<313xf32>
    %broadcast_in_dim3A_153 = vector.shape_cast %reduce_sum3A_152 : vector<313xf32> to vector<313x1xf32>
    %rsqrt3A_154 = math.rsqrt %broadcast_in_dim3A_153 : vector<313x1xf32>
    %dot_general3A_155 = arith.constant dense<0.000000e+00> : vector<313x64xf32>
    %dot_general3A_156 = tpu.matmul %add3A_126, %get3A_132, %dot_general3A_155 {dimension_numbers = #tpu.dot_dimension_numbers<[1], [0], [0], [1], [0, 0, 1, 1], [], []>, transpose_lhs_hint = false} : vector<313x256xf32>, vector<256x64xf32>, vector<313x64xf32> -> vector<313x64xf32>
    %mul3A_157 = vector.broadcast %rsqrt3A_154 : vector<313x1xf32> to vector<313x64xf32>
    %mul3A_158 = arith.mulf %mul3A_157, %dot_general3A_156 : vector<313x64xf32>
    %dot_general3A_159 = arith.constant dense<0.000000e+00> : vector<313x64xf32>
    %dot_general3A_160 = tpu.matmul %add3A_150, %mul3A_158, %dot_general3A_159 {dimension_numbers = #tpu.dot_dimension_numbers<[1], [0], [0], [1], [0, 0, 1, 1], [], []>, transpose_lhs_hint = false} : vector<313x313xf32>, vector<313x64xf32>, vector<313x64xf32> -> vector<313x64xf32>
    %mul3A_161 = vector.broadcast %rsqrt3A_154 : vector<313x1xf32> to vector<313x64xf32>
    %mul3A_162 = arith.mulf %mul3A_161, %dot_general3A_160 : vector<313x64xf32>
    %add3A_163 = vector.broadcast %get3A_135 : vector<1x64xf32> to vector<313x64xf32>
    %add3A_164 = arith.addf %mul3A_162, %add3A_163 : vector<313x64xf32>
    %max3A_165 = arith.constant 0.000000e+00 : f32
    %max3A_166 = vector.broadcast %max3A_165 : f32 to vector<313x64xf32>
    %max3A_167 = arith.maximumf %add3A_164, %max3A_166 : vector<313x64xf32>
    %dot_general3A_168 = arith.constant dense<0.000000e+00> : vector<313x16xf32>
    %dot_general3A_169 = tpu.matmul %max3A_167, %get3A_138, %dot_general3A_168 {dimension_numbers = #tpu.dot_dimension_numbers<[1], [0], [0], [1], [0, 0, 1, 1], [], []>, transpose_lhs_hint = false} : vector<313x64xf32>, vector<64x16xf32>, vector<313x16xf32> -> vector<313x16xf32>
    %mul3A_170 = vector.broadcast %rsqrt3A_154 : vector<313x1xf32> to vector<313x16xf32>
    %mul3A_171 = arith.mulf %mul3A_170, %dot_general3A_169 : vector<313x16xf32>
    %dot_general3A_172 = arith.constant dense<0.000000e+00> : vector<313x16xf32>
    %dot_general3A_173 = tpu.matmul %add3A_150, %mul3A_171, %dot_general3A_172 {dimension_numbers = #tpu.dot_dimension_numbers<[1], [0], [0], [1], [0, 0, 1, 1], [], []>, transpose_lhs_hint = false} : vector<313x313xf32>, vector<313x16xf32>, vector<313x16xf32> -> vector<313x16xf32>
    %mul3A_174 = vector.broadcast %rsqrt3A_154 : vector<313x1xf32> to vector<313x16xf32>
    %mul3A_175 = arith.mulf %mul3A_174, %dot_general3A_173 : vector<313x16xf32>
    %add3A_176 = vector.broadcast %get3A_141 : vector<1x16xf32> to vector<313x16xf32>
    %add3A_177 = arith.addf %mul3A_175, %add3A_176 : vector<313x16xf32>
    %max3A_178 = arith.constant 0.000000e+00 : f32
    %max3A_179 = vector.broadcast %max3A_178 : f32 to vector<313x16xf32>
    %max3A_180 = arith.maximumf %add3A_177, %max3A_179 : vector<313x16xf32>
    %get3A_181 = arith.constant 0 : index
    %get3A_182 = arith.constant 0 : index
    %get3A_183 = vector.load %arg5[%get3A_181, %get3A_182] : memref<256x2xi32, #tpu.memory_space<vmem>>, vector<256x2xi32>
    %iota3A_184 = tpu.iota {dimensions = array<i32: 1>} : vector<256x593xi32>
    %slice3A = vector.extract_strided_slice %get3A_183 {offsets = [0, 0], sizes = [256, 1], strides = [1, 1]} : vector<256x2xi32> to vector<256x1xi32>
    %eq3A_185 = vector.broadcast %slice3A : vector<256x1xi32> to vector<256x593xi32>
    %eq3A_186 = arith.cmpi eq, %iota3A_184, %eq3A_185 : vector<256x593xi32>
    %convert_element_type3A_187 = arith.extui %eq3A_186 : vector<256x593xi1> to vector<256x593xi32>
    %convert_element_type3A_188 = arith.sitofp %convert_element_type3A_187 : vector<256x593xi32> to vector<256x593xf32>
    %iota3A_189 = tpu.iota {dimensions = array<i32: 1>} : vector<256x313xi32>
    %slice3A_190 = vector.extract_strided_slice %get3A_183 {offsets = [0, 1], sizes = [256, 1], strides = [1, 1]} : vector<256x2xi32> to vector<256x1xi32>
    %eq3A_191 = vector.broadcast %slice3A_190 : vector<256x1xi32> to vector<256x313xi32>
    %eq3A_192 = arith.cmpi eq, %iota3A_189, %eq3A_191 : vector<256x313xi32>
    %convert_element_type3A_193 = arith.extui %eq3A_192 : vector<256x313xi1> to vector<256x313xi32>
    %convert_element_type3A_194 = arith.sitofp %convert_element_type3A_193 : vector<256x313xi32> to vector<256x313xf32>
    %dot_general3A_195 = arith.constant dense<0.000000e+00> : vector<256x16xf32>
    %dot_general3A_196 = tpu.matmul %convert_element_type3A_188, %max3A_113, %dot_general3A_195 {dimension_numbers = #tpu.dot_dimension_numbers<[1], [0], [0], [1], [0, 0, 1, 1], [], []>, transpose_lhs_hint = false} : vector<256x593xf32>, vector<593x16xf32>, vector<256x16xf32> -> vector<256x16xf32>
    %dot_general3A_197 = arith.constant dense<0.000000e+00> : vector<256x16xf32>
    %dot_general3A_198 = tpu.matmul %convert_element_type3A_194, %max3A_180, %dot_general3A_197 {dimension_numbers = #tpu.dot_dimension_numbers<[1], [0], [0], [1], [0, 0, 1, 1], [], []>, transpose_lhs_hint = false} : vector<256x313xf32>, vector<313x16xf32>, vector<256x16xf32> -> vector<256x16xf32>
    %concatenate3A = tpu.concatenate %dot_general3A_196, %dot_general3A_198 in 1 : vector<256x16xf32>, vector<256x16xf32> -> vector<256x32xf32>
    %swap3A_199 = arith.constant 0 : index
    %swap3A_200 = arith.constant 0 : index
    %swap3A_201 = vector.load %arg22[%swap3A_199, %swap3A_200] : memref<256x32xf32, #tpu.memory_space<vmem>>, vector<256x32xf32>
    tpu.vector_store %arg22[%swap3A_199, %swap3A_200], %concatenate3A {strides = array<i32>} : memref<256x32xf32, #tpu.memory_space<vmem>>, vector<256x32xf32>,
    return
  }
}

module attributes {stable_mosaic.version = 14 : i64} {
  func.func @_tc_mid_body(%arg0: memref<10496x32xf32, #tpu.memory_space<vmem>>, %arg1: memref<10496x32xf32, #tpu.memory_space<vmem>>, %arg2: memref<10496x32xf32, #tpu.memory_space<vmem>>, %arg3: memref<10496x1xf32, #tpu.memory_space<vmem>>, %arg4: memref<10496x1xf32, #tpu.memory_space<vmem>>, %arg5: memref<1x32xf32, #tpu.memory_space<vmem>>, %arg6: memref<32x32xf32, #tpu.memory_space<vmem>>, %arg7: memref<10496x32xf32, #tpu.memory_space<vmem>>, %arg8: memref<10496x32xf32, #tpu.memory_space<vmem>>, %arg9: memref<10496x32xf32, #tpu.memory_space<vmem>>) attributes {dimension_semantics = [], scalar_prefetch = 0 : i64, scratch_operands = 0 : i64, tpu.core_type = #tpu.core_type<tc>} {
    %get3A = arith.constant 0 : index
    %get3A_0 = arith.constant 0 : index
    %get3A_1 = vector.load %arg3[%get3A, %get3A_0] : memref<10496x1xf32, #tpu.memory_space<vmem>>, vector<10496x1xf32>
    %get3A_2 = arith.constant 0 : index
    %get3A_3 = arith.constant 0 : index
    %get3A_4 = vector.load %arg0[%get3A_2, %get3A_3] : memref<10496x32xf32, #tpu.memory_space<vmem>>, vector<10496x32xf32>
    %get3A_5 = arith.constant 0 : index
    %get3A_6 = arith.constant 0 : index
    %get3A_7 = vector.load %arg1[%get3A_5, %get3A_6] : memref<10496x32xf32, #tpu.memory_space<vmem>>, vector<10496x32xf32>
    %add3A = arith.addf %get3A_4, %get3A_7 : vector<10496x32xf32>
    %mul3A = vector.broadcast %get3A_1 : vector<10496x1xf32> to vector<10496x32xf32>
    %mul3A_8 = arith.mulf %mul3A, %add3A : vector<10496x32xf32>
    %get3A_9 = arith.constant 0 : index
    %get3A_10 = arith.constant 0 : index
    %get3A_11 = vector.load %arg4[%get3A_9, %get3A_10] : memref<10496x1xf32, #tpu.memory_space<vmem>>, vector<10496x1xf32>
    %get3A_12 = arith.constant 0 : index
    %get3A_13 = arith.constant 0 : index
    %get3A_14 = vector.load %arg2[%get3A_12, %get3A_13] : memref<10496x32xf32, #tpu.memory_space<vmem>>, vector<10496x32xf32>
    %mul3A_15 = vector.broadcast %get3A_11 : vector<10496x1xf32> to vector<10496x32xf32>
    %mul3A_16 = arith.mulf %mul3A_15, %get3A_14 : vector<10496x32xf32>
    %add3A_17 = arith.addf %mul3A_8, %mul3A_16 : vector<10496x32xf32>
    %get3A_18 = arith.constant 0 : index
    %get3A_19 = arith.constant 0 : index
    %get3A_20 = vector.load %arg5[%get3A_18, %get3A_19] : memref<1x32xf32, #tpu.memory_space<vmem>>, vector<1x32xf32>
    %add3A_21 = vector.broadcast %get3A_20 : vector<1x32xf32> to vector<10496x32xf32>
    %add3A_22 = arith.addf %add3A_17, %add3A_21 : vector<10496x32xf32>
    %max3A = arith.constant 0.000000e+00 : f32
    %max3A_23 = vector.broadcast %max3A : f32 to vector<10496x32xf32>
    %max3A_24 = arith.maximumf %add3A_22, %max3A_23 : vector<10496x32xf32>
    %swap3A = arith.constant 0 : index
    %swap3A_25 = arith.constant 0 : index
    %swap3A_26 = vector.load %arg7[%swap3A, %swap3A_25] : memref<10496x32xf32, #tpu.memory_space<vmem>>, vector<10496x32xf32>
    tpu.vector_store %arg7[%swap3A, %swap3A_25], %max3A_24 {strides = array<i32>} : memref<10496x32xf32, #tpu.memory_space<vmem>>, vector<10496x32xf32>,
    %get3A_27 = arith.constant 0 : index
    %get3A_28 = arith.constant 0 : index
    %get3A_29 = vector.load %arg6[%get3A_27, %get3A_28] : memref<32x32xf32, #tpu.memory_space<vmem>>, vector<32x32xf32>
    %dot_general3A = arith.constant dense<0.000000e+00> : vector<10496x32xf32>
    %dot_general3A_30 = tpu.matmul %max3A_24, %get3A_29, %dot_general3A {dimension_numbers = #tpu.dot_dimension_numbers<[1], [0], [0], [1], [0, 0, 1, 1], [], []>, transpose_lhs_hint = false} : vector<10496x32xf32>, vector<32x32xf32>, vector<10496x32xf32> -> vector<10496x32xf32>
    %swap3A_31 = arith.constant 0 : index
    %swap3A_32 = arith.constant 0 : index
    %swap3A_33 = vector.load %arg8[%swap3A_31, %swap3A_32] : memref<10496x32xf32, #tpu.memory_space<vmem>>, vector<10496x32xf32>
    tpu.vector_store %arg8[%swap3A_31, %swap3A_32], %dot_general3A_30 {strides = array<i32>} : memref<10496x32xf32, #tpu.memory_space<vmem>>, vector<10496x32xf32>,
    %mul3A_34 = vector.broadcast %get3A_1 : vector<10496x1xf32> to vector<10496x32xf32>
    %mul3A_35 = arith.mulf %dot_general3A_30, %mul3A_34 : vector<10496x32xf32>
    %swap3A_36 = arith.constant 0 : index
    %swap3A_37 = arith.constant 0 : index
    %swap3A_38 = vector.load %arg9[%swap3A_36, %swap3A_37] : memref<10496x32xf32, #tpu.memory_space<vmem>>, vector<10496x32xf32>
    tpu.vector_store %arg9[%swap3A_36, %swap3A_37], %mul3A_35 {strides = array<i32>} : memref<10496x32xf32, #tpu.memory_space<vmem>>, vector<10496x32xf32>,
    return
  }
}

module attributes {stable_mosaic.version = 14 : i64} {
  func.func @_tc_pool_body(%arg0: i32, %arg1: memref<256x1xi32, #tpu.memory_space<smem>>, %arg2: memref<256x1xi32, #tpu.memory_space<smem>>, %arg3: memref<10496x32xf32, #tpu.memory_space<vmem>>, %arg4: memref<10496x32xf32, #tpu.memory_space<vmem>>, %arg5: memref<10496x32xf32, #tpu.memory_space<vmem>>, %arg6: memref<10496x32xf32, #tpu.memory_space<vmem>>, %arg7: memref<10496x1xf32, #tpu.memory_space<vmem>>, %arg8: memref<10496x1xf32, #tpu.memory_space<vmem>>, %arg9: memref<1x32xf32, #tpu.memory_space<vmem>>, %arg10: memref<16x30x64xf32, #tpu.memory_space<vmem>>) attributes {dimension_semantics = [#tpu.dimension_semantics<arbitrary>], iteration_bounds = array<i64: 16>, scalar_prefetch = 0 : i64, scratch_operands = 0 : i64, tpu.core_type = #tpu.core_type<tc>, window_params = [{transform_indices = @transform_0, window_bounds = array<i64: 256, 1>}, {transform_indices = @transform_1, window_bounds = array<i64: 256, 1>}, {pipeline_mode = #tpu.pipeline_mode<synchronous>, transform_indices = @transform_2, window_bounds = array<i64: 10496, 32>}, {pipeline_mode = #tpu.pipeline_mode<synchronous>, transform_indices = @transform_3, window_bounds = array<i64: 10496, 32>}, {pipeline_mode = #tpu.pipeline_mode<synchronous>, transform_indices = @transform_4, window_bounds = array<i64: 10496, 32>}, {pipeline_mode = #tpu.pipeline_mode<synchronous>, transform_indices = @transform_5, window_bounds = array<i64: 10496, 32>}, {pipeline_mode = #tpu.pipeline_mode<synchronous>, transform_indices = @transform_6, window_bounds = array<i64: 10496, 1>}, {pipeline_mode = #tpu.pipeline_mode<synchronous>, transform_indices = @transform_7, window_bounds = array<i64: 10496, 1>}, {pipeline_mode = #tpu.pipeline_mode<synchronous>, transform_indices = @transform_8, window_bounds = array<i64: 1, 32>}, {transform_indices = @transform_9, window_bounds = array<i64: 16, 30, 64>}]} {
    %mul3A = arith.constant 16 : i32
    %mul3A_0 = arith.muli %arg0, %mul3A : i32
    %add3A = arith.constant 0 : i32
    %add3A_1 = arith.addi %mul3A_0, %add3A : i32
    %get3A = arith.index_cast %add3A_1 : i32 to index
    %get3A_2 = arith.constant 0 : index
    %get3A_3 = memref.load %arg1[%get3A, %get3A_2] : memref<256x1xi32, #tpu.memory_space<smem>>
    %add3A_4 = arith.constant 0 : i32
    %add3A_5 = arith.addi %mul3A_0, %add3A_4 : i32
    %get3A_6 = arith.index_cast %add3A_5 : i32 to index
    %get3A_7 = arith.constant 0 : index
    %get3A_8 = memref.load %arg2[%get3A_6, %get3A_7] : memref<256x1xi32, #tpu.memory_space<smem>>
    %get3A_9 = arith.index_cast %get3A_3 : i32 to index
    %get3A_10 = arith.constant 0 : index
    %get3A_11 = vector.load %arg3[%get3A_9, %get3A_10] : memref<10496x32xf32, #tpu.memory_space<vmem>>, vector<256x32xf32>
    %get3A_12 = arith.index_cast %get3A_3 : i32 to index
    %get3A_13 = arith.constant 0 : index
    %get3A_14 = vector.load %arg5[%get3A_12, %get3A_13] : memref<10496x32xf32, #tpu.memory_space<vmem>>, vector<256x32xf32>
    %get3A_15 = arith.index_cast %get3A_3 : i32 to index
    %get3A_16 = arith.constant 0 : index
    %get3A_17 = vector.load %arg6[%get3A_15, %get3A_16] : memref<10496x32xf32, #tpu.memory_space<vmem>>, vector<256x32xf32>
    %add3A_18 = arith.addf %get3A_14, %get3A_17 : vector<256x32xf32>
    %get3A_19 = arith.index_cast %get3A_3 : i32 to index
    %get3A_20 = arith.constant 0 : index
    %get3A_21 = vector.load %arg4[%get3A_19, %get3A_20] : memref<10496x32xf32, #tpu.memory_space<vmem>>, vector<256x32xf32>
    %get3A_22 = arith.index_cast %get3A_3 : i32 to index
    %get3A_23 = arith.constant 0 : index
    %get3A_24 = vector.load %arg7[%get3A_22, %get3A_23] : memref<10496x1xf32, #tpu.memory_space<vmem>>, vector<256x1xf32>
    %get3A_25 = arith.index_cast %get3A_3 : i32 to index
    %get3A_26 = arith.constant 0 : index
    %get3A_27 = vector.load %arg8[%get3A_25, %get3A_26] : memref<10496x1xf32, #tpu.memory_space<vmem>>, vector<256x1xf32>
    %mul3A_28 = vector.broadcast %get3A_24 : vector<256x1xf32> to vector<256x32xf32>
    %mul3A_29 = arith.mulf %mul3A_28, %add3A_18 : vector<256x32xf32>
    %mul3A_30 = vector.broadcast %get3A_27 : vector<256x1xf32> to vector<256x32xf32>
    %mul3A_31 = arith.mulf %mul3A_30, %get3A_21 : vector<256x32xf32>
    %add3A_32 = arith.addf %mul3A_29, %mul3A_31 : vector<256x32xf32>
    %get3A_33 = arith.constant 0 : index
    %get3A_34 = arith.constant 0 : index
    %get3A_35 = vector.load %arg9[%get3A_33, %get3A_34] : memref<1x32xf32, #tpu.memory_space<vmem>>, vector<1x32xf32>
    %add3A_36 = vector.broadcast %get3A_35 : vector<1x32xf32> to vector<256x32xf32>
    %add3A_37 = arith.addf %add3A_32, %add3A_36 : vector<256x32xf32>
    %max3A = arith.constant 0.000000e+00 : f32
    %max3A_38 = vector.broadcast %max3A : f32 to vector<256x32xf32>
    %max3A_39 = arith.maximumf %add3A_37, %max3A_38 : vector<256x32xf32>
    %slice3A = vector.extract_strided_slice %max3A_39 {offsets = [0, 31], sizes = [256, 1], strides = [1, 1]} : vector<256x32xf32> to vector<256x1xf32>
    %transpose3A = tpu.transpose %slice3A, [1, 0] : vector<256x1xf32> -> vector<1x256xf32>
    %iota3A = tpu.iota {dimensions = array<i32: 0>} : vector<256x256xi32>
    %iota3A_40 = tpu.iota {dimensions = array<i32: 1>} : vector<256x256xi32>
    %gt3A = vector.broadcast %slice3A : vector<256x1xf32> to vector<256x256xf32>
    %gt3A_41 = vector.broadcast %transpose3A : vector<1x256xf32> to vector<256x256xf32>
    %gt3A_42 = arith.cmpf ogt, %gt3A, %gt3A_41 : vector<256x256xf32>
    %eq3A = vector.broadcast %slice3A : vector<256x1xf32> to vector<256x256xf32>
    %eq3A_43 = vector.broadcast %transpose3A : vector<1x256xf32> to vector<256x256xf32>
    %eq3A_44 = arith.cmpf oeq, %eq3A, %eq3A_43 : vector<256x256xf32>
    %lt3A = arith.cmpi slt, %iota3A, %iota3A_40 : vector<256x256xi32>
    %and3A = arith.andi %eq3A_44, %lt3A : vector<256x256xi1>
    %or3A = arith.ori %gt3A_42, %and3A : vector<256x256xi1>
    %lt3A_45 = vector.broadcast %get3A_8 : i32 to vector<256x256xi32>
    %lt3A_46 = arith.cmpi slt, %iota3A, %lt3A_45 : vector<256x256xi32>
    %and3A_47 = arith.andi %or3A, %lt3A_46 : vector<256x256xi1>
    %convert_element_type3A = arith.extui %and3A_47 : vector<256x256xi1> to vector<256x256xi32>
    %convert_element_type3A_48 = arith.sitofp %convert_element_type3A : vector<256x256xi32> to vector<256x256xf32>
    %reduce_sum3A = arith.constant dense<0.000000e+00> : vector<256xf32>
    %reduce_sum3A_49 = vector.multi_reduction <add>, %convert_element_type3A_48, %reduce_sum3A [0] : vector<256x256xf32> to vector<256xf32>
    %broadcast_in_dim3A = vector.shape_cast %reduce_sum3A_49 : vector<256xf32> to vector<1x256xf32>
    %iota3A_50 = tpu.iota {dimensions = array<i32: 0>} : vector<30x256xi32>
    %iota3A_51 = tpu.iota {dimensions = array<i32: 1>} : vector<30x256xi32>
    %convert_element_type3A_52 = arith.fptosi %broadcast_in_dim3A : vector<1x256xf32> to vector<1x256xi32>
    %eq3A_53 = vector.broadcast %convert_element_type3A_52 : vector<1x256xi32> to vector<30x256xi32>
    %eq3A_54 = arith.cmpi eq, %iota3A_50, %eq3A_53 : vector<30x256xi32>
    %lt3A_55 = vector.broadcast %get3A_8 : i32 to vector<30x256xi32>
    %lt3A_56 = arith.cmpi slt, %iota3A_51, %lt3A_55 : vector<30x256xi32>
    %and3A_57 = arith.andi %eq3A_54, %lt3A_56 : vector<30x256xi1>
    %convert_element_type3A_58 = arith.extui %and3A_57 : vector<30x256xi1> to vector<30x256xi32>
    %convert_element_type3A_59 = arith.sitofp %convert_element_type3A_58 : vector<30x256xi32> to vector<30x256xf32>
    %concatenate3A = tpu.concatenate %get3A_11, %max3A_39 in 1 : vector<256x32xf32>, vector<256x32xf32> -> vector<256x64xf32>
    %dot_general3A = arith.constant dense<0.000000e+00> : vector<30x64xf32>
    %dot_general3A_60 = tpu.matmul %convert_element_type3A_59, %concatenate3A, %dot_general3A {dimension_numbers = #tpu.dot_dimension_numbers<[1], [0], [0], [1], [0, 0, 1, 1], [], []>, transpose_lhs_hint = false} : vector<30x256xf32>, vector<256x64xf32>, vector<30x64xf32> -> vector<30x64xf32>
    %swap3A = arith.constant 0 : index
    %swap3A_61 = arith.constant 0 : index
    %swap3A_62 = arith.constant 0 : index
    %swap3A_63 = vector.load %arg10[%swap3A, %swap3A_61, %swap3A_62] : memref<16x30x64xf32, #tpu.memory_space<vmem>>, vector<1x30x64xf32>
    %swap3A_64 = vector.shape_cast %swap3A_63 : vector<1x30x64xf32> to vector<30x64xf32>
    %swap3A_65 = vector.shape_cast %dot_general3A_60 : vector<30x64xf32> to vector<1x30x64xf32>
    tpu.vector_store %arg10[%swap3A, %swap3A_61, %swap3A_62], %swap3A_65 {strides = array<i32>} : memref<16x30x64xf32, #tpu.memory_space<vmem>>, vector<1x30x64xf32>,
    %add3A_66 = arith.constant 1 : i32
    %add3A_67 = arith.addi %mul3A_0, %add3A_66 : i32
    %get3A_68 = arith.index_cast %add3A_67 : i32 to index
    %get3A_69 = arith.constant 0 : index
    %get3A_70 = memref.load %arg1[%get3A_68, %get3A_69] : memref<256x1xi32, #tpu.memory_space<smem>>
    %add3A_71 = arith.constant 1 : i32
    %add3A_72 = arith.addi %mul3A_0, %add3A_71 : i32
    %get3A_73 = arith.index_cast %add3A_72 : i32 to index
    %get3A_74 = arith.constant 0 : index
    %get3A_75 = memref.load %arg2[%get3A_73, %get3A_74] : memref<256x1xi32, #tpu.memory_space<smem>>
    %get3A_76 = arith.index_cast %get3A_70 : i32 to index
    %get3A_77 = arith.constant 0 : index
    %get3A_78 = vector.load %arg3[%get3A_76, %get3A_77] : memref<10496x32xf32, #tpu.memory_space<vmem>>, vector<256x32xf32>
    %get3A_79 = arith.index_cast %get3A_70 : i32 to index
    %get3A_80 = arith.constant 0 : index
    %get3A_81 = vector.load %arg5[%get3A_79, %get3A_80] : memref<10496x32xf32, #tpu.memory_space<vmem>>, vector<256x32xf32>
    %get3A_82 = arith.index_cast %get3A_70 : i32 to index
    %get3A_83 = arith.constant 0 : index
    %get3A_84 = vector.load %arg6[%get3A_82, %get3A_83] : memref<10496x32xf32, #tpu.memory_space<vmem>>, vector<256x32xf32>
    %add3A_85 = arith.addf %get3A_81, %get3A_84 : vector<256x32xf32>
    %get3A_86 = arith.index_cast %get3A_70 : i32 to index
    %get3A_87 = arith.constant 0 : index
    %get3A_88 = vector.load %arg4[%get3A_86, %get3A_87] : memref<10496x32xf32, #tpu.memory_space<vmem>>, vector<256x32xf32>
    %get3A_89 = arith.index_cast %get3A_70 : i32 to index
    %get3A_90 = arith.constant 0 : index
    %get3A_91 = vector.load %arg7[%get3A_89, %get3A_90] : memref<10496x1xf32, #tpu.memory_space<vmem>>, vector<256x1xf32>
    %get3A_92 = arith.index_cast %get3A_70 : i32 to index
    %get3A_93 = arith.constant 0 : index
    %get3A_94 = vector.load %arg8[%get3A_92, %get3A_93] : memref<10496x1xf32, #tpu.memory_space<vmem>>, vector<256x1xf32>
    %mul3A_95 = vector.broadcast %get3A_91 : vector<256x1xf32> to vector<256x32xf32>
    %mul3A_96 = arith.mulf %mul3A_95, %add3A_85 : vector<256x32xf32>
    %mul3A_97 = vector.broadcast %get3A_94 : vector<256x1xf32> to vector<256x32xf32>
    %mul3A_98 = arith.mulf %mul3A_97, %get3A_88 : vector<256x32xf32>
    %add3A_99 = arith.addf %mul3A_96, %mul3A_98 : vector<256x32xf32>
    %get3A_100 = arith.constant 0 : index
    %get3A_101 = arith.constant 0 : index
    %get3A_102 = vector.load %arg9[%get3A_100, %get3A_101] : memref<1x32xf32, #tpu.memory_space<vmem>>, vector<1x32xf32>
    %add3A_103 = vector.broadcast %get3A_102 : vector<1x32xf32> to vector<256x32xf32>
    %add3A_104 = arith.addf %add3A_99, %add3A_103 : vector<256x32xf32>
    %max3A_105 = arith.constant 0.000000e+00 : f32
    %max3A_106 = vector.broadcast %max3A_105 : f32 to vector<256x32xf32>
    %max3A_107 = arith.maximumf %add3A_104, %max3A_106 : vector<256x32xf32>
    %slice3A_108 = vector.extract_strided_slice %max3A_107 {offsets = [0, 31], sizes = [256, 1], strides = [1, 1]} : vector<256x32xf32> to vector<256x1xf32>
    %transpose3A_109 = tpu.transpose %slice3A_108, [1, 0] : vector<256x1xf32> -> vector<1x256xf32>
    %iota3A_110 = tpu.iota {dimensions = array<i32: 0>} : vector<256x256xi32>
    %iota3A_111 = tpu.iota {dimensions = array<i32: 1>} : vector<256x256xi32>
    %gt3A_112 = vector.broadcast %slice3A_108 : vector<256x1xf32> to vector<256x256xf32>
    %gt3A_113 = vector.broadcast %transpose3A_109 : vector<1x256xf32> to vector<256x256xf32>
    %gt3A_114 = arith.cmpf ogt, %gt3A_112, %gt3A_113 : vector<256x256xf32>
    %eq3A_115 = vector.broadcast %slice3A_108 : vector<256x1xf32> to vector<256x256xf32>
    %eq3A_116 = vector.broadcast %transpose3A_109 : vector<1x256xf32> to vector<256x256xf32>
    %eq3A_117 = arith.cmpf oeq, %eq3A_115, %eq3A_116 : vector<256x256xf32>
    %lt3A_118 = arith.cmpi slt, %iota3A_110, %iota3A_111 : vector<256x256xi32>
    %and3A_119 = arith.andi %eq3A_117, %lt3A_118 : vector<256x256xi1>
    %or3A_120 = arith.ori %gt3A_114, %and3A_119 : vector<256x256xi1>
    %lt3A_121 = vector.broadcast %get3A_75 : i32 to vector<256x256xi32>
    %lt3A_122 = arith.cmpi slt, %iota3A_110, %lt3A_121 : vector<256x256xi32>
    %and3A_123 = arith.andi %or3A_120, %lt3A_122 : vector<256x256xi1>
    %convert_element_type3A_124 = arith.extui %and3A_123 : vector<256x256xi1> to vector<256x256xi32>
    %convert_element_type3A_125 = arith.sitofp %convert_element_type3A_124 : vector<256x256xi32> to vector<256x256xf32>
    %reduce_sum3A_126 = arith.constant dense<0.000000e+00> : vector<256xf32>
    %reduce_sum3A_127 = vector.multi_reduction <add>, %convert_element_type3A_125, %reduce_sum3A_126 [0] : vector<256x256xf32> to vector<256xf32>
    %broadcast_in_dim3A_128 = vector.shape_cast %reduce_sum3A_127 : vector<256xf32> to vector<1x256xf32>
    %iota3A_129 = tpu.iota {dimensions = array<i32: 0>} : vector<30x256xi32>
    %iota3A_130 = tpu.iota {dimensions = array<i32: 1>} : vector<30x256xi32>
    %convert_element_type3A_131 = arith.fptosi %broadcast_in_dim3A_128 : vector<1x256xf32> to vector<1x256xi32>
    %eq3A_132 = vector.broadcast %convert_element_type3A_131 : vector<1x256xi32> to vector<30x256xi32>
    %eq3A_133 = arith.cmpi eq, %iota3A_129, %eq3A_132 : vector<30x256xi32>
    %lt3A_134 = vector.broadcast %get3A_75 : i32 to vector<30x256xi32>
    %lt3A_135 = arith.cmpi slt, %iota3A_130, %lt3A_134 : vector<30x256xi32>
    %and3A_136 = arith.andi %eq3A_133, %lt3A_135 : vector<30x256xi1>
    %convert_element_type3A_137 = arith.extui %and3A_136 : vector<30x256xi1> to vector<30x256xi32>
    %convert_element_type3A_138 = arith.sitofp %convert_element_type3A_137 : vector<30x256xi32> to vector<30x256xf32>
    %concatenate3A_139 = tpu.concatenate %get3A_78, %max3A_107 in 1 : vector<256x32xf32>, vector<256x32xf32> -> vector<256x64xf32>
    %dot_general3A_140 = arith.constant dense<0.000000e+00> : vector<30x64xf32>
    %dot_general3A_141 = tpu.matmul %convert_element_type3A_138, %concatenate3A_139, %dot_general3A_140 {dimension_numbers = #tpu.dot_dimension_numbers<[1], [0], [0], [1], [0, 0, 1, 1], [], []>, transpose_lhs_hint = false} : vector<30x256xf32>, vector<256x64xf32>, vector<30x64xf32> -> vector<30x64xf32>
    %swap3A_142 = arith.constant 1 : index
    %swap3A_143 = arith.constant 0 : index
    %swap3A_144 = arith.constant 0 : index
    %swap3A_145 = vector.load %arg10[%swap3A_142, %swap3A_143, %swap3A_144] : memref<16x30x64xf32, #tpu.memory_space<vmem>>, vector<1x30x64xf32>
    %swap3A_146 = vector.shape_cast %swap3A_145 : vector<1x30x64xf32> to vector<30x64xf32>
    %swap3A_147 = vector.shape_cast %dot_general3A_141 : vector<30x64xf32> to vector<1x30x64xf32>
    tpu.vector_store %arg10[%swap3A_142, %swap3A_143, %swap3A_144], %swap3A_147 {strides = array<i32>} : memref<16x30x64xf32, #tpu.memory_space<vmem>>, vector<1x30x64xf32>,
    %add3A_148 = arith.constant 2 : i32
    %add3A_149 = arith.addi %mul3A_0, %add3A_148 : i32
    %get3A_150 = arith.index_cast %add3A_149 : i32 to index
    %get3A_151 = arith.constant 0 : index
    %get3A_152 = memref.load %arg1[%get3A_150, %get3A_151] : memref<256x1xi32, #tpu.memory_space<smem>>
    %add3A_153 = arith.constant 2 : i32
    %add3A_154 = arith.addi %mul3A_0, %add3A_153 : i32
    %get3A_155 = arith.index_cast %add3A_154 : i32 to index
    %get3A_156 = arith.constant 0 : index
    %get3A_157 = memref.load %arg2[%get3A_155, %get3A_156] : memref<256x1xi32, #tpu.memory_space<smem>>
    %get3A_158 = arith.index_cast %get3A_152 : i32 to index
    %get3A_159 = arith.constant 0 : index
    %get3A_160 = vector.load %arg3[%get3A_158, %get3A_159] : memref<10496x32xf32, #tpu.memory_space<vmem>>, vector<256x32xf32>
    %get3A_161 = arith.index_cast %get3A_152 : i32 to index
    %get3A_162 = arith.constant 0 : index
    %get3A_163 = vector.load %arg5[%get3A_161, %get3A_162] : memref<10496x32xf32, #tpu.memory_space<vmem>>, vector<256x32xf32>
    %get3A_164 = arith.index_cast %get3A_152 : i32 to index
    %get3A_165 = arith.constant 0 : index
    %get3A_166 = vector.load %arg6[%get3A_164, %get3A_165] : memref<10496x32xf32, #tpu.memory_space<vmem>>, vector<256x32xf32>
    %add3A_167 = arith.addf %get3A_163, %get3A_166 : vector<256x32xf32>
    %get3A_168 = arith.index_cast %get3A_152 : i32 to index
    %get3A_169 = arith.constant 0 : index
    %get3A_170 = vector.load %arg4[%get3A_168, %get3A_169] : memref<10496x32xf32, #tpu.memory_space<vmem>>, vector<256x32xf32>
    %get3A_171 = arith.index_cast %get3A_152 : i32 to index
    %get3A_172 = arith.constant 0 : index
    %get3A_173 = vector.load %arg7[%get3A_171, %get3A_172] : memref<10496x1xf32, #tpu.memory_space<vmem>>, vector<256x1xf32>
    %get3A_174 = arith.index_cast %get3A_152 : i32 to index
    %get3A_175 = arith.constant 0 : index
    %get3A_176 = vector.load %arg8[%get3A_174, %get3A_175] : memref<10496x1xf32, #tpu.memory_space<vmem>>, vector<256x1xf32>
    %mul3A_177 = vector.broadcast %get3A_173 : vector<256x1xf32> to vector<256x32xf32>
    %mul3A_178 = arith.mulf %mul3A_177, %add3A_167 : vector<256x32xf32>
    %mul3A_179 = vector.broadcast %get3A_176 : vector<256x1xf32> to vector<256x32xf32>
    %mul3A_180 = arith.mulf %mul3A_179, %get3A_170 : vector<256x32xf32>
    %add3A_181 = arith.addf %mul3A_178, %mul3A_180 : vector<256x32xf32>
    %get3A_182 = arith.constant 0 : index
    %get3A_183 = arith.constant 0 : index
    %get3A_184 = vector.load %arg9[%get3A_182, %get3A_183] : memref<1x32xf32, #tpu.memory_space<vmem>>, vector<1x32xf32>
    %add3A_185 = vector.broadcast %get3A_184 : vector<1x32xf32> to vector<256x32xf32>
    %add3A_186 = arith.addf %add3A_181, %add3A_185 : vector<256x32xf32>
    %max3A_187 = arith.constant 0.000000e+00 : f32
    %max3A_188 = vector.broadcast %max3A_187 : f32 to vector<256x32xf32>
    %max3A_189 = arith.maximumf %add3A_186, %max3A_188 : vector<256x32xf32>
    %slice3A_190 = vector.extract_strided_slice %max3A_189 {offsets = [0, 31], sizes = [256, 1], strides = [1, 1]} : vector<256x32xf32> to vector<256x1xf32>
    %transpose3A_191 = tpu.transpose %slice3A_190, [1, 0] : vector<256x1xf32> -> vector<1x256xf32>
    %iota3A_192 = tpu.iota {dimensions = array<i32: 0>} : vector<256x256xi32>
    %iota3A_193 = tpu.iota {dimensions = array<i32: 1>} : vector<256x256xi32>
    %gt3A_194 = vector.broadcast %slice3A_190 : vector<256x1xf32> to vector<256x256xf32>
    %gt3A_195 = vector.broadcast %transpose3A_191 : vector<1x256xf32> to vector<256x256xf32>
    %gt3A_196 = arith.cmpf ogt, %gt3A_194, %gt3A_195 : vector<256x256xf32>
    %eq3A_197 = vector.broadcast %slice3A_190 : vector<256x1xf32> to vector<256x256xf32>
    %eq3A_198 = vector.broadcast %transpose3A_191 : vector<1x256xf32> to vector<256x256xf32>
    %eq3A_199 = arith.cmpf oeq, %eq3A_197, %eq3A_198 : vector<256x256xf32>
    %lt3A_200 = arith.cmpi slt, %iota3A_192, %iota3A_193 : vector<256x256xi32>
    %and3A_201 = arith.andi %eq3A_199, %lt3A_200 : vector<256x256xi1>
    %or3A_202 = arith.ori %gt3A_196, %and3A_201 : vector<256x256xi1>
    %lt3A_203 = vector.broadcast %get3A_157 : i32 to vector<256x256xi32>
    %lt3A_204 = arith.cmpi slt, %iota3A_192, %lt3A_203 : vector<256x256xi32>
    %and3A_205 = arith.andi %or3A_202, %lt3A_204 : vector<256x256xi1>
    %convert_element_type3A_206 = arith.extui %and3A_205 : vector<256x256xi1> to vector<256x256xi32>
    %convert_element_type3A_207 = arith.sitofp %convert_element_type3A_206 : vector<256x256xi32> to vector<256x256xf32>
    %reduce_sum3A_208 = arith.constant dense<0.000000e+00> : vector<256xf32>
    %reduce_sum3A_209 = vector.multi_reduction <add>, %convert_element_type3A_207, %reduce_sum3A_208 [0] : vector<256x256xf32> to vector<256xf32>
    %broadcast_in_dim3A_210 = vector.shape_cast %reduce_sum3A_209 : vector<256xf32> to vector<1x256xf32>
    %iota3A_211 = tpu.iota {dimensions = array<i32: 0>} : vector<30x256xi32>
    %iota3A_212 = tpu.iota {dimensions = array<i32: 1>} : vector<30x256xi32>
    %convert_element_type3A_213 = arith.fptosi %broadcast_in_dim3A_210 : vector<1x256xf32> to vector<1x256xi32>
    %eq3A_214 = vector.broadcast %convert_element_type3A_213 : vector<1x256xi32> to vector<30x256xi32>
    %eq3A_215 = arith.cmpi eq, %iota3A_211, %eq3A_214 : vector<30x256xi32>
    %lt3A_216 = vector.broadcast %get3A_157 : i32 to vector<30x256xi32>
    %lt3A_217 = arith.cmpi slt, %iota3A_212, %lt3A_216 : vector<30x256xi32>
    %and3A_218 = arith.andi %eq3A_215, %lt3A_217 : vector<30x256xi1>
    %convert_element_type3A_219 = arith.extui %and3A_218 : vector<30x256xi1> to vector<30x256xi32>
    %convert_element_type3A_220 = arith.sitofp %convert_element_type3A_219 : vector<30x256xi32> to vector<30x256xf32>
    %concatenate3A_221 = tpu.concatenate %get3A_160, %max3A_189 in 1 : vector<256x32xf32>, vector<256x32xf32> -> vector<256x64xf32>
    %dot_general3A_222 = arith.constant dense<0.000000e+00> : vector<30x64xf32>
    %dot_general3A_223 = tpu.matmul %convert_element_type3A_220, %concatenate3A_221, %dot_general3A_222 {dimension_numbers = #tpu.dot_dimension_numbers<[1], [0], [0], [1], [0, 0, 1, 1], [], []>, transpose_lhs_hint = false} : vector<30x256xf32>, vector<256x64xf32>, vector<30x64xf32> -> vector<30x64xf32>
    %swap3A_224 = arith.constant 2 : index
    %swap3A_225 = arith.constant 0 : index
    %swap3A_226 = arith.constant 0 : index
    %swap3A_227 = vector.load %arg10[%swap3A_224, %swap3A_225, %swap3A_226] : memref<16x30x64xf32, #tpu.memory_space<vmem>>, vector<1x30x64xf32>
    %swap3A_228 = vector.shape_cast %swap3A_227 : vector<1x30x64xf32> to vector<30x64xf32>
    %swap3A_229 = vector.shape_cast %dot_general3A_223 : vector<30x64xf32> to vector<1x30x64xf32>
    tpu.vector_store %arg10[%swap3A_224, %swap3A_225, %swap3A_226], %swap3A_229 {strides = array<i32>} : memref<16x30x64xf32, #tpu.memory_space<vmem>>, vector<1x30x64xf32>,
    %add3A_230 = arith.constant 3 : i32
    %add3A_231 = arith.addi %mul3A_0, %add3A_230 : i32
    %get3A_232 = arith.index_cast %add3A_231 : i32 to index
    %get3A_233 = arith.constant 0 : index
    %get3A_234 = memref.load %arg1[%get3A_232, %get3A_233] : memref<256x1xi32, #tpu.memory_space<smem>>
    %add3A_235 = arith.constant 3 : i32
    %add3A_236 = arith.addi %mul3A_0, %add3A_235 : i32
    %get3A_237 = arith.index_cast %add3A_236 : i32 to index
    %get3A_238 = arith.constant 0 : index
    %get3A_239 = memref.load %arg2[%get3A_237, %get3A_238] : memref<256x1xi32, #tpu.memory_space<smem>>
    %get3A_240 = arith.index_cast %get3A_234 : i32 to index
    %get3A_241 = arith.constant 0 : index
    %get3A_242 = vector.load %arg3[%get3A_240, %get3A_241] : memref<10496x32xf32, #tpu.memory_space<vmem>>, vector<256x32xf32>
    %get3A_243 = arith.index_cast %get3A_234 : i32 to index
    %get3A_244 = arith.constant 0 : index
    %get3A_245 = vector.load %arg5[%get3A_243, %get3A_244] : memref<10496x32xf32, #tpu.memory_space<vmem>>, vector<256x32xf32>
    %get3A_246 = arith.index_cast %get3A_234 : i32 to index
    %get3A_247 = arith.constant 0 : index
    %get3A_248 = vector.load %arg6[%get3A_246, %get3A_247] : memref<10496x32xf32, #tpu.memory_space<vmem>>, vector<256x32xf32>
    %add3A_249 = arith.addf %get3A_245, %get3A_248 : vector<256x32xf32>
    %get3A_250 = arith.index_cast %get3A_234 : i32 to index
    %get3A_251 = arith.constant 0 : index
    %get3A_252 = vector.load %arg4[%get3A_250, %get3A_251] : memref<10496x32xf32, #tpu.memory_space<vmem>>, vector<256x32xf32>
    %get3A_253 = arith.index_cast %get3A_234 : i32 to index
    %get3A_254 = arith.constant 0 : index
    %get3A_255 = vector.load %arg7[%get3A_253, %get3A_254] : memref<10496x1xf32, #tpu.memory_space<vmem>>, vector<256x1xf32>
    %get3A_256 = arith.index_cast %get3A_234 : i32 to index
    %get3A_257 = arith.constant 0 : index
    %get3A_258 = vector.load %arg8[%get3A_256, %get3A_257] : memref<10496x1xf32, #tpu.memory_space<vmem>>, vector<256x1xf32>
    %mul3A_259 = vector.broadcast %get3A_255 : vector<256x1xf32> to vector<256x32xf32>
    %mul3A_260 = arith.mulf %mul3A_259, %add3A_249 : vector<256x32xf32>
    %mul3A_261 = vector.broadcast %get3A_258 : vector<256x1xf32> to vector<256x32xf32>
    %mul3A_262 = arith.mulf %mul3A_261, %get3A_252 : vector<256x32xf32>
    %add3A_263 = arith.addf %mul3A_260, %mul3A_262 : vector<256x32xf32>
    %get3A_264 = arith.constant 0 : index
    %get3A_265 = arith.constant 0 : index
    %get3A_266 = vector.load %arg9[%get3A_264, %get3A_265] : memref<1x32xf32, #tpu.memory_space<vmem>>, vector<1x32xf32>
    %add3A_267 = vector.broadcast %get3A_266 : vector<1x32xf32> to vector<256x32xf32>
    %add3A_268 = arith.addf %add3A_263, %add3A_267 : vector<256x32xf32>
    %max3A_269 = arith.constant 0.000000e+00 : f32
    %max3A_270 = vector.broadcast %max3A_269 : f32 to vector<256x32xf32>
    %max3A_271 = arith.maximumf %add3A_268, %max3A_270 : vector<256x32xf32>
    %slice3A_272 = vector.extract_strided_slice %max3A_271 {offsets = [0, 31], sizes = [256, 1], strides = [1, 1]} : vector<256x32xf32> to vector<256x1xf32>
    %transpose3A_273 = tpu.transpose %slice3A_272, [1, 0] : vector<256x1xf32> -> vector<1x256xf32>
    %iota3A_274 = tpu.iota {dimensions = array<i32: 0>} : vector<256x256xi32>
    %iota3A_275 = tpu.iota {dimensions = array<i32: 1>} : vector<256x256xi32>
    %gt3A_276 = vector.broadcast %slice3A_272 : vector<256x1xf32> to vector<256x256xf32>
    %gt3A_277 = vector.broadcast %transpose3A_273 : vector<1x256xf32> to vector<256x256xf32>
    %gt3A_278 = arith.cmpf ogt, %gt3A_276, %gt3A_277 : vector<256x256xf32>
    %eq3A_279 = vector.broadcast %slice3A_272 : vector<256x1xf32> to vector<256x256xf32>
    %eq3A_280 = vector.broadcast %transpose3A_273 : vector<1x256xf32> to vector<256x256xf32>
    %eq3A_281 = arith.cmpf oeq, %eq3A_279, %eq3A_280 : vector<256x256xf32>
    %lt3A_282 = arith.cmpi slt, %iota3A_274, %iota3A_275 : vector<256x256xi32>
    %and3A_283 = arith.andi %eq3A_281, %lt3A_282 : vector<256x256xi1>
    %or3A_284 = arith.ori %gt3A_278, %and3A_283 : vector<256x256xi1>
    %lt3A_285 = vector.broadcast %get3A_239 : i32 to vector<256x256xi32>
    %lt3A_286 = arith.cmpi slt, %iota3A_274, %lt3A_285 : vector<256x256xi32>
    %and3A_287 = arith.andi %or3A_284, %lt3A_286 : vector<256x256xi1>
    %convert_element_type3A_288 = arith.extui %and3A_287 : vector<256x256xi1> to vector<256x256xi32>
    %convert_element_type3A_289 = arith.sitofp %convert_element_type3A_288 : vector<256x256xi32> to vector<256x256xf32>
    %reduce_sum3A_290 = arith.constant dense<0.000000e+00> : vector<256xf32>
    %reduce_sum3A_291 = vector.multi_reduction <add>, %convert_element_type3A_289, %reduce_sum3A_290 [0] : vector<256x256xf32> to vector<256xf32>
    %broadcast_in_dim3A_292 = vector.shape_cast %reduce_sum3A_291 : vector<256xf32> to vector<1x256xf32>
    %iota3A_293 = tpu.iota {dimensions = array<i32: 0>} : vector<30x256xi32>
    %iota3A_294 = tpu.iota {dimensions = array<i32: 1>} : vector<30x256xi32>
    %convert_element_type3A_295 = arith.fptosi %broadcast_in_dim3A_292 : vector<1x256xf32> to vector<1x256xi32>
    %eq3A_296 = vector.broadcast %convert_element_type3A_295 : vector<1x256xi32> to vector<30x256xi32>
    %eq3A_297 = arith.cmpi eq, %iota3A_293, %eq3A_296 : vector<30x256xi32>
    %lt3A_298 = vector.broadcast %get3A_239 : i32 to vector<30x256xi32>
    %lt3A_299 = arith.cmpi slt, %iota3A_294, %lt3A_298 : vector<30x256xi32>
    %and3A_300 = arith.andi %eq3A_297, %lt3A_299 : vector<30x256xi1>
    %convert_element_type3A_301 = arith.extui %and3A_300 : vector<30x256xi1> to vector<30x256xi32>
    %convert_element_type3A_302 = arith.sitofp %convert_element_type3A_301 : vector<30x256xi32> to vector<30x256xf32>
    %concatenate3A_303 = tpu.concatenate %get3A_242, %max3A_271 in 1 : vector<256x32xf32>, vector<256x32xf32> -> vector<256x64xf32>
    %dot_general3A_304 = arith.constant dense<0.000000e+00> : vector<30x64xf32>
    %dot_general3A_305 = tpu.matmul %convert_element_type3A_302, %concatenate3A_303, %dot_general3A_304 {dimension_numbers = #tpu.dot_dimension_numbers<[1], [0], [0], [1], [0, 0, 1, 1], [], []>, transpose_lhs_hint = false} : vector<30x256xf32>, vector<256x64xf32>, vector<30x64xf32> -> vector<30x64xf32>
    %swap3A_306 = arith.constant 3 : index
    %swap3A_307 = arith.constant 0 : index
    %swap3A_308 = arith.constant 0 : index
    %swap3A_309 = vector.load %arg10[%swap3A_306, %swap3A_307, %swap3A_308] : memref<16x30x64xf32, #tpu.memory_space<vmem>>, vector<1x30x64xf32>
    %swap3A_310 = vector.shape_cast %swap3A_309 : vector<1x30x64xf32> to vector<30x64xf32>
    %swap3A_311 = vector.shape_cast %dot_general3A_305 : vector<30x64xf32> to vector<1x30x64xf32>
    tpu.vector_store %arg10[%swap3A_306, %swap3A_307, %swap3A_308], %swap3A_311 {strides = array<i32>} : memref<16x30x64xf32, #tpu.memory_space<vmem>>, vector<1x30x64xf32>,
    %add3A_312 = arith.constant 4 : i32
    %add3A_313 = arith.addi %mul3A_0, %add3A_312 : i32
    %get3A_314 = arith.index_cast %add3A_313 : i32 to index
    %get3A_315 = arith.constant 0 : index
    %get3A_316 = memref.load %arg1[%get3A_314, %get3A_315] : memref<256x1xi32, #tpu.memory_space<smem>>
    %add3A_317 = arith.constant 4 : i32
    %add3A_318 = arith.addi %mul3A_0, %add3A_317 : i32
    %get3A_319 = arith.index_cast %add3A_318 : i32 to index
    %get3A_320 = arith.constant 0 : index
    %get3A_321 = memref.load %arg2[%get3A_319, %get3A_320] : memref<256x1xi32, #tpu.memory_space<smem>>
    %get3A_322 = arith.index_cast %get3A_316 : i32 to index
    %get3A_323 = arith.constant 0 : index
    %get3A_324 = vector.load %arg3[%get3A_322, %get3A_323] : memref<10496x32xf32, #tpu.memory_space<vmem>>, vector<256x32xf32>
    %get3A_325 = arith.index_cast %get3A_316 : i32 to index
    %get3A_326 = arith.constant 0 : index
    %get3A_327 = vector.load %arg5[%get3A_325, %get3A_326] : memref<10496x32xf32, #tpu.memory_space<vmem>>, vector<256x32xf32>
    %get3A_328 = arith.index_cast %get3A_316 : i32 to index
    %get3A_329 = arith.constant 0 : index
    %get3A_330 = vector.load %arg6[%get3A_328, %get3A_329] : memref<10496x32xf32, #tpu.memory_space<vmem>>, vector<256x32xf32>
    %add3A_331 = arith.addf %get3A_327, %get3A_330 : vector<256x32xf32>
    %get3A_332 = arith.index_cast %get3A_316 : i32 to index
    %get3A_333 = arith.constant 0 : index
    %get3A_334 = vector.load %arg4[%get3A_332, %get3A_333] : memref<10496x32xf32, #tpu.memory_space<vmem>>, vector<256x32xf32>
    %get3A_335 = arith.index_cast %get3A_316 : i32 to index
    %get3A_336 = arith.constant 0 : index
    %get3A_337 = vector.load %arg7[%get3A_335, %get3A_336] : memref<10496x1xf32, #tpu.memory_space<vmem>>, vector<256x1xf32>
    %get3A_338 = arith.index_cast %get3A_316 : i32 to index
    %get3A_339 = arith.constant 0 : index
    %get3A_340 = vector.load %arg8[%get3A_338, %get3A_339] : memref<10496x1xf32, #tpu.memory_space<vmem>>, vector<256x1xf32>
    %mul3A_341 = vector.broadcast %get3A_337 : vector<256x1xf32> to vector<256x32xf32>
    %mul3A_342 = arith.mulf %mul3A_341, %add3A_331 : vector<256x32xf32>
    %mul3A_343 = vector.broadcast %get3A_340 : vector<256x1xf32> to vector<256x32xf32>
    %mul3A_344 = arith.mulf %mul3A_343, %get3A_334 : vector<256x32xf32>
    %add3A_345 = arith.addf %mul3A_342, %mul3A_344 : vector<256x32xf32>
    %get3A_346 = arith.constant 0 : index
    %get3A_347 = arith.constant 0 : index
    %get3A_348 = vector.load %arg9[%get3A_346, %get3A_347] : memref<1x32xf32, #tpu.memory_space<vmem>>, vector<1x32xf32>
    %add3A_349 = vector.broadcast %get3A_348 : vector<1x32xf32> to vector<256x32xf32>
    %add3A_350 = arith.addf %add3A_345, %add3A_349 : vector<256x32xf32>
    %max3A_351 = arith.constant 0.000000e+00 : f32
    %max3A_352 = vector.broadcast %max3A_351 : f32 to vector<256x32xf32>
    %max3A_353 = arith.maximumf %add3A_350, %max3A_352 : vector<256x32xf32>
    %slice3A_354 = vector.extract_strided_slice %max3A_353 {offsets = [0, 31], sizes = [256, 1], strides = [1, 1]} : vector<256x32xf32> to vector<256x1xf32>
    %transpose3A_355 = tpu.transpose %slice3A_354, [1, 0] : vector<256x1xf32> -> vector<1x256xf32>
    %iota3A_356 = tpu.iota {dimensions = array<i32: 0>} : vector<256x256xi32>
    %iota3A_357 = tpu.iota {dimensions = array<i32: 1>} : vector<256x256xi32>
    %gt3A_358 = vector.broadcast %slice3A_354 : vector<256x1xf32> to vector<256x256xf32>
    %gt3A_359 = vector.broadcast %transpose3A_355 : vector<1x256xf32> to vector<256x256xf32>
    %gt3A_360 = arith.cmpf ogt, %gt3A_358, %gt3A_359 : vector<256x256xf32>
    %eq3A_361 = vector.broadcast %slice3A_354 : vector<256x1xf32> to vector<256x256xf32>
    %eq3A_362 = vector.broadcast %transpose3A_355 : vector<1x256xf32> to vector<256x256xf32>
    %eq3A_363 = arith.cmpf oeq, %eq3A_361, %eq3A_362 : vector<256x256xf32>
    %lt3A_364 = arith.cmpi slt, %iota3A_356, %iota3A_357 : vector<256x256xi32>
    %and3A_365 = arith.andi %eq3A_363, %lt3A_364 : vector<256x256xi1>
    %or3A_366 = arith.ori %gt3A_360, %and3A_365 : vector<256x256xi1>
    %lt3A_367 = vector.broadcast %get3A_321 : i32 to vector<256x256xi32>
    %lt3A_368 = arith.cmpi slt, %iota3A_356, %lt3A_367 : vector<256x256xi32>
    %and3A_369 = arith.andi %or3A_366, %lt3A_368 : vector<256x256xi1>
    %convert_element_type3A_370 = arith.extui %and3A_369 : vector<256x256xi1> to vector<256x256xi32>
    %convert_element_type3A_371 = arith.sitofp %convert_element_type3A_370 : vector<256x256xi32> to vector<256x256xf32>
    %reduce_sum3A_372 = arith.constant dense<0.000000e+00> : vector<256xf32>
    %reduce_sum3A_373 = vector.multi_reduction <add>, %convert_element_type3A_371, %reduce_sum3A_372 [0] : vector<256x256xf32> to vector<256xf32>
    %broadcast_in_dim3A_374 = vector.shape_cast %reduce_sum3A_373 : vector<256xf32> to vector<1x256xf32>
    %iota3A_375 = tpu.iota {dimensions = array<i32: 0>} : vector<30x256xi32>
    %iota3A_376 = tpu.iota {dimensions = array<i32: 1>} : vector<30x256xi32>
    %convert_element_type3A_377 = arith.fptosi %broadcast_in_dim3A_374 : vector<1x256xf32> to vector<1x256xi32>
    %eq3A_378 = vector.broadcast %convert_element_type3A_377 : vector<1x256xi32> to vector<30x256xi32>
    %eq3A_379 = arith.cmpi eq, %iota3A_375, %eq3A_378 : vector<30x256xi32>
    %lt3A_380 = vector.broadcast %get3A_321 : i32 to vector<30x256xi32>
    %lt3A_381 = arith.cmpi slt, %iota3A_376, %lt3A_380 : vector<30x256xi32>
    %and3A_382 = arith.andi %eq3A_379, %lt3A_381 : vector<30x256xi1>
    %convert_element_type3A_383 = arith.extui %and3A_382 : vector<30x256xi1> to vector<30x256xi32>
    %convert_element_type3A_384 = arith.sitofp %convert_element_type3A_383 : vector<30x256xi32> to vector<30x256xf32>
    %concatenate3A_385 = tpu.concatenate %get3A_324, %max3A_353 in 1 : vector<256x32xf32>, vector<256x32xf32> -> vector<256x64xf32>
    %dot_general3A_386 = arith.constant dense<0.000000e+00> : vector<30x64xf32>
    %dot_general3A_387 = tpu.matmul %convert_element_type3A_384, %concatenate3A_385, %dot_general3A_386 {dimension_numbers = #tpu.dot_dimension_numbers<[1], [0], [0], [1], [0, 0, 1, 1], [], []>, transpose_lhs_hint = false} : vector<30x256xf32>, vector<256x64xf32>, vector<30x64xf32> -> vector<30x64xf32>
    %swap3A_388 = arith.constant 4 : index
    %swap3A_389 = arith.constant 0 : index
    %swap3A_390 = arith.constant 0 : index
    %swap3A_391 = vector.load %arg10[%swap3A_388, %swap3A_389, %swap3A_390] : memref<16x30x64xf32, #tpu.memory_space<vmem>>, vector<1x30x64xf32>
    %swap3A_392 = vector.shape_cast %swap3A_391 : vector<1x30x64xf32> to vector<30x64xf32>
    %swap3A_393 = vector.shape_cast %dot_general3A_387 : vector<30x64xf32> to vector<1x30x64xf32>
    tpu.vector_store %arg10[%swap3A_388, %swap3A_389, %swap3A_390], %swap3A_393 {strides = array<i32>} : memref<16x30x64xf32, #tpu.memory_space<vmem>>, vector<1x30x64xf32>,
    %add3A_394 = arith.constant 5 : i32
    %add3A_395 = arith.addi %mul3A_0, %add3A_394 : i32
    %get3A_396 = arith.index_cast %add3A_395 : i32 to index
    %get3A_397 = arith.constant 0 : index
    %get3A_398 = memref.load %arg1[%get3A_396, %get3A_397] : memref<256x1xi32, #tpu.memory_space<smem>>
    %add3A_399 = arith.constant 5 : i32
    %add3A_400 = arith.addi %mul3A_0, %add3A_399 : i32
    %get3A_401 = arith.index_cast %add3A_400 : i32 to index
    %get3A_402 = arith.constant 0 : index
    %get3A_403 = memref.load %arg2[%get3A_401, %get3A_402] : memref<256x1xi32, #tpu.memory_space<smem>>
    %get3A_404 = arith.index_cast %get3A_398 : i32 to index
    %get3A_405 = arith.constant 0 : index
    %get3A_406 = vector.load %arg3[%get3A_404, %get3A_405] : memref<10496x32xf32, #tpu.memory_space<vmem>>, vector<256x32xf32>
    %get3A_407 = arith.index_cast %get3A_398 : i32 to index
    %get3A_408 = arith.constant 0 : index
    %get3A_409 = vector.load %arg5[%get3A_407, %get3A_408] : memref<10496x32xf32, #tpu.memory_space<vmem>>, vector<256x32xf32>
    %get3A_410 = arith.index_cast %get3A_398 : i32 to index
    %get3A_411 = arith.constant 0 : index
    %get3A_412 = vector.load %arg6[%get3A_410, %get3A_411] : memref<10496x32xf32, #tpu.memory_space<vmem>>, vector<256x32xf32>
    %add3A_413 = arith.addf %get3A_409, %get3A_412 : vector<256x32xf32>
    %get3A_414 = arith.index_cast %get3A_398 : i32 to index
    %get3A_415 = arith.constant 0 : index
    %get3A_416 = vector.load %arg4[%get3A_414, %get3A_415] : memref<10496x32xf32, #tpu.memory_space<vmem>>, vector<256x32xf32>
    %get3A_417 = arith.index_cast %get3A_398 : i32 to index
    %get3A_418 = arith.constant 0 : index
    %get3A_419 = vector.load %arg7[%get3A_417, %get3A_418] : memref<10496x1xf32, #tpu.memory_space<vmem>>, vector<256x1xf32>
    %get3A_420 = arith.index_cast %get3A_398 : i32 to index
    %get3A_421 = arith.constant 0 : index
    %get3A_422 = vector.load %arg8[%get3A_420, %get3A_421] : memref<10496x1xf32, #tpu.memory_space<vmem>>, vector<256x1xf32>
    %mul3A_423 = vector.broadcast %get3A_419 : vector<256x1xf32> to vector<256x32xf32>
    %mul3A_424 = arith.mulf %mul3A_423, %add3A_413 : vector<256x32xf32>
    %mul3A_425 = vector.broadcast %get3A_422 : vector<256x1xf32> to vector<256x32xf32>
    %mul3A_426 = arith.mulf %mul3A_425, %get3A_416 : vector<256x32xf32>
    %add3A_427 = arith.addf %mul3A_424, %mul3A_426 : vector<256x32xf32>
    %get3A_428 = arith.constant 0 : index
    %get3A_429 = arith.constant 0 : index
    %get3A_430 = vector.load %arg9[%get3A_428, %get3A_429] : memref<1x32xf32, #tpu.memory_space<vmem>>, vector<1x32xf32>
    %add3A_431 = vector.broadcast %get3A_430 : vector<1x32xf32> to vector<256x32xf32>
    %add3A_432 = arith.addf %add3A_427, %add3A_431 : vector<256x32xf32>
    %max3A_433 = arith.constant 0.000000e+00 : f32
    %max3A_434 = vector.broadcast %max3A_433 : f32 to vector<256x32xf32>
    %max3A_435 = arith.maximumf %add3A_432, %max3A_434 : vector<256x32xf32>
    %slice3A_436 = vector.extract_strided_slice %max3A_435 {offsets = [0, 31], sizes = [256, 1], strides = [1, 1]} : vector<256x32xf32> to vector<256x1xf32>
    %transpose3A_437 = tpu.transpose %slice3A_436, [1, 0] : vector<256x1xf32> -> vector<1x256xf32>
    %iota3A_438 = tpu.iota {dimensions = array<i32: 0>} : vector<256x256xi32>
    %iota3A_439 = tpu.iota {dimensions = array<i32: 1>} : vector<256x256xi32>
    %gt3A_440 = vector.broadcast %slice3A_436 : vector<256x1xf32> to vector<256x256xf32>
    %gt3A_441 = vector.broadcast %transpose3A_437 : vector<1x256xf32> to vector<256x256xf32>
    %gt3A_442 = arith.cmpf ogt, %gt3A_440, %gt3A_441 : vector<256x256xf32>
    %eq3A_443 = vector.broadcast %slice3A_436 : vector<256x1xf32> to vector<256x256xf32>
    %eq3A_444 = vector.broadcast %transpose3A_437 : vector<1x256xf32> to vector<256x256xf32>
    %eq3A_445 = arith.cmpf oeq, %eq3A_443, %eq3A_444 : vector<256x256xf32>
    %lt3A_446 = arith.cmpi slt, %iota3A_438, %iota3A_439 : vector<256x256xi32>
    %and3A_447 = arith.andi %eq3A_445, %lt3A_446 : vector<256x256xi1>
    %or3A_448 = arith.ori %gt3A_442, %and3A_447 : vector<256x256xi1>
    %lt3A_449 = vector.broadcast %get3A_403 : i32 to vector<256x256xi32>
    %lt3A_450 = arith.cmpi slt, %iota3A_438, %lt3A_449 : vector<256x256xi32>
    %and3A_451 = arith.andi %or3A_448, %lt3A_450 : vector<256x256xi1>
    %convert_element_type3A_452 = arith.extui %and3A_451 : vector<256x256xi1> to vector<256x256xi32>
    %convert_element_type3A_453 = arith.sitofp %convert_element_type3A_452 : vector<256x256xi32> to vector<256x256xf32>
    %reduce_sum3A_454 = arith.constant dense<0.000000e+00> : vector<256xf32>
    %reduce_sum3A_455 = vector.multi_reduction <add>, %convert_element_type3A_453, %reduce_sum3A_454 [0] : vector<256x256xf32> to vector<256xf32>
    %broadcast_in_dim3A_456 = vector.shape_cast %reduce_sum3A_455 : vector<256xf32> to vector<1x256xf32>
    %iota3A_457 = tpu.iota {dimensions = array<i32: 0>} : vector<30x256xi32>
    %iota3A_458 = tpu.iota {dimensions = array<i32: 1>} : vector<30x256xi32>
    %convert_element_type3A_459 = arith.fptosi %broadcast_in_dim3A_456 : vector<1x256xf32> to vector<1x256xi32>
    %eq3A_460 = vector.broadcast %convert_element_type3A_459 : vector<1x256xi32> to vector<30x256xi32>
    %eq3A_461 = arith.cmpi eq, %iota3A_457, %eq3A_460 : vector<30x256xi32>
    %lt3A_462 = vector.broadcast %get3A_403 : i32 to vector<30x256xi32>
    %lt3A_463 = arith.cmpi slt, %iota3A_458, %lt3A_462 : vector<30x256xi32>
    %and3A_464 = arith.andi %eq3A_461, %lt3A_463 : vector<30x256xi1>
    %convert_element_type3A_465 = arith.extui %and3A_464 : vector<30x256xi1> to vector<30x256xi32>
    %convert_element_type3A_466 = arith.sitofp %convert_element_type3A_465 : vector<30x256xi32> to vector<30x256xf32>
    %concatenate3A_467 = tpu.concatenate %get3A_406, %max3A_435 in 1 : vector<256x32xf32>, vector<256x32xf32> -> vector<256x64xf32>
    %dot_general3A_468 = arith.constant dense<0.000000e+00> : vector<30x64xf32>
    %dot_general3A_469 = tpu.matmul %convert_element_type3A_466, %concatenate3A_467, %dot_general3A_468 {dimension_numbers = #tpu.dot_dimension_numbers<[1], [0], [0], [1], [0, 0, 1, 1], [], []>, transpose_lhs_hint = false} : vector<30x256xf32>, vector<256x64xf32>, vector<30x64xf32> -> vector<30x64xf32>
    %swap3A_470 = arith.constant 5 : index
    %swap3A_471 = arith.constant 0 : index
    %swap3A_472 = arith.constant 0 : index
    %swap3A_473 = vector.load %arg10[%swap3A_470, %swap3A_471, %swap3A_472] : memref<16x30x64xf32, #tpu.memory_space<vmem>>, vector<1x30x64xf32>
    %swap3A_474 = vector.shape_cast %swap3A_473 : vector<1x30x64xf32> to vector<30x64xf32>
    %swap3A_475 = vector.shape_cast %dot_general3A_469 : vector<30x64xf32> to vector<1x30x64xf32>
    tpu.vector_store %arg10[%swap3A_470, %swap3A_471, %swap3A_472], %swap3A_475 {strides = array<i32>} : memref<16x30x64xf32, #tpu.memory_space<vmem>>, vector<1x30x64xf32>,
    %add3A_476 = arith.constant 6 : i32
    %add3A_477 = arith.addi %mul3A_0, %add3A_476 : i32
    %get3A_478 = arith.index_cast %add3A_477 : i32 to index
    %get3A_479 = arith.constant 0 : index
    %get3A_480 = memref.load %arg1[%get3A_478, %get3A_479] : memref<256x1xi32, #tpu.memory_space<smem>>
    %add3A_481 = arith.constant 6 : i32
    %add3A_482 = arith.addi %mul3A_0, %add3A_481 : i32
    %get3A_483 = arith.index_cast %add3A_482 : i32 to index
    %get3A_484 = arith.constant 0 : index
    %get3A_485 = memref.load %arg2[%get3A_483, %get3A_484] : memref<256x1xi32, #tpu.memory_space<smem>>
    %get3A_486 = arith.index_cast %get3A_480 : i32 to index
    %get3A_487 = arith.constant 0 : index
    %get3A_488 = vector.load %arg3[%get3A_486, %get3A_487] : memref<10496x32xf32, #tpu.memory_space<vmem>>, vector<256x32xf32>
    %get3A_489 = arith.index_cast %get3A_480 : i32 to index
    %get3A_490 = arith.constant 0 : index
    %get3A_491 = vector.load %arg5[%get3A_489, %get3A_490] : memref<10496x32xf32, #tpu.memory_space<vmem>>, vector<256x32xf32>
    %get3A_492 = arith.index_cast %get3A_480 : i32 to index
    %get3A_493 = arith.constant 0 : index
    %get3A_494 = vector.load %arg6[%get3A_492, %get3A_493] : memref<10496x32xf32, #tpu.memory_space<vmem>>, vector<256x32xf32>
    %add3A_495 = arith.addf %get3A_491, %get3A_494 : vector<256x32xf32>
    %get3A_496 = arith.index_cast %get3A_480 : i32 to index
    %get3A_497 = arith.constant 0 : index
    %get3A_498 = vector.load %arg4[%get3A_496, %get3A_497] : memref<10496x32xf32, #tpu.memory_space<vmem>>, vector<256x32xf32>
    %get3A_499 = arith.index_cast %get3A_480 : i32 to index
    %get3A_500 = arith.constant 0 : index
    %get3A_501 = vector.load %arg7[%get3A_499, %get3A_500] : memref<10496x1xf32, #tpu.memory_space<vmem>>, vector<256x1xf32>
    %get3A_502 = arith.index_cast %get3A_480 : i32 to index
    %get3A_503 = arith.constant 0 : index
    %get3A_504 = vector.load %arg8[%get3A_502, %get3A_503] : memref<10496x1xf32, #tpu.memory_space<vmem>>, vector<256x1xf32>
    %mul3A_505 = vector.broadcast %get3A_501 : vector<256x1xf32> to vector<256x32xf32>
    %mul3A_506 = arith.mulf %mul3A_505, %add3A_495 : vector<256x32xf32>
    %mul3A_507 = vector.broadcast %get3A_504 : vector<256x1xf32> to vector<256x32xf32>
    %mul3A_508 = arith.mulf %mul3A_507, %get3A_498 : vector<256x32xf32>
    %add3A_509 = arith.addf %mul3A_506, %mul3A_508 : vector<256x32xf32>
    %get3A_510 = arith.constant 0 : index
    %get3A_511 = arith.constant 0 : index
    %get3A_512 = vector.load %arg9[%get3A_510, %get3A_511] : memref<1x32xf32, #tpu.memory_space<vmem>>, vector<1x32xf32>
    %add3A_513 = vector.broadcast %get3A_512 : vector<1x32xf32> to vector<256x32xf32>
    %add3A_514 = arith.addf %add3A_509, %add3A_513 : vector<256x32xf32>
    %max3A_515 = arith.constant 0.000000e+00 : f32
    %max3A_516 = vector.broadcast %max3A_515 : f32 to vector<256x32xf32>
    %max3A_517 = arith.maximumf %add3A_514, %max3A_516 : vector<256x32xf32>
    %slice3A_518 = vector.extract_strided_slice %max3A_517 {offsets = [0, 31], sizes = [256, 1], strides = [1, 1]} : vector<256x32xf32> to vector<256x1xf32>
    %transpose3A_519 = tpu.transpose %slice3A_518, [1, 0] : vector<256x1xf32> -> vector<1x256xf32>
    %iota3A_520 = tpu.iota {dimensions = array<i32: 0>} : vector<256x256xi32>
    %iota3A_521 = tpu.iota {dimensions = array<i32: 1>} : vector<256x256xi32>
    %gt3A_522 = vector.broadcast %slice3A_518 : vector<256x1xf32> to vector<256x256xf32>
    %gt3A_523 = vector.broadcast %transpose3A_519 : vector<1x256xf32> to vector<256x256xf32>
    %gt3A_524 = arith.cmpf ogt, %gt3A_522, %gt3A_523 : vector<256x256xf32>
    %eq3A_525 = vector.broadcast %slice3A_518 : vector<256x1xf32> to vector<256x256xf32>
    %eq3A_526 = vector.broadcast %transpose3A_519 : vector<1x256xf32> to vector<256x256xf32>
    %eq3A_527 = arith.cmpf oeq, %eq3A_525, %eq3A_526 : vector<256x256xf32>
    %lt3A_528 = arith.cmpi slt, %iota3A_520, %iota3A_521 : vector<256x256xi32>
    %and3A_529 = arith.andi %eq3A_527, %lt3A_528 : vector<256x256xi1>
    %or3A_530 = arith.ori %gt3A_524, %and3A_529 : vector<256x256xi1>
    %lt3A_531 = vector.broadcast %get3A_485 : i32 to vector<256x256xi32>
    %lt3A_532 = arith.cmpi slt, %iota3A_520, %lt3A_531 : vector<256x256xi32>
    %and3A_533 = arith.andi %or3A_530, %lt3A_532 : vector<256x256xi1>
    %convert_element_type3A_534 = arith.extui %and3A_533 : vector<256x256xi1> to vector<256x256xi32>
    %convert_element_type3A_535 = arith.sitofp %convert_element_type3A_534 : vector<256x256xi32> to vector<256x256xf32>
    %reduce_sum3A_536 = arith.constant dense<0.000000e+00> : vector<256xf32>
    %reduce_sum3A_537 = vector.multi_reduction <add>, %convert_element_type3A_535, %reduce_sum3A_536 [0] : vector<256x256xf32> to vector<256xf32>
    %broadcast_in_dim3A_538 = vector.shape_cast %reduce_sum3A_537 : vector<256xf32> to vector<1x256xf32>
    %iota3A_539 = tpu.iota {dimensions = array<i32: 0>} : vector<30x256xi32>
    %iota3A_540 = tpu.iota {dimensions = array<i32: 1>} : vector<30x256xi32>
    %convert_element_type3A_541 = arith.fptosi %broadcast_in_dim3A_538 : vector<1x256xf32> to vector<1x256xi32>
    %eq3A_542 = vector.broadcast %convert_element_type3A_541 : vector<1x256xi32> to vector<30x256xi32>
    %eq3A_543 = arith.cmpi eq, %iota3A_539, %eq3A_542 : vector<30x256xi32>
    %lt3A_544 = vector.broadcast %get3A_485 : i32 to vector<30x256xi32>
    %lt3A_545 = arith.cmpi slt, %iota3A_540, %lt3A_544 : vector<30x256xi32>
    %and3A_546 = arith.andi %eq3A_543, %lt3A_545 : vector<30x256xi1>
    %convert_element_type3A_547 = arith.extui %and3A_546 : vector<30x256xi1> to vector<30x256xi32>
    %convert_element_type3A_548 = arith.sitofp %convert_element_type3A_547 : vector<30x256xi32> to vector<30x256xf32>
    %concatenate3A_549 = tpu.concatenate %get3A_488, %max3A_517 in 1 : vector<256x32xf32>, vector<256x32xf32> -> vector<256x64xf32>
    %dot_general3A_550 = arith.constant dense<0.000000e+00> : vector<30x64xf32>
    %dot_general3A_551 = tpu.matmul %convert_element_type3A_548, %concatenate3A_549, %dot_general3A_550 {dimension_numbers = #tpu.dot_dimension_numbers<[1], [0], [0], [1], [0, 0, 1, 1], [], []>, transpose_lhs_hint = false} : vector<30x256xf32>, vector<256x64xf32>, vector<30x64xf32> -> vector<30x64xf32>
    %swap3A_552 = arith.constant 6 : index
    %swap3A_553 = arith.constant 0 : index
    %swap3A_554 = arith.constant 0 : index
    %swap3A_555 = vector.load %arg10[%swap3A_552, %swap3A_553, %swap3A_554] : memref<16x30x64xf32, #tpu.memory_space<vmem>>, vector<1x30x64xf32>
    %swap3A_556 = vector.shape_cast %swap3A_555 : vector<1x30x64xf32> to vector<30x64xf32>
    %swap3A_557 = vector.shape_cast %dot_general3A_551 : vector<30x64xf32> to vector<1x30x64xf32>
    tpu.vector_store %arg10[%swap3A_552, %swap3A_553, %swap3A_554], %swap3A_557 {strides = array<i32>} : memref<16x30x64xf32, #tpu.memory_space<vmem>>, vector<1x30x64xf32>,
    %add3A_558 = arith.constant 7 : i32
    %add3A_559 = arith.addi %mul3A_0, %add3A_558 : i32
    %get3A_560 = arith.index_cast %add3A_559 : i32 to index
    %get3A_561 = arith.constant 0 : index
    %get3A_562 = memref.load %arg1[%get3A_560, %get3A_561] : memref<256x1xi32, #tpu.memory_space<smem>>
    %add3A_563 = arith.constant 7 : i32
    %add3A_564 = arith.addi %mul3A_0, %add3A_563 : i32
    %get3A_565 = arith.index_cast %add3A_564 : i32 to index
    %get3A_566 = arith.constant 0 : index
    %get3A_567 = memref.load %arg2[%get3A_565, %get3A_566] : memref<256x1xi32, #tpu.memory_space<smem>>
    %get3A_568 = arith.index_cast %get3A_562 : i32 to index
    %get3A_569 = arith.constant 0 : index
    %get3A_570 = vector.load %arg3[%get3A_568, %get3A_569] : memref<10496x32xf32, #tpu.memory_space<vmem>>, vector<256x32xf32>
    %get3A_571 = arith.index_cast %get3A_562 : i32 to index
    %get3A_572 = arith.constant 0 : index
    %get3A_573 = vector.load %arg5[%get3A_571, %get3A_572] : memref<10496x32xf32, #tpu.memory_space<vmem>>, vector<256x32xf32>
    %get3A_574 = arith.index_cast %get3A_562 : i32 to index
    %get3A_575 = arith.constant 0 : index
    %get3A_576 = vector.load %arg6[%get3A_574, %get3A_575] : memref<10496x32xf32, #tpu.memory_space<vmem>>, vector<256x32xf32>
    %add3A_577 = arith.addf %get3A_573, %get3A_576 : vector<256x32xf32>
    %get3A_578 = arith.index_cast %get3A_562 : i32 to index
    %get3A_579 = arith.constant 0 : index
    %get3A_580 = vector.load %arg4[%get3A_578, %get3A_579] : memref<10496x32xf32, #tpu.memory_space<vmem>>, vector<256x32xf32>
    %get3A_581 = arith.index_cast %get3A_562 : i32 to index
    %get3A_582 = arith.constant 0 : index
    %get3A_583 = vector.load %arg7[%get3A_581, %get3A_582] : memref<10496x1xf32, #tpu.memory_space<vmem>>, vector<256x1xf32>
    %get3A_584 = arith.index_cast %get3A_562 : i32 to index
    %get3A_585 = arith.constant 0 : index
    %get3A_586 = vector.load %arg8[%get3A_584, %get3A_585] : memref<10496x1xf32, #tpu.memory_space<vmem>>, vector<256x1xf32>
    %mul3A_587 = vector.broadcast %get3A_583 : vector<256x1xf32> to vector<256x32xf32>
    %mul3A_588 = arith.mulf %mul3A_587, %add3A_577 : vector<256x32xf32>
    %mul3A_589 = vector.broadcast %get3A_586 : vector<256x1xf32> to vector<256x32xf32>
    %mul3A_590 = arith.mulf %mul3A_589, %get3A_580 : vector<256x32xf32>
    %add3A_591 = arith.addf %mul3A_588, %mul3A_590 : vector<256x32xf32>
    %get3A_592 = arith.constant 0 : index
    %get3A_593 = arith.constant 0 : index
    %get3A_594 = vector.load %arg9[%get3A_592, %get3A_593] : memref<1x32xf32, #tpu.memory_space<vmem>>, vector<1x32xf32>
    %add3A_595 = vector.broadcast %get3A_594 : vector<1x32xf32> to vector<256x32xf32>
    %add3A_596 = arith.addf %add3A_591, %add3A_595 : vector<256x32xf32>
    %max3A_597 = arith.constant 0.000000e+00 : f32
    %max3A_598 = vector.broadcast %max3A_597 : f32 to vector<256x32xf32>
    %max3A_599 = arith.maximumf %add3A_596, %max3A_598 : vector<256x32xf32>
    %slice3A_600 = vector.extract_strided_slice %max3A_599 {offsets = [0, 31], sizes = [256, 1], strides = [1, 1]} : vector<256x32xf32> to vector<256x1xf32>
    %transpose3A_601 = tpu.transpose %slice3A_600, [1, 0] : vector<256x1xf32> -> vector<1x256xf32>
    %iota3A_602 = tpu.iota {dimensions = array<i32: 0>} : vector<256x256xi32>
    %iota3A_603 = tpu.iota {dimensions = array<i32: 1>} : vector<256x256xi32>
    %gt3A_604 = vector.broadcast %slice3A_600 : vector<256x1xf32> to vector<256x256xf32>
    %gt3A_605 = vector.broadcast %transpose3A_601 : vector<1x256xf32> to vector<256x256xf32>
    %gt3A_606 = arith.cmpf ogt, %gt3A_604, %gt3A_605 : vector<256x256xf32>
    %eq3A_607 = vector.broadcast %slice3A_600 : vector<256x1xf32> to vector<256x256xf32>
    %eq3A_608 = vector.broadcast %transpose3A_601 : vector<1x256xf32> to vector<256x256xf32>
    %eq3A_609 = arith.cmpf oeq, %eq3A_607, %eq3A_608 : vector<256x256xf32>
    %lt3A_610 = arith.cmpi slt, %iota3A_602, %iota3A_603 : vector<256x256xi32>
    %and3A_611 = arith.andi %eq3A_609, %lt3A_610 : vector<256x256xi1>
    %or3A_612 = arith.ori %gt3A_606, %and3A_611 : vector<256x256xi1>
    %lt3A_613 = vector.broadcast %get3A_567 : i32 to vector<256x256xi32>
    %lt3A_614 = arith.cmpi slt, %iota3A_602, %lt3A_613 : vector<256x256xi32>
    %and3A_615 = arith.andi %or3A_612, %lt3A_614 : vector<256x256xi1>
    %convert_element_type3A_616 = arith.extui %and3A_615 : vector<256x256xi1> to vector<256x256xi32>
    %convert_element_type3A_617 = arith.sitofp %convert_element_type3A_616 : vector<256x256xi32> to vector<256x256xf32>
    %reduce_sum3A_618 = arith.constant dense<0.000000e+00> : vector<256xf32>
    %reduce_sum3A_619 = vector.multi_reduction <add>, %convert_element_type3A_617, %reduce_sum3A_618 [0] : vector<256x256xf32> to vector<256xf32>
    %broadcast_in_dim3A_620 = vector.shape_cast %reduce_sum3A_619 : vector<256xf32> to vector<1x256xf32>
    %iota3A_621 = tpu.iota {dimensions = array<i32: 0>} : vector<30x256xi32>
    %iota3A_622 = tpu.iota {dimensions = array<i32: 1>} : vector<30x256xi32>
    %convert_element_type3A_623 = arith.fptosi %broadcast_in_dim3A_620 : vector<1x256xf32> to vector<1x256xi32>
    %eq3A_624 = vector.broadcast %convert_element_type3A_623 : vector<1x256xi32> to vector<30x256xi32>
    %eq3A_625 = arith.cmpi eq, %iota3A_621, %eq3A_624 : vector<30x256xi32>
    %lt3A_626 = vector.broadcast %get3A_567 : i32 to vector<30x256xi32>
    %lt3A_627 = arith.cmpi slt, %iota3A_622, %lt3A_626 : vector<30x256xi32>
    %and3A_628 = arith.andi %eq3A_625, %lt3A_627 : vector<30x256xi1>
    %convert_element_type3A_629 = arith.extui %and3A_628 : vector<30x256xi1> to vector<30x256xi32>
    %convert_element_type3A_630 = arith.sitofp %convert_element_type3A_629 : vector<30x256xi32> to vector<30x256xf32>
    %concatenate3A_631 = tpu.concatenate %get3A_570, %max3A_599 in 1 : vector<256x32xf32>, vector<256x32xf32> -> vector<256x64xf32>
    %dot_general3A_632 = arith.constant dense<0.000000e+00> : vector<30x64xf32>
    %dot_general3A_633 = tpu.matmul %convert_element_type3A_630, %concatenate3A_631, %dot_general3A_632 {dimension_numbers = #tpu.dot_dimension_numbers<[1], [0], [0], [1], [0, 0, 1, 1], [], []>, transpose_lhs_hint = false} : vector<30x256xf32>, vector<256x64xf32>, vector<30x64xf32> -> vector<30x64xf32>
    %swap3A_634 = arith.constant 7 : index
    %swap3A_635 = arith.constant 0 : index
    %swap3A_636 = arith.constant 0 : index
    %swap3A_637 = vector.load %arg10[%swap3A_634, %swap3A_635, %swap3A_636] : memref<16x30x64xf32, #tpu.memory_space<vmem>>, vector<1x30x64xf32>
    %swap3A_638 = vector.shape_cast %swap3A_637 : vector<1x30x64xf32> to vector<30x64xf32>
    %swap3A_639 = vector.shape_cast %dot_general3A_633 : vector<30x64xf32> to vector<1x30x64xf32>
    tpu.vector_store %arg10[%swap3A_634, %swap3A_635, %swap3A_636], %swap3A_639 {strides = array<i32>} : memref<16x30x64xf32, #tpu.memory_space<vmem>>, vector<1x30x64xf32>,
    %add3A_640 = arith.constant 8 : i32
    %add3A_641 = arith.addi %mul3A_0, %add3A_640 : i32
    %get3A_642 = arith.index_cast %add3A_641 : i32 to index
    %get3A_643 = arith.constant 0 : index
    %get3A_644 = memref.load %arg1[%get3A_642, %get3A_643] : memref<256x1xi32, #tpu.memory_space<smem>>
    %add3A_645 = arith.constant 8 : i32
    %add3A_646 = arith.addi %mul3A_0, %add3A_645 : i32
    %get3A_647 = arith.index_cast %add3A_646 : i32 to index
    %get3A_648 = arith.constant 0 : index
    %get3A_649 = memref.load %arg2[%get3A_647, %get3A_648] : memref<256x1xi32, #tpu.memory_space<smem>>
    %get3A_650 = arith.index_cast %get3A_644 : i32 to index
    %get3A_651 = arith.constant 0 : index
    %get3A_652 = vector.load %arg3[%get3A_650, %get3A_651] : memref<10496x32xf32, #tpu.memory_space<vmem>>, vector<256x32xf32>
    %get3A_653 = arith.index_cast %get3A_644 : i32 to index
    %get3A_654 = arith.constant 0 : index
    %get3A_655 = vector.load %arg5[%get3A_653, %get3A_654] : memref<10496x32xf32, #tpu.memory_space<vmem>>, vector<256x32xf32>
    %get3A_656 = arith.index_cast %get3A_644 : i32 to index
    %get3A_657 = arith.constant 0 : index
    %get3A_658 = vector.load %arg6[%get3A_656, %get3A_657] : memref<10496x32xf32, #tpu.memory_space<vmem>>, vector<256x32xf32>
    %add3A_659 = arith.addf %get3A_655, %get3A_658 : vector<256x32xf32>
    %get3A_660 = arith.index_cast %get3A_644 : i32 to index
    %get3A_661 = arith.constant 0 : index
    %get3A_662 = vector.load %arg4[%get3A_660, %get3A_661] : memref<10496x32xf32, #tpu.memory_space<vmem>>, vector<256x32xf32>
    %get3A_663 = arith.index_cast %get3A_644 : i32 to index
    %get3A_664 = arith.constant 0 : index
    %get3A_665 = vector.load %arg7[%get3A_663, %get3A_664] : memref<10496x1xf32, #tpu.memory_space<vmem>>, vector<256x1xf32>
    %get3A_666 = arith.index_cast %get3A_644 : i32 to index
    %get3A_667 = arith.constant 0 : index
    %get3A_668 = vector.load %arg8[%get3A_666, %get3A_667] : memref<10496x1xf32, #tpu.memory_space<vmem>>, vector<256x1xf32>
    %mul3A_669 = vector.broadcast %get3A_665 : vector<256x1xf32> to vector<256x32xf32>
    %mul3A_670 = arith.mulf %mul3A_669, %add3A_659 : vector<256x32xf32>
    %mul3A_671 = vector.broadcast %get3A_668 : vector<256x1xf32> to vector<256x32xf32>
    %mul3A_672 = arith.mulf %mul3A_671, %get3A_662 : vector<256x32xf32>
    %add3A_673 = arith.addf %mul3A_670, %mul3A_672 : vector<256x32xf32>
    %get3A_674 = arith.constant 0 : index
    %get3A_675 = arith.constant 0 : index
    %get3A_676 = vector.load %arg9[%get3A_674, %get3A_675] : memref<1x32xf32, #tpu.memory_space<vmem>>, vector<1x32xf32>
    %add3A_677 = vector.broadcast %get3A_676 : vector<1x32xf32> to vector<256x32xf32>
    %add3A_678 = arith.addf %add3A_673, %add3A_677 : vector<256x32xf32>
    %max3A_679 = arith.constant 0.000000e+00 : f32
    %max3A_680 = vector.broadcast %max3A_679 : f32 to vector<256x32xf32>
    %max3A_681 = arith.maximumf %add3A_678, %max3A_680 : vector<256x32xf32>
    %slice3A_682 = vector.extract_strided_slice %max3A_681 {offsets = [0, 31], sizes = [256, 1], strides = [1, 1]} : vector<256x32xf32> to vector<256x1xf32>
    %transpose3A_683 = tpu.transpose %slice3A_682, [1, 0] : vector<256x1xf32> -> vector<1x256xf32>
    %iota3A_684 = tpu.iota {dimensions = array<i32: 0>} : vector<256x256xi32>
    %iota3A_685 = tpu.iota {dimensions = array<i32: 1>} : vector<256x256xi32>
    %gt3A_686 = vector.broadcast %slice3A_682 : vector<256x1xf32> to vector<256x256xf32>
    %gt3A_687 = vector.broadcast %transpose3A_683 : vector<1x256xf32> to vector<256x256xf32>
    %gt3A_688 = arith.cmpf ogt, %gt3A_686, %gt3A_687 : vector<256x256xf32>
    %eq3A_689 = vector.broadcast %slice3A_682 : vector<256x1xf32> to vector<256x256xf32>
    %eq3A_690 = vector.broadcast %transpose3A_683 : vector<1x256xf32> to vector<256x256xf32>
    %eq3A_691 = arith.cmpf oeq, %eq3A_689, %eq3A_690 : vector<256x256xf32>
    %lt3A_692 = arith.cmpi slt, %iota3A_684, %iota3A_685 : vector<256x256xi32>
    %and3A_693 = arith.andi %eq3A_691, %lt3A_692 : vector<256x256xi1>
    %or3A_694 = arith.ori %gt3A_688, %and3A_693 : vector<256x256xi1>
    %lt3A_695 = vector.broadcast %get3A_649 : i32 to vector<256x256xi32>
    %lt3A_696 = arith.cmpi slt, %iota3A_684, %lt3A_695 : vector<256x256xi32>
    %and3A_697 = arith.andi %or3A_694, %lt3A_696 : vector<256x256xi1>
    %convert_element_type3A_698 = arith.extui %and3A_697 : vector<256x256xi1> to vector<256x256xi32>
    %convert_element_type3A_699 = arith.sitofp %convert_element_type3A_698 : vector<256x256xi32> to vector<256x256xf32>
    %reduce_sum3A_700 = arith.constant dense<0.000000e+00> : vector<256xf32>
    %reduce_sum3A_701 = vector.multi_reduction <add>, %convert_element_type3A_699, %reduce_sum3A_700 [0] : vector<256x256xf32> to vector<256xf32>
    %broadcast_in_dim3A_702 = vector.shape_cast %reduce_sum3A_701 : vector<256xf32> to vector<1x256xf32>
    %iota3A_703 = tpu.iota {dimensions = array<i32: 0>} : vector<30x256xi32>
    %iota3A_704 = tpu.iota {dimensions = array<i32: 1>} : vector<30x256xi32>
    %convert_element_type3A_705 = arith.fptosi %broadcast_in_dim3A_702 : vector<1x256xf32> to vector<1x256xi32>
    %eq3A_706 = vector.broadcast %convert_element_type3A_705 : vector<1x256xi32> to vector<30x256xi32>
    %eq3A_707 = arith.cmpi eq, %iota3A_703, %eq3A_706 : vector<30x256xi32>
    %lt3A_708 = vector.broadcast %get3A_649 : i32 to vector<30x256xi32>
    %lt3A_709 = arith.cmpi slt, %iota3A_704, %lt3A_708 : vector<30x256xi32>
    %and3A_710 = arith.andi %eq3A_707, %lt3A_709 : vector<30x256xi1>
    %convert_element_type3A_711 = arith.extui %and3A_710 : vector<30x256xi1> to vector<30x256xi32>
    %convert_element_type3A_712 = arith.sitofp %convert_element_type3A_711 : vector<30x256xi32> to vector<30x256xf32>
    %concatenate3A_713 = tpu.concatenate %get3A_652, %max3A_681 in 1 : vector<256x32xf32>, vector<256x32xf32> -> vector<256x64xf32>
    %dot_general3A_714 = arith.constant dense<0.000000e+00> : vector<30x64xf32>
    %dot_general3A_715 = tpu.matmul %convert_element_type3A_712, %concatenate3A_713, %dot_general3A_714 {dimension_numbers = #tpu.dot_dimension_numbers<[1], [0], [0], [1], [0, 0, 1, 1], [], []>, transpose_lhs_hint = false} : vector<30x256xf32>, vector<256x64xf32>, vector<30x64xf32> -> vector<30x64xf32>
    %swap3A_716 = arith.constant 8 : index
    %swap3A_717 = arith.constant 0 : index
    %swap3A_718 = arith.constant 0 : index
    %swap3A_719 = vector.load %arg10[%swap3A_716, %swap3A_717, %swap3A_718] : memref<16x30x64xf32, #tpu.memory_space<vmem>>, vector<1x30x64xf32>
    %swap3A_720 = vector.shape_cast %swap3A_719 : vector<1x30x64xf32> to vector<30x64xf32>
    %swap3A_721 = vector.shape_cast %dot_general3A_715 : vector<30x64xf32> to vector<1x30x64xf32>
    tpu.vector_store %arg10[%swap3A_716, %swap3A_717, %swap3A_718], %swap3A_721 {strides = array<i32>} : memref<16x30x64xf32, #tpu.memory_space<vmem>>, vector<1x30x64xf32>,
    %add3A_722 = arith.constant 9 : i32
    %add3A_723 = arith.addi %mul3A_0, %add3A_722 : i32
    %get3A_724 = arith.index_cast %add3A_723 : i32 to index
    %get3A_725 = arith.constant 0 : index
    %get3A_726 = memref.load %arg1[%get3A_724, %get3A_725] : memref<256x1xi32, #tpu.memory_space<smem>>
    %add3A_727 = arith.constant 9 : i32
    %add3A_728 = arith.addi %mul3A_0, %add3A_727 : i32
    %get3A_729 = arith.index_cast %add3A_728 : i32 to index
    %get3A_730 = arith.constant 0 : index
    %get3A_731 = memref.load %arg2[%get3A_729, %get3A_730] : memref<256x1xi32, #tpu.memory_space<smem>>
    %get3A_732 = arith.index_cast %get3A_726 : i32 to index
    %get3A_733 = arith.constant 0 : index
    %get3A_734 = vector.load %arg3[%get3A_732, %get3A_733] : memref<10496x32xf32, #tpu.memory_space<vmem>>, vector<256x32xf32>
    %get3A_735 = arith.index_cast %get3A_726 : i32 to index
    %get3A_736 = arith.constant 0 : index
    %get3A_737 = vector.load %arg5[%get3A_735, %get3A_736] : memref<10496x32xf32, #tpu.memory_space<vmem>>, vector<256x32xf32>
    %get3A_738 = arith.index_cast %get3A_726 : i32 to index
    %get3A_739 = arith.constant 0 : index
    %get3A_740 = vector.load %arg6[%get3A_738, %get3A_739] : memref<10496x32xf32, #tpu.memory_space<vmem>>, vector<256x32xf32>
    %add3A_741 = arith.addf %get3A_737, %get3A_740 : vector<256x32xf32>
    %get3A_742 = arith.index_cast %get3A_726 : i32 to index
    %get3A_743 = arith.constant 0 : index
    %get3A_744 = vector.load %arg4[%get3A_742, %get3A_743] : memref<10496x32xf32, #tpu.memory_space<vmem>>, vector<256x32xf32>
    %get3A_745 = arith.index_cast %get3A_726 : i32 to index
    %get3A_746 = arith.constant 0 : index
    %get3A_747 = vector.load %arg7[%get3A_745, %get3A_746] : memref<10496x1xf32, #tpu.memory_space<vmem>>, vector<256x1xf32>
    %get3A_748 = arith.index_cast %get3A_726 : i32 to index
    %get3A_749 = arith.constant 0 : index
    %get3A_750 = vector.load %arg8[%get3A_748, %get3A_749] : memref<10496x1xf32, #tpu.memory_space<vmem>>, vector<256x1xf32>
    %mul3A_751 = vector.broadcast %get3A_747 : vector<256x1xf32> to vector<256x32xf32>
    %mul3A_752 = arith.mulf %mul3A_751, %add3A_741 : vector<256x32xf32>
    %mul3A_753 = vector.broadcast %get3A_750 : vector<256x1xf32> to vector<256x32xf32>
    %mul3A_754 = arith.mulf %mul3A_753, %get3A_744 : vector<256x32xf32>
    %add3A_755 = arith.addf %mul3A_752, %mul3A_754 : vector<256x32xf32>
    %get3A_756 = arith.constant 0 : index
    %get3A_757 = arith.constant 0 : index
    %get3A_758 = vector.load %arg9[%get3A_756, %get3A_757] : memref<1x32xf32, #tpu.memory_space<vmem>>, vector<1x32xf32>
    %add3A_759 = vector.broadcast %get3A_758 : vector<1x32xf32> to vector<256x32xf32>
    %add3A_760 = arith.addf %add3A_755, %add3A_759 : vector<256x32xf32>
    %max3A_761 = arith.constant 0.000000e+00 : f32
    %max3A_762 = vector.broadcast %max3A_761 : f32 to vector<256x32xf32>
    %max3A_763 = arith.maximumf %add3A_760, %max3A_762 : vector<256x32xf32>
    %slice3A_764 = vector.extract_strided_slice %max3A_763 {offsets = [0, 31], sizes = [256, 1], strides = [1, 1]} : vector<256x32xf32> to vector<256x1xf32>
    %transpose3A_765 = tpu.transpose %slice3A_764, [1, 0] : vector<256x1xf32> -> vector<1x256xf32>
    %iota3A_766 = tpu.iota {dimensions = array<i32: 0>} : vector<256x256xi32>
    %iota3A_767 = tpu.iota {dimensions = array<i32: 1>} : vector<256x256xi32>
    %gt3A_768 = vector.broadcast %slice3A_764 : vector<256x1xf32> to vector<256x256xf32>
    %gt3A_769 = vector.broadcast %transpose3A_765 : vector<1x256xf32> to vector<256x256xf32>
    %gt3A_770 = arith.cmpf ogt, %gt3A_768, %gt3A_769 : vector<256x256xf32>
    %eq3A_771 = vector.broadcast %slice3A_764 : vector<256x1xf32> to vector<256x256xf32>
    %eq3A_772 = vector.broadcast %transpose3A_765 : vector<1x256xf32> to vector<256x256xf32>
    %eq3A_773 = arith.cmpf oeq, %eq3A_771, %eq3A_772 : vector<256x256xf32>
    %lt3A_774 = arith.cmpi slt, %iota3A_766, %iota3A_767 : vector<256x256xi32>
    %and3A_775 = arith.andi %eq3A_773, %lt3A_774 : vector<256x256xi1>
    %or3A_776 = arith.ori %gt3A_770, %and3A_775 : vector<256x256xi1>
    %lt3A_777 = vector.broadcast %get3A_731 : i32 to vector<256x256xi32>
    %lt3A_778 = arith.cmpi slt, %iota3A_766, %lt3A_777 : vector<256x256xi32>
    %and3A_779 = arith.andi %or3A_776, %lt3A_778 : vector<256x256xi1>
    %convert_element_type3A_780 = arith.extui %and3A_779 : vector<256x256xi1> to vector<256x256xi32>
    %convert_element_type3A_781 = arith.sitofp %convert_element_type3A_780 : vector<256x256xi32> to vector<256x256xf32>
    %reduce_sum3A_782 = arith.constant dense<0.000000e+00> : vector<256xf32>
    %reduce_sum3A_783 = vector.multi_reduction <add>, %convert_element_type3A_781, %reduce_sum3A_782 [0] : vector<256x256xf32> to vector<256xf32>
    %broadcast_in_dim3A_784 = vector.shape_cast %reduce_sum3A_783 : vector<256xf32> to vector<1x256xf32>
    %iota3A_785 = tpu.iota {dimensions = array<i32: 0>} : vector<30x256xi32>
    %iota3A_786 = tpu.iota {dimensions = array<i32: 1>} : vector<30x256xi32>
    %convert_element_type3A_787 = arith.fptosi %broadcast_in_dim3A_784 : vector<1x256xf32> to vector<1x256xi32>
    %eq3A_788 = vector.broadcast %convert_element_type3A_787 : vector<1x256xi32> to vector<30x256xi32>
    %eq3A_789 = arith.cmpi eq, %iota3A_785, %eq3A_788 : vector<30x256xi32>
    %lt3A_790 = vector.broadcast %get3A_731 : i32 to vector<30x256xi32>
    %lt3A_791 = arith.cmpi slt, %iota3A_786, %lt3A_790 : vector<30x256xi32>
    %and3A_792 = arith.andi %eq3A_789, %lt3A_791 : vector<30x256xi1>
    %convert_element_type3A_793 = arith.extui %and3A_792 : vector<30x256xi1> to vector<30x256xi32>
    %convert_element_type3A_794 = arith.sitofp %convert_element_type3A_793 : vector<30x256xi32> to vector<30x256xf32>
    %concatenate3A_795 = tpu.concatenate %get3A_734, %max3A_763 in 1 : vector<256x32xf32>, vector<256x32xf32> -> vector<256x64xf32>
    %dot_general3A_796 = arith.constant dense<0.000000e+00> : vector<30x64xf32>
    %dot_general3A_797 = tpu.matmul %convert_element_type3A_794, %concatenate3A_795, %dot_general3A_796 {dimension_numbers = #tpu.dot_dimension_numbers<[1], [0], [0], [1], [0, 0, 1, 1], [], []>, transpose_lhs_hint = false} : vector<30x256xf32>, vector<256x64xf32>, vector<30x64xf32> -> vector<30x64xf32>
    %swap3A_798 = arith.constant 9 : index
    %swap3A_799 = arith.constant 0 : index
    %swap3A_800 = arith.constant 0 : index
    %swap3A_801 = vector.load %arg10[%swap3A_798, %swap3A_799, %swap3A_800] : memref<16x30x64xf32, #tpu.memory_space<vmem>>, vector<1x30x64xf32>
    %swap3A_802 = vector.shape_cast %swap3A_801 : vector<1x30x64xf32> to vector<30x64xf32>
    %swap3A_803 = vector.shape_cast %dot_general3A_797 : vector<30x64xf32> to vector<1x30x64xf32>
    tpu.vector_store %arg10[%swap3A_798, %swap3A_799, %swap3A_800], %swap3A_803 {strides = array<i32>} : memref<16x30x64xf32, #tpu.memory_space<vmem>>, vector<1x30x64xf32>,
    %add3A_804 = arith.constant 10 : i32
    %add3A_805 = arith.addi %mul3A_0, %add3A_804 : i32
    %get3A_806 = arith.index_cast %add3A_805 : i32 to index
    %get3A_807 = arith.constant 0 : index
    %get3A_808 = memref.load %arg1[%get3A_806, %get3A_807] : memref<256x1xi32, #tpu.memory_space<smem>>
    %add3A_809 = arith.constant 10 : i32
    %add3A_810 = arith.addi %mul3A_0, %add3A_809 : i32
    %get3A_811 = arith.index_cast %add3A_810 : i32 to index
    %get3A_812 = arith.constant 0 : index
    %get3A_813 = memref.load %arg2[%get3A_811, %get3A_812] : memref<256x1xi32, #tpu.memory_space<smem>>
    %get3A_814 = arith.index_cast %get3A_808 : i32 to index
    %get3A_815 = arith.constant 0 : index
    %get3A_816 = vector.load %arg3[%get3A_814, %get3A_815] : memref<10496x32xf32, #tpu.memory_space<vmem>>, vector<256x32xf32>
    %get3A_817 = arith.index_cast %get3A_808 : i32 to index
    %get3A_818 = arith.constant 0 : index
    %get3A_819 = vector.load %arg5[%get3A_817, %get3A_818] : memref<10496x32xf32, #tpu.memory_space<vmem>>, vector<256x32xf32>
    %get3A_820 = arith.index_cast %get3A_808 : i32 to index
    %get3A_821 = arith.constant 0 : index
    %get3A_822 = vector.load %arg6[%get3A_820, %get3A_821] : memref<10496x32xf32, #tpu.memory_space<vmem>>, vector<256x32xf32>
    %add3A_823 = arith.addf %get3A_819, %get3A_822 : vector<256x32xf32>
    %get3A_824 = arith.index_cast %get3A_808 : i32 to index
    %get3A_825 = arith.constant 0 : index
    %get3A_826 = vector.load %arg4[%get3A_824, %get3A_825] : memref<10496x32xf32, #tpu.memory_space<vmem>>, vector<256x32xf32>
    %get3A_827 = arith.index_cast %get3A_808 : i32 to index
    %get3A_828 = arith.constant 0 : index
    %get3A_829 = vector.load %arg7[%get3A_827, %get3A_828] : memref<10496x1xf32, #tpu.memory_space<vmem>>, vector<256x1xf32>
    %get3A_830 = arith.index_cast %get3A_808 : i32 to index
    %get3A_831 = arith.constant 0 : index
    %get3A_832 = vector.load %arg8[%get3A_830, %get3A_831] : memref<10496x1xf32, #tpu.memory_space<vmem>>, vector<256x1xf32>
    %mul3A_833 = vector.broadcast %get3A_829 : vector<256x1xf32> to vector<256x32xf32>
    %mul3A_834 = arith.mulf %mul3A_833, %add3A_823 : vector<256x32xf32>
    %mul3A_835 = vector.broadcast %get3A_832 : vector<256x1xf32> to vector<256x32xf32>
    %mul3A_836 = arith.mulf %mul3A_835, %get3A_826 : vector<256x32xf32>
    %add3A_837 = arith.addf %mul3A_834, %mul3A_836 : vector<256x32xf32>
    %get3A_838 = arith.constant 0 : index
    %get3A_839 = arith.constant 0 : index
    %get3A_840 = vector.load %arg9[%get3A_838, %get3A_839] : memref<1x32xf32, #tpu.memory_space<vmem>>, vector<1x32xf32>
    %add3A_841 = vector.broadcast %get3A_840 : vector<1x32xf32> to vector<256x32xf32>
    %add3A_842 = arith.addf %add3A_837, %add3A_841 : vector<256x32xf32>
    %max3A_843 = arith.constant 0.000000e+00 : f32
    %max3A_844 = vector.broadcast %max3A_843 : f32 to vector<256x32xf32>
    %max3A_845 = arith.maximumf %add3A_842, %max3A_844 : vector<256x32xf32>
    %slice3A_846 = vector.extract_strided_slice %max3A_845 {offsets = [0, 31], sizes = [256, 1], strides = [1, 1]} : vector<256x32xf32> to vector<256x1xf32>
    %transpose3A_847 = tpu.transpose %slice3A_846, [1, 0] : vector<256x1xf32> -> vector<1x256xf32>
    %iota3A_848 = tpu.iota {dimensions = array<i32: 0>} : vector<256x256xi32>
    %iota3A_849 = tpu.iota {dimensions = array<i32: 1>} : vector<256x256xi32>
    %gt3A_850 = vector.broadcast %slice3A_846 : vector<256x1xf32> to vector<256x256xf32>
    %gt3A_851 = vector.broadcast %transpose3A_847 : vector<1x256xf32> to vector<256x256xf32>
    %gt3A_852 = arith.cmpf ogt, %gt3A_850, %gt3A_851 : vector<256x256xf32>
    %eq3A_853 = vector.broadcast %slice3A_846 : vector<256x1xf32> to vector<256x256xf32>
    %eq3A_854 = vector.broadcast %transpose3A_847 : vector<1x256xf32> to vector<256x256xf32>
    %eq3A_855 = arith.cmpf oeq, %eq3A_853, %eq3A_854 : vector<256x256xf32>
    %lt3A_856 = arith.cmpi slt, %iota3A_848, %iota3A_849 : vector<256x256xi32>
    %and3A_857 = arith.andi %eq3A_855, %lt3A_856 : vector<256x256xi1>
    %or3A_858 = arith.ori %gt3A_852, %and3A_857 : vector<256x256xi1>
    %lt3A_859 = vector.broadcast %get3A_813 : i32 to vector<256x256xi32>
    %lt3A_860 = arith.cmpi slt, %iota3A_848, %lt3A_859 : vector<256x256xi32>
    %and3A_861 = arith.andi %or3A_858, %lt3A_860 : vector<256x256xi1>
    %convert_element_type3A_862 = arith.extui %and3A_861 : vector<256x256xi1> to vector<256x256xi32>
    %convert_element_type3A_863 = arith.sitofp %convert_element_type3A_862 : vector<256x256xi32> to vector<256x256xf32>
    %reduce_sum3A_864 = arith.constant dense<0.000000e+00> : vector<256xf32>
    %reduce_sum3A_865 = vector.multi_reduction <add>, %convert_element_type3A_863, %reduce_sum3A_864 [0] : vector<256x256xf32> to vector<256xf32>
    %broadcast_in_dim3A_866 = vector.shape_cast %reduce_sum3A_865 : vector<256xf32> to vector<1x256xf32>
    %iota3A_867 = tpu.iota {dimensions = array<i32: 0>} : vector<30x256xi32>
    %iota3A_868 = tpu.iota {dimensions = array<i32: 1>} : vector<30x256xi32>
    %convert_element_type3A_869 = arith.fptosi %broadcast_in_dim3A_866 : vector<1x256xf32> to vector<1x256xi32>
    %eq3A_870 = vector.broadcast %convert_element_type3A_869 : vector<1x256xi32> to vector<30x256xi32>
    %eq3A_871 = arith.cmpi eq, %iota3A_867, %eq3A_870 : vector<30x256xi32>
    %lt3A_872 = vector.broadcast %get3A_813 : i32 to vector<30x256xi32>
    %lt3A_873 = arith.cmpi slt, %iota3A_868, %lt3A_872 : vector<30x256xi32>
    %and3A_874 = arith.andi %eq3A_871, %lt3A_873 : vector<30x256xi1>
    %convert_element_type3A_875 = arith.extui %and3A_874 : vector<30x256xi1> to vector<30x256xi32>
    %convert_element_type3A_876 = arith.sitofp %convert_element_type3A_875 : vector<30x256xi32> to vector<30x256xf32>
    %concatenate3A_877 = tpu.concatenate %get3A_816, %max3A_845 in 1 : vector<256x32xf32>, vector<256x32xf32> -> vector<256x64xf32>
    %dot_general3A_878 = arith.constant dense<0.000000e+00> : vector<30x64xf32>
    %dot_general3A_879 = tpu.matmul %convert_element_type3A_876, %concatenate3A_877, %dot_general3A_878 {dimension_numbers = #tpu.dot_dimension_numbers<[1], [0], [0], [1], [0, 0, 1, 1], [], []>, transpose_lhs_hint = false} : vector<30x256xf32>, vector<256x64xf32>, vector<30x64xf32> -> vector<30x64xf32>
    %swap3A_880 = arith.constant 10 : index
    %swap3A_881 = arith.constant 0 : index
    %swap3A_882 = arith.constant 0 : index
    %swap3A_883 = vector.load %arg10[%swap3A_880, %swap3A_881, %swap3A_882] : memref<16x30x64xf32, #tpu.memory_space<vmem>>, vector<1x30x64xf32>
    %swap3A_884 = vector.shape_cast %swap3A_883 : vector<1x30x64xf32> to vector<30x64xf32>
    %swap3A_885 = vector.shape_cast %dot_general3A_879 : vector<30x64xf32> to vector<1x30x64xf32>
    tpu.vector_store %arg10[%swap3A_880, %swap3A_881, %swap3A_882], %swap3A_885 {strides = array<i32>} : memref<16x30x64xf32, #tpu.memory_space<vmem>>, vector<1x30x64xf32>,
    %add3A_886 = arith.constant 11 : i32
    %add3A_887 = arith.addi %mul3A_0, %add3A_886 : i32
    %get3A_888 = arith.index_cast %add3A_887 : i32 to index
    %get3A_889 = arith.constant 0 : index
    %get3A_890 = memref.load %arg1[%get3A_888, %get3A_889] : memref<256x1xi32, #tpu.memory_space<smem>>
    %add3A_891 = arith.constant 11 : i32
    %add3A_892 = arith.addi %mul3A_0, %add3A_891 : i32
    %get3A_893 = arith.index_cast %add3A_892 : i32 to index
    %get3A_894 = arith.constant 0 : index
    %get3A_895 = memref.load %arg2[%get3A_893, %get3A_894] : memref<256x1xi32, #tpu.memory_space<smem>>
    %get3A_896 = arith.index_cast %get3A_890 : i32 to index
    %get3A_897 = arith.constant 0 : index
    %get3A_898 = vector.load %arg3[%get3A_896, %get3A_897] : memref<10496x32xf32, #tpu.memory_space<vmem>>, vector<256x32xf32>
    %get3A_899 = arith.index_cast %get3A_890 : i32 to index
    %get3A_900 = arith.constant 0 : index
    %get3A_901 = vector.load %arg5[%get3A_899, %get3A_900] : memref<10496x32xf32, #tpu.memory_space<vmem>>, vector<256x32xf32>
    %get3A_902 = arith.index_cast %get3A_890 : i32 to index
    %get3A_903 = arith.constant 0 : index
    %get3A_904 = vector.load %arg6[%get3A_902, %get3A_903] : memref<10496x32xf32, #tpu.memory_space<vmem>>, vector<256x32xf32>
    %add3A_905 = arith.addf %get3A_901, %get3A_904 : vector<256x32xf32>
    %get3A_906 = arith.index_cast %get3A_890 : i32 to index
    %get3A_907 = arith.constant 0 : index
    %get3A_908 = vector.load %arg4[%get3A_906, %get3A_907] : memref<10496x32xf32, #tpu.memory_space<vmem>>, vector<256x32xf32>
    %get3A_909 = arith.index_cast %get3A_890 : i32 to index
    %get3A_910 = arith.constant 0 : index
    %get3A_911 = vector.load %arg7[%get3A_909, %get3A_910] : memref<10496x1xf32, #tpu.memory_space<vmem>>, vector<256x1xf32>
    %get3A_912 = arith.index_cast %get3A_890 : i32 to index
    %get3A_913 = arith.constant 0 : index
    %get3A_914 = vector.load %arg8[%get3A_912, %get3A_913] : memref<10496x1xf32, #tpu.memory_space<vmem>>, vector<256x1xf32>
    %mul3A_915 = vector.broadcast %get3A_911 : vector<256x1xf32> to vector<256x32xf32>
    %mul3A_916 = arith.mulf %mul3A_915, %add3A_905 : vector<256x32xf32>
    %mul3A_917 = vector.broadcast %get3A_914 : vector<256x1xf32> to vector<256x32xf32>
    %mul3A_918 = arith.mulf %mul3A_917, %get3A_908 : vector<256x32xf32>
    %add3A_919 = arith.addf %mul3A_916, %mul3A_918 : vector<256x32xf32>
    %get3A_920 = arith.constant 0 : index
    %get3A_921 = arith.constant 0 : index
    %get3A_922 = vector.load %arg9[%get3A_920, %get3A_921] : memref<1x32xf32, #tpu.memory_space<vmem>>, vector<1x32xf32>
    %add3A_923 = vector.broadcast %get3A_922 : vector<1x32xf32> to vector<256x32xf32>
    %add3A_924 = arith.addf %add3A_919, %add3A_923 : vector<256x32xf32>
    %max3A_925 = arith.constant 0.000000e+00 : f32
    %max3A_926 = vector.broadcast %max3A_925 : f32 to vector<256x32xf32>
    %max3A_927 = arith.maximumf %add3A_924, %max3A_926 : vector<256x32xf32>
    %slice3A_928 = vector.extract_strided_slice %max3A_927 {offsets = [0, 31], sizes = [256, 1], strides = [1, 1]} : vector<256x32xf32> to vector<256x1xf32>
    %transpose3A_929 = tpu.transpose %slice3A_928, [1, 0] : vector<256x1xf32> -> vector<1x256xf32>
    %iota3A_930 = tpu.iota {dimensions = array<i32: 0>} : vector<256x256xi32>
    %iota3A_931 = tpu.iota {dimensions = array<i32: 1>} : vector<256x256xi32>
    %gt3A_932 = vector.broadcast %slice3A_928 : vector<256x1xf32> to vector<256x256xf32>
    %gt3A_933 = vector.broadcast %transpose3A_929 : vector<1x256xf32> to vector<256x256xf32>
    %gt3A_934 = arith.cmpf ogt, %gt3A_932, %gt3A_933 : vector<256x256xf32>
    %eq3A_935 = vector.broadcast %slice3A_928 : vector<256x1xf32> to vector<256x256xf32>
    %eq3A_936 = vector.broadcast %transpose3A_929 : vector<1x256xf32> to vector<256x256xf32>
    %eq3A_937 = arith.cmpf oeq, %eq3A_935, %eq3A_936 : vector<256x256xf32>
    %lt3A_938 = arith.cmpi slt, %iota3A_930, %iota3A_931 : vector<256x256xi32>
    %and3A_939 = arith.andi %eq3A_937, %lt3A_938 : vector<256x256xi1>
    %or3A_940 = arith.ori %gt3A_934, %and3A_939 : vector<256x256xi1>
    %lt3A_941 = vector.broadcast %get3A_895 : i32 to vector<256x256xi32>
    %lt3A_942 = arith.cmpi slt, %iota3A_930, %lt3A_941 : vector<256x256xi32>
    %and3A_943 = arith.andi %or3A_940, %lt3A_942 : vector<256x256xi1>
    %convert_element_type3A_944 = arith.extui %and3A_943 : vector<256x256xi1> to vector<256x256xi32>
    %convert_element_type3A_945 = arith.sitofp %convert_element_type3A_944 : vector<256x256xi32> to vector<256x256xf32>
    %reduce_sum3A_946 = arith.constant dense<0.000000e+00> : vector<256xf32>
    %reduce_sum3A_947 = vector.multi_reduction <add>, %convert_element_type3A_945, %reduce_sum3A_946 [0] : vector<256x256xf32> to vector<256xf32>
    %broadcast_in_dim3A_948 = vector.shape_cast %reduce_sum3A_947 : vector<256xf32> to vector<1x256xf32>
    %iota3A_949 = tpu.iota {dimensions = array<i32: 0>} : vector<30x256xi32>
    %iota3A_950 = tpu.iota {dimensions = array<i32: 1>} : vector<30x256xi32>
    %convert_element_type3A_951 = arith.fptosi %broadcast_in_dim3A_948 : vector<1x256xf32> to vector<1x256xi32>
    %eq3A_952 = vector.broadcast %convert_element_type3A_951 : vector<1x256xi32> to vector<30x256xi32>
    %eq3A_953 = arith.cmpi eq, %iota3A_949, %eq3A_952 : vector<30x256xi32>
    %lt3A_954 = vector.broadcast %get3A_895 : i32 to vector<30x256xi32>
    %lt3A_955 = arith.cmpi slt, %iota3A_950, %lt3A_954 : vector<30x256xi32>
    %and3A_956 = arith.andi %eq3A_953, %lt3A_955 : vector<30x256xi1>
    %convert_element_type3A_957 = arith.extui %and3A_956 : vector<30x256xi1> to vector<30x256xi32>
    %convert_element_type3A_958 = arith.sitofp %convert_element_type3A_957 : vector<30x256xi32> to vector<30x256xf32>
    %concatenate3A_959 = tpu.concatenate %get3A_898, %max3A_927 in 1 : vector<256x32xf32>, vector<256x32xf32> -> vector<256x64xf32>
    %dot_general3A_960 = arith.constant dense<0.000000e+00> : vector<30x64xf32>
    %dot_general3A_961 = tpu.matmul %convert_element_type3A_958, %concatenate3A_959, %dot_general3A_960 {dimension_numbers = #tpu.dot_dimension_numbers<[1], [0], [0], [1], [0, 0, 1, 1], [], []>, transpose_lhs_hint = false} : vector<30x256xf32>, vector<256x64xf32>, vector<30x64xf32> -> vector<30x64xf32>
    %swap3A_962 = arith.constant 11 : index
    %swap3A_963 = arith.constant 0 : index
    %swap3A_964 = arith.constant 0 : index
    %swap3A_965 = vector.load %arg10[%swap3A_962, %swap3A_963, %swap3A_964] : memref<16x30x64xf32, #tpu.memory_space<vmem>>, vector<1x30x64xf32>
    %swap3A_966 = vector.shape_cast %swap3A_965 : vector<1x30x64xf32> to vector<30x64xf32>
    %swap3A_967 = vector.shape_cast %dot_general3A_961 : vector<30x64xf32> to vector<1x30x64xf32>
    tpu.vector_store %arg10[%swap3A_962, %swap3A_963, %swap3A_964], %swap3A_967 {strides = array<i32>} : memref<16x30x64xf32, #tpu.memory_space<vmem>>, vector<1x30x64xf32>,
    %add3A_968 = arith.constant 12 : i32
    %add3A_969 = arith.addi %mul3A_0, %add3A_968 : i32
    %get3A_970 = arith.index_cast %add3A_969 : i32 to index
    %get3A_971 = arith.constant 0 : index
    %get3A_972 = memref.load %arg1[%get3A_970, %get3A_971] : memref<256x1xi32, #tpu.memory_space<smem>>
    %add3A_973 = arith.constant 12 : i32
    %add3A_974 = arith.addi %mul3A_0, %add3A_973 : i32
    %get3A_975 = arith.index_cast %add3A_974 : i32 to index
    %get3A_976 = arith.constant 0 : index
    %get3A_977 = memref.load %arg2[%get3A_975, %get3A_976] : memref<256x1xi32, #tpu.memory_space<smem>>
    %get3A_978 = arith.index_cast %get3A_972 : i32 to index
    %get3A_979 = arith.constant 0 : index
    %get3A_980 = vector.load %arg3[%get3A_978, %get3A_979] : memref<10496x32xf32, #tpu.memory_space<vmem>>, vector<256x32xf32>
    %get3A_981 = arith.index_cast %get3A_972 : i32 to index
    %get3A_982 = arith.constant 0 : index
    %get3A_983 = vector.load %arg5[%get3A_981, %get3A_982] : memref<10496x32xf32, #tpu.memory_space<vmem>>, vector<256x32xf32>
    %get3A_984 = arith.index_cast %get3A_972 : i32 to index
    %get3A_985 = arith.constant 0 : index
    %get3A_986 = vector.load %arg6[%get3A_984, %get3A_985] : memref<10496x32xf32, #tpu.memory_space<vmem>>, vector<256x32xf32>
    %add3A_987 = arith.addf %get3A_983, %get3A_986 : vector<256x32xf32>
    %get3A_988 = arith.index_cast %get3A_972 : i32 to index
    %get3A_989 = arith.constant 0 : index
    %get3A_990 = vector.load %arg4[%get3A_988, %get3A_989] : memref<10496x32xf32, #tpu.memory_space<vmem>>, vector<256x32xf32>
    %get3A_991 = arith.index_cast %get3A_972 : i32 to index
    %get3A_992 = arith.constant 0 : index
    %get3A_993 = vector.load %arg7[%get3A_991, %get3A_992] : memref<10496x1xf32, #tpu.memory_space<vmem>>, vector<256x1xf32>
    %get3A_994 = arith.index_cast %get3A_972 : i32 to index
    %get3A_995 = arith.constant 0 : index
    %get3A_996 = vector.load %arg8[%get3A_994, %get3A_995] : memref<10496x1xf32, #tpu.memory_space<vmem>>, vector<256x1xf32>
    %mul3A_997 = vector.broadcast %get3A_993 : vector<256x1xf32> to vector<256x32xf32>
    %mul3A_998 = arith.mulf %mul3A_997, %add3A_987 : vector<256x32xf32>
    %mul3A_999 = vector.broadcast %get3A_996 : vector<256x1xf32> to vector<256x32xf32>
    %mul3A_1000 = arith.mulf %mul3A_999, %get3A_990 : vector<256x32xf32>
    %add3A_1001 = arith.addf %mul3A_998, %mul3A_1000 : vector<256x32xf32>
    %get3A_1002 = arith.constant 0 : index
    %get3A_1003 = arith.constant 0 : index
    %get3A_1004 = vector.load %arg9[%get3A_1002, %get3A_1003] : memref<1x32xf32, #tpu.memory_space<vmem>>, vector<1x32xf32>
    %add3A_1005 = vector.broadcast %get3A_1004 : vector<1x32xf32> to vector<256x32xf32>
    %add3A_1006 = arith.addf %add3A_1001, %add3A_1005 : vector<256x32xf32>
    %max3A_1007 = arith.constant 0.000000e+00 : f32
    %max3A_1008 = vector.broadcast %max3A_1007 : f32 to vector<256x32xf32>
    %max3A_1009 = arith.maximumf %add3A_1006, %max3A_1008 : vector<256x32xf32>
    %slice3A_1010 = vector.extract_strided_slice %max3A_1009 {offsets = [0, 31], sizes = [256, 1], strides = [1, 1]} : vector<256x32xf32> to vector<256x1xf32>
    %transpose3A_1011 = tpu.transpose %slice3A_1010, [1, 0] : vector<256x1xf32> -> vector<1x256xf32>
    %iota3A_1012 = tpu.iota {dimensions = array<i32: 0>} : vector<256x256xi32>
    %iota3A_1013 = tpu.iota {dimensions = array<i32: 1>} : vector<256x256xi32>
    %gt3A_1014 = vector.broadcast %slice3A_1010 : vector<256x1xf32> to vector<256x256xf32>
    %gt3A_1015 = vector.broadcast %transpose3A_1011 : vector<1x256xf32> to vector<256x256xf32>
    %gt3A_1016 = arith.cmpf ogt, %gt3A_1014, %gt3A_1015 : vector<256x256xf32>
    %eq3A_1017 = vector.broadcast %slice3A_1010 : vector<256x1xf32> to vector<256x256xf32>
    %eq3A_1018 = vector.broadcast %transpose3A_1011 : vector<1x256xf32> to vector<256x256xf32>
    %eq3A_1019 = arith.cmpf oeq, %eq3A_1017, %eq3A_1018 : vector<256x256xf32>
    %lt3A_1020 = arith.cmpi slt, %iota3A_1012, %iota3A_1013 : vector<256x256xi32>
    %and3A_1021 = arith.andi %eq3A_1019, %lt3A_1020 : vector<256x256xi1>
    %or3A_1022 = arith.ori %gt3A_1016, %and3A_1021 : vector<256x256xi1>
    %lt3A_1023 = vector.broadcast %get3A_977 : i32 to vector<256x256xi32>
    %lt3A_1024 = arith.cmpi slt, %iota3A_1012, %lt3A_1023 : vector<256x256xi32>
    %and3A_1025 = arith.andi %or3A_1022, %lt3A_1024 : vector<256x256xi1>
    %convert_element_type3A_1026 = arith.extui %and3A_1025 : vector<256x256xi1> to vector<256x256xi32>
    %convert_element_type3A_1027 = arith.sitofp %convert_element_type3A_1026 : vector<256x256xi32> to vector<256x256xf32>
    %reduce_sum3A_1028 = arith.constant dense<0.000000e+00> : vector<256xf32>
    %reduce_sum3A_1029 = vector.multi_reduction <add>, %convert_element_type3A_1027, %reduce_sum3A_1028 [0] : vector<256x256xf32> to vector<256xf32>
    %broadcast_in_dim3A_1030 = vector.shape_cast %reduce_sum3A_1029 : vector<256xf32> to vector<1x256xf32>
    %iota3A_1031 = tpu.iota {dimensions = array<i32: 0>} : vector<30x256xi32>
    %iota3A_1032 = tpu.iota {dimensions = array<i32: 1>} : vector<30x256xi32>
    %convert_element_type3A_1033 = arith.fptosi %broadcast_in_dim3A_1030 : vector<1x256xf32> to vector<1x256xi32>
    %eq3A_1034 = vector.broadcast %convert_element_type3A_1033 : vector<1x256xi32> to vector<30x256xi32>
    %eq3A_1035 = arith.cmpi eq, %iota3A_1031, %eq3A_1034 : vector<30x256xi32>
    %lt3A_1036 = vector.broadcast %get3A_977 : i32 to vector<30x256xi32>
    %lt3A_1037 = arith.cmpi slt, %iota3A_1032, %lt3A_1036 : vector<30x256xi32>
    %and3A_1038 = arith.andi %eq3A_1035, %lt3A_1037 : vector<30x256xi1>
    %convert_element_type3A_1039 = arith.extui %and3A_1038 : vector<30x256xi1> to vector<30x256xi32>
    %convert_element_type3A_1040 = arith.sitofp %convert_element_type3A_1039 : vector<30x256xi32> to vector<30x256xf32>
    %concatenate3A_1041 = tpu.concatenate %get3A_980, %max3A_1009 in 1 : vector<256x32xf32>, vector<256x32xf32> -> vector<256x64xf32>
    %dot_general3A_1042 = arith.constant dense<0.000000e+00> : vector<30x64xf32>
    %dot_general3A_1043 = tpu.matmul %convert_element_type3A_1040, %concatenate3A_1041, %dot_general3A_1042 {dimension_numbers = #tpu.dot_dimension_numbers<[1], [0], [0], [1], [0, 0, 1, 1], [], []>, transpose_lhs_hint = false} : vector<30x256xf32>, vector<256x64xf32>, vector<30x64xf32> -> vector<30x64xf32>
    %swap3A_1044 = arith.constant 12 : index
    %swap3A_1045 = arith.constant 0 : index
    %swap3A_1046 = arith.constant 0 : index
    %swap3A_1047 = vector.load %arg10[%swap3A_1044, %swap3A_1045, %swap3A_1046] : memref<16x30x64xf32, #tpu.memory_space<vmem>>, vector<1x30x64xf32>
    %swap3A_1048 = vector.shape_cast %swap3A_1047 : vector<1x30x64xf32> to vector<30x64xf32>
    %swap3A_1049 = vector.shape_cast %dot_general3A_1043 : vector<30x64xf32> to vector<1x30x64xf32>
    tpu.vector_store %arg10[%swap3A_1044, %swap3A_1045, %swap3A_1046], %swap3A_1049 {strides = array<i32>} : memref<16x30x64xf32, #tpu.memory_space<vmem>>, vector<1x30x64xf32>,
    %add3A_1050 = arith.constant 13 : i32
    %add3A_1051 = arith.addi %mul3A_0, %add3A_1050 : i32
    %get3A_1052 = arith.index_cast %add3A_1051 : i32 to index
    %get3A_1053 = arith.constant 0 : index
    %get3A_1054 = memref.load %arg1[%get3A_1052, %get3A_1053] : memref<256x1xi32, #tpu.memory_space<smem>>
    %add3A_1055 = arith.constant 13 : i32
    %add3A_1056 = arith.addi %mul3A_0, %add3A_1055 : i32
    %get3A_1057 = arith.index_cast %add3A_1056 : i32 to index
    %get3A_1058 = arith.constant 0 : index
    %get3A_1059 = memref.load %arg2[%get3A_1057, %get3A_1058] : memref<256x1xi32, #tpu.memory_space<smem>>
    %get3A_1060 = arith.index_cast %get3A_1054 : i32 to index
    %get3A_1061 = arith.constant 0 : index
    %get3A_1062 = vector.load %arg3[%get3A_1060, %get3A_1061] : memref<10496x32xf32, #tpu.memory_space<vmem>>, vector<256x32xf32>
    %get3A_1063 = arith.index_cast %get3A_1054 : i32 to index
    %get3A_1064 = arith.constant 0 : index
    %get3A_1065 = vector.load %arg5[%get3A_1063, %get3A_1064] : memref<10496x32xf32, #tpu.memory_space<vmem>>, vector<256x32xf32>
    %get3A_1066 = arith.index_cast %get3A_1054 : i32 to index
    %get3A_1067 = arith.constant 0 : index
    %get3A_1068 = vector.load %arg6[%get3A_1066, %get3A_1067] : memref<10496x32xf32, #tpu.memory_space<vmem>>, vector<256x32xf32>
    %add3A_1069 = arith.addf %get3A_1065, %get3A_1068 : vector<256x32xf32>
    %get3A_1070 = arith.index_cast %get3A_1054 : i32 to index
    %get3A_1071 = arith.constant 0 : index
    %get3A_1072 = vector.load %arg4[%get3A_1070, %get3A_1071] : memref<10496x32xf32, #tpu.memory_space<vmem>>, vector<256x32xf32>
    %get3A_1073 = arith.index_cast %get3A_1054 : i32 to index
    %get3A_1074 = arith.constant 0 : index
    %get3A_1075 = vector.load %arg7[%get3A_1073, %get3A_1074] : memref<10496x1xf32, #tpu.memory_space<vmem>>, vector<256x1xf32>
    %get3A_1076 = arith.index_cast %get3A_1054 : i32 to index
    %get3A_1077 = arith.constant 0 : index
    %get3A_1078 = vector.load %arg8[%get3A_1076, %get3A_1077] : memref<10496x1xf32, #tpu.memory_space<vmem>>, vector<256x1xf32>
    %mul3A_1079 = vector.broadcast %get3A_1075 : vector<256x1xf32> to vector<256x32xf32>
    %mul3A_1080 = arith.mulf %mul3A_1079, %add3A_1069 : vector<256x32xf32>
    %mul3A_1081 = vector.broadcast %get3A_1078 : vector<256x1xf32> to vector<256x32xf32>
    %mul3A_1082 = arith.mulf %mul3A_1081, %get3A_1072 : vector<256x32xf32>
    %add3A_1083 = arith.addf %mul3A_1080, %mul3A_1082 : vector<256x32xf32>
    %get3A_1084 = arith.constant 0 : index
    %get3A_1085 = arith.constant 0 : index
    %get3A_1086 = vector.load %arg9[%get3A_1084, %get3A_1085] : memref<1x32xf32, #tpu.memory_space<vmem>>, vector<1x32xf32>
    %add3A_1087 = vector.broadcast %get3A_1086 : vector<1x32xf32> to vector<256x32xf32>
    %add3A_1088 = arith.addf %add3A_1083, %add3A_1087 : vector<256x32xf32>
    %max3A_1089 = arith.constant 0.000000e+00 : f32
    %max3A_1090 = vector.broadcast %max3A_1089 : f32 to vector<256x32xf32>
    %max3A_1091 = arith.maximumf %add3A_1088, %max3A_1090 : vector<256x32xf32>
    %slice3A_1092 = vector.extract_strided_slice %max3A_1091 {offsets = [0, 31], sizes = [256, 1], strides = [1, 1]} : vector<256x32xf32> to vector<256x1xf32>
    %transpose3A_1093 = tpu.transpose %slice3A_1092, [1, 0] : vector<256x1xf32> -> vector<1x256xf32>
    %iota3A_1094 = tpu.iota {dimensions = array<i32: 0>} : vector<256x256xi32>
    %iota3A_1095 = tpu.iota {dimensions = array<i32: 1>} : vector<256x256xi32>
    %gt3A_1096 = vector.broadcast %slice3A_1092 : vector<256x1xf32> to vector<256x256xf32>
    %gt3A_1097 = vector.broadcast %transpose3A_1093 : vector<1x256xf32> to vector<256x256xf32>
    %gt3A_1098 = arith.cmpf ogt, %gt3A_1096, %gt3A_1097 : vector<256x256xf32>
    %eq3A_1099 = vector.broadcast %slice3A_1092 : vector<256x1xf32> to vector<256x256xf32>
    %eq3A_1100 = vector.broadcast %transpose3A_1093 : vector<1x256xf32> to vector<256x256xf32>
    %eq3A_1101 = arith.cmpf oeq, %eq3A_1099, %eq3A_1100 : vector<256x256xf32>
    %lt3A_1102 = arith.cmpi slt, %iota3A_1094, %iota3A_1095 : vector<256x256xi32>
    %and3A_1103 = arith.andi %eq3A_1101, %lt3A_1102 : vector<256x256xi1>
    %or3A_1104 = arith.ori %gt3A_1098, %and3A_1103 : vector<256x256xi1>
    %lt3A_1105 = vector.broadcast %get3A_1059 : i32 to vector<256x256xi32>
    %lt3A_1106 = arith.cmpi slt, %iota3A_1094, %lt3A_1105 : vector<256x256xi32>
    %and3A_1107 = arith.andi %or3A_1104, %lt3A_1106 : vector<256x256xi1>
    %convert_element_type3A_1108 = arith.extui %and3A_1107 : vector<256x256xi1> to vector<256x256xi32>
    %convert_element_type3A_1109 = arith.sitofp %convert_element_type3A_1108 : vector<256x256xi32> to vector<256x256xf32>
    %reduce_sum3A_1110 = arith.constant dense<0.000000e+00> : vector<256xf32>
    %reduce_sum3A_1111 = vector.multi_reduction <add>, %convert_element_type3A_1109, %reduce_sum3A_1110 [0] : vector<256x256xf32> to vector<256xf32>
    %broadcast_in_dim3A_1112 = vector.shape_cast %reduce_sum3A_1111 : vector<256xf32> to vector<1x256xf32>
    %iota3A_1113 = tpu.iota {dimensions = array<i32: 0>} : vector<30x256xi32>
    %iota3A_1114 = tpu.iota {dimensions = array<i32: 1>} : vector<30x256xi32>
    %convert_element_type3A_1115 = arith.fptosi %broadcast_in_dim3A_1112 : vector<1x256xf32> to vector<1x256xi32>
    %eq3A_1116 = vector.broadcast %convert_element_type3A_1115 : vector<1x256xi32> to vector<30x256xi32>
    %eq3A_1117 = arith.cmpi eq, %iota3A_1113, %eq3A_1116 : vector<30x256xi32>
    %lt3A_1118 = vector.broadcast %get3A_1059 : i32 to vector<30x256xi32>
    %lt3A_1119 = arith.cmpi slt, %iota3A_1114, %lt3A_1118 : vector<30x256xi32>
    %and3A_1120 = arith.andi %eq3A_1117, %lt3A_1119 : vector<30x256xi1>
    %convert_element_type3A_1121 = arith.extui %and3A_1120 : vector<30x256xi1> to vector<30x256xi32>
    %convert_element_type3A_1122 = arith.sitofp %convert_element_type3A_1121 : vector<30x256xi32> to vector<30x256xf32>
    %concatenate3A_1123 = tpu.concatenate %get3A_1062, %max3A_1091 in 1 : vector<256x32xf32>, vector<256x32xf32> -> vector<256x64xf32>
    %dot_general3A_1124 = arith.constant dense<0.000000e+00> : vector<30x64xf32>
    %dot_general3A_1125 = tpu.matmul %convert_element_type3A_1122, %concatenate3A_1123, %dot_general3A_1124 {dimension_numbers = #tpu.dot_dimension_numbers<[1], [0], [0], [1], [0, 0, 1, 1], [], []>, transpose_lhs_hint = false} : vector<30x256xf32>, vector<256x64xf32>, vector<30x64xf32> -> vector<30x64xf32>
    %swap3A_1126 = arith.constant 13 : index
    %swap3A_1127 = arith.constant 0 : index
    %swap3A_1128 = arith.constant 0 : index
    %swap3A_1129 = vector.load %arg10[%swap3A_1126, %swap3A_1127, %swap3A_1128] : memref<16x30x64xf32, #tpu.memory_space<vmem>>, vector<1x30x64xf32>
    %swap3A_1130 = vector.shape_cast %swap3A_1129 : vector<1x30x64xf32> to vector<30x64xf32>
    %swap3A_1131 = vector.shape_cast %dot_general3A_1125 : vector<30x64xf32> to vector<1x30x64xf32>
    tpu.vector_store %arg10[%swap3A_1126, %swap3A_1127, %swap3A_1128], %swap3A_1131 {strides = array<i32>} : memref<16x30x64xf32, #tpu.memory_space<vmem>>, vector<1x30x64xf32>,
    %add3A_1132 = arith.constant 14 : i32
    %add3A_1133 = arith.addi %mul3A_0, %add3A_1132 : i32
    %get3A_1134 = arith.index_cast %add3A_1133 : i32 to index
    %get3A_1135 = arith.constant 0 : index
    %get3A_1136 = memref.load %arg1[%get3A_1134, %get3A_1135] : memref<256x1xi32, #tpu.memory_space<smem>>
    %add3A_1137 = arith.constant 14 : i32
    %add3A_1138 = arith.addi %mul3A_0, %add3A_1137 : i32
    %get3A_1139 = arith.index_cast %add3A_1138 : i32 to index
    %get3A_1140 = arith.constant 0 : index
    %get3A_1141 = memref.load %arg2[%get3A_1139, %get3A_1140] : memref<256x1xi32, #tpu.memory_space<smem>>
    %get3A_1142 = arith.index_cast %get3A_1136 : i32 to index
    %get3A_1143 = arith.constant 0 : index
    %get3A_1144 = vector.load %arg3[%get3A_1142, %get3A_1143] : memref<10496x32xf32, #tpu.memory_space<vmem>>, vector<256x32xf32>
    %get3A_1145 = arith.index_cast %get3A_1136 : i32 to index
    %get3A_1146 = arith.constant 0 : index
    %get3A_1147 = vector.load %arg5[%get3A_1145, %get3A_1146] : memref<10496x32xf32, #tpu.memory_space<vmem>>, vector<256x32xf32>
    %get3A_1148 = arith.index_cast %get3A_1136 : i32 to index
    %get3A_1149 = arith.constant 0 : index
    %get3A_1150 = vector.load %arg6[%get3A_1148, %get3A_1149] : memref<10496x32xf32, #tpu.memory_space<vmem>>, vector<256x32xf32>
    %add3A_1151 = arith.addf %get3A_1147, %get3A_1150 : vector<256x32xf32>
    %get3A_1152 = arith.index_cast %get3A_1136 : i32 to index
    %get3A_1153 = arith.constant 0 : index
    %get3A_1154 = vector.load %arg4[%get3A_1152, %get3A_1153] : memref<10496x32xf32, #tpu.memory_space<vmem>>, vector<256x32xf32>
    %get3A_1155 = arith.index_cast %get3A_1136 : i32 to index
    %get3A_1156 = arith.constant 0 : index
    %get3A_1157 = vector.load %arg7[%get3A_1155, %get3A_1156] : memref<10496x1xf32, #tpu.memory_space<vmem>>, vector<256x1xf32>
    %get3A_1158 = arith.index_cast %get3A_1136 : i32 to index
    %get3A_1159 = arith.constant 0 : index
    %get3A_1160 = vector.load %arg8[%get3A_1158, %get3A_1159] : memref<10496x1xf32, #tpu.memory_space<vmem>>, vector<256x1xf32>
    %mul3A_1161 = vector.broadcast %get3A_1157 : vector<256x1xf32> to vector<256x32xf32>
    %mul3A_1162 = arith.mulf %mul3A_1161, %add3A_1151 : vector<256x32xf32>
    %mul3A_1163 = vector.broadcast %get3A_1160 : vector<256x1xf32> to vector<256x32xf32>
    %mul3A_1164 = arith.mulf %mul3A_1163, %get3A_1154 : vector<256x32xf32>
    %add3A_1165 = arith.addf %mul3A_1162, %mul3A_1164 : vector<256x32xf32>
    %get3A_1166 = arith.constant 0 : index
    %get3A_1167 = arith.constant 0 : index
    %get3A_1168 = vector.load %arg9[%get3A_1166, %get3A_1167] : memref<1x32xf32, #tpu.memory_space<vmem>>, vector<1x32xf32>
    %add3A_1169 = vector.broadcast %get3A_1168 : vector<1x32xf32> to vector<256x32xf32>
    %add3A_1170 = arith.addf %add3A_1165, %add3A_1169 : vector<256x32xf32>
    %max3A_1171 = arith.constant 0.000000e+00 : f32
    %max3A_1172 = vector.broadcast %max3A_1171 : f32 to vector<256x32xf32>
    %max3A_1173 = arith.maximumf %add3A_1170, %max3A_1172 : vector<256x32xf32>
    %slice3A_1174 = vector.extract_strided_slice %max3A_1173 {offsets = [0, 31], sizes = [256, 1], strides = [1, 1]} : vector<256x32xf32> to vector<256x1xf32>
    %transpose3A_1175 = tpu.transpose %slice3A_1174, [1, 0] : vector<256x1xf32> -> vector<1x256xf32>
    %iota3A_1176 = tpu.iota {dimensions = array<i32: 0>} : vector<256x256xi32>
    %iota3A_1177 = tpu.iota {dimensions = array<i32: 1>} : vector<256x256xi32>
    %gt3A_1178 = vector.broadcast %slice3A_1174 : vector<256x1xf32> to vector<256x256xf32>
    %gt3A_1179 = vector.broadcast %transpose3A_1175 : vector<1x256xf32> to vector<256x256xf32>
    %gt3A_1180 = arith.cmpf ogt, %gt3A_1178, %gt3A_1179 : vector<256x256xf32>
    %eq3A_1181 = vector.broadcast %slice3A_1174 : vector<256x1xf32> to vector<256x256xf32>
    %eq3A_1182 = vector.broadcast %transpose3A_1175 : vector<1x256xf32> to vector<256x256xf32>
    %eq3A_1183 = arith.cmpf oeq, %eq3A_1181, %eq3A_1182 : vector<256x256xf32>
    %lt3A_1184 = arith.cmpi slt, %iota3A_1176, %iota3A_1177 : vector<256x256xi32>
    %and3A_1185 = arith.andi %eq3A_1183, %lt3A_1184 : vector<256x256xi1>
    %or3A_1186 = arith.ori %gt3A_1180, %and3A_1185 : vector<256x256xi1>
    %lt3A_1187 = vector.broadcast %get3A_1141 : i32 to vector<256x256xi32>
    %lt3A_1188 = arith.cmpi slt, %iota3A_1176, %lt3A_1187 : vector<256x256xi32>
    %and3A_1189 = arith.andi %or3A_1186, %lt3A_1188 : vector<256x256xi1>
    %convert_element_type3A_1190 = arith.extui %and3A_1189 : vector<256x256xi1> to vector<256x256xi32>
    %convert_element_type3A_1191 = arith.sitofp %convert_element_type3A_1190 : vector<256x256xi32> to vector<256x256xf32>
    %reduce_sum3A_1192 = arith.constant dense<0.000000e+00> : vector<256xf32>
    %reduce_sum3A_1193 = vector.multi_reduction <add>, %convert_element_type3A_1191, %reduce_sum3A_1192 [0] : vector<256x256xf32> to vector<256xf32>
    %broadcast_in_dim3A_1194 = vector.shape_cast %reduce_sum3A_1193 : vector<256xf32> to vector<1x256xf32>
    %iota3A_1195 = tpu.iota {dimensions = array<i32: 0>} : vector<30x256xi32>
    %iota3A_1196 = tpu.iota {dimensions = array<i32: 1>} : vector<30x256xi32>
    %convert_element_type3A_1197 = arith.fptosi %broadcast_in_dim3A_1194 : vector<1x256xf32> to vector<1x256xi32>
    %eq3A_1198 = vector.broadcast %convert_element_type3A_1197 : vector<1x256xi32> to vector<30x256xi32>
    %eq3A_1199 = arith.cmpi eq, %iota3A_1195, %eq3A_1198 : vector<30x256xi32>
    %lt3A_1200 = vector.broadcast %get3A_1141 : i32 to vector<30x256xi32>
    %lt3A_1201 = arith.cmpi slt, %iota3A_1196, %lt3A_1200 : vector<30x256xi32>
    %and3A_1202 = arith.andi %eq3A_1199, %lt3A_1201 : vector<30x256xi1>
    %convert_element_type3A_1203 = arith.extui %and3A_1202 : vector<30x256xi1> to vector<30x256xi32>
    %convert_element_type3A_1204 = arith.sitofp %convert_element_type3A_1203 : vector<30x256xi32> to vector<30x256xf32>
    %concatenate3A_1205 = tpu.concatenate %get3A_1144, %max3A_1173 in 1 : vector<256x32xf32>, vector<256x32xf32> -> vector<256x64xf32>
    %dot_general3A_1206 = arith.constant dense<0.000000e+00> : vector<30x64xf32>
    %dot_general3A_1207 = tpu.matmul %convert_element_type3A_1204, %concatenate3A_1205, %dot_general3A_1206 {dimension_numbers = #tpu.dot_dimension_numbers<[1], [0], [0], [1], [0, 0, 1, 1], [], []>, transpose_lhs_hint = false} : vector<30x256xf32>, vector<256x64xf32>, vector<30x64xf32> -> vector<30x64xf32>
    %swap3A_1208 = arith.constant 14 : index
    %swap3A_1209 = arith.constant 0 : index
    %swap3A_1210 = arith.constant 0 : index
    %swap3A_1211 = vector.load %arg10[%swap3A_1208, %swap3A_1209, %swap3A_1210] : memref<16x30x64xf32, #tpu.memory_space<vmem>>, vector<1x30x64xf32>
    %swap3A_1212 = vector.shape_cast %swap3A_1211 : vector<1x30x64xf32> to vector<30x64xf32>
    %swap3A_1213 = vector.shape_cast %dot_general3A_1207 : vector<30x64xf32> to vector<1x30x64xf32>
    tpu.vector_store %arg10[%swap3A_1208, %swap3A_1209, %swap3A_1210], %swap3A_1213 {strides = array<i32>} : memref<16x30x64xf32, #tpu.memory_space<vmem>>, vector<1x30x64xf32>,
    %add3A_1214 = arith.constant 15 : i32
    %add3A_1215 = arith.addi %mul3A_0, %add3A_1214 : i32
    %get3A_1216 = arith.index_cast %add3A_1215 : i32 to index
    %get3A_1217 = arith.constant 0 : index
    %get3A_1218 = memref.load %arg1[%get3A_1216, %get3A_1217] : memref<256x1xi32, #tpu.memory_space<smem>>
    %add3A_1219 = arith.constant 15 : i32
    %add3A_1220 = arith.addi %mul3A_0, %add3A_1219 : i32
    %get3A_1221 = arith.index_cast %add3A_1220 : i32 to index
    %get3A_1222 = arith.constant 0 : index
    %get3A_1223 = memref.load %arg2[%get3A_1221, %get3A_1222] : memref<256x1xi32, #tpu.memory_space<smem>>
    %get3A_1224 = arith.index_cast %get3A_1218 : i32 to index
    %get3A_1225 = arith.constant 0 : index
    %get3A_1226 = vector.load %arg3[%get3A_1224, %get3A_1225] : memref<10496x32xf32, #tpu.memory_space<vmem>>, vector<256x32xf32>
    %get3A_1227 = arith.index_cast %get3A_1218 : i32 to index
    %get3A_1228 = arith.constant 0 : index
    %get3A_1229 = vector.load %arg5[%get3A_1227, %get3A_1228] : memref<10496x32xf32, #tpu.memory_space<vmem>>, vector<256x32xf32>
    %get3A_1230 = arith.index_cast %get3A_1218 : i32 to index
    %get3A_1231 = arith.constant 0 : index
    %get3A_1232 = vector.load %arg6[%get3A_1230, %get3A_1231] : memref<10496x32xf32, #tpu.memory_space<vmem>>, vector<256x32xf32>
    %add3A_1233 = arith.addf %get3A_1229, %get3A_1232 : vector<256x32xf32>
    %get3A_1234 = arith.index_cast %get3A_1218 : i32 to index
    %get3A_1235 = arith.constant 0 : index
    %get3A_1236 = vector.load %arg4[%get3A_1234, %get3A_1235] : memref<10496x32xf32, #tpu.memory_space<vmem>>, vector<256x32xf32>
    %get3A_1237 = arith.index_cast %get3A_1218 : i32 to index
    %get3A_1238 = arith.constant 0 : index
    %get3A_1239 = vector.load %arg7[%get3A_1237, %get3A_1238] : memref<10496x1xf32, #tpu.memory_space<vmem>>, vector<256x1xf32>
    %get3A_1240 = arith.index_cast %get3A_1218 : i32 to index
    %get3A_1241 = arith.constant 0 : index
    %get3A_1242 = vector.load %arg8[%get3A_1240, %get3A_1241] : memref<10496x1xf32, #tpu.memory_space<vmem>>, vector<256x1xf32>
    %mul3A_1243 = vector.broadcast %get3A_1239 : vector<256x1xf32> to vector<256x32xf32>
    %mul3A_1244 = arith.mulf %mul3A_1243, %add3A_1233 : vector<256x32xf32>
    %mul3A_1245 = vector.broadcast %get3A_1242 : vector<256x1xf32> to vector<256x32xf32>
    %mul3A_1246 = arith.mulf %mul3A_1245, %get3A_1236 : vector<256x32xf32>
    %add3A_1247 = arith.addf %mul3A_1244, %mul3A_1246 : vector<256x32xf32>
    %get3A_1248 = arith.constant 0 : index
    %get3A_1249 = arith.constant 0 : index
    %get3A_1250 = vector.load %arg9[%get3A_1248, %get3A_1249] : memref<1x32xf32, #tpu.memory_space<vmem>>, vector<1x32xf32>
    %add3A_1251 = vector.broadcast %get3A_1250 : vector<1x32xf32> to vector<256x32xf32>
    %add3A_1252 = arith.addf %add3A_1247, %add3A_1251 : vector<256x32xf32>
    %max3A_1253 = arith.constant 0.000000e+00 : f32
    %max3A_1254 = vector.broadcast %max3A_1253 : f32 to vector<256x32xf32>
    %max3A_1255 = arith.maximumf %add3A_1252, %max3A_1254 : vector<256x32xf32>
    %slice3A_1256 = vector.extract_strided_slice %max3A_1255 {offsets = [0, 31], sizes = [256, 1], strides = [1, 1]} : vector<256x32xf32> to vector<256x1xf32>
    %transpose3A_1257 = tpu.transpose %slice3A_1256, [1, 0] : vector<256x1xf32> -> vector<1x256xf32>
    %iota3A_1258 = tpu.iota {dimensions = array<i32: 0>} : vector<256x256xi32>
    %iota3A_1259 = tpu.iota {dimensions = array<i32: 1>} : vector<256x256xi32>
    %gt3A_1260 = vector.broadcast %slice3A_1256 : vector<256x1xf32> to vector<256x256xf32>
    %gt3A_1261 = vector.broadcast %transpose3A_1257 : vector<1x256xf32> to vector<256x256xf32>
    %gt3A_1262 = arith.cmpf ogt, %gt3A_1260, %gt3A_1261 : vector<256x256xf32>
    %eq3A_1263 = vector.broadcast %slice3A_1256 : vector<256x1xf32> to vector<256x256xf32>
    %eq3A_1264 = vector.broadcast %transpose3A_1257 : vector<1x256xf32> to vector<256x256xf32>
    %eq3A_1265 = arith.cmpf oeq, %eq3A_1263, %eq3A_1264 : vector<256x256xf32>
    %lt3A_1266 = arith.cmpi slt, %iota3A_1258, %iota3A_1259 : vector<256x256xi32>
    %and3A_1267 = arith.andi %eq3A_1265, %lt3A_1266 : vector<256x256xi1>
    %or3A_1268 = arith.ori %gt3A_1262, %and3A_1267 : vector<256x256xi1>
    %lt3A_1269 = vector.broadcast %get3A_1223 : i32 to vector<256x256xi32>
    %lt3A_1270 = arith.cmpi slt, %iota3A_1258, %lt3A_1269 : vector<256x256xi32>
    %and3A_1271 = arith.andi %or3A_1268, %lt3A_1270 : vector<256x256xi1>
    %convert_element_type3A_1272 = arith.extui %and3A_1271 : vector<256x256xi1> to vector<256x256xi32>
    %convert_element_type3A_1273 = arith.sitofp %convert_element_type3A_1272 : vector<256x256xi32> to vector<256x256xf32>
    %reduce_sum3A_1274 = arith.constant dense<0.000000e+00> : vector<256xf32>
    %reduce_sum3A_1275 = vector.multi_reduction <add>, %convert_element_type3A_1273, %reduce_sum3A_1274 [0] : vector<256x256xf32> to vector<256xf32>
    %broadcast_in_dim3A_1276 = vector.shape_cast %reduce_sum3A_1275 : vector<256xf32> to vector<1x256xf32>
    %iota3A_1277 = tpu.iota {dimensions = array<i32: 0>} : vector<30x256xi32>
    %iota3A_1278 = tpu.iota {dimensions = array<i32: 1>} : vector<30x256xi32>
    %convert_element_type3A_1279 = arith.fptosi %broadcast_in_dim3A_1276 : vector<1x256xf32> to vector<1x256xi32>
    %eq3A_1280 = vector.broadcast %convert_element_type3A_1279 : vector<1x256xi32> to vector<30x256xi32>
    %eq3A_1281 = arith.cmpi eq, %iota3A_1277, %eq3A_1280 : vector<30x256xi32>
    %lt3A_1282 = vector.broadcast %get3A_1223 : i32 to vector<30x256xi32>
    %lt3A_1283 = arith.cmpi slt, %iota3A_1278, %lt3A_1282 : vector<30x256xi32>
    %and3A_1284 = arith.andi %eq3A_1281, %lt3A_1283 : vector<30x256xi1>
    %convert_element_type3A_1285 = arith.extui %and3A_1284 : vector<30x256xi1> to vector<30x256xi32>
    %convert_element_type3A_1286 = arith.sitofp %convert_element_type3A_1285 : vector<30x256xi32> to vector<30x256xf32>
    %concatenate3A_1287 = tpu.concatenate %get3A_1226, %max3A_1255 in 1 : vector<256x32xf32>, vector<256x32xf32> -> vector<256x64xf32>
    %dot_general3A_1288 = arith.constant dense<0.000000e+00> : vector<30x64xf32>
    %dot_general3A_1289 = tpu.matmul %convert_element_type3A_1286, %concatenate3A_1287, %dot_general3A_1288 {dimension_numbers = #tpu.dot_dimension_numbers<[1], [0], [0], [1], [0, 0, 1, 1], [], []>, transpose_lhs_hint = false} : vector<30x256xf32>, vector<256x64xf32>, vector<30x64xf32> -> vector<30x64xf32>
    %swap3A_1290 = arith.constant 15 : index
    %swap3A_1291 = arith.constant 0 : index
    %swap3A_1292 = arith.constant 0 : index
    %swap3A_1293 = vector.load %arg10[%swap3A_1290, %swap3A_1291, %swap3A_1292] : memref<16x30x64xf32, #tpu.memory_space<vmem>>, vector<1x30x64xf32>
    %swap3A_1294 = vector.shape_cast %swap3A_1293 : vector<1x30x64xf32> to vector<30x64xf32>
    %swap3A_1295 = vector.shape_cast %dot_general3A_1289 : vector<30x64xf32> to vector<1x30x64xf32>
    tpu.vector_store %arg10[%swap3A_1290, %swap3A_1291, %swap3A_1292], %swap3A_1295 {strides = array<i32>} : memref<16x30x64xf32, #tpu.memory_space<vmem>>, vector<1x30x64xf32>,
    return
  }
  func.func @transform_0(%arg0: i32) -> (i32, i32) {
    %c0_i32 = arith.constant 0 : i32
    %c0_i32_0 = arith.constant 0 : i32
    %c0_i32_1 = arith.constant 0 : i32
    return %c0_i32, %c0_i32_0 : i32, i32
  }
  func.func @transform_1(%arg0: i32) -> (i32, i32) {
    %c0_i32 = arith.constant 0 : i32
    %c0_i32_0 = arith.constant 0 : i32
    %c0_i32_1 = arith.constant 0 : i32
    return %c0_i32, %c0_i32_0 : i32, i32
  }
  func.func @transform_2(%arg0: i32) -> (i32, i32) {
    %c0_i32 = arith.constant 0 : i32
    %c0_i32_0 = arith.constant 0 : i32
    %c0_i32_1 = arith.constant 0 : i32
    return %c0_i32, %c0_i32_0 : i32, i32
  }
  func.func @transform_3(%arg0: i32) -> (i32, i32) {
    %c0_i32 = arith.constant 0 : i32
    %c0_i32_0 = arith.constant 0 : i32
    %c0_i32_1 = arith.constant 0 : i32
    return %c0_i32, %c0_i32_0 : i32, i32
  }
  func.func @transform_4(%arg0: i32) -> (i32, i32) {
    %c0_i32 = arith.constant 0 : i32
    %c0_i32_0 = arith.constant 0 : i32
    %c0_i32_1 = arith.constant 0 : i32
    return %c0_i32, %c0_i32_0 : i32, i32
  }
  func.func @transform_5(%arg0: i32) -> (i32, i32) {
    %c0_i32 = arith.constant 0 : i32
    %c0_i32_0 = arith.constant 0 : i32
    %c0_i32_1 = arith.constant 0 : i32
    return %c0_i32, %c0_i32_0 : i32, i32
  }
  func.func @transform_6(%arg0: i32) -> (i32, i32) {
    %c0_i32 = arith.constant 0 : i32
    %c0_i32_0 = arith.constant 0 : i32
    %c0_i32_1 = arith.constant 0 : i32
    return %c0_i32, %c0_i32_0 : i32, i32
  }
  func.func @transform_7(%arg0: i32) -> (i32, i32) {
    %c0_i32 = arith.constant 0 : i32
    %c0_i32_0 = arith.constant 0 : i32
    %c0_i32_1 = arith.constant 0 : i32
    return %c0_i32, %c0_i32_0 : i32, i32
  }
  func.func @transform_8(%arg0: i32) -> (i32, i32) {
    %c0_i32 = arith.constant 0 : i32
    %c0_i32_0 = arith.constant 0 : i32
    %c0_i32_1 = arith.constant 0 : i32
    return %c0_i32, %c0_i32_0 : i32, i32
  }
  func.func @transform_9(%arg0: i32) -> (i32, i32, i32) {
    %c0_i32 = arith.constant 0 : i32
    %c0_i32_0 = arith.constant 0 : i32
    %c0_i32_1 = arith.constant 0 : i32
    return %arg0, %c0_i32, %c0_i32_0 : i32, i32, i32
  }
}

module attributes {stable_mosaic.version = 14 : i64} {
  func.func @_tc_head_body(%arg0: memref<256x30x64xf32, #tpu.memory_space<vmem>>, %arg1: memref<64x128xf32, #tpu.memory_space<vmem>>, %arg2: memref<1x128xf32, #tpu.memory_space<vmem>>, %arg3: memref<640x256xf32, #tpu.memory_space<vmem>>, %arg4: memref<1x256xf32, #tpu.memory_space<vmem>>, %arg5: memref<11x256x128xf32, #tpu.memory_space<vmem>>, %arg6: memref<1x128xf32, #tpu.memory_space<vmem>>, %arg7: memref<128x32xf32, #tpu.memory_space<vmem>>, %arg8: memref<1x32xf32, #tpu.memory_space<vmem>>, %arg9: memref<1x32xf32, #tpu.memory_space<vmem>>, %arg10: memref<1x32xf32, #tpu.memory_space<vmem>>, %arg11: memref<256x32xf32, #tpu.memory_space<vmem>>, %arg12: memref<1x1xf32, #tpu.memory_space<vmem>>, %arg13: memref<64x32xf32, #tpu.memory_space<vmem>>, %arg14: memref<1x32xf32, #tpu.memory_space<vmem>>, %arg15: memref<32x1xf32, #tpu.memory_space<vmem>>, %arg16: memref<1x1xf32, #tpu.memory_space<vmem>>, %arg17: memref<256x1xf32, #tpu.memory_space<vmem>>) attributes {dimension_semantics = [], scalar_prefetch = 0 : i64, scratch_operands = 0 : i64, tpu.core_type = #tpu.core_type<tc>} {
    %get3A = arith.constant 0 : index
    %get3A_0 = arith.constant 0 : index
    %get3A_1 = arith.constant 0 : index
    %get3A_2 = vector.load %arg0[%get3A, %get3A_0, %get3A_1] : memref<256x30x64xf32, #tpu.memory_space<vmem>>, vector<256x30x64xf32>
    %reshape3A = vector.shape_cast %get3A_2 : vector<256x30x64xf32> to vector<7680x64xf32>
    %get3A_3 = arith.constant 0 : index
    %get3A_4 = arith.constant 0 : index
    %get3A_5 = vector.load %arg1[%get3A_3, %get3A_4] : memref<64x128xf32, #tpu.memory_space<vmem>>, vector<64x128xf32>
    %dot_general3A = arith.constant dense<0.000000e+00> : vector<7680x128xf32>
    %dot_general3A_6 = tpu.matmul %reshape3A, %get3A_5, %dot_general3A {dimension_numbers = #tpu.dot_dimension_numbers<[1], [0], [0], [1], [0, 0, 1, 1], [], []>, transpose_lhs_hint = false} : vector<7680x64xf32>, vector<64x128xf32>, vector<7680x128xf32> -> vector<7680x128xf32>
    %get3A_7 = arith.constant 0 : index
    %get3A_8 = arith.constant 0 : index
    %get3A_9 = vector.load %arg2[%get3A_7, %get3A_8] : memref<1x128xf32, #tpu.memory_space<vmem>>, vector<1x128xf32>
    %add3A = vector.broadcast %get3A_9 : vector<1x128xf32> to vector<7680x128xf32>
    %add3A_10 = arith.addf %dot_general3A_6, %add3A : vector<7680x128xf32>
    %max3A = arith.constant 0.000000e+00 : f32
    %max3A_11 = vector.broadcast %max3A : f32 to vector<7680x128xf32>
    %max3A_12 = arith.maximumf %add3A_10, %max3A_11 : vector<7680x128xf32>
    %reshape3A_13 = vector.shape_cast %max3A_12 : vector<7680x128xf32> to vector<256x15x2x128xf32>
    %reduce_max3A = arith.constant dense<0xFF800000> : vector<256x15x128xf32>
    %reduce_max3A_14 = vector.multi_reduction <maximumf>, %reshape3A_13, %reduce_max3A [2] : vector<256x15x2x128xf32> to vector<256x15x128xf32>
    %slice3A = vector.extract_strided_slice %reduce_max3A_14 {offsets = [0, 0, 0], sizes = [256, 11, 128], strides = [1, 1, 1]} : vector<256x15x128xf32> to vector<256x11x128xf32>
    %slice3A_15 = vector.extract_strided_slice %reduce_max3A_14 {offsets = [0, 1, 0], sizes = [256, 11, 128], strides = [1, 1, 1]} : vector<256x15x128xf32> to vector<256x11x128xf32>
    %slice3A_16 = vector.extract_strided_slice %reduce_max3A_14 {offsets = [0, 2, 0], sizes = [256, 11, 128], strides = [1, 1, 1]} : vector<256x15x128xf32> to vector<256x11x128xf32>
    %slice3A_17 = vector.extract_strided_slice %reduce_max3A_14 {offsets = [0, 3, 0], sizes = [256, 11, 128], strides = [1, 1, 1]} : vector<256x15x128xf32> to vector<256x11x128xf32>
    %slice3A_18 = vector.extract_strided_slice %reduce_max3A_14 {offsets = [0, 4, 0], sizes = [256, 11, 128], strides = [1, 1, 1]} : vector<256x15x128xf32> to vector<256x11x128xf32>
    %concatenate3A = tpu.concatenate %slice3A, %slice3A_15, %slice3A_16, %slice3A_17, %slice3A_18 in 2 : vector<256x11x128xf32>, vector<256x11x128xf32>, vector<256x11x128xf32>, vector<256x11x128xf32>, vector<256x11x128xf32> -> vector<256x11x640xf32>
    %reshape3A_19 = vector.shape_cast %concatenate3A : vector<256x11x640xf32> to vector<2816x640xf32>
    %get3A_20 = arith.constant 0 : index
    %get3A_21 = arith.constant 0 : index
    %get3A_22 = vector.load %arg3[%get3A_20, %get3A_21] : memref<640x256xf32, #tpu.memory_space<vmem>>, vector<640x256xf32>
    %dot_general3A_23 = arith.constant dense<0.000000e+00> : vector<2816x256xf32>
    %dot_general3A_24 = tpu.matmul %reshape3A_19, %get3A_22, %dot_general3A_23 {dimension_numbers = #tpu.dot_dimension_numbers<[1], [0], [0], [1], [0, 0, 1, 1], [], []>, transpose_lhs_hint = false} : vector<2816x640xf32>, vector<640x256xf32>, vector<2816x256xf32> -> vector<2816x256xf32>
    %get3A_25 = arith.constant 0 : index
    %get3A_26 = arith.constant 0 : index
    %get3A_27 = vector.load %arg4[%get3A_25, %get3A_26] : memref<1x256xf32, #tpu.memory_space<vmem>>, vector<1x256xf32>
    %add3A_28 = vector.broadcast %get3A_27 : vector<1x256xf32> to vector<2816x256xf32>
    %add3A_29 = arith.addf %dot_general3A_24, %add3A_28 : vector<2816x256xf32>
    %max3A_30 = arith.constant 0.000000e+00 : f32
    %max3A_31 = vector.broadcast %max3A_30 : f32 to vector<2816x256xf32>
    %max3A_32 = arith.maximumf %add3A_29, %max3A_31 : vector<2816x256xf32>
    %reshape3A_33 = vector.shape_cast %max3A_32 : vector<2816x256xf32> to vector<256x11x256xf32>
    %broadcast_in_dim3A = arith.constant 0.000000e+00 : f32
    %broadcast_in_dim3A_34 = vector.broadcast %broadcast_in_dim3A : f32 to vector<256x128xf32>
    %slice3A_35 = vector.extract_strided_slice %reshape3A_33 {offsets = [0, 0, 0], sizes = [256, 1, 256], strides = [1, 1, 1]} : vector<256x11x256xf32> to vector<256x1x256xf32>
    %squeeze3A = vector.shape_cast %slice3A_35 : vector<256x1x256xf32> to vector<256x256xf32>
    %get3A_36 = arith.constant 0 : index
    %get3A_37 = arith.constant 0 : index
    %get3A_38 = arith.constant 0 : index
    %get3A_39 = vector.load %arg5[%get3A_36, %get3A_37, %get3A_38] : memref<11x256x128xf32, #tpu.memory_space<vmem>>, vector<1x256x128xf32>
    %get3A_40 = vector.shape_cast %get3A_39 : vector<1x256x128xf32> to vector<256x128xf32>
    %dot_general3A_41 = arith.constant dense<0.000000e+00> : vector<256x128xf32>
    %dot_general3A_42 = tpu.matmul %squeeze3A, %get3A_40, %dot_general3A_41 {dimension_numbers = #tpu.dot_dimension_numbers<[1], [0], [0], [1], [0, 0, 1, 1], [], []>, transpose_lhs_hint = false} : vector<256x256xf32>, vector<256x128xf32>, vector<256x128xf32> -> vector<256x128xf32>
    %add3A_43 = arith.addf %broadcast_in_dim3A_34, %dot_general3A_42 : vector<256x128xf32>
    %slice3A_44 = vector.extract_strided_slice %reshape3A_33 {offsets = [0, 1, 0], sizes = [256, 1, 256], strides = [1, 1, 1]} : vector<256x11x256xf32> to vector<256x1x256xf32>
    %squeeze3A_45 = vector.shape_cast %slice3A_44 : vector<256x1x256xf32> to vector<256x256xf32>
    %get3A_46 = arith.constant 1 : index
    %get3A_47 = arith.constant 0 : index
    %get3A_48 = arith.constant 0 : index
    %get3A_49 = vector.load %arg5[%get3A_46, %get3A_47, %get3A_48] : memref<11x256x128xf32, #tpu.memory_space<vmem>>, vector<1x256x128xf32>
    %get3A_50 = vector.shape_cast %get3A_49 : vector<1x256x128xf32> to vector<256x128xf32>
    %dot_general3A_51 = arith.constant dense<0.000000e+00> : vector<256x128xf32>
    %dot_general3A_52 = tpu.matmul %squeeze3A_45, %get3A_50, %dot_general3A_51 {dimension_numbers = #tpu.dot_dimension_numbers<[1], [0], [0], [1], [0, 0, 1, 1], [], []>, transpose_lhs_hint = false} : vector<256x256xf32>, vector<256x128xf32>, vector<256x128xf32> -> vector<256x128xf32>
    %add3A_53 = arith.addf %add3A_43, %dot_general3A_52 : vector<256x128xf32>
    %slice3A_54 = vector.extract_strided_slice %reshape3A_33 {offsets = [0, 2, 0], sizes = [256, 1, 256], strides = [1, 1, 1]} : vector<256x11x256xf32> to vector<256x1x256xf32>
    %squeeze3A_55 = vector.shape_cast %slice3A_54 : vector<256x1x256xf32> to vector<256x256xf32>
    %get3A_56 = arith.constant 2 : index
    %get3A_57 = arith.constant 0 : index
    %get3A_58 = arith.constant 0 : index
    %get3A_59 = vector.load %arg5[%get3A_56, %get3A_57, %get3A_58] : memref<11x256x128xf32, #tpu.memory_space<vmem>>, vector<1x256x128xf32>
    %get3A_60 = vector.shape_cast %get3A_59 : vector<1x256x128xf32> to vector<256x128xf32>
    %dot_general3A_61 = arith.constant dense<0.000000e+00> : vector<256x128xf32>
    %dot_general3A_62 = tpu.matmul %squeeze3A_55, %get3A_60, %dot_general3A_61 {dimension_numbers = #tpu.dot_dimension_numbers<[1], [0], [0], [1], [0, 0, 1, 1], [], []>, transpose_lhs_hint = false} : vector<256x256xf32>, vector<256x128xf32>, vector<256x128xf32> -> vector<256x128xf32>
    %add3A_63 = arith.addf %add3A_53, %dot_general3A_62 : vector<256x128xf32>
    %slice3A_64 = vector.extract_strided_slice %reshape3A_33 {offsets = [0, 3, 0], sizes = [256, 1, 256], strides = [1, 1, 1]} : vector<256x11x256xf32> to vector<256x1x256xf32>
    %squeeze3A_65 = vector.shape_cast %slice3A_64 : vector<256x1x256xf32> to vector<256x256xf32>
    %get3A_66 = arith.constant 3 : index
    %get3A_67 = arith.constant 0 : index
    %get3A_68 = arith.constant 0 : index
    %get3A_69 = vector.load %arg5[%get3A_66, %get3A_67, %get3A_68] : memref<11x256x128xf32, #tpu.memory_space<vmem>>, vector<1x256x128xf32>
    %get3A_70 = vector.shape_cast %get3A_69 : vector<1x256x128xf32> to vector<256x128xf32>
    %dot_general3A_71 = arith.constant dense<0.000000e+00> : vector<256x128xf32>
    %dot_general3A_72 = tpu.matmul %squeeze3A_65, %get3A_70, %dot_general3A_71 {dimension_numbers = #tpu.dot_dimension_numbers<[1], [0], [0], [1], [0, 0, 1, 1], [], []>, transpose_lhs_hint = false} : vector<256x256xf32>, vector<256x128xf32>, vector<256x128xf32> -> vector<256x128xf32>
    %add3A_73 = arith.addf %add3A_63, %dot_general3A_72 : vector<256x128xf32>
    %slice3A_74 = vector.extract_strided_slice %reshape3A_33 {offsets = [0, 4, 0], sizes = [256, 1, 256], strides = [1, 1, 1]} : vector<256x11x256xf32> to vector<256x1x256xf32>
    %squeeze3A_75 = vector.shape_cast %slice3A_74 : vector<256x1x256xf32> to vector<256x256xf32>
    %get3A_76 = arith.constant 4 : index
    %get3A_77 = arith.constant 0 : index
    %get3A_78 = arith.constant 0 : index
    %get3A_79 = vector.load %arg5[%get3A_76, %get3A_77, %get3A_78] : memref<11x256x128xf32, #tpu.memory_space<vmem>>, vector<1x256x128xf32>
    %get3A_80 = vector.shape_cast %get3A_79 : vector<1x256x128xf32> to vector<256x128xf32>
    %dot_general3A_81 = arith.constant dense<0.000000e+00> : vector<256x128xf32>
    %dot_general3A_82 = tpu.matmul %squeeze3A_75, %get3A_80, %dot_general3A_81 {dimension_numbers = #tpu.dot_dimension_numbers<[1], [0], [0], [1], [0, 0, 1, 1], [], []>, transpose_lhs_hint = false} : vector<256x256xf32>, vector<256x128xf32>, vector<256x128xf32> -> vector<256x128xf32>
    %add3A_83 = arith.addf %add3A_73, %dot_general3A_82 : vector<256x128xf32>
    %slice3A_84 = vector.extract_strided_slice %reshape3A_33 {offsets = [0, 5, 0], sizes = [256, 1, 256], strides = [1, 1, 1]} : vector<256x11x256xf32> to vector<256x1x256xf32>
    %squeeze3A_85 = vector.shape_cast %slice3A_84 : vector<256x1x256xf32> to vector<256x256xf32>
    %get3A_86 = arith.constant 5 : index
    %get3A_87 = arith.constant 0 : index
    %get3A_88 = arith.constant 0 : index
    %get3A_89 = vector.load %arg5[%get3A_86, %get3A_87, %get3A_88] : memref<11x256x128xf32, #tpu.memory_space<vmem>>, vector<1x256x128xf32>
    %get3A_90 = vector.shape_cast %get3A_89 : vector<1x256x128xf32> to vector<256x128xf32>
    %dot_general3A_91 = arith.constant dense<0.000000e+00> : vector<256x128xf32>
    %dot_general3A_92 = tpu.matmul %squeeze3A_85, %get3A_90, %dot_general3A_91 {dimension_numbers = #tpu.dot_dimension_numbers<[1], [0], [0], [1], [0, 0, 1, 1], [], []>, transpose_lhs_hint = false} : vector<256x256xf32>, vector<256x128xf32>, vector<256x128xf32> -> vector<256x128xf32>
    %add3A_93 = arith.addf %add3A_83, %dot_general3A_92 : vector<256x128xf32>
    %slice3A_94 = vector.extract_strided_slice %reshape3A_33 {offsets = [0, 6, 0], sizes = [256, 1, 256], strides = [1, 1, 1]} : vector<256x11x256xf32> to vector<256x1x256xf32>
    %squeeze3A_95 = vector.shape_cast %slice3A_94 : vector<256x1x256xf32> to vector<256x256xf32>
    %get3A_96 = arith.constant 6 : index
    %get3A_97 = arith.constant 0 : index
    %get3A_98 = arith.constant 0 : index
    %get3A_99 = vector.load %arg5[%get3A_96, %get3A_97, %get3A_98] : memref<11x256x128xf32, #tpu.memory_space<vmem>>, vector<1x256x128xf32>
    %get3A_100 = vector.shape_cast %get3A_99 : vector<1x256x128xf32> to vector<256x128xf32>
    %dot_general3A_101 = arith.constant dense<0.000000e+00> : vector<256x128xf32>
    %dot_general3A_102 = tpu.matmul %squeeze3A_95, %get3A_100, %dot_general3A_101 {dimension_numbers = #tpu.dot_dimension_numbers<[1], [0], [0], [1], [0, 0, 1, 1], [], []>, transpose_lhs_hint = false} : vector<256x256xf32>, vector<256x128xf32>, vector<256x128xf32> -> vector<256x128xf32>
    %add3A_103 = arith.addf %add3A_93, %dot_general3A_102 : vector<256x128xf32>
    %slice3A_104 = vector.extract_strided_slice %reshape3A_33 {offsets = [0, 7, 0], sizes = [256, 1, 256], strides = [1, 1, 1]} : vector<256x11x256xf32> to vector<256x1x256xf32>
    %squeeze3A_105 = vector.shape_cast %slice3A_104 : vector<256x1x256xf32> to vector<256x256xf32>
    %get3A_106 = arith.constant 7 : index
    %get3A_107 = arith.constant 0 : index
    %get3A_108 = arith.constant 0 : index
    %get3A_109 = vector.load %arg5[%get3A_106, %get3A_107, %get3A_108] : memref<11x256x128xf32, #tpu.memory_space<vmem>>, vector<1x256x128xf32>
    %get3A_110 = vector.shape_cast %get3A_109 : vector<1x256x128xf32> to vector<256x128xf32>
    %dot_general3A_111 = arith.constant dense<0.000000e+00> : vector<256x128xf32>
    %dot_general3A_112 = tpu.matmul %squeeze3A_105, %get3A_110, %dot_general3A_111 {dimension_numbers = #tpu.dot_dimension_numbers<[1], [0], [0], [1], [0, 0, 1, 1], [], []>, transpose_lhs_hint = false} : vector<256x256xf32>, vector<256x128xf32>, vector<256x128xf32> -> vector<256x128xf32>
    %add3A_113 = arith.addf %add3A_103, %dot_general3A_112 : vector<256x128xf32>
    %slice3A_114 = vector.extract_strided_slice %reshape3A_33 {offsets = [0, 8, 0], sizes = [256, 1, 256], strides = [1, 1, 1]} : vector<256x11x256xf32> to vector<256x1x256xf32>
    %squeeze3A_115 = vector.shape_cast %slice3A_114 : vector<256x1x256xf32> to vector<256x256xf32>
    %get3A_116 = arith.constant 8 : index
    %get3A_117 = arith.constant 0 : index
    %get3A_118 = arith.constant 0 : index
    %get3A_119 = vector.load %arg5[%get3A_116, %get3A_117, %get3A_118] : memref<11x256x128xf32, #tpu.memory_space<vmem>>, vector<1x256x128xf32>
    %get3A_120 = vector.shape_cast %get3A_119 : vector<1x256x128xf32> to vector<256x128xf32>
    %dot_general3A_121 = arith.constant dense<0.000000e+00> : vector<256x128xf32>
    %dot_general3A_122 = tpu.matmul %squeeze3A_115, %get3A_120, %dot_general3A_121 {dimension_numbers = #tpu.dot_dimension_numbers<[1], [0], [0], [1], [0, 0, 1, 1], [], []>, transpose_lhs_hint = false} : vector<256x256xf32>, vector<256x128xf32>, vector<256x128xf32> -> vector<256x128xf32>
    %add3A_123 = arith.addf %add3A_113, %dot_general3A_122 : vector<256x128xf32>
    %slice3A_124 = vector.extract_strided_slice %reshape3A_33 {offsets = [0, 9, 0], sizes = [256, 1, 256], strides = [1, 1, 1]} : vector<256x11x256xf32> to vector<256x1x256xf32>
    %squeeze3A_125 = vector.shape_cast %slice3A_124 : vector<256x1x256xf32> to vector<256x256xf32>
    %get3A_126 = arith.constant 9 : index
    %get3A_127 = arith.constant 0 : index
    %get3A_128 = arith.constant 0 : index
    %get3A_129 = vector.load %arg5[%get3A_126, %get3A_127, %get3A_128] : memref<11x256x128xf32, #tpu.memory_space<vmem>>, vector<1x256x128xf32>
    %get3A_130 = vector.shape_cast %get3A_129 : vector<1x256x128xf32> to vector<256x128xf32>
    %dot_general3A_131 = arith.constant dense<0.000000e+00> : vector<256x128xf32>
    %dot_general3A_132 = tpu.matmul %squeeze3A_125, %get3A_130, %dot_general3A_131 {dimension_numbers = #tpu.dot_dimension_numbers<[1], [0], [0], [1], [0, 0, 1, 1], [], []>, transpose_lhs_hint = false} : vector<256x256xf32>, vector<256x128xf32>, vector<256x128xf32> -> vector<256x128xf32>
    %add3A_133 = arith.addf %add3A_123, %dot_general3A_132 : vector<256x128xf32>
    %slice3A_134 = vector.extract_strided_slice %reshape3A_33 {offsets = [0, 10, 0], sizes = [256, 1, 256], strides = [1, 1, 1]} : vector<256x11x256xf32> to vector<256x1x256xf32>
    %squeeze3A_135 = vector.shape_cast %slice3A_134 : vector<256x1x256xf32> to vector<256x256xf32>
    %get3A_136 = arith.constant 10 : index
    %get3A_137 = arith.constant 0 : index
    %get3A_138 = arith.constant 0 : index
    %get3A_139 = vector.load %arg5[%get3A_136, %get3A_137, %get3A_138] : memref<11x256x128xf32, #tpu.memory_space<vmem>>, vector<1x256x128xf32>
    %get3A_140 = vector.shape_cast %get3A_139 : vector<1x256x128xf32> to vector<256x128xf32>
    %dot_general3A_141 = arith.constant dense<0.000000e+00> : vector<256x128xf32>
    %dot_general3A_142 = tpu.matmul %squeeze3A_135, %get3A_140, %dot_general3A_141 {dimension_numbers = #tpu.dot_dimension_numbers<[1], [0], [0], [1], [0, 0, 1, 1], [], []>, transpose_lhs_hint = false} : vector<256x256xf32>, vector<256x128xf32>, vector<256x128xf32> -> vector<256x128xf32>
    %add3A_143 = arith.addf %add3A_133, %dot_general3A_142 : vector<256x128xf32>
    %get3A_144 = arith.constant 0 : index
    %get3A_145 = arith.constant 0 : index
    %get3A_146 = vector.load %arg6[%get3A_144, %get3A_145] : memref<1x128xf32, #tpu.memory_space<vmem>>, vector<1x128xf32>
    %add3A_147 = vector.broadcast %get3A_146 : vector<1x128xf32> to vector<256x128xf32>
    %add3A_148 = arith.addf %add3A_143, %add3A_147 : vector<256x128xf32>
    %max3A_149 = arith.constant 0.000000e+00 : f32
    %max3A_150 = vector.broadcast %max3A_149 : f32 to vector<256x128xf32>
    %max3A_151 = arith.maximumf %add3A_148, %max3A_150 : vector<256x128xf32>
    %get3A_152 = arith.constant 0 : index
    %get3A_153 = arith.constant 0 : index
    %get3A_154 = vector.load %arg7[%get3A_152, %get3A_153] : memref<128x32xf32, #tpu.memory_space<vmem>>, vector<128x32xf32>
    %dot_general3A_155 = arith.constant dense<0.000000e+00> : vector<256x32xf32>
    %dot_general3A_156 = tpu.matmul %max3A_151, %get3A_154, %dot_general3A_155 {dimension_numbers = #tpu.dot_dimension_numbers<[1], [0], [0], [1], [0, 0, 1, 1], [], []>, transpose_lhs_hint = false} : vector<256x128xf32>, vector<128x32xf32>, vector<256x32xf32> -> vector<256x32xf32>
    %get3A_157 = arith.constant 0 : index
    %get3A_158 = arith.constant 0 : index
    %get3A_159 = vector.load %arg8[%get3A_157, %get3A_158] : memref<1x32xf32, #tpu.memory_space<vmem>>, vector<1x32xf32>
    %add3A_160 = vector.broadcast %get3A_159 : vector<1x32xf32> to vector<256x32xf32>
    %add3A_161 = arith.addf %dot_general3A_156, %add3A_160 : vector<256x32xf32>
    %get3A_162 = arith.constant 0 : index
    %get3A_163 = arith.constant 0 : index
    %get3A_164 = vector.load %arg9[%get3A_162, %get3A_163] : memref<1x32xf32, #tpu.memory_space<vmem>>, vector<1x32xf32>
    %mul3A = vector.broadcast %get3A_164 : vector<1x32xf32> to vector<256x32xf32>
    %mul3A_165 = arith.mulf %mul3A, %add3A_161 : vector<256x32xf32>
    %mul3A_166 = arith.constant 0.999994993 : f32
    %mul3A_167 = vector.broadcast %mul3A_166 : f32 to vector<256x32xf32>
    %mul3A_168 = arith.mulf %mul3A_165, %mul3A_167 : vector<256x32xf32>
    %get3A_169 = arith.constant 0 : index
    %get3A_170 = arith.constant 0 : index
    %get3A_171 = vector.load %arg10[%get3A_169, %get3A_170] : memref<1x32xf32, #tpu.memory_space<vmem>>, vector<1x32xf32>
    %add3A_172 = vector.broadcast %get3A_171 : vector<1x32xf32> to vector<256x32xf32>
    %add3A_173 = arith.addf %mul3A_168, %add3A_172 : vector<256x32xf32>
    %max3A_174 = arith.constant 0.000000e+00 : f32
    %max3A_175 = vector.broadcast %max3A_174 : f32 to vector<256x32xf32>
    %max3A_176 = arith.maximumf %add3A_173, %max3A_175 : vector<256x32xf32>
    %get3A_177 = arith.constant 0 : index
    %get3A_178 = arith.constant 0 : index
    %get3A_179 = vector.load %arg12[%get3A_177, %get3A_178] : memref<1x1xf32, #tpu.memory_space<vmem>>, vector<1x1xf32>
    %get3A_180 = vector.extract %get3A_179[0, 0] : f32 from vector<1x1xf32>
    %mul3A_181 = vector.broadcast %get3A_180 : f32 to vector<256x32xf32>
    %mul3A_182 = arith.mulf %max3A_176, %mul3A_181 : vector<256x32xf32>
    %get3A_183 = arith.constant 0 : index
    %get3A_184 = arith.constant 0 : index
    %get3A_185 = vector.load %arg11[%get3A_183, %get3A_184] : memref<256x32xf32, #tpu.memory_space<vmem>>, vector<256x32xf32>
    %sub3A = arith.constant 1.000000e+00 : f32
    %sub3A_186 = arith.subf %sub3A, %get3A_180 : f32
    %mul3A_187 = vector.broadcast %sub3A_186 : f32 to vector<256x32xf32>
    %mul3A_188 = arith.mulf %get3A_185, %mul3A_187 : vector<256x32xf32>
    %concatenate3A_189 = tpu.concatenate %mul3A_182, %mul3A_188 in 1 : vector<256x32xf32>, vector<256x32xf32> -> vector<256x64xf32>
    %get3A_190 = arith.constant 0 : index
    %get3A_191 = arith.constant 0 : index
    %get3A_192 = vector.load %arg13[%get3A_190, %get3A_191] : memref<64x32xf32, #tpu.memory_space<vmem>>, vector<64x32xf32>
    %dot_general3A_193 = arith.constant dense<0.000000e+00> : vector<256x32xf32>
    %dot_general3A_194 = tpu.matmul %concatenate3A_189, %get3A_192, %dot_general3A_193 {dimension_numbers = #tpu.dot_dimension_numbers<[1], [0], [0], [1], [0, 0, 1, 1], [], []>, transpose_lhs_hint = false} : vector<256x64xf32>, vector<64x32xf32>, vector<256x32xf32> -> vector<256x32xf32>
    %get3A_195 = arith.constant 0 : index
    %get3A_196 = arith.constant 0 : index
    %get3A_197 = vector.load %arg14[%get3A_195, %get3A_196] : memref<1x32xf32, #tpu.memory_space<vmem>>, vector<1x32xf32>
    %add3A_198 = vector.broadcast %get3A_197 : vector<1x32xf32> to vector<256x32xf32>
    %add3A_199 = arith.addf %dot_general3A_194, %add3A_198 : vector<256x32xf32>
    %max3A_200 = arith.constant 0.000000e+00 : f32
    %max3A_201 = vector.broadcast %max3A_200 : f32 to vector<256x32xf32>
    %max3A_202 = arith.maximumf %add3A_199, %max3A_201 : vector<256x32xf32>
    %get3A_203 = arith.constant 0 : index
    %get3A_204 = arith.constant 0 : index
    %get3A_205 = vector.load %arg15[%get3A_203, %get3A_204] : memref<32x1xf32, #tpu.memory_space<vmem>>, vector<32x1xf32>
    %dot_general3A_206 = arith.constant dense<0.000000e+00> : vector<256x1xf32>
    %dot_general3A_207 = tpu.matmul %max3A_202, %get3A_205, %dot_general3A_206 {dimension_numbers = #tpu.dot_dimension_numbers<[1], [0], [0], [1], [0, 0, 1, 1], [], []>, transpose_lhs_hint = false} : vector<256x32xf32>, vector<32x1xf32>, vector<256x1xf32> -> vector<256x1xf32>
    %get3A_208 = arith.constant 0 : index
    %get3A_209 = arith.constant 0 : index
    %get3A_210 = vector.load %arg16[%get3A_208, %get3A_209] : memref<1x1xf32, #tpu.memory_space<vmem>>, vector<1x1xf32>
    %add3A_211 = vector.broadcast %get3A_210 : vector<1x1xf32> to vector<256x1xf32>
    %add3A_212 = arith.addf %dot_general3A_207, %add3A_211 : vector<256x1xf32>
    %swap3A = arith.constant 0 : index
    %swap3A_213 = arith.constant 0 : index
    %swap3A_214 = vector.load %arg17[%swap3A, %swap3A_213] : memref<256x1xf32, #tpu.memory_space<vmem>>, vector<256x1xf32>
    tpu.vector_store %arg17[%swap3A, %swap3A_213], %add3A_212 {strides = array<i32>} : memref<256x1xf32, #tpu.memory_space<vmem>>, vector<256x1xf32>,
    return
  }
}

</mosaic_0001>

<sc_bundles>
// kernel: kernel.12.cloned.1.call-start
scs
__scs_entry_jumppad:
0x0: {  	(pc) =	sbr.rel $0x88, $3  }
0x1: {  	(tag) =	ssettag $0x0;
	lr =	simm.s32 $0x1  }
0x2: {  	[smem:$0x3F7E] =	sst lr;
	_ =	strace $0xD0000000  }
0x3: {  	_ = 	snop  }
0x4: {  	_ = 	snop  }
0x5: {  	_ = 	snop  }
0x6: {  	_ = 	snop  }
0x7: {  	_ = 	snop  }
__scs_overlays_trampoline_lowered:
0x8: {  	[smem:$0x3F8D] =	sst s0  }
0x9: {  	[smem:$0x3F8E] =	sst s1  }
0xa: {  	[smem:$0x3F8F] =	sst s2  }
0xb: {  	[smem:$0x3F90] =	sst s3  }
0xc: {  	[smem:$0x3F91] =	sst s4  }
0xd: {  	[smem:$0x3F92] =	sst s5  }
0xe: {  	[smem:$0x3F93] =	sst s6  }
0xf: {  	[smem:$0x3F94] =	sst s7  }
0x10: {  	[smem:$0x3F95] =	sst s8  }
0x11: {  	[smem:$0x3F96] =	sst s9;
	s0 =	simm.s32 @!p0 $0x0  }
0x12: {  	s1 =	sld [smem:$0x3F7C];
	s0 =	simm.s32 @p0 $0x1  }
0x13: {  	[smem:$0x3F97] =	sst s0;
	s0 =	simm.s32 @!p1 $0x0  }
0x14: {  	s2 =	sld [smem:$0x3F7B];
	s0 =	simm.s32 @p1 $0x1  }
0x15: {  	[smem:$0x3F98] =	sst s0;
	s0 =	simm.s32 @!p2 $0x0  }
0x16: {  	s3 =	sld [smem:$0x3FDB];
	s0 =	simm.s32 @p2 $0x1  }
0x17: {  	s4 =	simm.s32 $0x1BF5;
	[smem:$0x3F9A] =	sst s0  }
0x18: {  	s0 =	sld [smem:$0x3F7D];
	_ =	swait.ge [sflag:s4], $0x0  }
0x19: {  	s7 =	sld [smem:$0x3F7E]  }
0x1a: {  	s8 =	sadd.s32 $0xFFFFE003, lr  }
0x1b: {  	s9 =	sadd.s32 $0xFFFFFEF7, lr;
	s5 =	simm.s32 $0xFFFFFFFF;
	p2 =	slt.u32 s8, $0xFFFFF086  }
0x1c: {  	p1 =	slt.u32 s9, $0xF7A;
	s5 =	simm.s32 @!p2 $0x0  }
0x1d: {  	s5 =	simm.s32 @p1 $0x1;
	p0 =	seq.s32 s7, s2  }
0x1e: {  	s7 =	smul.u32 @!p0 $0xF7A, s2;
	p2 =	seq.s32 @!p0 s5, $0x0  }
0x1f: {  	s9 =	smul.u32 $0xF7A, s1;
	s8 =	simm.s32 @!p0 $0x1BF5;
	p2 =	por !p2, p0  }
0x20: {  	[sflag:s8] =	ssyncset.s32 @!p0 $0xFFFFF086;
	s6 =	sadd.s32 @!p0 s3, s7;
	s7 =	simm.s32 @!p0 $0x108  }
0x21: {  	s3 =	sadd.s32 s3, s9;
	s6 =	sadd.s32 @!p0 $0x88, s6;
	s7 =	simm.s32 @p2 $0x1082  }
0x22: {  	[simem:s7], [sflag:s8] =	dma.local @!p0 [hbm:s6], $0xF7A  }
0x23: {  	s9 =	sor.u32 $0xD0000000, s2;
	s6 =	simm.s32 $0x108;
	_ =	swait.ge @!p0 [sflag:s8], $0x0  }
0x24: {  	s3 =	sadd.s32 $0x88, s3;
	s6 =	simm.s32 @!p1 $0x1082;
	[sflag:s4] =	ssyncset.s32 $0xFFFFF086  }
0x25: {  	[simem:s6], [sflag:s4] =	dma.local [hbm:s3], $0xF7A  }
0x26: {  	[smem:$0x3F7E] =	sst s1;
	(tag) =	ssettag s2;
	_ =	strace s9  }
0x27: {  	s1 =	sld [smem:$0x3F8E]  }
0x28: {  	s2 =	sld [smem:$0x3F8F]  }
0x29: {  	s4 =	sld [smem:$0x3F91]  }
0x2a: {  	p0 =	seq.s32 s5, $0x0;
	s5 =	sld [smem:$0x3F92]  }
0x2b: {  	s6 =	sld [smem:$0x3F93]  }
0x2c: {  	s7 =	sld [smem:$0x3F94]  }
0x2d: {  	s3 =	simm.s32 $0x108;
	s8 =	sld [smem:$0x3F95]  }
0x2e: {  	s3 =	simm.s32 @!p0 $0x1082;
	s9 =	sld [smem:$0x3F96]  }
0x2f: {  	lr =	sadd.s32 s0, s3;
	s0 =	sld [smem:$0x3F8D]  }
0x30: {  	s3 =	sld [smem:$0x3F90]  }
0x31: {  	[smem:$0x3F99] =	sst s10  }
0x32: {  	s10 =	sld [smem:$0x3F97];
	_ =	sdelay $0x3  }
0x33: {  	p0 =	seq.s32 s10, $0x1;
	s10 =	sld [smem:$0x3F99];
	_ =	sdelay $0x3  }
0x34: {  	[smem:$0x3F99] =	sst s10  }
0x35: {  	s10 =	sld [smem:$0x3F98];
	_ =	sdelay $0x3  }
0x36: {  	p1 =	seq.s32 s10, $0x1;
	s10 =	sld [smem:$0x3F99];
	_ =	sdelay $0x3  }
0x37: {  	[smem:$0x3F99] =	sst s10  }
0x38: {  	s10 =	sld [smem:$0x3F9A]  }
0x39: {  	_ = 	snop;
	(pc) =	sbr.ind lr, $3  }
0x3a: {  	_ = 	snop  }
0x3b: {  	_ = 	snop  }
0x3c: {  	p2 =	seq.s32 s10, $0x1;
	s10 =	sld [smem:$0x3F99]  }
0x3d: {  	_ =	shalt  }
0x3e: {  	_ =	shalt  }
0x3f: {  	_ =	shalt  }
0x40: {  	_ =	shalt  }
0x41: {  	_ =	shalt  }
0x42: {  	_ =	shalt  }
0x43: {  	_ =	shalt  }
0x44: {  	_ =	shalt  }
0x45: {  	_ =	shalt  }
0x46: {  	_ =	shalt  }
0x47: {  	_ =	shalt  }
0x48: {  	_ =	shalt  }
0x49: {  	_ =	shalt  }
0x4a: {  	_ =	shalt  }
0x4b: {  	_ =	shalt  }
0x4c: {  	_ =	shalt  }
0x4d: {  	_ =	shalt  }
0x4e: {  	_ =	shalt  }
0x4f: {  	_ =	shalt  }
0x50: {  	_ =	shalt  }
0x51: {  	_ =	shalt  }
0x52: {  	_ =	shalt  }
0x53: {  	_ =	shalt  }
0x54: {  	_ =	shalt  }
0x55: {  	_ =	shalt  }
0x56: {  	_ =	shalt  }
0x57: {  	_ =	shalt  }
0x58: {  	_ =	shalt  }
0x59: {  	_ =	shalt  }
0x5a: {  	_ =	shalt  }
0x5b: {  	_ =	shalt  }
0x5c: {  	_ =	shalt  }
0x5d: {  	_ =	shalt  }
0x5e: {  	_ =	shalt  }
0x5f: {  	_ =	shalt  }
0x60: {  	_ =	shalt  }
0x61: {  	_ =	shalt  }
0x62: {  	_ =	shalt  }
0x63: {  	_ =	shalt  }
0x64: {  	_ =	shalt  }
0x65: {  	_ =	shalt  }
0x66: {  	_ =	shalt  }
0x67: {  	_ =	shalt  }
0x68: {  	_ =	shalt  }
0x69: {  	_ =	shalt  }
0x6a: {  	_ =	shalt  }
0x6b: {  	_ =	shalt  }
0x6c: {  	_ =	shalt  }
0x6d: {  	_ =	shalt  }
0x6e: {  	_ =	shalt  }
0x6f: {  	_ =	shalt  }
0x70: {  	_ =	shalt  }
0x71: {  	_ =	shalt  }
0x72: {  	_ =	shalt  }
0x73: {  	_ =	shalt  }
0x74: {  	_ =	shalt  }
0x75: {  	_ =	shalt  }
0x76: {  	_ =	shalt  }
0x77: {  	_ =	shalt  }
0x78: {  	_ =	shalt  }
0x79: {  	_ =	shalt  }
0x7a: {  	_ =	shalt  }
0x7b: {  	_ =	shalt  }
0x7c: {  	_ =	shalt  }
0x7d: {  	_ =	shalt  }
0x7e: {  	_ =	shalt  }
0x7f: {  	_ =	shalt  }
0x80: {  	_ =	shalt  }
0x81: {  	_ =	shalt  }
0x82: {  	_ =	shalt  }
0x83: {  	_ =	shalt  }
0x84: {  	_ =	shalt  }
0x85: {  	_ =	shalt  }
0x86: {  	_ =	shalt  }
0x87: {  	_ =	shalt  }
.Lfunc_end0:
.L_simem_size_0:
called_computation.1_lowered:
.L_overlay_start_0:
0x88: {  	s2 =	sld [smem:$0x3FD9]  }
0x89: {  	s3 =	sld [smem:$0x3FFE];
	_ =	sdelay $0x1  }
0x8a: {  	s1 =	srdreg.scid  }
0x8b: {  	s0 =	sand.u32 $0x1, s1  }
0x8c: {  	s16 =	sshll.u32 s0, $0xA;
	s2 =	sadd.s32 s3, s2  }
0x8d: {  	s2 =	sadd.s32 s2, s16  }
0x8e: {  	[smem:$0x3FA5] =	sst s2  }
0x8f: {  	_ = 	snop  }
0x90: {  	(tm) =	ssettm $0x1  }
0x91: {  	s17 =	sld [smem:$0x3FFB];
	_ =	sdelay $0x3  }
0x92: {  	_ =	strace s17  }
0x93: {  	s2 =	sld [smem:$0x3FFC];
	_ =	sdelay $0x3  }
0x94: {  	_ =	strace s2  }
0x95: {  	s2 =	sld [smem:$0x3FFD];
	_ =	sdelay $0x3  }
0x96: {  	_ =	strace s2  }
0x97: {  	_ =	strace $0x8FFFFFFF  }
0x98: {  	s18 =	sld [smem:$0x3FDB];
	_ =	sdelay $0x1  }
0x99: {  	s19 =	simm.s32 $_scs_section_size  }
0x9a: {  	s4 =	simm.s32 $_size__tile_overlayer_lowered;
	s5 =	simm.s32 $_tile_overlayer_lowered  }
0x9b: {  	s22 =	simm.s32 $0x1BFF;
	s21 =	sshll.u32 s5, $0x1;
	s2 =	sadd.s32 s19, s18  }
0x9c: {  	s6 =	simm.s32 $0x0;
	s20 =	sshll.u32 s4, $0x1;
	s4 =	sadd.s32 s21, s2  }
0x9d: {  	[timem:s6], [sflag:s22] =	dma.local [hbm:s4], s20  }
0x9e: {  	_ =	swait.ge [sflag:s22], s20  }
0x9f: {  	s3 =	ssub.s32 $0x0, s20;
	[sflag:s22] =	ssyncset.done $0x0  }
0xa0: {  	[sflag:s22] =	ssyncadd.s32 s3;
	_ =	sdelay $0x1  }
0xa1: {  	s23 =	simm.s32 $0x1B8B  }
0xa2: {  	_ =	swait.ge [sflag:s23], $0x1  }
0xa3: {  	[sflag:s23] =	ssyncset.done $0x0  }
0xa4: {  	s25 =	simm.s32 $0x1B8E;
	s24 =	sld [smem:$0x3FFE];
	[sflag:s23] =	ssyncadd.s32 $0xFFFFFFFF  }
0xa5: {  	s26 =	simm.s32 $execute0_lowered;
	[smem:$0x3FD2] =	sst s25  }
0xa6: {  	s4 =	sshll.u32 s26, $0x1;
	_ =	strace $0x80000049;
	[dreg:$0x1] =	wrdreg $0xFFFFFFFF  }
0xa7: {  	s28 =	simm.s32 $_size_execute0_lowered;
	s2 =	sadd.s32 s2, s4;
	[dreg:$0x0] =	wrdreg $0x0  }
0xa8: {  	s4 =	sshll.u32 s28, $0x1;
	[dreg:$0x2] =	wrdreg s2  }
0xa9: {  	[dreg:$0x3] =	wrdreg s4  }
0xaa: {  	[dreg:$0x4] =	wrdreg $0xC0  }
0xab: {  	_ =	task [dreg:s6], $0x5FFFF  }
0xac: {  	[dreg:$0x1] =	wrdreg $0xFFFFFFFF  }
0xad: {  	[dreg:$0x0] =	wrdreg $0x60  }
0xae: {  	[dreg:$0x2] =	wrdreg s24  }
0xaf: {  	[dreg:$0x3] =	wrdreg $0xD0000  }
0xb0: {  	[dreg:$0x4] =	wrdreg $0x9  }
0xb1: {  	_ =	task.clear_ibuf [dreg:s6], $0x5FFFF;
	_ =	strace $0x90000049  }
0xb2: {  	s29 =	simm.s32 $0x9;
	_ =	strace $0x8000004B  }
0xb3: {  	_ =	swait.ge [sflag:s29], $0x1  }
0xb4: {  	[sflag:s29] =	ssyncadd.s32 $0xFFFFFFFF  }
0xb5: {  	_ =	strace $0x9000004B  }
0xb6: {  	_ =	sfence  }
0xb7: {  	s30 =	sld [smem:$0x0];
	_ =	sdelay $0x2  }
0xb8: {  	s31 =	sshll.u32 s1, $0xD;
	s1 =	sshrl.u32 s1, $0x2  }
0xb9: {  	s3 =	sand.u32 $0x4000, s31;
	s1 =	sadd.s32 s1, s30  }
0xba: {  	s0 =	sor.u32 s3, s0;
	s1 =	sshll.u32 s1, $0x11  }
0xbb: {  	s0 =	sor.u32 s1, s0  }
0xbc: {  	s0 =	sadd.s32 $0x8F2B, s0  }
0xbd: {  	[sflag:s0] =	ssyncadd.remote.s32 $0x1  }
0xbe: {  	_ =	sfence.sel $0xFFFF  }
0xbf: {  	[dreg:$0x0] =	wrdreg $0xFFFFFFFF;
	(pc) =	sbr.abs _section_cstart, $3  }
0xc0: {  	[dreg:$0x1] =	wrdreg $0xFFFFFFFF  }
0xc1: {  	_ =	task.clear_ibuf [dreg:s6], $0x2FFFF;
	_ =	strace $0x9FFFFFFF  }
0xc2: {  	(tm) =	ssettm $0x7FFFFFFF  }
0xc3: {  	_ =	shalt  }
tec
execute0_lowered:
.L_overlay_start_1:
0x0: {  	(tag) =	ssettag $0x1  }
0x1: {  	s0 =	srdreg.scid;
	s1 =	rddreg [dreg:$0x0]  }
0x2: {  	s8 =	stileid.u32;
	s2 =	rddreg [dreg:$0x1];
	s19 =	simm.s32 $0x0  }
0x3: {  	s10 =	simm.s32 $0x11;
	s14 =	simm.s32 $0x80;
	s15 =	simm.s32 $0x5000  }
0x4: {  	s18 =	simm.s32 $0x7000;
	s29 =	simm.s32 $0xC000;
	s30 =	simm.s32 $0x1  }
0x5: {  	s31 =	simm.s32 $0x3;
	s11 =	simm.s32 $0x8;
	s28 =	simm.s32 $0x10  }
0x6: {  	s0 =	sand.u32 $0x1, s0;
	s3 =	sshll.u32 s8, $0x1;
	[smem:$0x7FF] =	sst s19  }
0x7: {  	s20 =	sadd.s32 $0x76400, s1;
	s21 =	smul.u32 $0x5200, s8;
	s26 =	sshll.u32 s8, $0x6  }
0x8: {  	s19 =	simm.s32 $0xB;
	s4 =	sor.u32 s0, s3;
	s5 =	ssub.s32 $0x2, s0  }
0x9: {  	_ =	strace $0x8000004A;
	[dreg:$0x3] =	wrdreg s20;
	p0 =	seq.s32 s0, $0x1  }
0xa: {  	s0 =	simm.s32 $0x77000;
	s12 =	sor.u32 $0x1C11, s26;
	s20 =	simm.s32 $0x8000  }
0xb: {  	s26 =	simm.s32 $0xB000;
	s4 =	smul.u32 $0x500, s4;
	s7 =	sshrl.u32 s5, $0x1  }
0xc: {  	s0 =	simm.s32 @!p0 $0x81400;
	s24 =	sadd.s32 s21, s2;
	s5 =	ssub.s32 s5, s7  }
0xd: {  	s7 =	sshrl.u32 s21, $0x3;
	s0 =	sadd.s32 s0, s1;
	s13 =	sshrl.u32 s24, $0x3  }
0xe: {  	s21 =	simm.s32 $0xC;
	s24 =	simm.s32 $0xE;
	s6 =	sadd.s32 s4, s1  }
.Ltmp0:
0xf: {  	s4 =	sadd.s32 $0x38800, s1;
	s25 =	smax.u32 s5, $0x1;
	(pc) =	sbr.rel .LBB2_1-.Ltmp0, $4  }
0x10: {  	s0 =	sadd.s32 s0, s7;
	s1 =	simm.s32 $0x5;
	[dreg:$0x6] =	wrdreg s25  }
0x11: {  	s5 =	simm.s32 $0x0;
	s22 =	sadd.s32 $0x43400, s6;
	[dreg:$0x7] =	wrdreg s0  }
0x12: {  	s23 =	sadd.s32 $0x5800, s6;
	s0 =	simm.s32 $0x7;
	[dreg:$0x4] =	wrdreg s22  }
0x13: {  	s25 =	simm.s32 $0xF;
	[dreg:$0x5] =	wrdreg s23;
	s22 =	simm.s32 $0x9000  }
.LBB2_4:
0x14: {  	_ =	swait.ge [sflag:s11], $0x1000  }
0x15: {  	[sflag:s11] =	ssyncset.done $0x0  }
0x16: {  	s3 =	simm.s32 $0x9;
	[sflag:s11] =	ssyncadd.s32 $0xFFFFF000  }
0x17: {  	[spmem:s2] =	stream.indirect.scatter.add.f32 [tilespmem:s29], [sflag:$0x10], $0x20, s8, s14, $0xb8;
	[tilespmem:$0x12200] =	vst v63  }
0x18: {  	_ =	swait.ge [sflag:s3], $0x1000  }
0x19: {  	[sflag:s3] =	ssyncset.done $0x0  }
0x1a: {  	s9 =	simm.s32 $0xA;
	[sflag:s3] =	ssyncadd.s32 $0xFFFFF000  }
0x1b: {  	_ =	swait.ge [sflag:s9], $0x1000  }
0x1c: {  	[sflag:s9] =	ssyncset.done $0x0  }
0x1d: {  	[sflag:s9] =	ssyncadd.s32 $0xFFFFF000  }
0x1e: {  	_ =	swait.ge [sflag:s19], $0x1000  }
0x1f: {  	[sflag:s19] =	ssyncset.done $0x0  }
0x20: {  	[sflag:s19] =	ssyncadd.s32 $0xFFFFF000  }
0x21: {  	_ =	swait.ge [sflag:s21], $0x1000  }
0x22: {  	[sflag:s21] =	ssyncset.done $0x0  }
0x23: {  	s16 =	simm.s32 $0xD;
	[sflag:s21] =	ssyncadd.s32 $0xFFFFF000  }
0x24: {  	_ =	swait.ge [sflag:s16], $0x1000  }
0x25: {  	[sflag:s16] =	ssyncset.done $0x0  }
0x26: {  	[sflag:s16] =	ssyncadd.s32 $0xFFFFF000  }
0x27: {  	_ =	swait.ge [sflag:s24], $0x1000  }
0x28: {  	[sflag:s24] =	ssyncset.done $0x0  }
0x29: {  	[sflag:s24] =	ssyncadd.s32 $0xFFFFF000  }
0x2a: {  	_ =	swait.ge [sflag:s25], $0x1000  }
0x2b: {  	[sflag:s25] =	ssyncset.done $0x0  }
0x2c: {  	[sflag:s25] =	ssyncadd.s32 $0xFFFFF000  }
0x2d: {  	_ =	swait.ge [sflag:s28], $0x1000  }
0x2e: {  	[sflag:s28] =	ssyncset.done $0x0  }
0x2f: {  	[sflag:s28] =	ssyncadd.s32 $0xFFFFF000  }
0x30: {  	[bflag:$0x0] =	sbarrier.arrive $0xFFFF  }
0x31: {  	s17 =	rddreg [dreg:$0x7]  }
0x32: {  	[hbm:s17], [sflag:s12] =	dma.local [spmem:s13], $0xA40  }
0x33: {  	_ =	swait.ge [sflag:s10], $0xA40  }
0x34: {  	s5 =	sadd.s32 $0x1, s5;
	s23 =	rddreg [dreg:$0x6]  }
0x35: {  	p0 =	sne.s32 s5, s23  }
.Ltmp1:
0x36: {  	_ = 	snop;
	(pc) =	sbr.rel @!p0 .LBB2_5-.Ltmp1, $3  }
0x37: {  	_ =	sdelay $0x1  }
0x38: {  	[sflag:s10] =	ssyncset.done $0x0  }
0x39: {  	[sflag:s10] =	ssyncadd.s32 $0xFFFFF5C0  }
.LBB2_1:
0x3a: {  	s3 =	simm.s32 $0x0;
	s6 =	rddreg [dreg:$0x4]  }
0x3b: {  	[tilespmem:s3], [sflag:$0x11] =	stream.linear.gather [hbm4b:s6+s3], $0x2800, $0x38;
	[tilespmem:$0x12200] =	vst v63  }
0x3c: {  	_ =	swait.ge [sflag:s10], $0x2800  }
0x3d: {  	[sflag:s10] =	ssyncset.done $0x0  }
0x3e: {  	s7 =	simm.s32 $0x2800;
	s16 =	rddreg [dreg:$0x5];
	[sflag:s10] =	ssyncadd.s32 $0xFFFFD800  }
0x3f: {  	[tilespmem:s7], [sflag:$0x11] =	stream.linear.gather [hbm4b:s16+s3], $0x2800, $0x38;
	[tilespmem:$0x12200] =	vst v63  }
0x40: {  	_ =	swait.ge [sflag:s10], $0x2800  }
0x41: {  	[sflag:s10] =	ssyncset.done $0x0  }
0x42: {  	s17 =	rddreg [dreg:$0x3];
	[sflag:s10] =	ssyncadd.s32 $0xFFFFD800  }
0x43: {  	[spmem:s13], [sflag:s12] =	dma.local [hbm:s17], $0xA40  }
0x44: {  	_ =	swait.ge [sflag:s10], $0xA40  }
0x45: {  	[sflag:s10] =	ssyncset.done $0x0  }
0x46: {  	[sflag:s10] =	ssyncadd.s32 $0xFFFFF5C0  }
0x47: {  	[bflag:$0x0] =	sbarrier.arrive $0xFFFF  }
0x48: {  	[tilespmem:s15], [sflag:$0x1] =	stream.indirect.gather [hbm4b:s4+s14], $0x20, s3, s14, $0xb8;
	[tilespmem:$0x12200] =	vst v63  }
0x49: {  	s23 =	simm.s32 $0x6000  }
0x4a: {  	[tilespmem:s23], [sflag:$0x2] =	stream.indirect.gather [hbm4b:s4+s14], $0x20, s14, s14, $0xb8;
	[tilespmem:$0x12200] =	vst v63  }
0x4b: {  	s6 =	simm.s32 $0x100  }
0x4c: {  	[tilespmem:s18], [sflag:$0x3] =	stream.indirect.gather [hbm4b:s4+s14], $0x20, s6, s14, $0xb8;
	[tilespmem:$0x12200] =	vst v63  }
0x4d: {  	s7 =	simm.s32 $0x180  }
0x4e: {  	[tilespmem:s20], [sflag:$0x4] =	stream.indirect.gather [hbm4b:s4+s14], $0x20, s7, s14, $0xb8;
	[tilespmem:$0x12200] =	vst v63  }
0x4f: {  	s8 =	simm.s32 $0x200  }
0x50: {  	[tilespmem:s22], [sflag:$0x5] =	stream.indirect.gather [hbm4b:s4+s14], $0x20, s8, s14, $0xb8;
	[tilespmem:$0x12200] =	vst v63  }
0x51: {  	s9 =	simm.s32 $0x280;
	s16 =	simm.s32 $0xA000  }
0x52: {  	[tilespmem:s16], [sflag:$0x6] =	stream.indirect.gather [hbm4b:s4+s14], $0x20, s9, s14, $0xb8;
	[tilespmem:$0x12200] =	vst v63  }
0x53: {  	s17 =	simm.s32 $0x300  }
0x54: {  	[tilespmem:s26], [sflag:$0x7] =	stream.indirect.gather [hbm4b:s4+s14], $0x20, s17, s14, $0xb8;
	[tilespmem:$0x12200] =	vst v63  }
0x55: {  	s23 =	simm.s32 $0x380;
	s6 =	simm.s32 $0x0  }
0x56: {  	[tilespmem:s29], [sflag:$0x8] =	stream.indirect.gather [hbm4b:s4+s14], $0x20, s23, s14, $0xb8;
	[tilespmem:$0x12200] =	vst v63  }
.LBB2_2:
0x57: {  	_ =	swait.ge [sflag:s30], $0x1000  }
0x58: {  	s7 =	sshra.s32 s6, $0x2;
	[sflag:s30] =	ssyncset.done $0x0  }
0x59: {  	p0 =	seq.s32 s6, $0x0;
	s8 =	sadd.s32 $0x2800, s7;
	[sflag:s30] =	ssyncadd.s32 $0xFFFFF000  }
0x5a: {  	[spmem:s2] =	stream.indirect.scatter.add.f32 [tilespmem:s15], [sflag:$0x9], $0x20, s8, s14, $0xb8;
	[tilespmem:$0x12200] =	vst v63  }
0x5b: {  	s8 =	simm.s32 @p0 $0x2  }
0x5c: {  	_ =	swait.ge @p0 [sflag:s8], $0x1000  }
0x5d: {  	[sflag:s8] =	ssyncset.done @p0 $0x0  }
0x5e: {  	[sflag:s8] =	ssyncadd.s32 @p0 $0xFFFFF000;
	s8 =	sshra.s32 @p0 s6, $0x2  }
0x5f: {  	s3 =	simm.s32 @p0 $0x80;
	s16 =	simm.s32 @p0 $0x6000;
	s9 =	sadd.s32 @p0 $0x2880, s8  }
0x60: {  	[spmem:s2] =	stream.indirect.scatter.add.f32 @p0 [tilespmem:s16], [sflag:$0xA], $0x20, s9, s3, $0xb8;
	[tilespmem:$0x12200] =	vst v63  }
0x61: {  	s9 =	simm.s32 @!p0 $0xD  }
0x62: {  	_ =	swait.ge @!p0 [sflag:s9], $0x1000  }
0x63: {  	[sflag:s9] =	ssyncset.done @!p0 $0x0  }
0x64: {  	[sflag:s9] =	ssyncadd.s32 @!p0 $0xFFFFF000;
	s9 =	sshra.s32 @!p0 s6, $0x2  }
0x65: {  	s17 =	simm.s32 @!p0 $0x80;
	s23 =	simm.s32 @!p0 $0x9000;
	s16 =	sadd.s32 @!p0 $0x200, s9  }
0x66: {  	[tilespmem:s23], [sflag:$0x5] =	stream.indirect.gather @!p0 [hbm4b:s4+s17], $0x20, s16, s17, $0xb8;
	[tilespmem:$0x12200] =	vst v63  }
0x67: {  	s16 =	simm.s32 @!p0 $0x2  }
0x68: {  	_ =	swait.ge @!p0 [sflag:s16], $0x1000  }
0x69: {  	[sflag:s16] =	ssyncset.done @!p0 $0x0  }
0x6a: {  	s23 =	simm.s32 @!p0 $0x6000;
	[sflag:s16] =	ssyncadd.s32 @!p0 $0xFFFFF000;
	s16 =	sadd.s32 @!p0 $0x2880, s9  }
0x6b: {  	[spmem:s2] =	stream.indirect.scatter.add.f32 @!p0 [tilespmem:s23], [sflag:$0xA], $0x20, s16, s17, $0xb8;
	[tilespmem:$0x12200] =	vst v63  }
0x6c: {  	s16 =	simm.s32 @!p0 $0xE  }
0x6d: {  	_ =	swait.ge @!p0 [sflag:s16], $0x1000  }
0x6e: {  	[sflag:s16] =	ssyncset.done @!p0 $0x0  }
0x6f: {  	s23 =	simm.s32 @!p0 $0xA000;
	[sflag:s16] =	ssyncadd.s32 @!p0 $0xFFFFF000;
	s16 =	sadd.s32 @!p0 $0x280, s9  }
0x70: {  	[tilespmem:s23], [sflag:$0x6] =	stream.indirect.gather @!p0 [hbm4b:s4+s17], $0x20, s16, s17, $0xb8;
	[tilespmem:$0x12200] =	vst v63  }
0x71: {  	_ =	swait.ge [sflag:s31], $0x1000  }
0x72: {  	[sflag:s31] =	ssyncset.done $0x0  }
0x73: {  	s23 =	sadd.s32 $0x2900, s7;
	s16 =	simm.s32 @p0 $0x4;
	[sflag:s31] =	ssyncadd.s32 $0xFFFFF000  }
0x74: {  	[spmem:s2] =	stream.indirect.scatter.add.f32 [tilespmem:s18], [sflag:$0xB], $0x20, s23, s14, $0xb8;
	[tilespmem:$0x12200] =	vst v63  }
0x75: {  	_ =	swait.ge @p0 [sflag:s16], $0x1000  }
0x76: {  	[sflag:s16] =	ssyncset.done @p0 $0x0  }
0x77: {  	s8 =	sadd.s32 @p0 $0x2980, s8;
	[sflag:s16] =	ssyncadd.s32 @p0 $0xFFFFF000;
	s16 =	simm.s32 @p0 $0x8000  }
0x78: {  	[spmem:s2] =	stream.indirect.scatter.add.f32 @p0 [tilespmem:s16], [sflag:$0xC], $0x20, s8, s3, $0xb8;
	[tilespmem:$0x12200] =	vst v63  }
0x79: {  	s3 =	simm.s32 @!p0 $0xF  }
0x7a: {  	_ =	swait.ge @!p0 [sflag:s3], $0x1000  }
0x7b: {  	[sflag:s3] =	ssyncset.done @!p0 $0x0  }
0x7c: {  	s8 =	simm.s32 @!p0 $0xB000;
	[sflag:s3] =	ssyncadd.s32 @!p0 $0xFFFFF000;
	s3 =	sadd.s32 @!p0 $0x300, s9  }
0x7d: {  	[tilespmem:s8], [sflag:$0x7] =	stream.indirect.gather @!p0 [hbm4b:s4+s17], $0x20, s3, s17, $0xb8;
	[tilespmem:$0x12200] =	vst v63  }
0x7e: {  	s3 =	simm.s32 @!p0 $0x4  }
0x7f: {  	_ =	swait.ge @!p0 [sflag:s3], $0x1000  }
0x80: {  	[sflag:s3] =	ssyncset.done @!p0 $0x0  }
0x81: {  	s8 =	simm.s32 @!p0 $0x8000;
	[sflag:s3] =	ssyncadd.s32 @!p0 $0xFFFFF000;
	s3 =	sadd.s32 @!p0 $0x2980, s9  }
0x82: {  	[spmem:s2] =	stream.indirect.scatter.add.f32 @!p0 [tilespmem:s8], [sflag:$0xC], $0x20, s3, s17, $0xb8;
	[tilespmem:$0x12200] =	vst v63  }
0x83: {  	s3 =	simm.s32 @!p0 $0x10  }
0x84: {  	_ =	swait.ge @!p0 [sflag:s3], $0x1000  }
0x85: {  	[sflag:s3] =	ssyncset.done @!p0 $0x0  }
0x86: {  	s8 =	simm.s32 @!p0 $0xC000;
	[sflag:s3] =	ssyncadd.s32 @!p0 $0xFFFFF000;
	s3 =	sadd.s32 @!p0 $0x380, s9  }
0x87: {  	[tilespmem:s8], [sflag:$0x8] =	stream.indirect.gather @!p0 [hbm4b:s4+s17], $0x20, s3, s17, $0xb8;
	[tilespmem:$0x12200] =	vst v63  }
0x88: {  	_ =	swait.ge [sflag:s1], $0x1000  }
0x89: {  	p0 =	seq.s32 s6, $0x9000;
	[sflag:s1] =	ssyncset.done $0x0  }
0x8a: {  	s17 =	sadd.s32 $0x2A00, s7;
	s3 =	simm.s32 @p0 $0x6;
	[sflag:s1] =	ssyncadd.s32 $0xFFFFF000  }
0x8b: {  	[spmem:s2] =	stream.indirect.scatter.add.f32 [tilespmem:s22], [sflag:$0xD], $0x20, s17, s14, $0xb8;
	[tilespmem:$0x12200] =	vst v63  }
0x8c: {  	_ =	swait.ge @p0 [sflag:s3], $0x1000  }
0x8d: {  	[sflag:s3] =	ssyncset.done @p0 $0x0  }
0x8e: {  	[sflag:s3] =	ssyncadd.s32 @p0 $0xFFFFF000;
	s3 =	sshra.s32 @p0 s6, $0x2  }
0x8f: {  	s8 =	simm.s32 @p0 $0x80;
	s9 =	simm.s32 @p0 $0xA000;
	s3 =	sadd.s32 @p0 $0x2A80, s3  }
0x90: {  	[spmem:s2] =	stream.indirect.scatter.add.f32 @p0 [tilespmem:s9], [sflag:$0xE], $0x20, s3, s8, $0xb8;
	[tilespmem:$0x12200] =	vst v63  }
0x91: {  	s3 =	simm.s32 @!p0 $0x9  }
0x92: {  	_ =	swait.ge @!p0 [sflag:s3], $0x1000  }
0x93: {  	[sflag:s3] =	ssyncset.done @!p0 $0x0  }
0x94: {  	[sflag:s3] =	ssyncadd.s32 @!p0 $0xFFFFF000;
	s3 =	sshra.s32 @!p0 s6, $0x2  }
0x95: {  	s16 =	simm.s32 @!p0 $0x5000;
	s9 =	simm.s32 @!p0 $0x80;
	s8 =	sadd.s32 @!p0 $0x400, s3  }
0x96: {  	[tilespmem:s16], [sflag:$0x1] =	stream.indirect.gather @!p0 [hbm4b:s4+s9], $0x20, s8, s9, $0xb8;
	[tilespmem:$0x12200] =	vst v63  }
0x97: {  	s8 =	simm.s32 @!p0 $0x6  }
0x98: {  	_ =	swait.ge @!p0 [sflag:s8], $0x1000  }
0x99: {  	[sflag:s8] =	ssyncset.done @!p0 $0x0  }
0x9a: {  	s16 =	simm.s32 @!p0 $0xA000;
	[sflag:s8] =	ssyncadd.s32 @!p0 $0xFFFFF000;
	s8 =	sadd.s32 @!p0 $0x2A80, s3  }
0x9b: {  	[spmem:s2] =	stream.indirect.scatter.add.f32 @!p0 [tilespmem:s16], [sflag:$0xE], $0x20, s8, s9, $0xb8;
	[tilespmem:$0x12200] =	vst v63  }
0x9c: {  	s8 =	simm.s32 @!p0 $0xA  }
0x9d: {  	_ =	swait.ge @!p0 [sflag:s8], $0x1000  }
0x9e: {  	[sflag:s8] =	ssyncset.done @!p0 $0x0  }
0x9f: {  	s3 =	sadd.s32 @!p0 $0x480, s3;
	[sflag:s8] =	ssyncadd.s32 @!p0 $0xFFFFF000;
	s8 =	simm.s32 @!p0 $0x6000  }
0xa0: {  	[tilespmem:s8], [sflag:$0x2] =	stream.indirect.gather @!p0 [hbm4b:s4+s9], $0x20, s3, s9, $0xb8;
	[tilespmem:$0x12200] =	vst v63  }
.Ltmp2:
0xa1: {  	_ = 	snop;
	(pc) =	sbr.rel @p0 .LBB2_4-.Ltmp2, $4  }
0xa2: {  	_ =	swait.ge [sflag:s0], $0x1000  }
0xa3: {  	[sflag:s0] =	ssyncset.done $0x0  }
0xa4: {  	s23 =	sadd.s32 $0x2B00, s7;
	s8 =	sadd.s32 $0x2B80, s7;
	[sflag:s0] =	ssyncadd.s32 $0xFFFFF000  }
0xa5: {  	[spmem:s2] =	stream.indirect.scatter.add.f32 [tilespmem:s26], [sflag:$0xF], $0x20, s23, s14, $0xb8;
	[tilespmem:$0x12200] =	vst v63  }
0xa6: {  	_ =	swait.ge [sflag:s19], $0x1000  }
0xa7: {  	[sflag:s19] =	ssyncset.done $0x0  }
0xa8: {  	s3 =	sadd.s32 $0x500, s7;
	[sflag:s19] =	ssyncadd.s32 $0xFFFFF000  }
0xa9: {  	[tilespmem:s18], [sflag:$0x3] =	stream.indirect.gather [hbm4b:s4+s14], $0x20, s3, s14, $0xb8;
	[tilespmem:$0x12200] =	vst v63  }
0xaa: {  	_ =	swait.ge [sflag:s11], $0x1000  }
0xab: {  	[sflag:s11] =	ssyncset.done $0x0  }
0xac: {  	[sflag:s11] =	ssyncadd.s32 $0xFFFFF000  }
0xad: {  	[spmem:s2] =	stream.indirect.scatter.add.f32 [tilespmem:s29], [sflag:$0x10], $0x20, s8, s14, $0xb8;
	[tilespmem:$0x12200] =	vst v63  }
.Ltmp3:
0xae: {  	_ = 	snop;
	(pc) =	sbr.rel .LBB2_2-.Ltmp3, $4  }
0xaf: {  	_ =	swait.ge [sflag:s21], $0x1000  }
0xb0: {  	[sflag:s21] =	ssyncset.done $0x0  }
0xb1: {  	s23 =	sadd.s32 $0x580, s7;
	s6 =	sadd.s32 $0x1000, s6;
	[sflag:s21] =	ssyncadd.s32 $0xFFFFF000  }
0xb2: {  	[tilespmem:s20], [sflag:$0x4] =	stream.indirect.gather [hbm4b:s4+s14], $0x20, s23, s14, $0xb8;
	[tilespmem:$0x12200] =	vst v63  }
.LBB2_5:
0xb3: {  	_ =	sfence.sel $0x180000  }
0xb4: {  	[bflag:$0x0] =	sbarrier.arrive $0xFFFF  }
0xb5: {  	_ =	strace $0x9000004A  }
0xb6: {  	s0 =	stileid.u32;
	[bflag:$0x2] =	sbarrier.arrive $0xFFFF  }
0xb7: {  	p0 =	sne.s32 s0, $0x0;
	s0 =	rddreg [dreg:$0x2]  }
0xb8: {  	s0 =	sadd.s32 @!p0 $0x100000, s0  }
0xb9: {  	[sflag:s0] =	ssyncadd.tile.s32 @!p0 $0x1;
	_ =	shalt  }
.Lfunc_end2:
_tile_overlayer_lowered:
.L_overlay_start_2:
0xba: {  	(tag) =	ssettag $0x2  }
0xbb: {  	s0 =	rddreg [dreg:$0x0];
	s2 =	stileid.u32  }
0xbc: {  	s1 =	rddreg [dreg:$0x1];
	p0 =	sne.s32 s2, $0x0  }
0xbd: {  	s3 =	rddreg [dreg:$0x2];
	[bflag:$0x3] =	sbarrier.arrive $0xFFFF;
	s2 =	simm.s32 @!p0 $0x1C11  }
0xbe: {  	[timem:s3], [sflag:s2] =	dma.local @!p0 [hbm:s0], s1  }
0xbf: {  	s0 =	simm.s32 @!p0 $0x11  }
0xc0: {  	_ =	swait.ge @!p0 [sflag:s0], s1  }
0xc1: {  	s1 =	ssub.s32 @!p0 $0x0, s1;
	[sflag:s0] =	ssyncset.done @!p0 $0x0  }
0xc2: {  	[sflag:s0] =	ssyncadd.s32 @!p0 s1  }
0xc3: {  	[bflag:$0x3] =	sbarrier.arrive $0xFFFF  }
0xc4: {  	_ =	shalt  }

// kernel: kernel.15.cloned.1.call-start
scs
__scs_entry_jumppad:
0x0: {  	(pc) =	sbr.rel $0x88, $3  }
0x1: {  	(tag) =	ssettag $0x0;
	lr =	simm.s32 $0x1  }
0x2: {  	[smem:$0x3F7E] =	sst lr;
	_ =	strace $0xD0000000  }
0x3: {  	_ = 	snop  }
0x4: {  	_ = 	snop  }
0x5: {  	_ = 	snop  }
0x6: {  	_ = 	snop  }
0x7: {  	_ = 	snop  }
__scs_overlays_trampoline_lowered:
0x8: {  	[smem:$0x3F8D] =	sst s0  }
0x9: {  	[smem:$0x3F8E] =	sst s1  }
0xa: {  	[smem:$0x3F8F] =	sst s2  }
0xb: {  	[smem:$0x3F90] =	sst s3  }
0xc: {  	[smem:$0x3F91] =	sst s4  }
0xd: {  	[smem:$0x3F92] =	sst s5  }
0xe: {  	[smem:$0x3F93] =	sst s6  }
0xf: {  	[smem:$0x3F94] =	sst s7  }
0x10: {  	[smem:$0x3F95] =	sst s8  }
0x11: {  	[smem:$0x3F96] =	sst s9;
	s0 =	simm.s32 @!p0 $0x0  }
0x12: {  	s1 =	sld [smem:$0x3F7C];
	s0 =	simm.s32 @p0 $0x1  }
0x13: {  	[smem:$0x3F97] =	sst s0;
	s0 =	simm.s32 @!p1 $0x0  }
0x14: {  	s2 =	sld [smem:$0x3F7B];
	s0 =	simm.s32 @p1 $0x1  }
0x15: {  	[smem:$0x3F98] =	sst s0;
	s0 =	simm.s32 @!p2 $0x0  }
0x16: {  	s3 =	sld [smem:$0x3FDB];
	s0 =	simm.s32 @p2 $0x1  }
0x17: {  	s4 =	simm.s32 $0x1BF5;
	[smem:$0x3F9A] =	sst s0  }
0x18: {  	s0 =	sld [smem:$0x3F7D];
	_ =	swait.ge [sflag:s4], $0x0  }
0x19: {  	s7 =	sld [smem:$0x3F7E]  }
0x1a: {  	s8 =	sadd.s32 $0xFFFFE003, lr  }
0x1b: {  	s9 =	sadd.s32 $0xFFFFFEF7, lr;
	s5 =	simm.s32 $0xFFFFFFFF;
	p2 =	slt.u32 s8, $0xFFFFF086  }
0x1c: {  	p1 =	slt.u32 s9, $0xF7A;
	s5 =	simm.s32 @!p2 $0x0  }
0x1d: {  	s5 =	simm.s32 @p1 $0x1;
	p0 =	seq.s32 s7, s2  }
0x1e: {  	s7 =	smul.u32 @!p0 $0xF7A, s2;
	p2 =	seq.s32 @!p0 s5, $0x0  }
0x1f: {  	s9 =	smul.u32 $0xF7A, s1;
	s8 =	simm.s32 @!p0 $0x1BF5;
	p2 =	por !p2, p0  }
0x20: {  	[sflag:s8] =	ssyncset.s32 @!p0 $0xFFFFF086;
	s6 =	sadd.s32 @!p0 s3, s7;
	s7 =	simm.s32 @!p0 $0x108  }
0x21: {  	s3 =	sadd.s32 s3, s9;
	s6 =	sadd.s32 @!p0 $0x88, s6;
	s7 =	simm.s32 @p2 $0x1082  }
0x22: {  	[simem:s7], [sflag:s8] =	dma.local @!p0 [hbm:s6], $0xF7A  }
0x23: {  	s9 =	sor.u32 $0xD0000000, s2;
	s6 =	simm.s32 $0x108;
	_ =	swait.ge @!p0 [sflag:s8], $0x0  }
0x24: {  	s3 =	sadd.s32 $0x88, s3;
	s6 =	simm.s32 @!p1 $0x1082;
	[sflag:s4] =	ssyncset.s32 $0xFFFFF086  }
0x25: {  	[simem:s6], [sflag:s4] =	dma.local [hbm:s3], $0xF7A  }
0x26: {  	[smem:$0x3F7E] =	sst s1;
	(tag) =	ssettag s2;
	_ =	strace s9  }
0x27: {  	s1 =	sld [smem:$0x3F8E]  }
0x28: {  	s2 =	sld [smem:$0x3F8F]  }
0x29: {  	s4 =	sld [smem:$0x3F91]  }
0x2a: {  	p0 =	seq.s32 s5, $0x0;
	s5 =	sld [smem:$0x3F92]  }
0x2b: {  	s6 =	sld [smem:$0x3F93]  }
0x2c: {  	s7 =	sld [smem:$0x3F94]  }
0x2d: {  	s3 =	simm.s32 $0x108;
	s8 =	sld [smem:$0x3F95]  }
0x2e: {  	s3 =	simm.s32 @!p0 $0x1082;
	s9 =	sld [smem:$0x3F96]  }
0x2f: {  	lr =	sadd.s32 s0, s3;
	s0 =	sld [smem:$0x3F8D]  }
0x30: {  	s3 =	sld [smem:$0x3F90]  }
0x31: {  	[smem:$0x3F99] =	sst s10  }
0x32: {  	s10 =	sld [smem:$0x3F97];
	_ =	sdelay $0x3  }
0x33: {  	p0 =	seq.s32 s10, $0x1;
	s10 =	sld [smem:$0x3F99];
	_ =	sdelay $0x3  }
0x34: {  	[smem:$0x3F99] =	sst s10  }
0x35: {  	s10 =	sld [smem:$0x3F98];
	_ =	sdelay $0x3  }
0x36: {  	p1 =	seq.s32 s10, $0x1;
	s10 =	sld [smem:$0x3F99];
	_ =	sdelay $0x3  }
0x37: {  	[smem:$0x3F99] =	sst s10  }
0x38: {  	s10 =	sld [smem:$0x3F9A]  }
0x39: {  	_ = 	snop;
	(pc) =	sbr.ind lr, $3  }
0x3a: {  	_ = 	snop  }
0x3b: {  	_ = 	snop  }
0x3c: {  	p2 =	seq.s32 s10, $0x1;
	s10 =	sld [smem:$0x3F99]  }
0x3d: {  	_ =	shalt  }
0x3e: {  	_ =	shalt  }
0x3f: {  	_ =	shalt  }
0x40: {  	_ =	shalt  }
0x41: {  	_ =	shalt  }
0x42: {  	_ =	shalt  }
0x43: {  	_ =	shalt  }
0x44: {  	_ =	shalt  }
0x45: {  	_ =	shalt  }
0x46: {  	_ =	shalt  }
0x47: {  	_ =	shalt  }
0x48: {  	_ =	shalt  }
0x49: {  	_ =	shalt  }
0x4a: {  	_ =	shalt  }
0x4b: {  	_ =	shalt  }
0x4c: {  	_ =	shalt  }
0x4d: {  	_ =	shalt  }
0x4e: {  	_ =	shalt  }
0x4f: {  	_ =	shalt  }
0x50: {  	_ =	shalt  }
0x51: {  	_ =	shalt  }
0x52: {  	_ =	shalt  }
0x53: {  	_ =	shalt  }
0x54: {  	_ =	shalt  }
0x55: {  	_ =	shalt  }
0x56: {  	_ =	shalt  }
0x57: {  	_ =	shalt  }
0x58: {  	_ =	shalt  }
0x59: {  	_ =	shalt  }
0x5a: {  	_ =	shalt  }
0x5b: {  	_ =	shalt  }
0x5c: {  	_ =	shalt  }
0x5d: {  	_ =	shalt  }
0x5e: {  	_ =	shalt  }
0x5f: {  	_ =	shalt  }
0x60: {  	_ =	shalt  }
0x61: {  	_ =	shalt  }
0x62: {  	_ =	shalt  }
0x63: {  	_ =	shalt  }
0x64: {  	_ =	shalt  }
0x65: {  	_ =	shalt  }
0x66: {  	_ =	shalt  }
0x67: {  	_ =	shalt  }
0x68: {  	_ =	shalt  }
0x69: {  	_ =	shalt  }
0x6a: {  	_ =	shalt  }
0x6b: {  	_ =	shalt  }
0x6c: {  	_ =	shalt  }
0x6d: {  	_ =	shalt  }
0x6e: {  	_ =	shalt  }
0x6f: {  	_ =	shalt  }
0x70: {  	_ =	shalt  }
0x71: {  	_ =	shalt  }
0x72: {  	_ =	shalt  }
0x73: {  	_ =	shalt  }
0x74: {  	_ =	shalt  }
0x75: {  	_ =	shalt  }
0x76: {  	_ =	shalt  }
0x77: {  	_ =	shalt  }
0x78: {  	_ =	shalt  }
0x79: {  	_ =	shalt  }
0x7a: {  	_ =	shalt  }
0x7b: {  	_ =	shalt  }
0x7c: {  	_ =	shalt  }
0x7d: {  	_ =	shalt  }
0x7e: {  	_ =	shalt  }
0x7f: {  	_ =	shalt  }
0x80: {  	_ =	shalt  }
0x81: {  	_ =	shalt  }
0x82: {  	_ =	shalt  }
0x83: {  	_ =	shalt  }
0x84: {  	_ =	shalt  }
0x85: {  	_ =	shalt  }
0x86: {  	_ =	shalt  }
0x87: {  	_ =	shalt  }
.Lfunc_end0:
.L_simem_size_0:
called_computation.2_lowered:
.L_overlay_start_0:
0x88: {  	s2 =	sld [smem:$0x3FD9]  }
0x89: {  	s3 =	sld [smem:$0x3FFE];
	_ =	sdelay $0x1  }
0x8a: {  	s1 =	srdreg.scid  }
0x8b: {  	s0 =	sand.u32 $0x1, s1  }
0x8c: {  	s16 =	sshll.u32 s0, $0xA;
	s2 =	sadd.s32 s3, s2  }
0x8d: {  	s2 =	sadd.s32 s2, s16  }
0x8e: {  	[smem:$0x3FA5] =	sst s2  }
0x8f: {  	_ = 	snop  }
0x90: {  	(tm) =	ssettm $0x1  }
0x91: {  	s17 =	sld [smem:$0x3FFB];
	_ =	sdelay $0x3  }
0x92: {  	_ =	strace s17  }
0x93: {  	s2 =	sld [smem:$0x3FFC];
	_ =	sdelay $0x3  }
0x94: {  	_ =	strace s2  }
0x95: {  	s2 =	sld [smem:$0x3FFD];
	_ =	sdelay $0x3  }
0x96: {  	_ =	strace s2  }
0x97: {  	_ =	strace $0x8FFFFFFF  }
0x98: {  	s18 =	sld [smem:$0x3FDB];
	_ =	sdelay $0x1  }
0x99: {  	s19 =	simm.s32 $_scs_section_size  }
0x9a: {  	s4 =	simm.s32 $_size__tile_overlayer_lowered;
	s5 =	simm.s32 $_tile_overlayer_lowered  }
0x9b: {  	s22 =	simm.s32 $0x1BFF;
	s21 =	sshll.u32 s5, $0x1;
	s2 =	sadd.s32 s19, s18  }
0x9c: {  	s6 =	simm.s32 $0x0;
	s20 =	sshll.u32 s4, $0x1;
	s4 =	sadd.s32 s21, s2  }
0x9d: {  	[timem:s6], [sflag:s22] =	dma.local [hbm:s4], s20  }
0x9e: {  	_ =	swait.ge [sflag:s22], s20  }
0x9f: {  	s3 =	ssub.s32 $0x0, s20;
	[sflag:s22] =	ssyncset.done $0x0  }
0xa0: {  	[sflag:s22] =	ssyncadd.s32 s3;
	_ =	sdelay $0x1  }
0xa1: {  	s23 =	simm.s32 $0x1B8B  }
0xa2: {  	_ =	swait.ge [sflag:s23], $0x1  }
0xa3: {  	[sflag:s23] =	ssyncset.done $0x0  }
0xa4: {  	s25 =	simm.s32 $0x1B8E;
	s24 =	sld [smem:$0x3FFE];
	[sflag:s23] =	ssyncadd.s32 $0xFFFFFFFF  }
0xa5: {  	s26 =	simm.s32 $execute0_lowered;
	[smem:$0x3FD2] =	sst s25  }
0xa6: {  	s4 =	sshll.u32 s26, $0x1;
	_ =	strace $0x8000004C;
	[dreg:$0x1] =	wrdreg $0xFFFFFFFF  }
0xa7: {  	s28 =	simm.s32 $_size_execute0_lowered;
	s2 =	sadd.s32 s2, s4;
	[dreg:$0x0] =	wrdreg $0x0  }
0xa8: {  	s4 =	sshll.u32 s28, $0x1;
	[dreg:$0x2] =	wrdreg s2  }
0xa9: {  	[dreg:$0x3] =	wrdreg s4  }
0xaa: {  	[dreg:$0x4] =	wrdreg $0xC0  }
0xab: {  	_ =	task [dreg:s6], $0x5FFFF  }
0xac: {  	[dreg:$0x1] =	wrdreg $0xFFFFFFFF  }
0xad: {  	[dreg:$0x0] =	wrdreg $0x60  }
0xae: {  	[dreg:$0x2] =	wrdreg s24  }
0xaf: {  	[dreg:$0x3] =	wrdreg $0xD0000  }
0xb0: {  	[dreg:$0x4] =	wrdreg $0x9  }
0xb1: {  	_ =	task.clear_ibuf [dreg:s6], $0x5FFFF;
	_ =	strace $0x9000004C  }
0xb2: {  	s29 =	simm.s32 $0x9;
	_ =	strace $0x8000004E  }
0xb3: {  	_ =	swait.ge [sflag:s29], $0x1  }
0xb4: {  	[sflag:s29] =	ssyncadd.s32 $0xFFFFFFFF  }
0xb5: {  	_ =	strace $0x9000004E  }
0xb6: {  	_ =	sfence  }
0xb7: {  	s30 =	sld [smem:$0x0];
	_ =	sdelay $0x2  }
0xb8: {  	s31 =	sshll.u32 s1, $0xD;
	s1 =	sshrl.u32 s1, $0x2  }
0xb9: {  	s3 =	sand.u32 $0x4000, s31;
	s1 =	sadd.s32 s1, s30  }
0xba: {  	s0 =	sor.u32 s3, s0;
	s1 =	sshll.u32 s1, $0x11  }
0xbb: {  	s0 =	sor.u32 s1, s0  }
0xbc: {  	s0 =	sadd.s32 $0x8F2B, s0  }
0xbd: {  	[sflag:s0] =	ssyncadd.remote.s32 $0x1  }
0xbe: {  	_ =	sfence.sel $0xFFFF  }
0xbf: {  	[dreg:$0x0] =	wrdreg $0xFFFFFFFF;
	(pc) =	sbr.abs _section_cstart, $3  }
0xc0: {  	[dreg:$0x1] =	wrdreg $0xFFFFFFFF  }
0xc1: {  	_ =	task.clear_ibuf [dreg:s6], $0x2FFFF;
	_ =	strace $0x9FFFFFFF  }
0xc2: {  	(tm) =	ssettm $0x7FFFFFFF  }
0xc3: {  	_ =	shalt  }
tec
execute0_lowered:
.L_overlay_start_1:
0x0: {  	(tag) =	ssettag $0x1  }
0x1: {  	s0 =	srdreg.scid;
	s1 =	rddreg [dreg:$0x0]  }
0x2: {  	s8 =	stileid.u32;
	s2 =	rddreg [dreg:$0x1];
	s19 =	simm.s32 $0x0  }
0x3: {  	s10 =	simm.s32 $0x11;
	s14 =	simm.s32 $0x80;
	s15 =	simm.s32 $0x5000  }
0x4: {  	s18 =	simm.s32 $0x7000;
	s29 =	simm.s32 $0xC000;
	s30 =	simm.s32 $0x1  }
0x5: {  	s31 =	simm.s32 $0x3;
	s11 =	simm.s32 $0x8;
	s28 =	simm.s32 $0x10  }
0x6: {  	s0 =	sand.u32 $0x1, s0;
	s3 =	sshll.u32 s8, $0x1;
	[smem:$0x7FF] =	sst s19  }
0x7: {  	s20 =	sadd.s32 $0x76400, s1;
	s21 =	smul.u32 $0x5200, s8;
	s26 =	sshll.u32 s8, $0x6  }
0x8: {  	s19 =	simm.s32 $0xB;
	s4 =	sor.u32 s0, s3;
	s5 =	ssub.s32 $0x2, s0  }
0x9: {  	_ =	strace $0x8000004D;
	[dreg:$0x3] =	wrdreg s20;
	p0 =	seq.s32 s0, $0x1  }
0xa: {  	s0 =	simm.s32 $0x81400;
	s12 =	sor.u32 $0x1C11, s26;
	s20 =	simm.s32 $0x8000  }
0xb: {  	s26 =	simm.s32 $0xB000;
	s4 =	smul.u32 $0x500, s4;
	s7 =	sshrl.u32 s5, $0x1  }
0xc: {  	s0 =	simm.s32 @!p0 $0x8B800;
	s24 =	sadd.s32 s21, s2;
	s5 =	ssub.s32 s5, s7  }
0xd: {  	s7 =	sshrl.u32 s21, $0x3;
	s0 =	sadd.s32 s0, s1;
	s13 =	sshrl.u32 s24, $0x3  }
0xe: {  	s21 =	simm.s32 $0xC;
	s24 =	simm.s32 $0xE;
	s6 =	sadd.s32 s4, s1  }
.Ltmp0:
0xf: {  	s4 =	sadd.s32 $0x77000, s1;
	s25 =	smax.u32 s5, $0x1;
	(pc) =	sbr.rel .LBB2_1-.Ltmp0, $4  }
0x10: {  	s0 =	sadd.s32 s0, s7;
	s1 =	simm.s32 $0x5;
	[dreg:$0x6] =	wrdreg s25  }
0x11: {  	s5 =	simm.s32 $0x0;
	s22 =	sadd.s32 $0x43400, s6;
	[dreg:$0x7] =	wrdreg s0  }
0x12: {  	s23 =	sadd.s32 $0x5800, s6;
	s0 =	simm.s32 $0x7;
	[dreg:$0x4] =	wrdreg s22  }
0x13: {  	s25 =	simm.s32 $0xF;
	[dreg:$0x5] =	wrdreg s23;
	s22 =	simm.s32 $0x9000  }
.LBB2_4:
0x14: {  	_ =	swait.ge [sflag:s11], $0x1000  }
0x15: {  	[sflag:s11] =	ssyncset.done $0x0  }
0x16: {  	s3 =	simm.s32 $0x9;
	[sflag:s11] =	ssyncadd.s32 $0xFFFFF000  }
0x17: {  	[spmem:s2] =	stream.indirect.scatter.add.f32 [tilespmem:s29], [sflag:$0x10], $0x20, s8, s14, $0xb8;
	[tilespmem:$0x12200] =	vst v63  }
0x18: {  	_ =	swait.ge [sflag:s3], $0x1000  }
0x19: {  	[sflag:s3] =	ssyncset.done $0x0  }
0x1a: {  	s9 =	simm.s32 $0xA;
	[sflag:s3] =	ssyncadd.s32 $0xFFFFF000  }
0x1b: {  	_ =	swait.ge [sflag:s9], $0x1000  }
0x1c: {  	[sflag:s9] =	ssyncset.done $0x0  }
0x1d: {  	[sflag:s9] =	ssyncadd.s32 $0xFFFFF000  }
0x1e: {  	_ =	swait.ge [sflag:s19], $0x1000  }
0x1f: {  	[sflag:s19] =	ssyncset.done $0x0  }
0x20: {  	[sflag:s19] =	ssyncadd.s32 $0xFFFFF000  }
0x21: {  	_ =	swait.ge [sflag:s21], $0x1000  }
0x22: {  	[sflag:s21] =	ssyncset.done $0x0  }
0x23: {  	s16 =	simm.s32 $0xD;
	[sflag:s21] =	ssyncadd.s32 $0xFFFFF000  }
0x24: {  	_ =	swait.ge [sflag:s16], $0x1000  }
0x25: {  	[sflag:s16] =	ssyncset.done $0x0  }
0x26: {  	[sflag:s16] =	ssyncadd.s32 $0xFFFFF000  }
0x27: {  	_ =	swait.ge [sflag:s24], $0x1000  }
0x28: {  	[sflag:s24] =	ssyncset.done $0x0  }
0x29: {  	[sflag:s24] =	ssyncadd.s32 $0xFFFFF000  }
0x2a: {  	_ =	swait.ge [sflag:s25], $0x1000  }
0x2b: {  	[sflag:s25] =	ssyncset.done $0x0  }
0x2c: {  	[sflag:s25] =	ssyncadd.s32 $0xFFFFF000  }
0x2d: {  	_ =	swait.ge [sflag:s28], $0x1000  }
0x2e: {  	[sflag:s28] =	ssyncset.done $0x0  }
0x2f: {  	[sflag:s28] =	ssyncadd.s32 $0xFFFFF000  }
0x30: {  	[bflag:$0x0] =	sbarrier.arrive $0xFFFF  }
0x31: {  	s17 =	rddreg [dreg:$0x7]  }
0x32: {  	[hbm:s17], [sflag:s12] =	dma.local [spmem:s13], $0xA40  }
0x33: {  	_ =	swait.ge [sflag:s10], $0xA40  }
0x34: {  	s5 =	sadd.s32 $0x1, s5;
	s23 =	rddreg [dreg:$0x6]  }
0x35: {  	p0 =	sne.s32 s5, s23  }
.Ltmp1:
0x36: {  	_ = 	snop;
	(pc) =	sbr.rel @!p0 .LBB2_5-.Ltmp1, $3  }
0x37: {  	_ =	sdelay $0x1  }
0x38: {  	[sflag:s10] =	ssyncset.done $0x0  }
0x39: {  	[sflag:s10] =	ssyncadd.s32 $0xFFFFF5C0  }
.LBB2_1:
0x3a: {  	s3 =	simm.s32 $0x0;
	s6 =	rddreg [dreg:$0x4]  }
0x3b: {  	[tilespmem:s3], [sflag:$0x11] =	stream.linear.gather [hbm4b:s6+s3], $0x2800, $0x38;
	[tilespmem:$0x12200] =	vst v63  }
0x3c: {  	_ =	swait.ge [sflag:s10], $0x2800  }
0x3d: {  	[sflag:s10] =	ssyncset.done $0x0  }
0x3e: {  	s7 =	simm.s32 $0x2800;
	s16 =	rddreg [dreg:$0x5];
	[sflag:s10] =	ssyncadd.s32 $0xFFFFD800  }
0x3f: {  	[tilespmem:s7], [sflag:$0x11] =	stream.linear.gather [hbm4b:s16+s3], $0x2800, $0x38;
	[tilespmem:$0x12200] =	vst v63  }
0x40: {  	_ =	swait.ge [sflag:s10], $0x2800  }
0x41: {  	[sflag:s10] =	ssyncset.done $0x0  }
0x42: {  	s17 =	rddreg [dreg:$0x3];
	[sflag:s10] =	ssyncadd.s32 $0xFFFFD800  }
0x43: {  	[spmem:s13], [sflag:s12] =	dma.local [hbm:s17], $0xA40  }
0x44: {  	_ =	swait.ge [sflag:s10], $0xA40  }
0x45: {  	[sflag:s10] =	ssyncset.done $0x0  }
0x46: {  	[sflag:s10] =	ssyncadd.s32 $0xFFFFF5C0  }
0x47: {  	[bflag:$0x0] =	sbarrier.arrive $0xFFFF  }
0x48: {  	[tilespmem:s15], [sflag:$0x1] =	stream.indirect.gather [hbm4b:s4+s14], $0x20, s3, s14, $0xb8;
	[tilespmem:$0x12200] =	vst v63  }
0x49: {  	s23 =	simm.s32 $0x6000  }
0x4a: {  	[tilespmem:s23], [sflag:$0x2] =	stream.indirect.gather [hbm4b:s4+s14], $0x20, s14, s14, $0xb8;
	[tilespmem:$0x12200] =	vst v63  }
0x4b: {  	s6 =	simm.s32 $0x100  }
0x4c: {  	[tilespmem:s18], [sflag:$0x3] =	stream.indirect.gather [hbm4b:s4+s14], $0x20, s6, s14, $0xb8;
	[tilespmem:$0x12200] =	vst v63  }
0x4d: {  	s7 =	simm.s32 $0x180  }
0x4e: {  	[tilespmem:s20], [sflag:$0x4] =	stream.indirect.gather [hbm4b:s4+s14], $0x20, s7, s14, $0xb8;
	[tilespmem:$0x12200] =	vst v63  }
0x4f: {  	s8 =	simm.s32 $0x200  }
0x50: {  	[tilespmem:s22], [sflag:$0x5] =	stream.indirect.gather [hbm4b:s4+s14], $0x20, s8, s14, $0xb8;
	[tilespmem:$0x12200] =	vst v63  }
0x51: {  	s9 =	simm.s32 $0x280;
	s16 =	simm.s32 $0xA000  }
0x52: {  	[tilespmem:s16], [sflag:$0x6] =	stream.indirect.gather [hbm4b:s4+s14], $0x20, s9, s14, $0xb8;
	[tilespmem:$0x12200] =	vst v63  }
0x53: {  	s17 =	simm.s32 $0x300  }
0x54: {  	[tilespmem:s26], [sflag:$0x7] =	stream.indirect.gather [hbm4b:s4+s14], $0x20, s17, s14, $0xb8;
	[tilespmem:$0x12200] =	vst v63  }
0x55: {  	s23 =	simm.s32 $0x380;
	s6 =	simm.s32 $0x0  }
0x56: {  	[tilespmem:s29], [sflag:$0x8] =	stream.indirect.gather [hbm4b:s4+s14], $0x20, s23, s14, $0xb8;
	[tilespmem:$0x12200] =	vst v63  }
.LBB2_2:
0x57: {  	_ =	swait.ge [sflag:s30], $0x1000  }
0x58: {  	s7 =	sshra.s32 s6, $0x2;
	[sflag:s30] =	ssyncset.done $0x0  }
0x59: {  	p0 =	seq.s32 s6, $0x0;
	s8 =	sadd.s32 $0x2800, s7;
	[sflag:s30] =	ssyncadd.s32 $0xFFFFF000  }
0x5a: {  	[spmem:s2] =	stream.indirect.scatter.add.f32 [tilespmem:s15], [sflag:$0x9], $0x20, s8, s14, $0xb8;
	[tilespmem:$0x12200] =	vst v63  }
0x5b: {  	s8 =	simm.s32 @p0 $0x2  }
0x5c: {  	_ =	swait.ge @p0 [sflag:s8], $0x1000  }
0x5d: {  	[sflag:s8] =	ssyncset.done @p0 $0x0  }
0x5e: {  	[sflag:s8] =	ssyncadd.s32 @p0 $0xFFFFF000;
	s8 =	sshra.s32 @p0 s6, $0x2  }
0x5f: {  	s3 =	simm.s32 @p0 $0x80;
	s16 =	simm.s32 @p0 $0x6000;
	s9 =	sadd.s32 @p0 $0x2880, s8  }
0x60: {  	[spmem:s2] =	stream.indirect.scatter.add.f32 @p0 [tilespmem:s16], [sflag:$0xA], $0x20, s9, s3, $0xb8;
	[tilespmem:$0x12200] =	vst v63  }
0x61: {  	s9 =	simm.s32 @!p0 $0xD  }
0x62: {  	_ =	swait.ge @!p0 [sflag:s9], $0x1000  }
0x63: {  	[sflag:s9] =	ssyncset.done @!p0 $0x0  }
0x64: {  	[sflag:s9] =	ssyncadd.s32 @!p0 $0xFFFFF000;
	s9 =	sshra.s32 @!p0 s6, $0x2  }
0x65: {  	s17 =	simm.s32 @!p0 $0x80;
	s23 =	simm.s32 @!p0 $0x9000;
	s16 =	sadd.s32 @!p0 $0x200, s9  }
0x66: {  	[tilespmem:s23], [sflag:$0x5] =	stream.indirect.gather @!p0 [hbm4b:s4+s17], $0x20, s16, s17, $0xb8;
	[tilespmem:$0x12200] =	vst v63  }
0x67: {  	s16 =	simm.s32 @!p0 $0x2  }
0x68: {  	_ =	swait.ge @!p0 [sflag:s16], $0x1000  }
0x69: {  	[sflag:s16] =	ssyncset.done @!p0 $0x0  }
0x6a: {  	s23 =	simm.s32 @!p0 $0x6000;
	[sflag:s16] =	ssyncadd.s32 @!p0 $0xFFFFF000;
	s16 =	sadd.s32 @!p0 $0x2880, s9  }
0x6b: {  	[spmem:s2] =	stream.indirect.scatter.add.f32 @!p0 [tilespmem:s23], [sflag:$0xA], $0x20, s16, s17, $0xb8;
	[tilespmem:$0x12200] =	vst v63  }
0x6c: {  	s16 =	simm.s32 @!p0 $0xE  }
0x6d: {  	_ =	swait.ge @!p0 [sflag:s16], $0x1000  }
0x6e: {  	[sflag:s16] =	ssyncset.done @!p0 $0x0  }
0x6f: {  	s23 =	simm.s32 @!p0 $0xA000;
	[sflag:s16] =	ssyncadd.s32 @!p0 $0xFFFFF000;
	s16 =	sadd.s32 @!p0 $0x280, s9  }
0x70: {  	[tilespmem:s23], [sflag:$0x6] =	stream.indirect.gather @!p0 [hbm4b:s4+s17], $0x20, s16, s17, $0xb8;
	[tilespmem:$0x12200] =	vst v63  }
0x71: {  	_ =	swait.ge [sflag:s31], $0x1000  }
0x72: {  	[sflag:s31] =	ssyncset.done $0x0  }
0x73: {  	s23 =	sadd.s32 $0x2900, s7;
	s16 =	simm.s32 @p0 $0x4;
	[sflag:s31] =	ssyncadd.s32 $0xFFFFF000  }
0x74: {  	[spmem:s2] =	stream.indirect.scatter.add.f32 [tilespmem:s18], [sflag:$0xB], $0x20, s23, s14, $0xb8;
	[tilespmem:$0x12200] =	vst v63  }
0x75: {  	_ =	swait.ge @p0 [sflag:s16], $0x1000  }
0x76: {  	[sflag:s16] =	ssyncset.done @p0 $0x0  }
0x77: {  	s8 =	sadd.s32 @p0 $0x2980, s8;
	[sflag:s16] =	ssyncadd.s32 @p0 $0xFFFFF000;
	s16 =	simm.s32 @p0 $0x8000  }
0x78: {  	[spmem:s2] =	stream.indirect.scatter.add.f32 @p0 [tilespmem:s16], [sflag:$0xC], $0x20, s8, s3, $0xb8;
	[tilespmem:$0x12200] =	vst v63  }
0x79: {  	s3 =	simm.s32 @!p0 $0xF  }
0x7a: {  	_ =	swait.ge @!p0 [sflag:s3], $0x1000  }
0x7b: {  	[sflag:s3] =	ssyncset.done @!p0 $0x0  }
0x7c: {  	s8 =	simm.s32 @!p0 $0xB000;
	[sflag:s3] =	ssyncadd.s32 @!p0 $0xFFFFF000;
	s3 =	sadd.s32 @!p0 $0x300, s9  }
0x7d: {  	[tilespmem:s8], [sflag:$0x7] =	stream.indirect.gather @!p0 [hbm4b:s4+s17], $0x20, s3, s17, $0xb8;
	[tilespmem:$0x12200] =	vst v63  }
0x7e: {  	s3 =	simm.s32 @!p0 $0x4  }
0x7f: {  	_ =	swait.ge @!p0 [sflag:s3], $0x1000  }
0x80: {  	[sflag:s3] =	ssyncset.done @!p0 $0x0  }
0x81: {  	s8 =	simm.s32 @!p0 $0x8000;
	[sflag:s3] =	ssyncadd.s32 @!p0 $0xFFFFF000;
	s3 =	sadd.s32 @!p0 $0x2980, s9  }
0x82: {  	[spmem:s2] =	stream.indirect.scatter.add.f32 @!p0 [tilespmem:s8], [sflag:$0xC], $0x20, s3, s17, $0xb8;
	[tilespmem:$0x12200] =	vst v63  }
0x83: {  	s3 =	simm.s32 @!p0 $0x10  }
0x84: {  	_ =	swait.ge @!p0 [sflag:s3], $0x1000  }
0x85: {  	[sflag:s3] =	ssyncset.done @!p0 $0x0  }
0x86: {  	s8 =	simm.s32 @!p0 $0xC000;
	[sflag:s3] =	ssyncadd.s32 @!p0 $0xFFFFF000;
	s3 =	sadd.s32 @!p0 $0x380, s9  }
0x87: {  	[tilespmem:s8], [sflag:$0x8] =	stream.indirect.gather @!p0 [hbm4b:s4+s17], $0x20, s3, s17, $0xb8;
	[tilespmem:$0x12200] =	vst v63  }
0x88: {  	_ =	swait.ge [sflag:s1], $0x1000  }
0x89: {  	p0 =	seq.s32 s6, $0x9000;
	[sflag:s1] =	ssyncset.done $0x0  }
0x8a: {  	s17 =	sadd.s32 $0x2A00, s7;
	s3 =	simm.s32 @p0 $0x6;
	[sflag:s1] =	ssyncadd.s32 $0xFFFFF000  }
0x8b: {  	[spmem:s2] =	stream.indirect.scatter.add.f32 [tilespmem:s22], [sflag:$0xD], $0x20, s17, s14, $0xb8;
	[tilespmem:$0x12200] =	vst v63  }
0x8c: {  	_ =	swait.ge @p0 [sflag:s3], $0x1000  }
0x8d: {  	[sflag:s3] =	ssyncset.done @p0 $0x0  }
0x8e: {  	[sflag:s3] =	ssyncadd.s32 @p0 $0xFFFFF000;
	s3 =	sshra.s32 @p0 s6, $0x2  }
0x8f: {  	s8 =	simm.s32 @p0 $0x80;
	s9 =	simm.s32 @p0 $0xA000;
	s3 =	sadd.s32 @p0 $0x2A80, s3  }
0x90: {  	[spmem:s2] =	stream.indirect.scatter.add.f32 @p0 [tilespmem:s9], [sflag:$0xE], $0x20, s3, s8, $0xb8;
	[tilespmem:$0x12200] =	vst v63  }
0x91: {  	s3 =	simm.s32 @!p0 $0x9  }
0x92: {  	_ =	swait.ge @!p0 [sflag:s3], $0x1000  }
0x93: {  	[sflag:s3] =	ssyncset.done @!p0 $0x0  }
0x94: {  	[sflag:s3] =	ssyncadd.s32 @!p0 $0xFFFFF000;
	s3 =	sshra.s32 @!p0 s6, $0x2  }
0x95: {  	s16 =	simm.s32 @!p0 $0x5000;
	s9 =	simm.s32 @!p0 $0x80;
	s8 =	sadd.s32 @!p0 $0x400, s3  }
0x96: {  	[tilespmem:s16], [sflag:$0x1] =	stream.indirect.gather @!p0 [hbm4b:s4+s9], $0x20, s8, s9, $0xb8;
	[tilespmem:$0x12200] =	vst v63  }
0x97: {  	s8 =	simm.s32 @!p0 $0x6  }
0x98: {  	_ =	swait.ge @!p0 [sflag:s8], $0x1000  }
0x99: {  	[sflag:s8] =	ssyncset.done @!p0 $0x0  }
0x9a: {  	s16 =	simm.s32 @!p0 $0xA000;
	[sflag:s8] =	ssyncadd.s32 @!p0 $0xFFFFF000;
	s8 =	sadd.s32 @!p0 $0x2A80, s3  }
0x9b: {  	[spmem:s2] =	stream.indirect.scatter.add.f32 @!p0 [tilespmem:s16], [sflag:$0xE], $0x20, s8, s9, $0xb8;
	[tilespmem:$0x12200] =	vst v63  }
0x9c: {  	s8 =	simm.s32 @!p0 $0xA  }
0x9d: {  	_ =	swait.ge @!p0 [sflag:s8], $0x1000  }
0x9e: {  	[sflag:s8] =	ssyncset.done @!p0 $0x0  }
0x9f: {  	s3 =	sadd.s32 @!p0 $0x480, s3;
	[sflag:s8] =	ssyncadd.s32 @!p0 $0xFFFFF000;
	s8 =	simm.s32 @!p0 $0x6000  }
0xa0: {  	[tilespmem:s8], [sflag:$0x2] =	stream.indirect.gather @!p0 [hbm4b:s4+s9], $0x20, s3, s9, $0xb8;
	[tilespmem:$0x12200] =	vst v63  }
.Ltmp2:
0xa1: {  	_ = 	snop;
	(pc) =	sbr.rel @p0 .LBB2_4-.Ltmp2, $4  }
0xa2: {  	_ =	swait.ge [sflag:s0], $0x1000  }
0xa3: {  	[sflag:s0] =	ssyncset.done $0x0  }
0xa4: {  	s23 =	sadd.s32 $0x2B00, s7;
	s8 =	sadd.s32 $0x2B80, s7;
	[sflag:s0] =	ssyncadd.s32 $0xFFFFF000  }
0xa5: {  	[spmem:s2] =	stream.indirect.scatter.add.f32 [tilespmem:s26], [sflag:$0xF], $0x20, s23, s14, $0xb8;
	[tilespmem:$0x12200] =	vst v63  }
0xa6: {  	_ =	swait.ge [sflag:s19], $0x1000  }
0xa7: {  	[sflag:s19] =	ssyncset.done $0x0  }
0xa8: {  	s3 =	sadd.s32 $0x500, s7;
	[sflag:s19] =	ssyncadd.s32 $0xFFFFF000  }
0xa9: {  	[tilespmem:s18], [sflag:$0x3] =	stream.indirect.gather [hbm4b:s4+s14], $0x20, s3, s14, $0xb8;
	[tilespmem:$0x12200] =	vst v63  }
0xaa: {  	_ =	swait.ge [sflag:s11], $0x1000  }
0xab: {  	[sflag:s11] =	ssyncset.done $0x0  }
0xac: {  	[sflag:s11] =	ssyncadd.s32 $0xFFFFF000  }
0xad: {  	[spmem:s2] =	stream.indirect.scatter.add.f32 [tilespmem:s29], [sflag:$0x10], $0x20, s8, s14, $0xb8;
	[tilespmem:$0x12200] =	vst v63  }
.Ltmp3:
0xae: {  	_ = 	snop;
	(pc) =	sbr.rel .LBB2_2-.Ltmp3, $4  }
0xaf: {  	_ =	swait.ge [sflag:s21], $0x1000  }
0xb0: {  	[sflag:s21] =	ssyncset.done $0x0  }
0xb1: {  	s23 =	sadd.s32 $0x580, s7;
	s6 =	sadd.s32 $0x1000, s6;
	[sflag:s21] =	ssyncadd.s32 $0xFFFFF000  }
0xb2: {  	[tilespmem:s20], [sflag:$0x4] =	stream.indirect.gather [hbm4b:s4+s14], $0x20, s23, s14, $0xb8;
	[tilespmem:$0x12200] =	vst v63  }
.LBB2_5:
0xb3: {  	_ =	sfence.sel $0x180000  }
0xb4: {  	[bflag:$0x0] =	sbarrier.arrive $0xFFFF  }
0xb5: {  	_ =	strace $0x9000004D  }
0xb6: {  	s0 =	stileid.u32;
	[bflag:$0x2] =	sbarrier.arrive $0xFFFF  }
0xb7: {  	p0 =	sne.s32 s0, $0x0;
	s0 =	rddreg [dreg:$0x2]  }
0xb8: {  	s0 =	sadd.s32 @!p0 $0x100000, s0  }
0xb9: {  	[sflag:s0] =	ssyncadd.tile.s32 @!p0 $0x1;
	_ =	shalt  }
.Lfunc_end2:
_tile_overlayer_lowered:
.L_overlay_start_2:
0xba: {  	(tag) =	ssettag $0x2  }
0xbb: {  	s0 =	rddreg [dreg:$0x0];
	s2 =	stileid.u32  }
0xbc: {  	s1 =	rddreg [dreg:$0x1];
	p0 =	sne.s32 s2, $0x0  }
0xbd: {  	s3 =	rddreg [dreg:$0x2];
	[bflag:$0x3] =	sbarrier.arrive $0xFFFF;
	s2 =	simm.s32 @!p0 $0x1C11  }
0xbe: {  	[timem:s3], [sflag:s2] =	dma.local @!p0 [hbm:s0], s1  }
0xbf: {  	s0 =	simm.s32 @!p0 $0x11  }
0xc0: {  	_ =	swait.ge @!p0 [sflag:s0], s1  }
0xc1: {  	s1 =	ssub.s32 @!p0 $0x0, s1;
	[sflag:s0] =	ssyncset.done @!p0 $0x0  }
0xc2: {  	[sflag:s0] =	ssyncadd.s32 @!p0 s1  }
0xc3: {  	[bflag:$0x3] =	sbarrier.arrive $0xFFFF  }
0xc4: {  	_ =	shalt  }

// kernel: kernel.9.cloned.1.call-start
scs
__scs_entry_jumppad:
0x0: {  	(pc) =	sbr.rel $0x88, $3  }
0x1: {  	(tag) =	ssettag $0x0;
	lr =	simm.s32 $0x1  }
0x2: {  	[smem:$0x3F7E] =	sst lr;
	_ =	strace $0xD0000000  }
0x3: {  	_ = 	snop  }
0x4: {  	_ = 	snop  }
0x5: {  	_ = 	snop  }
0x6: {  	_ = 	snop  }
0x7: {  	_ = 	snop  }
__scs_overlays_trampoline_lowered:
0x8: {  	[smem:$0x3F8D] =	sst s0  }
0x9: {  	[smem:$0x3F8E] =	sst s1  }
0xa: {  	[smem:$0x3F8F] =	sst s2  }
0xb: {  	[smem:$0x3F90] =	sst s3  }
0xc: {  	[smem:$0x3F91] =	sst s4  }
0xd: {  	[smem:$0x3F92] =	sst s5  }
0xe: {  	[smem:$0x3F93] =	sst s6  }
0xf: {  	[smem:$0x3F94] =	sst s7  }
0x10: {  	[smem:$0x3F95] =	sst s8  }
0x11: {  	[smem:$0x3F96] =	sst s9;
	s0 =	simm.s32 @!p0 $0x0  }
0x12: {  	s1 =	sld [smem:$0x3F7C];
	s0 =	simm.s32 @p0 $0x1  }
0x13: {  	[smem:$0x3F97] =	sst s0;
	s0 =	simm.s32 @!p1 $0x0  }
0x14: {  	s2 =	sld [smem:$0x3F7B];
	s0 =	simm.s32 @p1 $0x1  }
0x15: {  	[smem:$0x3F98] =	sst s0;
	s0 =	simm.s32 @!p2 $0x0  }
0x16: {  	s3 =	sld [smem:$0x3FDB];
	s0 =	simm.s32 @p2 $0x1  }
0x17: {  	s4 =	simm.s32 $0x1BF5;
	[smem:$0x3F9A] =	sst s0  }
0x18: {  	s0 =	sld [smem:$0x3F7D];
	_ =	swait.ge [sflag:s4], $0x0  }
0x19: {  	s7 =	sld [smem:$0x3F7E]  }
0x1a: {  	s8 =	sadd.s32 $0xFFFFE003, lr  }
0x1b: {  	s9 =	sadd.s32 $0xFFFFFEF7, lr;
	s5 =	simm.s32 $0xFFFFFFFF;
	p2 =	slt.u32 s8, $0xFFFFF086  }
0x1c: {  	p1 =	slt.u32 s9, $0xF7A;
	s5 =	simm.s32 @!p2 $0x0  }
0x1d: {  	s5 =	simm.s32 @p1 $0x1;
	p0 =	seq.s32 s7, s2  }
0x1e: {  	s7 =	smul.u32 @!p0 $0xF7A, s2;
	p2 =	seq.s32 @!p0 s5, $0x0  }
0x1f: {  	s9 =	smul.u32 $0xF7A, s1;
	s8 =	simm.s32 @!p0 $0x1BF5;
	p2 =	por !p2, p0  }
0x20: {  	[sflag:s8] =	ssyncset.s32 @!p0 $0xFFFFF086;
	s6 =	sadd.s32 @!p0 s3, s7;
	s7 =	simm.s32 @!p0 $0x108  }
0x21: {  	s3 =	sadd.s32 s3, s9;
	s6 =	sadd.s32 @!p0 $0x88, s6;
	s7 =	simm.s32 @p2 $0x1082  }
0x22: {  	[simem:s7], [sflag:s8] =	dma.local @!p0 [hbm:s6], $0xF7A  }
0x23: {  	s9 =	sor.u32 $0xD0000000, s2;
	s6 =	simm.s32 $0x108;
	_ =	swait.ge @!p0 [sflag:s8], $0x0  }
0x24: {  	s3 =	sadd.s32 $0x88, s3;
	s6 =	simm.s32 @!p1 $0x1082;
	[sflag:s4] =	ssyncset.s32 $0xFFFFF086  }
0x25: {  	[simem:s6], [sflag:s4] =	dma.local [hbm:s3], $0xF7A  }
0x26: {  	[smem:$0x3F7E] =	sst s1;
	(tag) =	ssettag s2;
	_ =	strace s9  }
0x27: {  	s1 =	sld [smem:$0x3F8E]  }
0x28: {  	s2 =	sld [smem:$0x3F8F]  }
0x29: {  	s4 =	sld [smem:$0x3F91]  }
0x2a: {  	p0 =	seq.s32 s5, $0x0;
	s5 =	sld [smem:$0x3F92]  }
0x2b: {  	s6 =	sld [smem:$0x3F93]  }
0x2c: {  	s7 =	sld [smem:$0x3F94]  }
0x2d: {  	s3 =	simm.s32 $0x108;
	s8 =	sld [smem:$0x3F95]  }
0x2e: {  	s3 =	simm.s32 @!p0 $0x1082;
	s9 =	sld [smem:$0x3F96]  }
0x2f: {  	lr =	sadd.s32 s0, s3;
	s0 =	sld [smem:$0x3F8D]  }
0x30: {  	s3 =	sld [smem:$0x3F90]  }
0x31: {  	[smem:$0x3F99] =	sst s10  }
0x32: {  	s10 =	sld [smem:$0x3F97];
	_ =	sdelay $0x3  }
0x33: {  	p0 =	seq.s32 s10, $0x1;
	s10 =	sld [smem:$0x3F99];
	_ =	sdelay $0x3  }
0x34: {  	[smem:$0x3F99] =	sst s10  }
0x35: {  	s10 =	sld [smem:$0x3F98];
	_ =	sdelay $0x3  }
0x36: {  	p1 =	seq.s32 s10, $0x1;
	s10 =	sld [smem:$0x3F99];
	_ =	sdelay $0x3  }
0x37: {  	[smem:$0x3F99] =	sst s10  }
0x38: {  	s10 =	sld [smem:$0x3F9A]  }
0x39: {  	_ = 	snop;
	(pc) =	sbr.ind lr, $3  }
0x3a: {  	_ = 	snop  }
0x3b: {  	_ = 	snop  }
0x3c: {  	p2 =	seq.s32 s10, $0x1;
	s10 =	sld [smem:$0x3F99]  }
0x3d: {  	_ =	shalt  }
0x3e: {  	_ =	shalt  }
0x3f: {  	_ =	shalt  }
0x40: {  	_ =	shalt  }
0x41: {  	_ =	shalt  }
0x42: {  	_ =	shalt  }
0x43: {  	_ =	shalt  }
0x44: {  	_ =	shalt  }
0x45: {  	_ =	shalt  }
0x46: {  	_ =	shalt  }
0x47: {  	_ =	shalt  }
0x48: {  	_ =	shalt  }
0x49: {  	_ =	shalt  }
0x4a: {  	_ =	shalt  }
0x4b: {  	_ =	shalt  }
0x4c: {  	_ =	shalt  }
0x4d: {  	_ =	shalt  }
0x4e: {  	_ =	shalt  }
0x4f: {  	_ =	shalt  }
0x50: {  	_ =	shalt  }
0x51: {  	_ =	shalt  }
0x52: {  	_ =	shalt  }
0x53: {  	_ =	shalt  }
0x54: {  	_ =	shalt  }
0x55: {  	_ =	shalt  }
0x56: {  	_ =	shalt  }
0x57: {  	_ =	shalt  }
0x58: {  	_ =	shalt  }
0x59: {  	_ =	shalt  }
0x5a: {  	_ =	shalt  }
0x5b: {  	_ =	shalt  }
0x5c: {  	_ =	shalt  }
0x5d: {  	_ =	shalt  }
0x5e: {  	_ =	shalt  }
0x5f: {  	_ =	shalt  }
0x60: {  	_ =	shalt  }
0x61: {  	_ =	shalt  }
0x62: {  	_ =	shalt  }
0x63: {  	_ =	shalt  }
0x64: {  	_ =	shalt  }
0x65: {  	_ =	shalt  }
0x66: {  	_ =	shalt  }
0x67: {  	_ =	shalt  }
0x68: {  	_ =	shalt  }
0x69: {  	_ =	shalt  }
0x6a: {  	_ =	shalt  }
0x6b: {  	_ =	shalt  }
0x6c: {  	_ =	shalt  }
0x6d: {  	_ =	shalt  }
0x6e: {  	_ =	shalt  }
0x6f: {  	_ =	shalt  }
0x70: {  	_ =	shalt  }
0x71: {  	_ =	shalt  }
0x72: {  	_ =	shalt  }
0x73: {  	_ =	shalt  }
0x74: {  	_ =	shalt  }
0x75: {  	_ =	shalt  }
0x76: {  	_ =	shalt  }
0x77: {  	_ =	shalt  }
0x78: {  	_ =	shalt  }
0x79: {  	_ =	shalt  }
0x7a: {  	_ =	shalt  }
0x7b: {  	_ =	shalt  }
0x7c: {  	_ =	shalt  }
0x7d: {  	_ =	shalt  }
0x7e: {  	_ =	shalt  }
0x7f: {  	_ =	shalt  }
0x80: {  	_ =	shalt  }
0x81: {  	_ =	shalt  }
0x82: {  	_ =	shalt  }
0x83: {  	_ =	shalt  }
0x84: {  	_ =	shalt  }
0x85: {  	_ =	shalt  }
0x86: {  	_ =	shalt  }
0x87: {  	_ =	shalt  }
.Lfunc_end0:
.L_simem_size_0:
called_computation_lowered:
.L_overlay_start_0:
0x88: {  	s2 =	sld [smem:$0x3FD9]  }
0x89: {  	s3 =	sld [smem:$0x3FFE];
	_ =	sdelay $0x1  }
0x8a: {  	s1 =	srdreg.scid  }
0x8b: {  	s0 =	sand.u32 $0x1, s1  }
0x8c: {  	s16 =	sshll.u32 s0, $0xA;
	s2 =	sadd.s32 s3, s2  }
0x8d: {  	s2 =	sadd.s32 s2, s16  }
0x8e: {  	[smem:$0x3FA5] =	sst s2  }
0x8f: {  	_ = 	snop  }
0x90: {  	(tm) =	ssettm $0x1  }
0x91: {  	s17 =	sld [smem:$0x3FFB];
	_ =	sdelay $0x3  }
0x92: {  	_ =	strace s17  }
0x93: {  	s2 =	sld [smem:$0x3FFC];
	_ =	sdelay $0x3  }
0x94: {  	_ =	strace s2  }
0x95: {  	s2 =	sld [smem:$0x3FFD];
	_ =	sdelay $0x3  }
0x96: {  	_ =	strace s2  }
0x97: {  	_ =	strace $0x8FFFFFFF  }
0x98: {  	s18 =	sld [smem:$0x3FDB];
	_ =	sdelay $0x1  }
0x99: {  	s19 =	simm.s32 $_scs_section_size  }
0x9a: {  	s4 =	simm.s32 $_size__tile_overlayer_lowered;
	s5 =	simm.s32 $_tile_overlayer_lowered  }
0x9b: {  	s22 =	simm.s32 $0x1BFF;
	s21 =	sshll.u32 s5, $0x1;
	s2 =	sadd.s32 s19, s18  }
0x9c: {  	s6 =	simm.s32 $0x0;
	s20 =	sshll.u32 s4, $0x1;
	s4 =	sadd.s32 s21, s2  }
0x9d: {  	[timem:s6], [sflag:s22] =	dma.local [hbm:s4], s20  }
0x9e: {  	_ =	swait.ge [sflag:s22], s20  }
0x9f: {  	s3 =	ssub.s32 $0x0, s20;
	[sflag:s22] =	ssyncset.done $0x0  }
0xa0: {  	[sflag:s22] =	ssyncadd.s32 s3;
	_ =	sdelay $0x1  }
0xa1: {  	s23 =	simm.s32 $0x1B8B  }
0xa2: {  	_ =	swait.ge [sflag:s23], $0x1  }
0xa3: {  	[sflag:s23] =	ssyncset.done $0x0  }
0xa4: {  	s25 =	simm.s32 $0x1B8E;
	s24 =	sld [smem:$0x3FFE];
	[sflag:s23] =	ssyncadd.s32 $0xFFFFFFFF  }
0xa5: {  	s26 =	simm.s32 $execute0_lowered;
	[smem:$0x3FD2] =	sst s25  }
0xa6: {  	s4 =	sshll.u32 s26, $0x1;
	_ =	strace $0x80000046;
	[dreg:$0x1] =	wrdreg $0xFFFFFFFF  }
0xa7: {  	s28 =	simm.s32 $_size_execute0_lowered;
	s2 =	sadd.s32 s2, s4;
	[dreg:$0x0] =	wrdreg $0x0  }
0xa8: {  	s4 =	sshll.u32 s28, $0x1;
	[dreg:$0x2] =	wrdreg s2  }
0xa9: {  	[dreg:$0x3] =	wrdreg s4  }
0xaa: {  	[dreg:$0x4] =	wrdreg $0xC0  }
0xab: {  	_ =	task [dreg:s6], $0x5FFFF  }
0xac: {  	[dreg:$0x1] =	wrdreg $0xFFFFFFFF  }
0xad: {  	[dreg:$0x0] =	wrdreg $0x60  }
0xae: {  	[dreg:$0x2] =	wrdreg s24  }
0xaf: {  	[dreg:$0x3] =	wrdreg $0x30000  }
0xb0: {  	[dreg:$0x4] =	wrdreg $0x9  }
0xb1: {  	_ =	task.clear_ibuf [dreg:s6], $0x5FFFF;
	_ =	strace $0x90000046  }
0xb2: {  	s29 =	simm.s32 $0x9;
	_ =	strace $0x80000048  }
0xb3: {  	_ =	swait.ge [sflag:s29], $0x1  }
0xb4: {  	[sflag:s29] =	ssyncadd.s32 $0xFFFFFFFF  }
0xb5: {  	_ =	strace $0x90000048  }
0xb6: {  	_ =	sfence  }
0xb7: {  	s30 =	sld [smem:$0x0];
	_ =	sdelay $0x2  }
0xb8: {  	s31 =	sshll.u32 s1, $0xD;
	s1 =	sshrl.u32 s1, $0x2  }
0xb9: {  	s3 =	sand.u32 $0x4000, s31;
	s1 =	sadd.s32 s1, s30  }
0xba: {  	s0 =	sor.u32 s3, s0;
	s1 =	sshll.u32 s1, $0x11  }
0xbb: {  	s0 =	sor.u32 s1, s0  }
0xbc: {  	s0 =	sadd.s32 $0x8F2B, s0  }
0xbd: {  	[sflag:s0] =	ssyncadd.remote.s32 $0x1  }
0xbe: {  	_ =	sfence.sel $0xFFFF  }
0xbf: {  	[dreg:$0x0] =	wrdreg $0xFFFFFFFF;
	(pc) =	sbr.abs _section_cstart, $3  }
0xc0: {  	[dreg:$0x1] =	wrdreg $0xFFFFFFFF  }
0xc1: {  	_ =	task.clear_ibuf [dreg:s6], $0x2FFFF;
	_ =	strace $0x9FFFFFFF  }
0xc2: {  	(tm) =	ssettm $0x7FFFFFFF  }
0xc3: {  	_ =	shalt  }
tec
execute0_lowered:
.L_overlay_start_1:
0x0: {  	(tag) =	ssettag $0x1  }
0x1: {  	s1 =	srdreg.scid;
	s7 =	rddreg [dreg:$0x0]  }
0x2: {  	s0 =	stileid.u32;
	s2 =	rddreg [dreg:$0x1];
	s3 =	simm.s32 $0x0  }
0x3: {  	s12 =	simm.s32 $0x10000;
	s6 =	sand.u32 $0x1, s1;
	s1 =	rddreg [dreg:$0x2]  }
0x4: {  	s14 =	simm.s32 $0x0;
	s28 =	sshll.u32 s0, $0x1;
	[smem:$0x7FF] =	sst s3  }
0x5: {  	s5 =	sadd.s32 $0xF800, s7;
	s11 =	smul.u32 $0x2900, s0;
	s31 =	sshll.u32 s0, $0x6  }
0x6: {  	s4 =	sor.u32 s6, s28;
	_ =	strace $0x80000047;
	s9 =	ssub.s32 $0x2, s6  }
0x7: {  	p0 =	seq.s32 s6, $0x1;
	s4 =	smul.u32 $0x500, s4;
	s10 =	sshrl.u32 s9, $0x1  }
0x8: {  	s12 =	simm.s32 @!p0 $0x15200;
	s13 =	sadd.s32 s11, s2;
	s29 =	sshrl.u32 s11, $0x3  }
0x9: {  	s11 =	sor.u32 $0x1C01, s31;
	s9 =	ssub.s32 s9, s10;
	s30 =	sadd.s32 s12, s7  }
0xa: {  	s10 =	simm.s32 $0x2800;
	s12 =	sshrl.u32 s13, $0x3;
	s13 =	simm.s32 $0x80  }
0xb: {  	s8 =	sadd.s32 s4, s7;
	s4 =	sadd.s32 $0xFE00, s7;
	s7 =	smax.u32 s9, $0x1  }
0xc: {  	s9 =	simm.s32 $0x1;
	s6 =	sadd.s32 $0x5800, s8;
	s8 =	sadd.s32 s30, s29  }
.LBB2_1:
0xd: {  	[tilespmem:s3], [sflag:$0x1] =	stream.linear.gather [hbm4b:s6+s3], $0x2800, $0x38;
	[tilespmem:$0x5900] =	vst v63  }
0xe: {  	_ =	swait.ge [sflag:s9], $0x2800  }
0xf: {  	[sflag:s9] =	ssyncset.done $0x0  }
0x10: {  	[sflag:s9] =	ssyncadd.s32 $0xFFFFD800  }
0x11: {  	[tilespmem:s10], [sflag:$0x1] =	stream.linear.gather [hbm4b:s4+s3], $0x800, $0x38;
	[tilespmem:$0x5900] =	vst v63  }
0x12: {  	_ =	swait.ge [sflag:s9], $0x800  }
0x13: {  	[sflag:s9] =	ssyncset.done $0x0  }
0x14: {  	[sflag:s9] =	ssyncadd.s32 $0xFFFFF800  }
0x15: {  	[spmem:s12], [sflag:s11] =	dma.local [hbm:s5], $0x520  }
0x16: {  	_ =	swait.ge [sflag:s9], $0x520  }
0x17: {  	[sflag:s9] =	ssyncset.done $0x0  }
0x18: {  	[sflag:s9] =	ssyncadd.s32 $0xFFFFFAE0  }
0x19: {  	s15 =	simm.s32 $0x0;
	[bflag:$0x0] =	sbarrier.arrive $0xFFFF  }
0x1a: {  	[spmem:s2] =	stream.indirect.scatter.add.f32 [tilespmem:s10], [sflag:$0x1], $0x10, s15, s13, $0xb8;
	[tilespmem:$0x5900] =	vst v63  }
0x1b: {  	_ =	swait.ge [sflag:s9], $0x800  }
0x1c: {  	s15 =	simm.s32 $0x200;
	[sflag:s9] =	ssyncset.done $0x0  }
.LBB2_2:
0x1d: {  	s16 =	sshra.s32 s15, $0x2;
	[sflag:s9] =	ssyncadd.s32 $0xFFFFF800;
	p0 =	sne.s32 s15, $0x9E00  }
0x1e: {  	[spmem:s2] =	stream.indirect.scatter.add.f32 [tilespmem:s10], [sflag:$0x1], $0x10, s16, s13, $0xb8;
	[tilespmem:$0x5900] =	vst v63  }
.Ltmp0:
0x1f: {  	_ = 	snop;
	(pc) =	sbr.rel @p0 .LBB2_2-.Ltmp0, $4  }
0x20: {  	_ = 	snop  }
0x21: {  	s15 =	sadd.s32 $0x200, s15  }
0x22: {  	_ =	swait.ge [sflag:s9], $0x800  }
0x23: {  	[sflag:s9] =	ssyncset.done $0x0  }
0x24: {  	s14 =	sadd.s32 $0x1, s14  }
0x25: {  	[sflag:s9] =	ssyncadd.s32 $0xFFFFF800;
	p0 =	sne.s32 s14, s7  }
.Ltmp1:
0x26: {  	[bflag:$0x0] =	sbarrier.arrive $0xFFFF;
	(pc) =	sbr.rel @p0 .LBB2_1-.Ltmp1, $4  }
0x27: {  	[hbm:s8], [sflag:s11] =	dma.local [spmem:s12], $0x520  }
0x28: {  	_ =	swait.ge [sflag:s9], $0x520  }
0x29: {  	[sflag:s9] =	ssyncset.done $0x0  }
0x2a: {  	[sflag:s9] =	ssyncadd.s32 $0xFFFFFAE0  }
0x2b: {  	_ =	sfence.sel $0x180000  }
0x2c: {  	[bflag:$0x0] =	sbarrier.arrive $0xFFFF  }
0x2d: {  	p0 =	sne.s32 s0, $0x0;
	_ =	strace $0x90000047  }
0x2e: {  	s0 =	sadd.s32 @!p0 $0x100000, s1;
	[bflag:$0x2] =	sbarrier.arrive $0xFFFF  }
0x2f: {  	[sflag:s0] =	ssyncadd.tile.s32 @!p0 $0x1;
	_ =	shalt  }
.Lfunc_end2:
_tile_overlayer_lowered:
.L_overlay_start_2:
0x30: {  	(tag) =	ssettag $0x2  }
0x31: {  	s0 =	rddreg [dreg:$0x0];
	s2 =	stileid.u32  }
0x32: {  	s1 =	rddreg [dreg:$0x1];
	p0 =	sne.s32 s2, $0x0  }
0x33: {  	s3 =	rddreg [dreg:$0x2];
	[bflag:$0x3] =	sbarrier.arrive $0xFFFF;
	s2 =	simm.s32 @!p0 $0x1C01  }
0x34: {  	[timem:s3], [sflag:s2] =	dma.local @!p0 [hbm:s0], s1  }
0x35: {  	s0 =	simm.s32 @!p0 $0x1  }
0x36: {  	_ =	swait.ge @!p0 [sflag:s0], s1  }
0x37: {  	s1 =	ssub.s32 @!p0 $0x0, s1;
	[sflag:s0] =	ssyncset.done @!p0 $0x0  }
0x38: {  	[sflag:s0] =	ssyncadd.s32 @!p0 s1  }
0x39: {  	[bflag:$0x3] =	sbarrier.arrive $0xFFFF  }
0x3a: {  	_ =	shalt  }

</sc_bundles>
